<compile_context>
chip_gen: v7x
topology: tpu7x:2x2x1
jax: 0.10.2.dev20260603
libtpu: 0.0.44.dev20260713+nightly
codegen_flags: <defaults>
</compile_context>

<pallas_src>
import functools
import jax
import jax.numpy as jnp
from jax import lax
from jax.experimental import pallas as pl
from jax.experimental.pallas import tpu as pltpu
from jax.experimental.pallas import tpu_sc as plsc

B = 16384
L = 50
D = 64
NC = 2
NS = 16
NW = NC * NS
ROWS_PER_W = B // NW
CHUNK = 8
NCHUNK = ROWS_PER_W // CHUNK

_mesh = plsc.VectorSubcoreMesh(core_axis_name="c", subcore_axis_name="s")



@functools.partial(
    pl.kernel,
    mesh=_mesh,
    out_type=jax.ShapeDtypeStruct((B, D), jnp.float32),
    scratch_types=[
        pltpu.VMEM((CHUNK * L,), jnp.int32),
        pltpu.VMEM((CHUNK * L,), jnp.int32),
        pltpu.VMEM((CHUNK * L + 16,), jnp.int32),
        pltpu.VMEM((CHUNK * L + 16,), jnp.int32),
        pltpu.VMEM((CHUNK * L, D), jnp.float32),
        pltpu.VMEM((CHUNK * L, D), jnp.float32),
        pltpu.VMEM((CHUNK, D), jnp.float32),
        pltpu.SemaphoreType.DMA,
        pltpu.SemaphoreType.DMA,
    ],
    compiler_params=pltpu.CompilerParams(use_tc_tiling_on_sc=False),
)
def _pooled_lookup(ids_hbm, mask_hbm, table_hbm, out_hbm,
                   ids_a, ids_b, mask_a, mask_b, rows_a, rows_b,
                   out_v, sem_a, sem_b):
    wid = lax.axis_index("s") * NC + lax.axis_index("c")
    base_row = wid * ROWS_PER_W

    def stage(ci, ids_v, mask_v):
        row0 = base_row + ci * CHUNK
        pltpu.sync_copy(ids_hbm.at[pl.ds(row0 * L, CHUNK * L)], ids_v)
        pltpu.sync_copy(mask_hbm.at[pl.ds(row0 * L, CHUNK * L)],
                        mask_v.at[pl.ds(0, CHUNK * L)])

    def fire(ids_v, rows_v, sem):
        pltpu.make_async_copy(table_hbm.at[ids_v], rows_v, sem).start()

    def drain(ids_v, rows_v, sem):
        pltpu.make_async_copy(table_hbm.at[ids_v], rows_v, sem).wait()

    def compute(ci, mask_v, rows_v):
        row0 = base_row + ci * CHUNK

        def r_body(r, carry):
            wf = [mask_v[pl.ds(r * L + 16 * j, 16)].astype(jnp.float32)
                  for j in range(4)]
            z = jnp.zeros((16,), jnp.float32)
            acc = [z, z, z, z]
            cnt = z
            for l in range(L):
                mf = jnp.full((16,), wf[l // 16][l % 16])
                cnt = cnt + mf
                for d in range(4):
                    acc[d] = acc[d] + rows_v[r * L + l, pl.ds(16 * d, 16)] * mf
            inv = 1.0 / jnp.maximum(cnt, 1.0)
            for d in range(4):
                out_v[r, pl.ds(16 * d, 16)] = acc[d] * inv
            return carry

        lax.fori_loop(0, CHUNK, r_body, 0)
        pltpu.sync_copy(out_v, out_hbm.at[pl.ds(row0, CHUNK), :])

    stage(0, ids_a, mask_a)
    fire(ids_a, rows_a, sem_a)

    def k_body(k, carry):
        stage(2 * k + 1, ids_b, mask_b)
        fire(ids_b, rows_b, sem_b)
        drain(ids_a, rows_a, sem_a)
        compute(2 * k, mask_a, rows_a)

        @pl.when(2 * k + 2 < NCHUNK)
        def _():
            stage(2 * k + 2, ids_a, mask_a)
            fire(ids_a, rows_a, sem_a)

        drain(ids_b, rows_b, sem_b)
        compute(2 * k + 1, mask_b, rows_b)
        return carry

    lax.fori_loop(0, NCHUNK // 2, k_body, 0)


def kernel(special_ids, special_mask, table):
    return _pooled_lookup(special_ids.reshape(-1), special_mask.reshape(-1),
                          table)

# --- scband reference (transcript-rebuilt; emitter-appended) ---
"""Pipeline reference for scband-special-token-embedding-22600117912250 (READ-ONLY COPY).

The authoritative reference and input builder live on the scoring server;
editing this copy changes nothing except your own understanding.
"""

import jax, jax.numpy as jnp
import numpy as np

NUM_EMBEDDINGS = 1000000
EMBED_DIM = 64
BATCH = 16384
MAX_SPECIAL = 50


def setup_inputs(seed: int = 0) -> dict:
    key = jax.random.key(seed)
    k1, k2, k3 = jax.random.split(key, 3)
    special_ids = jax.random.randint(k1, (BATCH, MAX_SPECIAL), 0, NUM_EMBEDDINGS, dtype=jnp.int64 if jax.config.jax_enable_x64 else jnp.int32).astype(jnp.int32)
    special_mask = jax.random.randint(k2, (BATCH, MAX_SPECIAL), 0, 2, dtype=jnp.int32)
    # Xavier-uniform initialized embedding table
    limit = float(np.sqrt(6.0 / (NUM_EMBEDDINGS + EMBED_DIM)))
    table = jax.random.uniform(k3, (NUM_EMBEDDINGS, EMBED_DIM), dtype=jnp.float32, minval=-limit, maxval=limit)
    return {"special_ids": special_ids, "special_mask": special_mask, "table": table}


def reference(special_ids, special_mask, table):
    # embedding lookup (gather)
    embeddings = jnp.take(table, special_ids, axis=0)  # [B, L, D]
    # dropout is identity in eval mode
    mask_expanded = special_mask[..., None].astype(jnp.float32)  # [B, L, 1]
    sum_embeddings = (embeddings * mask_expanded).sum(axis=1)  # [B, D]
    count = jnp.clip(special_mask.sum(axis=1, keepdims=True).astype(jnp.float32), 1.0, None)  # [B, 1]
    pooled = sum_embeddings / count
    return pooled

if __name__ == "__main__":
    import jax
    _d = setup_inputs()
    print(jax.jit(kernel)(*tuple(_d.values())))

</pallas_src>

<mosaic_0001>
#map = affine_map<(d0, d1) -> (0)>
#map1 = affine_map<(d0, d1) -> (0, 0)>
module attributes {stable_mosaic.version = 14 : i64} {
  func.func @_pooled_lookup(%arg0: i32, %arg1: i32, %arg2: memref<819200xi32, #tpu.memory_space<hbm>>, %arg3: memref<819200xi32, #tpu.memory_space<hbm>>, %arg4: memref<1000000x64xf32, #tpu.memory_space<hbm>>, %arg5: memref<16384x64xf32, #tpu.memory_space<hbm>>, %arg6: memref<400xi32, #tpu.memory_space<vmem>>, %arg7: memref<400xi32, #tpu.memory_space<vmem>>, %arg8: memref<416xi32, #tpu.memory_space<vmem>>, %arg9: memref<416xi32, #tpu.memory_space<vmem>>, %arg10: memref<400x64xf32, #tpu.memory_space<vmem>>, %arg11: memref<400x64xf32, #tpu.memory_space<vmem>>, %arg12: memref<8x64xf32, #tpu.memory_space<vmem>>, %arg13: memref<!tpu.dma_semaphore, #tpu.memory_space<semaphore_mem>>, %arg14: memref<!tpu.dma_semaphore, #tpu.memory_space<semaphore_mem>>) attributes {dimension_semantics = [#tpu.dimension_semantics<core_parallel>, #tpu.dimension_semantics<subcore_parallel>], iteration_bounds = array<i64: 2, 16>, scalar_prefetch = 0 : i64, scratch_operands = 9 : i64, tpu.core_type = #tpu.core_type<sc_vector_subcore>, window_params = [{transform_indices = #map}, {transform_indices = #map}, {transform_indices = #map1}, {transform_indices = #map1}]} {
    %mul3A = arith.constant 2 : i32
    %mul3A_0 = arith.muli %arg1, %mul3A : i32
    %add3A = arith.addi %mul3A_0, %arg0 : i32
    %mul3A_1 = arith.constant 512 : i32
    %mul3A_2 = arith.muli %add3A, %mul3A_1 : i32
    %add3A_3 = arith.constant 0 : i32
    %add3A_4 = arith.addi %mul3A_2, %add3A_3 : i32
    %mul3A_5 = arith.constant 50 : i32
    %mul3A_6 = arith.muli %add3A_4, %mul3A_5 : i32
    "tpu.region"() ({
      %run_scoped3A = tpu.sem_alloc : memref<!tpu.dma_semaphore, #tpu.memory_space<semaphore_mem>>
      %dma_start3A_16 = tpu.memref_slice %arg2[%mul3A_6] : memref<819200xi32, #tpu.memory_space<hbm>> -> memref<400xi32, #tpu.memory_space<hbm>>
      %dma_start3A_17 = tpu.memref_slice %arg2[%mul3A_6] : memref<819200xi32, #tpu.memory_space<hbm>> -> memref<400xi32, #tpu.memory_space<hbm>>
      tpu.enqueue_dma source(%dma_start3A_17 : memref<400xi32, #tpu.memory_space<hbm>>) target(%arg6 : memref<400xi32, #tpu.memory_space<vmem>>) target_semaphore(%run_scoped3A : memref<!tpu.dma_semaphore, #tpu.memory_space<semaphore_mem>>)
      %dma_wait3A = tpu.memref_slice %arg2[%mul3A_6] : memref<819200xi32, #tpu.memory_space<hbm>> -> memref<400xi32, #tpu.memory_space<hbm>>
      %dma_wait3A_18 = tpu.memref_slice %arg2[%mul3A_6] : memref<819200xi32, #tpu.memory_space<hbm>> -> memref<400xi32, #tpu.memory_space<hbm>>
      tpu.wait_dma2 semaphore(%run_scoped3A : memref<!tpu.dma_semaphore, #tpu.memory_space<semaphore_mem>>) src(%dma_wait3A_18 : memref<400xi32, #tpu.memory_space<hbm>>) dst(%arg6 : memref<400xi32, #tpu.memory_space<vmem>>)
      tpu.yield
    }) : () -> ()
    %mul3A_7 = arith.constant 50 : i32
    %mul3A_8 = arith.muli %add3A_4, %mul3A_7 : i32
    "tpu.region"() ({
      %run_scoped3A = tpu.sem_alloc : memref<!tpu.dma_semaphore, #tpu.memory_space<semaphore_mem>>
      %dma_start3A_16 = arith.constant 0 : i32
      %dma_start3A_17 = tpu.memref_slice %arg8[%dma_start3A_16] : memref<416xi32, #tpu.memory_space<vmem>> -> memref<400xi32, #tpu.memory_space<vmem>>
      %dma_start3A_18 = tpu.memref_slice %arg3[%mul3A_8] : memref<819200xi32, #tpu.memory_space<hbm>> -> memref<400xi32, #tpu.memory_space<hbm>>
      %dma_start3A_19 = arith.constant 0 : i32
      %dma_start3A_20 = tpu.memref_slice %arg8[%dma_start3A_19] : memref<416xi32, #tpu.memory_space<vmem>> -> memref<400xi32, #tpu.memory_space<vmem>>
      %dma_start3A_21 = tpu.memref_slice %arg3[%mul3A_8] : memref<819200xi32, #tpu.memory_space<hbm>> -> memref<400xi32, #tpu.memory_space<hbm>>
      tpu.enqueue_dma source(%dma_start3A_21 : memref<400xi32, #tpu.memory_space<hbm>>) target(%dma_start3A_20 : memref<400xi32, #tpu.memory_space<vmem>>) target_semaphore(%run_scoped3A : memref<!tpu.dma_semaphore, #tpu.memory_space<semaphore_mem>>)
      %dma_wait3A = arith.constant 0 : i32
      %dma_wait3A_22 = tpu.memref_slice %arg8[%dma_wait3A] : memref<416xi32, #tpu.memory_space<vmem>> -> memref<400xi32, #tpu.memory_space<vmem>>
      %dma_wait3A_23 = tpu.memref_slice %arg3[%mul3A_8] : memref<819200xi32, #tpu.memory_space<hbm>> -> memref<400xi32, #tpu.memory_space<hbm>>
      %dma_wait3A_24 = arith.constant 0 : i32
      %dma_wait3A_25 = tpu.memref_slice %arg8[%dma_wait3A_24] : memref<416xi32, #tpu.memory_space<vmem>> -> memref<400xi32, #tpu.memory_space<vmem>>
      %dma_wait3A_26 = tpu.memref_slice %arg3[%mul3A_8] : memref<819200xi32, #tpu.memory_space<hbm>> -> memref<400xi32, #tpu.memory_space<hbm>>
      tpu.wait_dma2 semaphore(%run_scoped3A : memref<!tpu.dma_semaphore, #tpu.memory_space<semaphore_mem>>) src(%dma_wait3A_26 : memref<400xi32, #tpu.memory_space<hbm>>) dst(%dma_wait3A_25 : memref<400xi32, #tpu.memory_space<vmem>>)
      tpu.yield
    }) : () -> ()
    %dma_start3A = arith.constant 0 : i32
    %dma_start3A_9 = arith.constant 0 : i32
    %dma_start3A_10 = tpu.memref_slice %arg4[%dma_start3A, %dma_start3A_9] : memref<1000000x64xf32, #tpu.memory_space<hbm>> -> memref<1000000x64xf32, #tpu.memory_space<hbm>>
    tpu.enqueue_indirect_dma source(%dma_start3A_10 : memref<1000000x64xf32, #tpu.memory_space<hbm>>) target(%arg10 : memref<400x64xf32, #tpu.memory_space<vmem>>) offsets(%arg6 : memref<400xi32, #tpu.memory_space<vmem>>) semaphore(%arg13 : memref<!tpu.dma_semaphore, #tpu.memory_space<semaphore_mem>>)
    %scan3A = arith.constant 0 : i32
    %scan3A_11 = arith.constant 0 : i32
    %scan3A_12 = arith.constant 32 : i32
    %scan3A_13 = arith.addi %scan3A_11, %scan3A_12 : i32
    %scan3A_14 = arith.constant 1 : i32
    scf.for %scan3A_16 = %scan3A_11 to %scan3A_13 step %scan3A_14  : i32 {
      %mul3A_17 = arith.constant 2 : i32
      %mul3A_18 = arith.muli %mul3A_17, %scan3A_16 : i32
      %add3A_19 = arith.constant 1 : i32
      %add3A_20 = arith.addi %mul3A_18, %add3A_19 : i32
      %mul3A_21 = arith.constant 8 : i32
      %mul3A_22 = arith.muli %add3A_20, %mul3A_21 : i32
      %add3A_23 = arith.addi %mul3A_2, %mul3A_22 : i32
      %mul3A_24 = arith.constant 50 : i32
      %mul3A_25 = arith.muli %add3A_23, %mul3A_24 : i32
      "tpu.region"() ({
        %run_scoped3A = tpu.sem_alloc : memref<!tpu.dma_semaphore, #tpu.memory_space<semaphore_mem>>
        %dma_start3A_66 = tpu.memref_slice %arg2[%mul3A_25] : memref<819200xi32, #tpu.memory_space<hbm>> -> memref<400xi32, #tpu.memory_space<hbm>>
        %dma_start3A_67 = tpu.memref_slice %arg2[%mul3A_25] : memref<819200xi32, #tpu.memory_space<hbm>> -> memref<400xi32, #tpu.memory_space<hbm>>
        tpu.enqueue_dma source(%dma_start3A_67 : memref<400xi32, #tpu.memory_space<hbm>>) target(%arg7 : memref<400xi32, #tpu.memory_space<vmem>>) target_semaphore(%run_scoped3A : memref<!tpu.dma_semaphore, #tpu.memory_space<semaphore_mem>>)
        %dma_wait3A_68 = tpu.memref_slice %arg2[%mul3A_25] : memref<819200xi32, #tpu.memory_space<hbm>> -> memref<400xi32, #tpu.memory_space<hbm>>
        %dma_wait3A_69 = tpu.memref_slice %arg2[%mul3A_25] : memref<819200xi32, #tpu.memory_space<hbm>> -> memref<400xi32, #tpu.memory_space<hbm>>
        tpu.wait_dma2 semaphore(%run_scoped3A : memref<!tpu.dma_semaphore, #tpu.memory_space<semaphore_mem>>) src(%dma_wait3A_69 : memref<400xi32, #tpu.memory_space<hbm>>) dst(%arg7 : memref<400xi32, #tpu.memory_space<vmem>>)
        tpu.yield
      }) : () -> ()
      %mul3A_26 = arith.constant 50 : i32
      %mul3A_27 = arith.muli %add3A_23, %mul3A_26 : i32
      "tpu.region"() ({
        %run_scoped3A = tpu.sem_alloc : memref<!tpu.dma_semaphore, #tpu.memory_space<semaphore_mem>>
        %dma_start3A_66 = arith.constant 0 : i32
        %dma_start3A_67 = tpu.memref_slice %arg9[%dma_start3A_66] : memref<416xi32, #tpu.memory_space<vmem>> -> memref<400xi32, #tpu.memory_space<vmem>>
        %dma_start3A_68 = tpu.memref_slice %arg3[%mul3A_27] : memref<819200xi32, #tpu.memory_space<hbm>> -> memref<400xi32, #tpu.memory_space<hbm>>
        %dma_start3A_69 = arith.constant 0 : i32
        %dma_start3A_70 = tpu.memref_slice %arg9[%dma_start3A_69] : memref<416xi32, #tpu.memory_space<vmem>> -> memref<400xi32, #tpu.memory_space<vmem>>
        %dma_start3A_71 = tpu.memref_slice %arg3[%mul3A_27] : memref<819200xi32, #tpu.memory_space<hbm>> -> memref<400xi32, #tpu.memory_space<hbm>>
        tpu.enqueue_dma source(%dma_start3A_71 : memref<400xi32, #tpu.memory_space<hbm>>) target(%dma_start3A_70 : memref<400xi32, #tpu.memory_space<vmem>>) target_semaphore(%run_scoped3A : memref<!tpu.dma_semaphore, #tpu.memory_space<semaphore_mem>>)
        %dma_wait3A_72 = arith.constant 0 : i32
        %dma_wait3A_73 = tpu.memref_slice %arg9[%dma_wait3A_72] : memref<416xi32, #tpu.memory_space<vmem>> -> memref<400xi32, #tpu.memory_space<vmem>>
        %dma_wait3A_74 = tpu.memref_slice %arg3[%mul3A_27] : memref<819200xi32, #tpu.memory_space<hbm>> -> memref<400xi32, #tpu.memory_space<hbm>>
        %dma_wait3A_75 = arith.constant 0 : i32
        %dma_wait3A_76 = tpu.memref_slice %arg9[%dma_wait3A_75] : memref<416xi32, #tpu.memory_space<vmem>> -> memref<400xi32, #tpu.memory_space<vmem>>
        %dma_wait3A_77 = tpu.memref_slice %arg3[%mul3A_27] : memref<819200xi32, #tpu.memory_space<hbm>> -> memref<400xi32, #tpu.memory_space<hbm>>
        tpu.wait_dma2 semaphore(%run_scoped3A : memref<!tpu.dma_semaphore, #tpu.memory_space<semaphore_mem>>) src(%dma_wait3A_77 : memref<400xi32, #tpu.memory_space<hbm>>) dst(%dma_wait3A_76 : memref<400xi32, #tpu.memory_space<vmem>>)
        tpu.yield
      }) : () -> ()
      %dma_start3A_28 = arith.constant 0 : i32
      %dma_start3A_29 = arith.constant 0 : i32
      %dma_start3A_30 = tpu.memref_slice %arg4[%dma_start3A_28, %dma_start3A_29] : memref<1000000x64xf32, #tpu.memory_space<hbm>> -> memref<1000000x64xf32, #tpu.memory_space<hbm>>
      tpu.enqueue_indirect_dma source(%dma_start3A_30 : memref<1000000x64xf32, #tpu.memory_space<hbm>>) target(%arg11 : memref<400x64xf32, #tpu.memory_space<vmem>>) offsets(%arg7 : memref<400xi32, #tpu.memory_space<vmem>>) semaphore(%arg14 : memref<!tpu.dma_semaphore, #tpu.memory_space<semaphore_mem>>)
      %dma_wait3A = arith.constant 0 : i32
      %dma_wait3A_31 = arith.constant 0 : i32
      %dma_wait3A_32 = tpu.memref_slice %arg4[%dma_wait3A, %dma_wait3A_31] : memref<1000000x64xf32, #tpu.memory_space<hbm>> -> memref<1000000x64xf32, #tpu.memory_space<hbm>>
      tpu.wait_indirect_dma semaphore(%arg13 : memref<!tpu.dma_semaphore, #tpu.memory_space<semaphore_mem>>) src(%dma_wait3A_32 : memref<1000000x64xf32, #tpu.memory_space<hbm>>) dst(%arg10 : memref<400x64xf32, #tpu.memory_space<vmem>>)
      %mul3A_33 = arith.constant 2 : i32
      %mul3A_34 = arith.muli %mul3A_33, %scan3A_16 : i32
      %mul3A_35 = arith.constant 8 : i32
      %mul3A_36 = arith.muli %mul3A_34, %mul3A_35 : i32
      %add3A_37 = arith.addi %mul3A_2, %mul3A_36 : i32
      %scan3A_38 = arith.constant 0 : i32
      %scan3A_39 = arith.constant 0 : i32
      %scan3A_40 = arith.constant 8 : i32
      %scan3A_41 = arith.addi %scan3A_39, %scan3A_40 : i32
      %scan3A_42 = arith.constant 1 : i32
      scf.for %scan3A_66 = %scan3A_39 to %scan3A_41 step %scan3A_42  : i32 {
        %mul3A_67 = arith.constant 50 : i32
        %mul3A_68 = arith.muli %scan3A_66, %mul3A_67 : i32
        %add3A_69 = arith.constant 0 : i32
        %add3A_70 = arith.addi %mul3A_68, %add3A_69 : i32
        %get3A = arith.index_cast %add3A_70 : i32 to index
        %get3A_71 = tpu.vector_load %arg8[%get3A] {strides = array<i32>} : memref<416xi32, #tpu.memory_space<vmem>>, vector<16xi32>,
        %get3A_72 = vector.shape_cast %get3A_71 : vector<16xi32> to vector<16xi32>
        %convert_element_type3A_73 = arith.sitofp %get3A_72 : vector<16xi32> to vector<16xf32>
        %mul3A_74 = arith.constant 50 : i32
        %mul3A_75 = arith.muli %scan3A_66, %mul3A_74 : i32
        %add3A_76 = arith.constant 16 : i32
        %add3A_77 = arith.addi %mul3A_75, %add3A_76 : i32
        %get3A_78 = arith.index_cast %add3A_77 : i32 to index
        %get3A_79 = tpu.vector_load %arg8[%get3A_78] {strides = array<i32>} : memref<416xi32, #tpu.memory_space<vmem>>, vector<16xi32>,
        %get3A_80 = vector.shape_cast %get3A_79 : vector<16xi32> to vector<16xi32>
        %convert_element_type3A_81 = arith.sitofp %get3A_80 : vector<16xi32> to vector<16xf32>
        %mul3A_82 = arith.constant 50 : i32
        %mul3A_83 = arith.muli %scan3A_66, %mul3A_82 : i32
        %add3A_84 = arith.constant 32 : i32
        %add3A_85 = arith.addi %mul3A_83, %add3A_84 : i32
        %get3A_86 = arith.index_cast %add3A_85 : i32 to index
        %get3A_87 = tpu.vector_load %arg8[%get3A_86] {strides = array<i32>} : memref<416xi32, #tpu.memory_space<vmem>>, vector<16xi32>,
        %get3A_88 = vector.shape_cast %get3A_87 : vector<16xi32> to vector<16xi32>
        %convert_element_type3A_89 = arith.sitofp %get3A_88 : vector<16xi32> to vector<16xf32>
        %mul3A_90 = arith.constant 50 : i32
        %mul3A_91 = arith.muli %scan3A_66, %mul3A_90 : i32
        %add3A_92 = arith.constant 48 : i32
        %add3A_93 = arith.addi %mul3A_91, %add3A_92 : i32
        %get3A_94 = arith.index_cast %add3A_93 : i32 to index
        %get3A_95 = tpu.vector_load %arg8[%get3A_94] {strides = array<i32>} : memref<416xi32, #tpu.memory_space<vmem>>, vector<16xi32>,
        %get3A_96 = vector.shape_cast %get3A_95 : vector<16xi32> to vector<16xi32>
        %convert_element_type3A_97 = arith.sitofp %get3A_96 : vector<16xi32> to vector<16xf32>
        %broadcast_in_dim3A = arith.constant 0.000000e+00 : f32
        %broadcast_in_dim3A_98 = vector.broadcast %broadcast_in_dim3A : f32 to vector<16xf32>
        %slice3A = vector.extract_strided_slice %convert_element_type3A_73 {offsets = [0], sizes = [1], strides = [1]} : vector<16xf32> to vector<1xf32>
        %squeeze3A = vector.extract %slice3A[0] : f32 from vector<1xf32>
        %broadcast_in_dim3A_99 = vector.broadcast %squeeze3A : f32 to vector<16xf32>
        %add3A_100 = arith.addf %broadcast_in_dim3A_98, %broadcast_in_dim3A_99 : vector<16xf32>
        %mul3A_101 = arith.constant 50 : i32
        %mul3A_102 = arith.muli %scan3A_66, %mul3A_101 : i32
        %add3A_103 = arith.constant 0 : i32
        %add3A_104 = arith.addi %mul3A_102, %add3A_103 : i32
        %get3A_105 = arith.index_cast %add3A_104 : i32 to index
        %get3A_106 = arith.constant 0 : index
        %get3A_107 = tpu.vector_load %arg10[%get3A_105, %get3A_106] {strides = array<i32>} : memref<400x64xf32, #tpu.memory_space<vmem>>, vector<1x16xf32>,
        %get3A_108 = vector.shape_cast %get3A_107 : vector<1x16xf32> to vector<16xf32>
        %mul3A_109 = arith.mulf %get3A_108, %broadcast_in_dim3A_99 : vector<16xf32>
        %add3A_110 = arith.addf %broadcast_in_dim3A_98, %mul3A_109 : vector<16xf32>
        %mul3A_111 = arith.constant 50 : i32
        %mul3A_112 = arith.muli %scan3A_66, %mul3A_111 : i32
        %add3A_113 = arith.constant 0 : i32
        %add3A_114 = arith.addi %mul3A_112, %add3A_113 : i32
        %get3A_115 = arith.index_cast %add3A_114 : i32 to index
        %get3A_116 = arith.constant 16 : index
        %get3A_117 = tpu.vector_load %arg10[%get3A_115, %get3A_116] {strides = array<i32>} : memref<400x64xf32, #tpu.memory_space<vmem>>, vector<1x16xf32>,
        %get3A_118 = vector.shape_cast %get3A_117 : vector<1x16xf32> to vector<16xf32>
        %mul3A_119 = arith.mulf %get3A_118, %broadcast_in_dim3A_99 : vector<16xf32>
        %add3A_120 = arith.addf %broadcast_in_dim3A_98, %mul3A_119 : vector<16xf32>
        %mul3A_121 = arith.constant 50 : i32
        %mul3A_122 = arith.muli %scan3A_66, %mul3A_121 : i32
        %add3A_123 = arith.constant 0 : i32
        %add3A_124 = arith.addi %mul3A_122, %add3A_123 : i32
        %get3A_125 = arith.index_cast %add3A_124 : i32 to index
        %get3A_126 = arith.constant 32 : index
        %get3A_127 = tpu.vector_load %arg10[%get3A_125, %get3A_126] {strides = array<i32>} : memref<400x64xf32, #tpu.memory_space<vmem>>, vector<1x16xf32>,
        %get3A_128 = vector.shape_cast %get3A_127 : vector<1x16xf32> to vector<16xf32>
        %mul3A_129 = arith.mulf %get3A_128, %broadcast_in_dim3A_99 : vector<16xf32>
        %add3A_130 = arith.addf %broadcast_in_dim3A_98, %mul3A_129 : vector<16xf32>
        %mul3A_131 = arith.constant 50 : i32
        %mul3A_132 = arith.muli %scan3A_66, %mul3A_131 : i32
        %add3A_133 = arith.constant 0 : i32
        %add3A_134 = arith.addi %mul3A_132, %add3A_133 : i32
        %get3A_135 = arith.index_cast %add3A_134 : i32 to index
        %get3A_136 = arith.constant 48 : index
        %get3A_137 = tpu.vector_load %arg10[%get3A_135, %get3A_136] {strides = array<i32>} : memref<400x64xf32, #tpu.memory_space<vmem>>, vector<1x16xf32>,
        %get3A_138 = vector.shape_cast %get3A_137 : vector<1x16xf32> to vector<16xf32>
        %mul3A_139 = arith.mulf %get3A_138, %broadcast_in_dim3A_99 : vector<16xf32>
        %add3A_140 = arith.addf %broadcast_in_dim3A_98, %mul3A_139 : vector<16xf32>
        %slice3A_141 = vector.extract_strided_slice %convert_element_type3A_73 {offsets = [1], sizes = [1], strides = [1]} : vector<16xf32> to vector<1xf32>
        %squeeze3A_142 = vector.extract %slice3A_141[0] : f32 from vector<1xf32>
        %broadcast_in_dim3A_143 = vector.broadcast %squeeze3A_142 : f32 to vector<16xf32>
        %add3A_144 = arith.addf %add3A_100, %broadcast_in_dim3A_143 : vector<16xf32>
        %mul3A_145 = arith.constant 50 : i32
        %mul3A_146 = arith.muli %scan3A_66, %mul3A_145 : i32
        %add3A_147 = arith.constant 1 : i32
        %add3A_148 = arith.addi %mul3A_146, %add3A_147 : i32
        %get3A_149 = arith.index_cast %add3A_148 : i32 to index
        %get3A_150 = arith.constant 0 : index
        %get3A_151 = tpu.vector_load %arg10[%get3A_149, %get3A_150] {strides = array<i32>} : memref<400x64xf32, #tpu.memory_space<vmem>>, vector<1x16xf32>,
        %get3A_152 = vector.shape_cast %get3A_151 : vector<1x16xf32> to vector<16xf32>
        %mul3A_153 = arith.mulf %get3A_152, %broadcast_in_dim3A_143 : vector<16xf32>
        %add3A_154 = arith.addf %add3A_110, %mul3A_153 : vector<16xf32>
        %mul3A_155 = arith.constant 50 : i32
        %mul3A_156 = arith.muli %scan3A_66, %mul3A_155 : i32
        %add3A_157 = arith.constant 1 : i32
        %add3A_158 = arith.addi %mul3A_156, %add3A_157 : i32
        %get3A_159 = arith.index_cast %add3A_158 : i32 to index
        %get3A_160 = arith.constant 16 : index
        %get3A_161 = tpu.vector_load %arg10[%get3A_159, %get3A_160] {strides = array<i32>} : memref<400x64xf32, #tpu.memory_space<vmem>>, vector<1x16xf32>,
        %get3A_162 = vector.shape_cast %get3A_161 : vector<1x16xf32> to vector<16xf32>
        %mul3A_163 = arith.mulf %get3A_162, %broadcast_in_dim3A_143 : vector<16xf32>
        %add3A_164 = arith.addf %add3A_120, %mul3A_163 : vector<16xf32>
        %mul3A_165 = arith.constant 50 : i32
        %mul3A_166 = arith.muli %scan3A_66, %mul3A_165 : i32
        %add3A_167 = arith.constant 1 : i32
        %add3A_168 = arith.addi %mul3A_166, %add3A_167 : i32
        %get3A_169 = arith.index_cast %add3A_168 : i32 to index
        %get3A_170 = arith.constant 32 : index
        %get3A_171 = tpu.vector_load %arg10[%get3A_169, %get3A_170] {strides = array<i32>} : memref<400x64xf32, #tpu.memory_space<vmem>>, vector<1x16xf32>,
        %get3A_172 = vector.shape_cast %get3A_171 : vector<1x16xf32> to vector<16xf32>
        %mul3A_173 = arith.mulf %get3A_172, %broadcast_in_dim3A_143 : vector<16xf32>
        %add3A_174 = arith.addf %add3A_130, %mul3A_173 : vector<16xf32>
        %mul3A_175 = arith.constant 50 : i32
        %mul3A_176 = arith.muli %scan3A_66, %mul3A_175 : i32
        %add3A_177 = arith.constant 1 : i32
        %add3A_178 = arith.addi %mul3A_176, %add3A_177 : i32
        %get3A_179 = arith.index_cast %add3A_178 : i32 to index
        %get3A_180 = arith.constant 48 : index
        %get3A_181 = tpu.vector_load %arg10[%get3A_179, %get3A_180] {strides = array<i32>} : memref<400x64xf32, #tpu.memory_space<vmem>>, vector<1x16xf32>,
        %get3A_182 = vector.shape_cast %get3A_181 : vector<1x16xf32> to vector<16xf32>
        %mul3A_183 = arith.mulf %get3A_182, %broadcast_in_dim3A_143 : vector<16xf32>
        %add3A_184 = arith.addf %add3A_140, %mul3A_183 : vector<16xf32>
        %slice3A_185 = vector.extract_strided_slice %convert_element_type3A_73 {offsets = [2], sizes = [1], strides = [1]} : vector<16xf32> to vector<1xf32>
        %squeeze3A_186 = vector.extract %slice3A_185[0] : f32 from vector<1xf32>
        %broadcast_in_dim3A_187 = vector.broadcast %squeeze3A_186 : f32 to vector<16xf32>
        %add3A_188 = arith.addf %add3A_144, %broadcast_in_dim3A_187 : vector<16xf32>
        %mul3A_189 = arith.constant 50 : i32
        %mul3A_190 = arith.muli %scan3A_66, %mul3A_189 : i32
        %add3A_191 = arith.constant 2 : i32
        %add3A_192 = arith.addi %mul3A_190, %add3A_191 : i32
        %get3A_193 = arith.index_cast %add3A_192 : i32 to index
        %get3A_194 = arith.constant 0 : index
        %get3A_195 = tpu.vector_load %arg10[%get3A_193, %get3A_194] {strides = array<i32>} : memref<400x64xf32, #tpu.memory_space<vmem>>, vector<1x16xf32>,
        %get3A_196 = vector.shape_cast %get3A_195 : vector<1x16xf32> to vector<16xf32>
        %mul3A_197 = arith.mulf %get3A_196, %broadcast_in_dim3A_187 : vector<16xf32>
        %add3A_198 = arith.addf %add3A_154, %mul3A_197 : vector<16xf32>
        %mul3A_199 = arith.constant 50 : i32
        %mul3A_200 = arith.muli %scan3A_66, %mul3A_199 : i32
        %add3A_201 = arith.constant 2 : i32
        %add3A_202 = arith.addi %mul3A_200, %add3A_201 : i32
        %get3A_203 = arith.index_cast %add3A_202 : i32 to index
        %get3A_204 = arith.constant 16 : index
        %get3A_205 = tpu.vector_load %arg10[%get3A_203, %get3A_204] {strides = array<i32>} : memref<400x64xf32, #tpu.memory_space<vmem>>, vector<1x16xf32>,
        %get3A_206 = vector.shape_cast %get3A_205 : vector<1x16xf32> to vector<16xf32>
        %mul3A_207 = arith.mulf %get3A_206, %broadcast_in_dim3A_187 : vector<16xf32>
        %add3A_208 = arith.addf %add3A_164, %mul3A_207 : vector<16xf32>
        %mul3A_209 = arith.constant 50 : i32
        %mul3A_210 = arith.muli %scan3A_66, %mul3A_209 : i32
        %add3A_211 = arith.constant 2 : i32
        %add3A_212 = arith.addi %mul3A_210, %add3A_211 : i32
        %get3A_213 = arith.index_cast %add3A_212 : i32 to index
        %get3A_214 = arith.constant 32 : index
        %get3A_215 = tpu.vector_load %arg10[%get3A_213, %get3A_214] {strides = array<i32>} : memref<400x64xf32, #tpu.memory_space<vmem>>, vector<1x16xf32>,
        %get3A_216 = vector.shape_cast %get3A_215 : vector<1x16xf32> to vector<16xf32>
        %mul3A_217 = arith.mulf %get3A_216, %broadcast_in_dim3A_187 : vector<16xf32>
        %add3A_218 = arith.addf %add3A_174, %mul3A_217 : vector<16xf32>
        %mul3A_219 = arith.constant 50 : i32
        %mul3A_220 = arith.muli %scan3A_66, %mul3A_219 : i32
        %add3A_221 = arith.constant 2 : i32
        %add3A_222 = arith.addi %mul3A_220, %add3A_221 : i32
        %get3A_223 = arith.index_cast %add3A_222 : i32 to index
        %get3A_224 = arith.constant 48 : index
        %get3A_225 = tpu.vector_load %arg10[%get3A_223, %get3A_224] {strides = array<i32>} : memref<400x64xf32, #tpu.memory_space<vmem>>, vector<1x16xf32>,
        %get3A_226 = vector.shape_cast %get3A_225 : vector<1x16xf32> to vector<16xf32>
        %mul3A_227 = arith.mulf %get3A_226, %broadcast_in_dim3A_187 : vector<16xf32>
        %add3A_228 = arith.addf %add3A_184, %mul3A_227 : vector<16xf32>
        %slice3A_229 = vector.extract_strided_slice %convert_element_type3A_73 {offsets = [3], sizes = [1], strides = [1]} : vector<16xf32> to vector<1xf32>
        %squeeze3A_230 = vector.extract %slice3A_229[0] : f32 from vector<1xf32>
        %broadcast_in_dim3A_231 = vector.broadcast %squeeze3A_230 : f32 to vector<16xf32>
        %add3A_232 = arith.addf %add3A_188, %broadcast_in_dim3A_231 : vector<16xf32>
        %mul3A_233 = arith.constant 50 : i32
        %mul3A_234 = arith.muli %scan3A_66, %mul3A_233 : i32
        %add3A_235 = arith.constant 3 : i32
        %add3A_236 = arith.addi %mul3A_234, %add3A_235 : i32
        %get3A_237 = arith.index_cast %add3A_236 : i32 to index
        %get3A_238 = arith.constant 0 : index
        %get3A_239 = tpu.vector_load %arg10[%get3A_237, %get3A_238] {strides = array<i32>} : memref<400x64xf32, #tpu.memory_space<vmem>>, vector<1x16xf32>,
        %get3A_240 = vector.shape_cast %get3A_239 : vector<1x16xf32> to vector<16xf32>
        %mul3A_241 = arith.mulf %get3A_240, %broadcast_in_dim3A_231 : vector<16xf32>
        %add3A_242 = arith.addf %add3A_198, %mul3A_241 : vector<16xf32>
        %mul3A_243 = arith.constant 50 : i32
        %mul3A_244 = arith.muli %scan3A_66, %mul3A_243 : i32
        %add3A_245 = arith.constant 3 : i32
        %add3A_246 = arith.addi %mul3A_244, %add3A_245 : i32
        %get3A_247 = arith.index_cast %add3A_246 : i32 to index
        %get3A_248 = arith.constant 16 : index
        %get3A_249 = tpu.vector_load %arg10[%get3A_247, %get3A_248] {strides = array<i32>} : memref<400x64xf32, #tpu.memory_space<vmem>>, vector<1x16xf32>,
        %get3A_250 = vector.shape_cast %get3A_249 : vector<1x16xf32> to vector<16xf32>
        %mul3A_251 = arith.mulf %get3A_250, %broadcast_in_dim3A_231 : vector<16xf32>
        %add3A_252 = arith.addf %add3A_208, %mul3A_251 : vector<16xf32>
        %mul3A_253 = arith.constant 50 : i32
        %mul3A_254 = arith.muli %scan3A_66, %mul3A_253 : i32
        %add3A_255 = arith.constant 3 : i32
        %add3A_256 = arith.addi %mul3A_254, %add3A_255 : i32
        %get3A_257 = arith.index_cast %add3A_256 : i32 to index
        %get3A_258 = arith.constant 32 : index
        %get3A_259 = tpu.vector_load %arg10[%get3A_257, %get3A_258] {strides = array<i32>} : memref<400x64xf32, #tpu.memory_space<vmem>>, vector<1x16xf32>,
        %get3A_260 = vector.shape_cast %get3A_259 : vector<1x16xf32> to vector<16xf32>
        %mul3A_261 = arith.mulf %get3A_260, %broadcast_in_dim3A_231 : vector<16xf32>
        %add3A_262 = arith.addf %add3A_218, %mul3A_261 : vector<16xf32>
        %mul3A_263 = arith.constant 50 : i32
        %mul3A_264 = arith.muli %scan3A_66, %mul3A_263 : i32
        %add3A_265 = arith.constant 3 : i32
        %add3A_266 = arith.addi %mul3A_264, %add3A_265 : i32
        %get3A_267 = arith.index_cast %add3A_266 : i32 to index
        %get3A_268 = arith.constant 48 : index
        %get3A_269 = tpu.vector_load %arg10[%get3A_267, %get3A_268] {strides = array<i32>} : memref<400x64xf32, #tpu.memory_space<vmem>>, vector<1x16xf32>,
        %get3A_270 = vector.shape_cast %get3A_269 : vector<1x16xf32> to vector<16xf32>
        %mul3A_271 = arith.mulf %get3A_270, %broadcast_in_dim3A_231 : vector<16xf32>
        %add3A_272 = arith.addf %add3A_228, %mul3A_271 : vector<16xf32>
        %slice3A_273 = vector.extract_strided_slice %convert_element_type3A_73 {offsets = [4], sizes = [1], strides = [1]} : vector<16xf32> to vector<1xf32>
        %squeeze3A_274 = vector.extract %slice3A_273[0] : f32 from vector<1xf32>
        %broadcast_in_dim3A_275 = vector.broadcast %squeeze3A_274 : f32 to vector<16xf32>
        %add3A_276 = arith.addf %add3A_232, %broadcast_in_dim3A_275 : vector<16xf32>
        %mul3A_277 = arith.constant 50 : i32
        %mul3A_278 = arith.muli %scan3A_66, %mul3A_277 : i32
        %add3A_279 = arith.constant 4 : i32
        %add3A_280 = arith.addi %mul3A_278, %add3A_279 : i32
        %get3A_281 = arith.index_cast %add3A_280 : i32 to index
        %get3A_282 = arith.constant 0 : index
        %get3A_283 = tpu.vector_load %arg10[%get3A_281, %get3A_282] {strides = array<i32>} : memref<400x64xf32, #tpu.memory_space<vmem>>, vector<1x16xf32>,
        %get3A_284 = vector.shape_cast %get3A_283 : vector<1x16xf32> to vector<16xf32>
        %mul3A_285 = arith.mulf %get3A_284, %broadcast_in_dim3A_275 : vector<16xf32>
        %add3A_286 = arith.addf %add3A_242, %mul3A_285 : vector<16xf32>
        %mul3A_287 = arith.constant 50 : i32
        %mul3A_288 = arith.muli %scan3A_66, %mul3A_287 : i32
        %add3A_289 = arith.constant 4 : i32
        %add3A_290 = arith.addi %mul3A_288, %add3A_289 : i32
        %get3A_291 = arith.index_cast %add3A_290 : i32 to index
        %get3A_292 = arith.constant 16 : index
        %get3A_293 = tpu.vector_load %arg10[%get3A_291, %get3A_292] {strides = array<i32>} : memref<400x64xf32, #tpu.memory_space<vmem>>, vector<1x16xf32>,
        %get3A_294 = vector.shape_cast %get3A_293 : vector<1x16xf32> to vector<16xf32>
        %mul3A_295 = arith.mulf %get3A_294, %broadcast_in_dim3A_275 : vector<16xf32>
        %add3A_296 = arith.addf %add3A_252, %mul3A_295 : vector<16xf32>
        %mul3A_297 = arith.constant 50 : i32
        %mul3A_298 = arith.muli %scan3A_66, %mul3A_297 : i32
        %add3A_299 = arith.constant 4 : i32
        %add3A_300 = arith.addi %mul3A_298, %add3A_299 : i32
        %get3A_301 = arith.index_cast %add3A_300 : i32 to index
        %get3A_302 = arith.constant 32 : index
        %get3A_303 = tpu.vector_load %arg10[%get3A_301, %get3A_302] {strides = array<i32>} : memref<400x64xf32, #tpu.memory_space<vmem>>, vector<1x16xf32>,
        %get3A_304 = vector.shape_cast %get3A_303 : vector<1x16xf32> to vector<16xf32>
        %mul3A_305 = arith.mulf %get3A_304, %broadcast_in_dim3A_275 : vector<16xf32>
        %add3A_306 = arith.addf %add3A_262, %mul3A_305 : vector<16xf32>
        %mul3A_307 = arith.constant 50 : i32
        %mul3A_308 = arith.muli %scan3A_66, %mul3A_307 : i32
        %add3A_309 = arith.constant 4 : i32
        %add3A_310 = arith.addi %mul3A_308, %add3A_309 : i32
        %get3A_311 = arith.index_cast %add3A_310 : i32 to index
        %get3A_312 = arith.constant 48 : index
        %get3A_313 = tpu.vector_load %arg10[%get3A_311, %get3A_312] {strides = array<i32>} : memref<400x64xf32, #tpu.memory_space<vmem>>, vector<1x16xf32>,
        %get3A_314 = vector.shape_cast %get3A_313 : vector<1x16xf32> to vector<16xf32>
        %mul3A_315 = arith.mulf %get3A_314, %broadcast_in_dim3A_275 : vector<16xf32>
        %add3A_316 = arith.addf %add3A_272, %mul3A_315 : vector<16xf32>
        %slice3A_317 = vector.extract_strided_slice %convert_element_type3A_73 {offsets = [5], sizes = [1], strides = [1]} : vector<16xf32> to vector<1xf32>
        %squeeze3A_318 = vector.extract %slice3A_317[0] : f32 from vector<1xf32>
        %broadcast_in_dim3A_319 = vector.broadcast %squeeze3A_318 : f32 to vector<16xf32>
        %add3A_320 = arith.addf %add3A_276, %broadcast_in_dim3A_319 : vector<16xf32>
        %mul3A_321 = arith.constant 50 : i32
        %mul3A_322 = arith.muli %scan3A_66, %mul3A_321 : i32
        %add3A_323 = arith.constant 5 : i32
        %add3A_324 = arith.addi %mul3A_322, %add3A_323 : i32
        %get3A_325 = arith.index_cast %add3A_324 : i32 to index
        %get3A_326 = arith.constant 0 : index
        %get3A_327 = tpu.vector_load %arg10[%get3A_325, %get3A_326] {strides = array<i32>} : memref<400x64xf32, #tpu.memory_space<vmem>>, vector<1x16xf32>,
        %get3A_328 = vector.shape_cast %get3A_327 : vector<1x16xf32> to vector<16xf32>
        %mul3A_329 = arith.mulf %get3A_328, %broadcast_in_dim3A_319 : vector<16xf32>
        %add3A_330 = arith.addf %add3A_286, %mul3A_329 : vector<16xf32>
        %mul3A_331 = arith.constant 50 : i32
        %mul3A_332 = arith.muli %scan3A_66, %mul3A_331 : i32
        %add3A_333 = arith.constant 5 : i32
        %add3A_334 = arith.addi %mul3A_332, %add3A_333 : i32
        %get3A_335 = arith.index_cast %add3A_334 : i32 to index
        %get3A_336 = arith.constant 16 : index
        %get3A_337 = tpu.vector_load %arg10[%get3A_335, %get3A_336] {strides = array<i32>} : memref<400x64xf32, #tpu.memory_space<vmem>>, vector<1x16xf32>,
        %get3A_338 = vector.shape_cast %get3A_337 : vector<1x16xf32> to vector<16xf32>
        %mul3A_339 = arith.mulf %get3A_338, %broadcast_in_dim3A_319 : vector<16xf32>
        %add3A_340 = arith.addf %add3A_296, %mul3A_339 : vector<16xf32>
        %mul3A_341 = arith.constant 50 : i32
        %mul3A_342 = arith.muli %scan3A_66, %mul3A_341 : i32
        %add3A_343 = arith.constant 5 : i32
        %add3A_344 = arith.addi %mul3A_342, %add3A_343 : i32
        %get3A_345 = arith.index_cast %add3A_344 : i32 to index
        %get3A_346 = arith.constant 32 : index
        %get3A_347 = tpu.vector_load %arg10[%get3A_345, %get3A_346] {strides = array<i32>} : memref<400x64xf32, #tpu.memory_space<vmem>>, vector<1x16xf32>,
        %get3A_348 = vector.shape_cast %get3A_347 : vector<1x16xf32> to vector<16xf32>
        %mul3A_349 = arith.mulf %get3A_348, %broadcast_in_dim3A_319 : vector<16xf32>
        %add3A_350 = arith.addf %add3A_306, %mul3A_349 : vector<16xf32>
        %mul3A_351 = arith.constant 50 : i32
        %mul3A_352 = arith.muli %scan3A_66, %mul3A_351 : i32
        %add3A_353 = arith.constant 5 : i32
        %add3A_354 = arith.addi %mul3A_352, %add3A_353 : i32
        %get3A_355 = arith.index_cast %add3A_354 : i32 to index
        %get3A_356 = arith.constant 48 : index
        %get3A_357 = tpu.vector_load %arg10[%get3A_355, %get3A_356] {strides = array<i32>} : memref<400x64xf32, #tpu.memory_space<vmem>>, vector<1x16xf32>,
        %get3A_358 = vector.shape_cast %get3A_357 : vector<1x16xf32> to vector<16xf32>
        %mul3A_359 = arith.mulf %get3A_358, %broadcast_in_dim3A_319 : vector<16xf32>
        %add3A_360 = arith.addf %add3A_316, %mul3A_359 : vector<16xf32>
        %slice3A_361 = vector.extract_strided_slice %convert_element_type3A_73 {offsets = [6], sizes = [1], strides = [1]} : vector<16xf32> to vector<1xf32>
        %squeeze3A_362 = vector.extract %slice3A_361[0] : f32 from vector<1xf32>
        %broadcast_in_dim3A_363 = vector.broadcast %squeeze3A_362 : f32 to vector<16xf32>
        %add3A_364 = arith.addf %add3A_320, %broadcast_in_dim3A_363 : vector<16xf32>
        %mul3A_365 = arith.constant 50 : i32
        %mul3A_366 = arith.muli %scan3A_66, %mul3A_365 : i32
        %add3A_367 = arith.constant 6 : i32
        %add3A_368 = arith.addi %mul3A_366, %add3A_367 : i32
        %get3A_369 = arith.index_cast %add3A_368 : i32 to index
        %get3A_370 = arith.constant 0 : index
        %get3A_371 = tpu.vector_load %arg10[%get3A_369, %get3A_370] {strides = array<i32>} : memref<400x64xf32, #tpu.memory_space<vmem>>, vector<1x16xf32>,
        %get3A_372 = vector.shape_cast %get3A_371 : vector<1x16xf32> to vector<16xf32>
        %mul3A_373 = arith.mulf %get3A_372, %broadcast_in_dim3A_363 : vector<16xf32>
        %add3A_374 = arith.addf %add3A_330, %mul3A_373 : vector<16xf32>
        %mul3A_375 = arith.constant 50 : i32
        %mul3A_376 = arith.muli %scan3A_66, %mul3A_375 : i32
        %add3A_377 = arith.constant 6 : i32
        %add3A_378 = arith.addi %mul3A_376, %add3A_377 : i32
        %get3A_379 = arith.index_cast %add3A_378 : i32 to index
        %get3A_380 = arith.constant 16 : index
        %get3A_381 = tpu.vector_load %arg10[%get3A_379, %get3A_380] {strides = array<i32>} : memref<400x64xf32, #tpu.memory_space<vmem>>, vector<1x16xf32>,
        %get3A_382 = vector.shape_cast %get3A_381 : vector<1x16xf32> to vector<16xf32>
        %mul3A_383 = arith.mulf %get3A_382, %broadcast_in_dim3A_363 : vector<16xf32>
        %add3A_384 = arith.addf %add3A_340, %mul3A_383 : vector<16xf32>
        %mul3A_385 = arith.constant 50 : i32
        %mul3A_386 = arith.muli %scan3A_66, %mul3A_385 : i32
        %add3A_387 = arith.constant 6 : i32
        %add3A_388 = arith.addi %mul3A_386, %add3A_387 : i32
        %get3A_389 = arith.index_cast %add3A_388 : i32 to index
        %get3A_390 = arith.constant 32 : index
        %get3A_391 = tpu.vector_load %arg10[%get3A_389, %get3A_390] {strides = array<i32>} : memref<400x64xf32, #tpu.memory_space<vmem>>, vector<1x16xf32>,
        %get3A_392 = vector.shape_cast %get3A_391 : vector<1x16xf32> to vector<16xf32>
        %mul3A_393 = arith.mulf %get3A_392, %broadcast_in_dim3A_363 : vector<16xf32>
        %add3A_394 = arith.addf %add3A_350, %mul3A_393 : vector<16xf32>
        %mul3A_395 = arith.constant 50 : i32
        %mul3A_396 = arith.muli %scan3A_66, %mul3A_395 : i32
        %add3A_397 = arith.constant 6 : i32
        %add3A_398 = arith.addi %mul3A_396, %add3A_397 : i32
        %get3A_399 = arith.index_cast %add3A_398 : i32 to index
        %get3A_400 = arith.constant 48 : index
        %get3A_401 = tpu.vector_load %arg10[%get3A_399, %get3A_400] {strides = array<i32>} : memref<400x64xf32, #tpu.memory_space<vmem>>, vector<1x16xf32>,
        %get3A_402 = vector.shape_cast %get3A_401 : vector<1x16xf32> to vector<16xf32>
        %mul3A_403 = arith.mulf %get3A_402, %broadcast_in_dim3A_363 : vector<16xf32>
        %add3A_404 = arith.addf %add3A_360, %mul3A_403 : vector<16xf32>
        %slice3A_405 = vector.extract_strided_slice %convert_element_type3A_73 {offsets = [7], sizes = [1], strides = [1]} : vector<16xf32> to vector<1xf32>
        %squeeze3A_406 = vector.extract %slice3A_405[0] : f32 from vector<1xf32>
        %broadcast_in_dim3A_407 = vector.broadcast %squeeze3A_406 : f32 to vector<16xf32>
        %add3A_408 = arith.addf %add3A_364, %broadcast_in_dim3A_407 : vector<16xf32>
        %mul3A_409 = arith.constant 50 : i32
        %mul3A_410 = arith.muli %scan3A_66, %mul3A_409 : i32
        %add3A_411 = arith.constant 7 : i32
        %add3A_412 = arith.addi %mul3A_410, %add3A_411 : i32
        %get3A_413 = arith.index_cast %add3A_412 : i32 to index
        %get3A_414 = arith.constant 0 : index
        %get3A_415 = tpu.vector_load %arg10[%get3A_413, %get3A_414] {strides = array<i32>} : memref<400x64xf32, #tpu.memory_space<vmem>>, vector<1x16xf32>,
        %get3A_416 = vector.shape_cast %get3A_415 : vector<1x16xf32> to vector<16xf32>
        %mul3A_417 = arith.mulf %get3A_416, %broadcast_in_dim3A_407 : vector<16xf32>
        %add3A_418 = arith.addf %add3A_374, %mul3A_417 : vector<16xf32>
        %mul3A_419 = arith.constant 50 : i32
        %mul3A_420 = arith.muli %scan3A_66, %mul3A_419 : i32
        %add3A_421 = arith.constant 7 : i32
        %add3A_422 = arith.addi %mul3A_420, %add3A_421 : i32
        %get3A_423 = arith.index_cast %add3A_422 : i32 to index
        %get3A_424 = arith.constant 16 : index
        %get3A_425 = tpu.vector_load %arg10[%get3A_423, %get3A_424] {strides = array<i32>} : memref<400x64xf32, #tpu.memory_space<vmem>>, vector<1x16xf32>,
        %get3A_426 = vector.shape_cast %get3A_425 : vector<1x16xf32> to vector<16xf32>
        %mul3A_427 = arith.mulf %get3A_426, %broadcast_in_dim3A_407 : vector<16xf32>
        %add3A_428 = arith.addf %add3A_384, %mul3A_427 : vector<16xf32>
        %mul3A_429 = arith.constant 50 : i32
        %mul3A_430 = arith.muli %scan3A_66, %mul3A_429 : i32
        %add3A_431 = arith.constant 7 : i32
        %add3A_432 = arith.addi %mul3A_430, %add3A_431 : i32
        %get3A_433 = arith.index_cast %add3A_432 : i32 to index
        %get3A_434 = arith.constant 32 : index
        %get3A_435 = tpu.vector_load %arg10[%get3A_433, %get3A_434] {strides = array<i32>} : memref<400x64xf32, #tpu.memory_space<vmem>>, vector<1x16xf32>,
        %get3A_436 = vector.shape_cast %get3A_435 : vector<1x16xf32> to vector<16xf32>
        %mul3A_437 = arith.mulf %get3A_436, %broadcast_in_dim3A_407 : vector<16xf32>
        %add3A_438 = arith.addf %add3A_394, %mul3A_437 : vector<16xf32>
        %mul3A_439 = arith.constant 50 : i32
        %mul3A_440 = arith.muli %scan3A_66, %mul3A_439 : i32
        %add3A_441 = arith.constant 7 : i32
        %add3A_442 = arith.addi %mul3A_440, %add3A_441 : i32
        %get3A_443 = arith.index_cast %add3A_442 : i32 to index
        %get3A_444 = arith.constant 48 : index
        %get3A_445 = tpu.vector_load %arg10[%get3A_443, %get3A_444] {strides = array<i32>} : memref<400x64xf32, #tpu.memory_space<vmem>>, vector<1x16xf32>,
        %get3A_446 = vector.shape_cast %get3A_445 : vector<1x16xf32> to vector<16xf32>
        %mul3A_447 = arith.mulf %get3A_446, %broadcast_in_dim3A_407 : vector<16xf32>
        %add3A_448 = arith.addf %add3A_404, %mul3A_447 : vector<16xf32>
        %slice3A_449 = vector.extract_strided_slice %convert_element_type3A_73 {offsets = [8], sizes = [1], strides = [1]} : vector<16xf32> to vector<1xf32>
        %squeeze3A_450 = vector.extract %slice3A_449[0] : f32 from vector<1xf32>
        %broadcast_in_dim3A_451 = vector.broadcast %squeeze3A_450 : f32 to vector<16xf32>
        %add3A_452 = arith.addf %add3A_408, %broadcast_in_dim3A_451 : vector<16xf32>
        %mul3A_453 = arith.constant 50 : i32
        %mul3A_454 = arith.muli %scan3A_66, %mul3A_453 : i32
        %add3A_455 = arith.constant 8 : i32
        %add3A_456 = arith.addi %mul3A_454, %add3A_455 : i32
        %get3A_457 = arith.index_cast %add3A_456 : i32 to index
        %get3A_458 = arith.constant 0 : index
        %get3A_459 = tpu.vector_load %arg10[%get3A_457, %get3A_458] {strides = array<i32>} : memref<400x64xf32, #tpu.memory_space<vmem>>, vector<1x16xf32>,
        %get3A_460 = vector.shape_cast %get3A_459 : vector<1x16xf32> to vector<16xf32>
        %mul3A_461 = arith.mulf %get3A_460, %broadcast_in_dim3A_451 : vector<16xf32>
        %add3A_462 = arith.addf %add3A_418, %mul3A_461 : vector<16xf32>
        %mul3A_463 = arith.constant 50 : i32
        %mul3A_464 = arith.muli %scan3A_66, %mul3A_463 : i32
        %add3A_465 = arith.constant 8 : i32
        %add3A_466 = arith.addi %mul3A_464, %add3A_465 : i32
        %get3A_467 = arith.index_cast %add3A_466 : i32 to index
        %get3A_468 = arith.constant 16 : index
        %get3A_469 = tpu.vector_load %arg10[%get3A_467, %get3A_468] {strides = array<i32>} : memref<400x64xf32, #tpu.memory_space<vmem>>, vector<1x16xf32>,
        %get3A_470 = vector.shape_cast %get3A_469 : vector<1x16xf32> to vector<16xf32>
        %mul3A_471 = arith.mulf %get3A_470, %broadcast_in_dim3A_451 : vector<16xf32>
        %add3A_472 = arith.addf %add3A_428, %mul3A_471 : vector<16xf32>
        %mul3A_473 = arith.constant 50 : i32
        %mul3A_474 = arith.muli %scan3A_66, %mul3A_473 : i32
        %add3A_475 = arith.constant 8 : i32
        %add3A_476 = arith.addi %mul3A_474, %add3A_475 : i32
        %get3A_477 = arith.index_cast %add3A_476 : i32 to index
        %get3A_478 = arith.constant 32 : index
        %get3A_479 = tpu.vector_load %arg10[%get3A_477, %get3A_478] {strides = array<i32>} : memref<400x64xf32, #tpu.memory_space<vmem>>, vector<1x16xf32>,
        %get3A_480 = vector.shape_cast %get3A_479 : vector<1x16xf32> to vector<16xf32>
        %mul3A_481 = arith.mulf %get3A_480, %broadcast_in_dim3A_451 : vector<16xf32>
        %add3A_482 = arith.addf %add3A_438, %mul3A_481 : vector<16xf32>
        %mul3A_483 = arith.constant 50 : i32
        %mul3A_484 = arith.muli %scan3A_66, %mul3A_483 : i32
        %add3A_485 = arith.constant 8 : i32
        %add3A_486 = arith.addi %mul3A_484, %add3A_485 : i32
        %get3A_487 = arith.index_cast %add3A_486 : i32 to index
        %get3A_488 = arith.constant 48 : index
        %get3A_489 = tpu.vector_load %arg10[%get3A_487, %get3A_488] {strides = array<i32>} : memref<400x64xf32, #tpu.memory_space<vmem>>, vector<1x16xf32>,
        %get3A_490 = vector.shape_cast %get3A_489 : vector<1x16xf32> to vector<16xf32>
        %mul3A_491 = arith.mulf %get3A_490, %broadcast_in_dim3A_451 : vector<16xf32>
        %add3A_492 = arith.addf %add3A_448, %mul3A_491 : vector<16xf32>
        %slice3A_493 = vector.extract_strided_slice %convert_element_type3A_73 {offsets = [9], sizes = [1], strides = [1]} : vector<16xf32> to vector<1xf32>
        %squeeze3A_494 = vector.extract %slice3A_493[0] : f32 from vector<1xf32>
        %broadcast_in_dim3A_495 = vector.broadcast %squeeze3A_494 : f32 to vector<16xf32>
        %add3A_496 = arith.addf %add3A_452, %broadcast_in_dim3A_495 : vector<16xf32>
        %mul3A_497 = arith.constant 50 : i32
        %mul3A_498 = arith.muli %scan3A_66, %mul3A_497 : i32
        %add3A_499 = arith.constant 9 : i32
        %add3A_500 = arith.addi %mul3A_498, %add3A_499 : i32
        %get3A_501 = arith.index_cast %add3A_500 : i32 to index
        %get3A_502 = arith.constant 0 : index
        %get3A_503 = tpu.vector_load %arg10[%get3A_501, %get3A_502] {strides = array<i32>} : memref<400x64xf32, #tpu.memory_space<vmem>>, vector<1x16xf32>,
        %get3A_504 = vector.shape_cast %get3A_503 : vector<1x16xf32> to vector<16xf32>
        %mul3A_505 = arith.mulf %get3A_504, %broadcast_in_dim3A_495 : vector<16xf32>
        %add3A_506 = arith.addf %add3A_462, %mul3A_505 : vector<16xf32>
        %mul3A_507 = arith.constant 50 : i32
        %mul3A_508 = arith.muli %scan3A_66, %mul3A_507 : i32
        %add3A_509 = arith.constant 9 : i32
        %add3A_510 = arith.addi %mul3A_508, %add3A_509 : i32
        %get3A_511 = arith.index_cast %add3A_510 : i32 to index
        %get3A_512 = arith.constant 16 : index
        %get3A_513 = tpu.vector_load %arg10[%get3A_511, %get3A_512] {strides = array<i32>} : memref<400x64xf32, #tpu.memory_space<vmem>>, vector<1x16xf32>,
        %get3A_514 = vector.shape_cast %get3A_513 : vector<1x16xf32> to vector<16xf32>
        %mul3A_515 = arith.mulf %get3A_514, %broadcast_in_dim3A_495 : vector<16xf32>
        %add3A_516 = arith.addf %add3A_472, %mul3A_515 : vector<16xf32>
        %mul3A_517 = arith.constant 50 : i32
        %mul3A_518 = arith.muli %scan3A_66, %mul3A_517 : i32
        %add3A_519 = arith.constant 9 : i32
        %add3A_520 = arith.addi %mul3A_518, %add3A_519 : i32
        %get3A_521 = arith.index_cast %add3A_520 : i32 to index
        %get3A_522 = arith.constant 32 : index
        %get3A_523 = tpu.vector_load %arg10[%get3A_521, %get3A_522] {strides = array<i32>} : memref<400x64xf32, #tpu.memory_space<vmem>>, vector<1x16xf32>,
        %get3A_524 = vector.shape_cast %get3A_523 : vector<1x16xf32> to vector<16xf32>
        %mul3A_525 = arith.mulf %get3A_524, %broadcast_in_dim3A_495 : vector<16xf32>
        %add3A_526 = arith.addf %add3A_482, %mul3A_525 : vector<16xf32>
        %mul3A_527 = arith.constant 50 : i32
        %mul3A_528 = arith.muli %scan3A_66, %mul3A_527 : i32
        %add3A_529 = arith.constant 9 : i32
        %add3A_530 = arith.addi %mul3A_528, %add3A_529 : i32
        %get3A_531 = arith.index_cast %add3A_530 : i32 to index
        %get3A_532 = arith.constant 48 : index
        %get3A_533 = tpu.vector_load %arg10[%get3A_531, %get3A_532] {strides = array<i32>} : memref<400x64xf32, #tpu.memory_space<vmem>>, vector<1x16xf32>,
        %get3A_534 = vector.shape_cast %get3A_533 : vector<1x16xf32> to vector<16xf32>
        %mul3A_535 = arith.mulf %get3A_534, %broadcast_in_dim3A_495 : vector<16xf32>
        %add3A_536 = arith.addf %add3A_492, %mul3A_535 : vector<16xf32>
        %slice3A_537 = vector.extract_strided_slice %convert_element_type3A_73 {offsets = [10], sizes = [1], strides = [1]} : vector<16xf32> to vector<1xf32>
        %squeeze3A_538 = vector.extract %slice3A_537[0] : f32 from vector<1xf32>
        %broadcast_in_dim3A_539 = vector.broadcast %squeeze3A_538 : f32 to vector<16xf32>
        %add3A_540 = arith.addf %add3A_496, %broadcast_in_dim3A_539 : vector<16xf32>
        %mul3A_541 = arith.constant 50 : i32
        %mul3A_542 = arith.muli %scan3A_66, %mul3A_541 : i32
        %add3A_543 = arith.constant 10 : i32
        %add3A_544 = arith.addi %mul3A_542, %add3A_543 : i32
        %get3A_545 = arith.index_cast %add3A_544 : i32 to index
        %get3A_546 = arith.constant 0 : index
        %get3A_547 = tpu.vector_load %arg10[%get3A_545, %get3A_546] {strides = array<i32>} : memref<400x64xf32, #tpu.memory_space<vmem>>, vector<1x16xf32>,
        %get3A_548 = vector.shape_cast %get3A_547 : vector<1x16xf32> to vector<16xf32>
        %mul3A_549 = arith.mulf %get3A_548, %broadcast_in_dim3A_539 : vector<16xf32>
        %add3A_550 = arith.addf %add3A_506, %mul3A_549 : vector<16xf32>
        %mul3A_551 = arith.constant 50 : i32
        %mul3A_552 = arith.muli %scan3A_66, %mul3A_551 : i32
        %add3A_553 = arith.constant 10 : i32
        %add3A_554 = arith.addi %mul3A_552, %add3A_553 : i32
        %get3A_555 = arith.index_cast %add3A_554 : i32 to index
        %get3A_556 = arith.constant 16 : index
        %get3A_557 = tpu.vector_load %arg10[%get3A_555, %get3A_556] {strides = array<i32>} : memref<400x64xf32, #tpu.memory_space<vmem>>, vector<1x16xf32>,
        %get3A_558 = vector.shape_cast %get3A_557 : vector<1x16xf32> to vector<16xf32>
        %mul3A_559 = arith.mulf %get3A_558, %broadcast_in_dim3A_539 : vector<16xf32>
        %add3A_560 = arith.addf %add3A_516, %mul3A_559 : vector<16xf32>
        %mul3A_561 = arith.constant 50 : i32
        %mul3A_562 = arith.muli %scan3A_66, %mul3A_561 : i32
        %add3A_563 = arith.constant 10 : i32
        %add3A_564 = arith.addi %mul3A_562, %add3A_563 : i32
        %get3A_565 = arith.index_cast %add3A_564 : i32 to index
        %get3A_566 = arith.constant 32 : index
        %get3A_567 = tpu.vector_load %arg10[%get3A_565, %get3A_566] {strides = array<i32>} : memref<400x64xf32, #tpu.memory_space<vmem>>, vector<1x16xf32>,
        %get3A_568 = vector.shape_cast %get3A_567 : vector<1x16xf32> to vector<16xf32>
        %mul3A_569 = arith.mulf %get3A_568, %broadcast_in_dim3A_539 : vector<16xf32>
        %add3A_570 = arith.addf %add3A_526, %mul3A_569 : vector<16xf32>
        %mul3A_571 = arith.constant 50 : i32
        %mul3A_572 = arith.muli %scan3A_66, %mul3A_571 : i32
        %add3A_573 = arith.constant 10 : i32
        %add3A_574 = arith.addi %mul3A_572, %add3A_573 : i32
        %get3A_575 = arith.index_cast %add3A_574 : i32 to index
        %get3A_576 = arith.constant 48 : index
        %get3A_577 = tpu.vector_load %arg10[%get3A_575, %get3A_576] {strides = array<i32>} : memref<400x64xf32, #tpu.memory_space<vmem>>, vector<1x16xf32>,
        %get3A_578 = vector.shape_cast %get3A_577 : vector<1x16xf32> to vector<16xf32>
        %mul3A_579 = arith.mulf %get3A_578, %broadcast_in_dim3A_539 : vector<16xf32>
        %add3A_580 = arith.addf %add3A_536, %mul3A_579 : vector<16xf32>
        %slice3A_581 = vector.extract_strided_slice %convert_element_type3A_73 {offsets = [11], sizes = [1], strides = [1]} : vector<16xf32> to vector<1xf32>
        %squeeze3A_582 = vector.extract %slice3A_581[0] : f32 from vector<1xf32>
        %broadcast_in_dim3A_583 = vector.broadcast %squeeze3A_582 : f32 to vector<16xf32>
        %add3A_584 = arith.addf %add3A_540, %broadcast_in_dim3A_583 : vector<16xf32>
        %mul3A_585 = arith.constant 50 : i32
        %mul3A_586 = arith.muli %scan3A_66, %mul3A_585 : i32
        %add3A_587 = arith.constant 11 : i32
        %add3A_588 = arith.addi %mul3A_586, %add3A_587 : i32
        %get3A_589 = arith.index_cast %add3A_588 : i32 to index
        %get3A_590 = arith.constant 0 : index
        %get3A_591 = tpu.vector_load %arg10[%get3A_589, %get3A_590] {strides = array<i32>} : memref<400x64xf32, #tpu.memory_space<vmem>>, vector<1x16xf32>,
        %get3A_592 = vector.shape_cast %get3A_591 : vector<1x16xf32> to vector<16xf32>
        %mul3A_593 = arith.mulf %get3A_592, %broadcast_in_dim3A_583 : vector<16xf32>
        %add3A_594 = arith.addf %add3A_550, %mul3A_593 : vector<16xf32>
        %mul3A_595 = arith.constant 50 : i32
        %mul3A_596 = arith.muli %scan3A_66, %mul3A_595 : i32
        %add3A_597 = arith.constant 11 : i32
        %add3A_598 = arith.addi %mul3A_596, %add3A_597 : i32
        %get3A_599 = arith.index_cast %add3A_598 : i32 to index
        %get3A_600 = arith.constant 16 : index
        %get3A_601 = tpu.vector_load %arg10[%get3A_599, %get3A_600] {strides = array<i32>} : memref<400x64xf32, #tpu.memory_space<vmem>>, vector<1x16xf32>,
        %get3A_602 = vector.shape_cast %get3A_601 : vector<1x16xf32> to vector<16xf32>
        %mul3A_603 = arith.mulf %get3A_602, %broadcast_in_dim3A_583 : vector<16xf32>
        %add3A_604 = arith.addf %add3A_560, %mul3A_603 : vector<16xf32>
        %mul3A_605 = arith.constant 50 : i32
        %mul3A_606 = arith.muli %scan3A_66, %mul3A_605 : i32
        %add3A_607 = arith.constant 11 : i32
        %add3A_608 = arith.addi %mul3A_606, %add3A_607 : i32
        %get3A_609 = arith.index_cast %add3A_608 : i32 to index
        %get3A_610 = arith.constant 32 : index
        %get3A_611 = tpu.vector_load %arg10[%get3A_609, %get3A_610] {strides = array<i32>} : memref<400x64xf32, #tpu.memory_space<vmem>>, vector<1x16xf32>,
        %get3A_612 = vector.shape_cast %get3A_611 : vector<1x16xf32> to vector<16xf32>
        %mul3A_613 = arith.mulf %get3A_612, %broadcast_in_dim3A_583 : vector<16xf32>
        %add3A_614 = arith.addf %add3A_570, %mul3A_613 : vector<16xf32>
        %mul3A_615 = arith.constant 50 : i32
        %mul3A_616 = arith.muli %scan3A_66, %mul3A_615 : i32
        %add3A_617 = arith.constant 11 : i32
        %add3A_618 = arith.addi %mul3A_616, %add3A_617 : i32
        %get3A_619 = arith.index_cast %add3A_618 : i32 to index
        %get3A_620 = arith.constant 48 : index
        %get3A_621 = tpu.vector_load %arg10[%get3A_619, %get3A_620] {strides = array<i32>} : memref<400x64xf32, #tpu.memory_space<vmem>>, vector<1x16xf32>,
        %get3A_622 = vector.shape_cast %get3A_621 : vector<1x16xf32> to vector<16xf32>
        %mul3A_623 = arith.mulf %get3A_622, %broadcast_in_dim3A_583 : vector<16xf32>
        %add3A_624 = arith.addf %add3A_580, %mul3A_623 : vector<16xf32>
        %slice3A_625 = vector.extract_strided_slice %convert_element_type3A_73 {offsets = [12], sizes = [1], strides = [1]} : vector<16xf32> to vector<1xf32>
        %squeeze3A_626 = vector.extract %slice3A_625[0] : f32 from vector<1xf32>
        %broadcast_in_dim3A_627 = vector.broadcast %squeeze3A_626 : f32 to vector<16xf32>
        %add3A_628 = arith.addf %add3A_584, %broadcast_in_dim3A_627 : vector<16xf32>
        %mul3A_629 = arith.constant 50 : i32
        %mul3A_630 = arith.muli %scan3A_66, %mul3A_629 : i32
        %add3A_631 = arith.constant 12 : i32
        %add3A_632 = arith.addi %mul3A_630, %add3A_631 : i32
        %get3A_633 = arith.index_cast %add3A_632 : i32 to index
        %get3A_634 = arith.constant 0 : index
        %get3A_635 = tpu.vector_load %arg10[%get3A_633, %get3A_634] {strides = array<i32>} : memref<400x64xf32, #tpu.memory_space<vmem>>, vector<1x16xf32>,
        %get3A_636 = vector.shape_cast %get3A_635 : vector<1x16xf32> to vector<16xf32>
        %mul3A_637 = arith.mulf %get3A_636, %broadcast_in_dim3A_627 : vector<16xf32>
        %add3A_638 = arith.addf %add3A_594, %mul3A_637 : vector<16xf32>
        %mul3A_639 = arith.constant 50 : i32
        %mul3A_640 = arith.muli %scan3A_66, %mul3A_639 : i32
        %add3A_641 = arith.constant 12 : i32
        %add3A_642 = arith.addi %mul3A_640, %add3A_641 : i32
        %get3A_643 = arith.index_cast %add3A_642 : i32 to index
        %get3A_644 = arith.constant 16 : index
        %get3A_645 = tpu.vector_load %arg10[%get3A_643, %get3A_644] {strides = array<i32>} : memref<400x64xf32, #tpu.memory_space<vmem>>, vector<1x16xf32>,
        %get3A_646 = vector.shape_cast %get3A_645 : vector<1x16xf32> to vector<16xf32>
        %mul3A_647 = arith.mulf %get3A_646, %broadcast_in_dim3A_627 : vector<16xf32>
        %add3A_648 = arith.addf %add3A_604, %mul3A_647 : vector<16xf32>
        %mul3A_649 = arith.constant 50 : i32
        %mul3A_650 = arith.muli %scan3A_66, %mul3A_649 : i32
        %add3A_651 = arith.constant 12 : i32
        %add3A_652 = arith.addi %mul3A_650, %add3A_651 : i32
        %get3A_653 = arith.index_cast %add3A_652 : i32 to index
        %get3A_654 = arith.constant 32 : index
        %get3A_655 = tpu.vector_load %arg10[%get3A_653, %get3A_654] {strides = array<i32>} : memref<400x64xf32, #tpu.memory_space<vmem>>, vector<1x16xf32>,
        %get3A_656 = vector.shape_cast %get3A_655 : vector<1x16xf32> to vector<16xf32>
        %mul3A_657 = arith.mulf %get3A_656, %broadcast_in_dim3A_627 : vector<16xf32>
        %add3A_658 = arith.addf %add3A_614, %mul3A_657 : vector<16xf32>
        %mul3A_659 = arith.constant 50 : i32
        %mul3A_660 = arith.muli %scan3A_66, %mul3A_659 : i32
        %add3A_661 = arith.constant 12 : i32
        %add3A_662 = arith.addi %mul3A_660, %add3A_661 : i32
        %get3A_663 = arith.index_cast %add3A_662 : i32 to index
        %get3A_664 = arith.constant 48 : index
        %get3A_665 = tpu.vector_load %arg10[%get3A_663, %get3A_664] {strides = array<i32>} : memref<400x64xf32, #tpu.memory_space<vmem>>, vector<1x16xf32>,
        %get3A_666 = vector.shape_cast %get3A_665 : vector<1x16xf32> to vector<16xf32>
        %mul3A_667 = arith.mulf %get3A_666, %broadcast_in_dim3A_627 : vector<16xf32>
        %add3A_668 = arith.addf %add3A_624, %mul3A_667 : vector<16xf32>
        %slice3A_669 = vector.extract_strided_slice %convert_element_type3A_73 {offsets = [13], sizes = [1], strides = [1]} : vector<16xf32> to vector<1xf32>
        %squeeze3A_670 = vector.extract %slice3A_669[0] : f32 from vector<1xf32>
        %broadcast_in_dim3A_671 = vector.broadcast %squeeze3A_670 : f32 to vector<16xf32>
        %add3A_672 = arith.addf %add3A_628, %broadcast_in_dim3A_671 : vector<16xf32>
        %mul3A_673 = arith.constant 50 : i32
        %mul3A_674 = arith.muli %scan3A_66, %mul3A_673 : i32
        %add3A_675 = arith.constant 13 : i32
        %add3A_676 = arith.addi %mul3A_674, %add3A_675 : i32
        %get3A_677 = arith.index_cast %add3A_676 : i32 to index
        %get3A_678 = arith.constant 0 : index
        %get3A_679 = tpu.vector_load %arg10[%get3A_677, %get3A_678] {strides = array<i32>} : memref<400x64xf32, #tpu.memory_space<vmem>>, vector<1x16xf32>,
        %get3A_680 = vector.shape_cast %get3A_679 : vector<1x16xf32> to vector<16xf32>
        %mul3A_681 = arith.mulf %get3A_680, %broadcast_in_dim3A_671 : vector<16xf32>
        %add3A_682 = arith.addf %add3A_638, %mul3A_681 : vector<16xf32>
        %mul3A_683 = arith.constant 50 : i32
        %mul3A_684 = arith.muli %scan3A_66, %mul3A_683 : i32
        %add3A_685 = arith.constant 13 : i32
        %add3A_686 = arith.addi %mul3A_684, %add3A_685 : i32
        %get3A_687 = arith.index_cast %add3A_686 : i32 to index
        %get3A_688 = arith.constant 16 : index
        %get3A_689 = tpu.vector_load %arg10[%get3A_687, %get3A_688] {strides = array<i32>} : memref<400x64xf32, #tpu.memory_space<vmem>>, vector<1x16xf32>,
        %get3A_690 = vector.shape_cast %get3A_689 : vector<1x16xf32> to vector<16xf32>
        %mul3A_691 = arith.mulf %get3A_690, %broadcast_in_dim3A_671 : vector<16xf32>
        %add3A_692 = arith.addf %add3A_648, %mul3A_691 : vector<16xf32>
        %mul3A_693 = arith.constant 50 : i32
        %mul3A_694 = arith.muli %scan3A_66, %mul3A_693 : i32
        %add3A_695 = arith.constant 13 : i32
        %add3A_696 = arith.addi %mul3A_694, %add3A_695 : i32
        %get3A_697 = arith.index_cast %add3A_696 : i32 to index
        %get3A_698 = arith.constant 32 : index
        %get3A_699 = tpu.vector_load %arg10[%get3A_697, %get3A_698] {strides = array<i32>} : memref<400x64xf32, #tpu.memory_space<vmem>>, vector<1x16xf32>,
        %get3A_700 = vector.shape_cast %get3A_699 : vector<1x16xf32> to vector<16xf32>
        %mul3A_701 = arith.mulf %get3A_700, %broadcast_in_dim3A_671 : vector<16xf32>
        %add3A_702 = arith.addf %add3A_658, %mul3A_701 : vector<16xf32>
        %mul3A_703 = arith.constant 50 : i32
        %mul3A_704 = arith.muli %scan3A_66, %mul3A_703 : i32
        %add3A_705 = arith.constant 13 : i32
        %add3A_706 = arith.addi %mul3A_704, %add3A_705 : i32
        %get3A_707 = arith.index_cast %add3A_706 : i32 to index
        %get3A_708 = arith.constant 48 : index
        %get3A_709 = tpu.vector_load %arg10[%get3A_707, %get3A_708] {strides = array<i32>} : memref<400x64xf32, #tpu.memory_space<vmem>>, vector<1x16xf32>,
        %get3A_710 = vector.shape_cast %get3A_709 : vector<1x16xf32> to vector<16xf32>
        %mul3A_711 = arith.mulf %get3A_710, %broadcast_in_dim3A_671 : vector<16xf32>
        %add3A_712 = arith.addf %add3A_668, %mul3A_711 : vector<16xf32>
        %slice3A_713 = vector.extract_strided_slice %convert_element_type3A_73 {offsets = [14], sizes = [1], strides = [1]} : vector<16xf32> to vector<1xf32>
        %squeeze3A_714 = vector.extract %slice3A_713[0] : f32 from vector<1xf32>
        %broadcast_in_dim3A_715 = vector.broadcast %squeeze3A_714 : f32 to vector<16xf32>
        %add3A_716 = arith.addf %add3A_672, %broadcast_in_dim3A_715 : vector<16xf32>
        %mul3A_717 = arith.constant 50 : i32
        %mul3A_718 = arith.muli %scan3A_66, %mul3A_717 : i32
        %add3A_719 = arith.constant 14 : i32
        %add3A_720 = arith.addi %mul3A_718, %add3A_719 : i32
        %get3A_721 = arith.index_cast %add3A_720 : i32 to index
        %get3A_722 = arith.constant 0 : index
        %get3A_723 = tpu.vector_load %arg10[%get3A_721, %get3A_722] {strides = array<i32>} : memref<400x64xf32, #tpu.memory_space<vmem>>, vector<1x16xf32>,
        %get3A_724 = vector.shape_cast %get3A_723 : vector<1x16xf32> to vector<16xf32>
        %mul3A_725 = arith.mulf %get3A_724, %broadcast_in_dim3A_715 : vector<16xf32>
        %add3A_726 = arith.addf %add3A_682, %mul3A_725 : vector<16xf32>
        %mul3A_727 = arith.constant 50 : i32
        %mul3A_728 = arith.muli %scan3A_66, %mul3A_727 : i32
        %add3A_729 = arith.constant 14 : i32
        %add3A_730 = arith.addi %mul3A_728, %add3A_729 : i32
        %get3A_731 = arith.index_cast %add3A_730 : i32 to index
        %get3A_732 = arith.constant 16 : index
        %get3A_733 = tpu.vector_load %arg10[%get3A_731, %get3A_732] {strides = array<i32>} : memref<400x64xf32, #tpu.memory_space<vmem>>, vector<1x16xf32>,
        %get3A_734 = vector.shape_cast %get3A_733 : vector<1x16xf32> to vector<16xf32>
        %mul3A_735 = arith.mulf %get3A_734, %broadcast_in_dim3A_715 : vector<16xf32>
        %add3A_736 = arith.addf %add3A_692, %mul3A_735 : vector<16xf32>
        %mul3A_737 = arith.constant 50 : i32
        %mul3A_738 = arith.muli %scan3A_66, %mul3A_737 : i32
        %add3A_739 = arith.constant 14 : i32
        %add3A_740 = arith.addi %mul3A_738, %add3A_739 : i32
        %get3A_741 = arith.index_cast %add3A_740 : i32 to index
        %get3A_742 = arith.constant 32 : index
        %get3A_743 = tpu.vector_load %arg10[%get3A_741, %get3A_742] {strides = array<i32>} : memref<400x64xf32, #tpu.memory_space<vmem>>, vector<1x16xf32>,
        %get3A_744 = vector.shape_cast %get3A_743 : vector<1x16xf32> to vector<16xf32>
        %mul3A_745 = arith.mulf %get3A_744, %broadcast_in_dim3A_715 : vector<16xf32>
        %add3A_746 = arith.addf %add3A_702, %mul3A_745 : vector<16xf32>
        %mul3A_747 = arith.constant 50 : i32
        %mul3A_748 = arith.muli %scan3A_66, %mul3A_747 : i32
        %add3A_749 = arith.constant 14 : i32
        %add3A_750 = arith.addi %mul3A_748, %add3A_749 : i32
        %get3A_751 = arith.index_cast %add3A_750 : i32 to index
        %get3A_752 = arith.constant 48 : index
        %get3A_753 = tpu.vector_load %arg10[%get3A_751, %get3A_752] {strides = array<i32>} : memref<400x64xf32, #tpu.memory_space<vmem>>, vector<1x16xf32>,
        %get3A_754 = vector.shape_cast %get3A_753 : vector<1x16xf32> to vector<16xf32>
        %mul3A_755 = arith.mulf %get3A_754, %broadcast_in_dim3A_715 : vector<16xf32>
        %add3A_756 = arith.addf %add3A_712, %mul3A_755 : vector<16xf32>
        %slice3A_757 = vector.extract_strided_slice %convert_element_type3A_73 {offsets = [15], sizes = [1], strides = [1]} : vector<16xf32> to vector<1xf32>
        %squeeze3A_758 = vector.extract %slice3A_757[0] : f32 from vector<1xf32>
        %broadcast_in_dim3A_759 = vector.broadcast %squeeze3A_758 : f32 to vector<16xf32>
        %add3A_760 = arith.addf %add3A_716, %broadcast_in_dim3A_759 : vector<16xf32>
        %mul3A_761 = arith.constant 50 : i32
        %mul3A_762 = arith.muli %scan3A_66, %mul3A_761 : i32
        %add3A_763 = arith.constant 15 : i32
        %add3A_764 = arith.addi %mul3A_762, %add3A_763 : i32
        %get3A_765 = arith.index_cast %add3A_764 : i32 to index
        %get3A_766 = arith.constant 0 : index
        %get3A_767 = tpu.vector_load %arg10[%get3A_765, %get3A_766] {strides = array<i32>} : memref<400x64xf32, #tpu.memory_space<vmem>>, vector<1x16xf32>,
        %get3A_768 = vector.shape_cast %get3A_767 : vector<1x16xf32> to vector<16xf32>
        %mul3A_769 = arith.mulf %get3A_768, %broadcast_in_dim3A_759 : vector<16xf32>
        %add3A_770 = arith.addf %add3A_726, %mul3A_769 : vector<16xf32>
        %mul3A_771 = arith.constant 50 : i32
        %mul3A_772 = arith.muli %scan3A_66, %mul3A_771 : i32
        %add3A_773 = arith.constant 15 : i32
        %add3A_774 = arith.addi %mul3A_772, %add3A_773 : i32
        %get3A_775 = arith.index_cast %add3A_774 : i32 to index
        %get3A_776 = arith.constant 16 : index
        %get3A_777 = tpu.vector_load %arg10[%get3A_775, %get3A_776] {strides = array<i32>} : memref<400x64xf32, #tpu.memory_space<vmem>>, vector<1x16xf32>,
        %get3A_778 = vector.shape_cast %get3A_777 : vector<1x16xf32> to vector<16xf32>
        %mul3A_779 = arith.mulf %get3A_778, %broadcast_in_dim3A_759 : vector<16xf32>
        %add3A_780 = arith.addf %add3A_736, %mul3A_779 : vector<16xf32>
        %mul3A_781 = arith.constant 50 : i32
        %mul3A_782 = arith.muli %scan3A_66, %mul3A_781 : i32
        %add3A_783 = arith.constant 15 : i32
        %add3A_784 = arith.addi %mul3A_782, %add3A_783 : i32
        %get3A_785 = arith.index_cast %add3A_784 : i32 to index
        %get3A_786 = arith.constant 32 : index
        %get3A_787 = tpu.vector_load %arg10[%get3A_785, %get3A_786] {strides = array<i32>} : memref<400x64xf32, #tpu.memory_space<vmem>>, vector<1x16xf32>,
        %get3A_788 = vector.shape_cast %get3A_787 : vector<1x16xf32> to vector<16xf32>
        %mul3A_789 = arith.mulf %get3A_788, %broadcast_in_dim3A_759 : vector<16xf32>
        %add3A_790 = arith.addf %add3A_746, %mul3A_789 : vector<16xf32>
        %mul3A_791 = arith.constant 50 : i32
        %mul3A_792 = arith.muli %scan3A_66, %mul3A_791 : i32
        %add3A_793 = arith.constant 15 : i32
        %add3A_794 = arith.addi %mul3A_792, %add3A_793 : i32
        %get3A_795 = arith.index_cast %add3A_794 : i32 to index
        %get3A_796 = arith.constant 48 : index
        %get3A_797 = tpu.vector_load %arg10[%get3A_795, %get3A_796] {strides = array<i32>} : memref<400x64xf32, #tpu.memory_space<vmem>>, vector<1x16xf32>,
        %get3A_798 = vector.shape_cast %get3A_797 : vector<1x16xf32> to vector<16xf32>
        %mul3A_799 = arith.mulf %get3A_798, %broadcast_in_dim3A_759 : vector<16xf32>
        %add3A_800 = arith.addf %add3A_756, %mul3A_799 : vector<16xf32>
        %slice3A_801 = vector.extract_strided_slice %convert_element_type3A_81 {offsets = [0], sizes = [1], strides = [1]} : vector<16xf32> to vector<1xf32>
        %squeeze3A_802 = vector.extract %slice3A_801[0] : f32 from vector<1xf32>
        %broadcast_in_dim3A_803 = vector.broadcast %squeeze3A_802 : f32 to vector<16xf32>
        %add3A_804 = arith.addf %add3A_760, %broadcast_in_dim3A_803 : vector<16xf32>
        %mul3A_805 = arith.constant 50 : i32
        %mul3A_806 = arith.muli %scan3A_66, %mul3A_805 : i32
        %add3A_807 = arith.constant 16 : i32
        %add3A_808 = arith.addi %mul3A_806, %add3A_807 : i32
        %get3A_809 = arith.index_cast %add3A_808 : i32 to index
        %get3A_810 = arith.constant 0 : index
        %get3A_811 = tpu.vector_load %arg10[%get3A_809, %get3A_810] {strides = array<i32>} : memref<400x64xf32, #tpu.memory_space<vmem>>, vector<1x16xf32>,
        %get3A_812 = vector.shape_cast %get3A_811 : vector<1x16xf32> to vector<16xf32>
        %mul3A_813 = arith.mulf %get3A_812, %broadcast_in_dim3A_803 : vector<16xf32>
        %add3A_814 = arith.addf %add3A_770, %mul3A_813 : vector<16xf32>
        %mul3A_815 = arith.constant 50 : i32
        %mul3A_816 = arith.muli %scan3A_66, %mul3A_815 : i32
        %add3A_817 = arith.constant 16 : i32
        %add3A_818 = arith.addi %mul3A_816, %add3A_817 : i32
        %get3A_819 = arith.index_cast %add3A_818 : i32 to index
        %get3A_820 = arith.constant 16 : index
        %get3A_821 = tpu.vector_load %arg10[%get3A_819, %get3A_820] {strides = array<i32>} : memref<400x64xf32, #tpu.memory_space<vmem>>, vector<1x16xf32>,
        %get3A_822 = vector.shape_cast %get3A_821 : vector<1x16xf32> to vector<16xf32>
        %mul3A_823 = arith.mulf %get3A_822, %broadcast_in_dim3A_803 : vector<16xf32>
        %add3A_824 = arith.addf %add3A_780, %mul3A_823 : vector<16xf32>
        %mul3A_825 = arith.constant 50 : i32
        %mul3A_826 = arith.muli %scan3A_66, %mul3A_825 : i32
        %add3A_827 = arith.constant 16 : i32
        %add3A_828 = arith.addi %mul3A_826, %add3A_827 : i32
        %get3A_829 = arith.index_cast %add3A_828 : i32 to index
        %get3A_830 = arith.constant 32 : index
        %get3A_831 = tpu.vector_load %arg10[%get3A_829, %get3A_830] {strides = array<i32>} : memref<400x64xf32, #tpu.memory_space<vmem>>, vector<1x16xf32>,
        %get3A_832 = vector.shape_cast %get3A_831 : vector<1x16xf32> to vector<16xf32>
        %mul3A_833 = arith.mulf %get3A_832, %broadcast_in_dim3A_803 : vector<16xf32>
        %add3A_834 = arith.addf %add3A_790, %mul3A_833 : vector<16xf32>
        %mul3A_835 = arith.constant 50 : i32
        %mul3A_836 = arith.muli %scan3A_66, %mul3A_835 : i32
        %add3A_837 = arith.constant 16 : i32
        %add3A_838 = arith.addi %mul3A_836, %add3A_837 : i32
        %get3A_839 = arith.index_cast %add3A_838 : i32 to index
        %get3A_840 = arith.constant 48 : index
        %get3A_841 = tpu.vector_load %arg10[%get3A_839, %get3A_840] {strides = array<i32>} : memref<400x64xf32, #tpu.memory_space<vmem>>, vector<1x16xf32>,
        %get3A_842 = vector.shape_cast %get3A_841 : vector<1x16xf32> to vector<16xf32>
        %mul3A_843 = arith.mulf %get3A_842, %broadcast_in_dim3A_803 : vector<16xf32>
        %add3A_844 = arith.addf %add3A_800, %mul3A_843 : vector<16xf32>
        %slice3A_845 = vector.extract_strided_slice %convert_element_type3A_81 {offsets = [1], sizes = [1], strides = [1]} : vector<16xf32> to vector<1xf32>
        %squeeze3A_846 = vector.extract %slice3A_845[0] : f32 from vector<1xf32>
        %broadcast_in_dim3A_847 = vector.broadcast %squeeze3A_846 : f32 to vector<16xf32>
        %add3A_848 = arith.addf %add3A_804, %broadcast_in_dim3A_847 : vector<16xf32>
        %mul3A_849 = arith.constant 50 : i32
        %mul3A_850 = arith.muli %scan3A_66, %mul3A_849 : i32
        %add3A_851 = arith.constant 17 : i32
        %add3A_852 = arith.addi %mul3A_850, %add3A_851 : i32
        %get3A_853 = arith.index_cast %add3A_852 : i32 to index
        %get3A_854 = arith.constant 0 : index
        %get3A_855 = tpu.vector_load %arg10[%get3A_853, %get3A_854] {strides = array<i32>} : memref<400x64xf32, #tpu.memory_space<vmem>>, vector<1x16xf32>,
        %get3A_856 = vector.shape_cast %get3A_855 : vector<1x16xf32> to vector<16xf32>
        %mul3A_857 = arith.mulf %get3A_856, %broadcast_in_dim3A_847 : vector<16xf32>
        %add3A_858 = arith.addf %add3A_814, %mul3A_857 : vector<16xf32>
        %mul3A_859 = arith.constant 50 : i32
        %mul3A_860 = arith.muli %scan3A_66, %mul3A_859 : i32
        %add3A_861 = arith.constant 17 : i32
        %add3A_862 = arith.addi %mul3A_860, %add3A_861 : i32
        %get3A_863 = arith.index_cast %add3A_862 : i32 to index
        %get3A_864 = arith.constant 16 : index
        %get3A_865 = tpu.vector_load %arg10[%get3A_863, %get3A_864] {strides = array<i32>} : memref<400x64xf32, #tpu.memory_space<vmem>>, vector<1x16xf32>,
        %get3A_866 = vector.shape_cast %get3A_865 : vector<1x16xf32> to vector<16xf32>
        %mul3A_867 = arith.mulf %get3A_866, %broadcast_in_dim3A_847 : vector<16xf32>
        %add3A_868 = arith.addf %add3A_824, %mul3A_867 : vector<16xf32>
        %mul3A_869 = arith.constant 50 : i32
        %mul3A_870 = arith.muli %scan3A_66, %mul3A_869 : i32
        %add3A_871 = arith.constant 17 : i32
        %add3A_872 = arith.addi %mul3A_870, %add3A_871 : i32
        %get3A_873 = arith.index_cast %add3A_872 : i32 to index
        %get3A_874 = arith.constant 32 : index
        %get3A_875 = tpu.vector_load %arg10[%get3A_873, %get3A_874] {strides = array<i32>} : memref<400x64xf32, #tpu.memory_space<vmem>>, vector<1x16xf32>,
        %get3A_876 = vector.shape_cast %get3A_875 : vector<1x16xf32> to vector<16xf32>
        %mul3A_877 = arith.mulf %get3A_876, %broadcast_in_dim3A_847 : vector<16xf32>
        %add3A_878 = arith.addf %add3A_834, %mul3A_877 : vector<16xf32>
        %mul3A_879 = arith.constant 50 : i32
        %mul3A_880 = arith.muli %scan3A_66, %mul3A_879 : i32
        %add3A_881 = arith.constant 17 : i32
        %add3A_882 = arith.addi %mul3A_880, %add3A_881 : i32
        %get3A_883 = arith.index_cast %add3A_882 : i32 to index
        %get3A_884 = arith.constant 48 : index
        %get3A_885 = tpu.vector_load %arg10[%get3A_883, %get3A_884] {strides = array<i32>} : memref<400x64xf32, #tpu.memory_space<vmem>>, vector<1x16xf32>,
        %get3A_886 = vector.shape_cast %get3A_885 : vector<1x16xf32> to vector<16xf32>
        %mul3A_887 = arith.mulf %get3A_886, %broadcast_in_dim3A_847 : vector<16xf32>
        %add3A_888 = arith.addf %add3A_844, %mul3A_887 : vector<16xf32>
        %slice3A_889 = vector.extract_strided_slice %convert_element_type3A_81 {offsets = [2], sizes = [1], strides = [1]} : vector<16xf32> to vector<1xf32>
        %squeeze3A_890 = vector.extract %slice3A_889[0] : f32 from vector<1xf32>
        %broadcast_in_dim3A_891 = vector.broadcast %squeeze3A_890 : f32 to vector<16xf32>
        %add3A_892 = arith.addf %add3A_848, %broadcast_in_dim3A_891 : vector<16xf32>
        %mul3A_893 = arith.constant 50 : i32
        %mul3A_894 = arith.muli %scan3A_66, %mul3A_893 : i32
        %add3A_895 = arith.constant 18 : i32
        %add3A_896 = arith.addi %mul3A_894, %add3A_895 : i32
        %get3A_897 = arith.index_cast %add3A_896 : i32 to index
        %get3A_898 = arith.constant 0 : index
        %get3A_899 = tpu.vector_load %arg10[%get3A_897, %get3A_898] {strides = array<i32>} : memref<400x64xf32, #tpu.memory_space<vmem>>, vector<1x16xf32>,
        %get3A_900 = vector.shape_cast %get3A_899 : vector<1x16xf32> to vector<16xf32>
        %mul3A_901 = arith.mulf %get3A_900, %broadcast_in_dim3A_891 : vector<16xf32>
        %add3A_902 = arith.addf %add3A_858, %mul3A_901 : vector<16xf32>
        %mul3A_903 = arith.constant 50 : i32
        %mul3A_904 = arith.muli %scan3A_66, %mul3A_903 : i32
        %add3A_905 = arith.constant 18 : i32
        %add3A_906 = arith.addi %mul3A_904, %add3A_905 : i32
        %get3A_907 = arith.index_cast %add3A_906 : i32 to index
        %get3A_908 = arith.constant 16 : index
        %get3A_909 = tpu.vector_load %arg10[%get3A_907, %get3A_908] {strides = array<i32>} : memref<400x64xf32, #tpu.memory_space<vmem>>, vector<1x16xf32>,
        %get3A_910 = vector.shape_cast %get3A_909 : vector<1x16xf32> to vector<16xf32>
        %mul3A_911 = arith.mulf %get3A_910, %broadcast_in_dim3A_891 : vector<16xf32>
        %add3A_912 = arith.addf %add3A_868, %mul3A_911 : vector<16xf32>
        %mul3A_913 = arith.constant 50 : i32
        %mul3A_914 = arith.muli %scan3A_66, %mul3A_913 : i32
        %add3A_915 = arith.constant 18 : i32
        %add3A_916 = arith.addi %mul3A_914, %add3A_915 : i32
        %get3A_917 = arith.index_cast %add3A_916 : i32 to index
        %get3A_918 = arith.constant 32 : index
        %get3A_919 = tpu.vector_load %arg10[%get3A_917, %get3A_918] {strides = array<i32>} : memref<400x64xf32, #tpu.memory_space<vmem>>, vector<1x16xf32>,
        %get3A_920 = vector.shape_cast %get3A_919 : vector<1x16xf32> to vector<16xf32>
        %mul3A_921 = arith.mulf %get3A_920, %broadcast_in_dim3A_891 : vector<16xf32>
        %add3A_922 = arith.addf %add3A_878, %mul3A_921 : vector<16xf32>
        %mul3A_923 = arith.constant 50 : i32
        %mul3A_924 = arith.muli %scan3A_66, %mul3A_923 : i32
        %add3A_925 = arith.constant 18 : i32
        %add3A_926 = arith.addi %mul3A_924, %add3A_925 : i32
        %get3A_927 = arith.index_cast %add3A_926 : i32 to index
        %get3A_928 = arith.constant 48 : index
        %get3A_929 = tpu.vector_load %arg10[%get3A_927, %get3A_928] {strides = array<i32>} : memref<400x64xf32, #tpu.memory_space<vmem>>, vector<1x16xf32>,
        %get3A_930 = vector.shape_cast %get3A_929 : vector<1x16xf32> to vector<16xf32>
        %mul3A_931 = arith.mulf %get3A_930, %broadcast_in_dim3A_891 : vector<16xf32>
        %add3A_932 = arith.addf %add3A_888, %mul3A_931 : vector<16xf32>
        %slice3A_933 = vector.extract_strided_slice %convert_element_type3A_81 {offsets = [3], sizes = [1], strides = [1]} : vector<16xf32> to vector<1xf32>
        %squeeze3A_934 = vector.extract %slice3A_933[0] : f32 from vector<1xf32>
        %broadcast_in_dim3A_935 = vector.broadcast %squeeze3A_934 : f32 to vector<16xf32>
        %add3A_936 = arith.addf %add3A_892, %broadcast_in_dim3A_935 : vector<16xf32>
        %mul3A_937 = arith.constant 50 : i32
        %mul3A_938 = arith.muli %scan3A_66, %mul3A_937 : i32
        %add3A_939 = arith.constant 19 : i32
        %add3A_940 = arith.addi %mul3A_938, %add3A_939 : i32
        %get3A_941 = arith.index_cast %add3A_940 : i32 to index
        %get3A_942 = arith.constant 0 : index
        %get3A_943 = tpu.vector_load %arg10[%get3A_941, %get3A_942] {strides = array<i32>} : memref<400x64xf32, #tpu.memory_space<vmem>>, vector<1x16xf32>,
        %get3A_944 = vector.shape_cast %get3A_943 : vector<1x16xf32> to vector<16xf32>
        %mul3A_945 = arith.mulf %get3A_944, %broadcast_in_dim3A_935 : vector<16xf32>
        %add3A_946 = arith.addf %add3A_902, %mul3A_945 : vector<16xf32>
        %mul3A_947 = arith.constant 50 : i32
        %mul3A_948 = arith.muli %scan3A_66, %mul3A_947 : i32
        %add3A_949 = arith.constant 19 : i32
        %add3A_950 = arith.addi %mul3A_948, %add3A_949 : i32
        %get3A_951 = arith.index_cast %add3A_950 : i32 to index
        %get3A_952 = arith.constant 16 : index
        %get3A_953 = tpu.vector_load %arg10[%get3A_951, %get3A_952] {strides = array<i32>} : memref<400x64xf32, #tpu.memory_space<vmem>>, vector<1x16xf32>,
        %get3A_954 = vector.shape_cast %get3A_953 : vector<1x16xf32> to vector<16xf32>
        %mul3A_955 = arith.mulf %get3A_954, %broadcast_in_dim3A_935 : vector<16xf32>
        %add3A_956 = arith.addf %add3A_912, %mul3A_955 : vector<16xf32>
        %mul3A_957 = arith.constant 50 : i32
        %mul3A_958 = arith.muli %scan3A_66, %mul3A_957 : i32
        %add3A_959 = arith.constant 19 : i32
        %add3A_960 = arith.addi %mul3A_958, %add3A_959 : i32
        %get3A_961 = arith.index_cast %add3A_960 : i32 to index
        %get3A_962 = arith.constant 32 : index
        %get3A_963 = tpu.vector_load %arg10[%get3A_961, %get3A_962] {strides = array<i32>} : memref<400x64xf32, #tpu.memory_space<vmem>>, vector<1x16xf32>,
        %get3A_964 = vector.shape_cast %get3A_963 : vector<1x16xf32> to vector<16xf32>
        %mul3A_965 = arith.mulf %get3A_964, %broadcast_in_dim3A_935 : vector<16xf32>
        %add3A_966 = arith.addf %add3A_922, %mul3A_965 : vector<16xf32>
        %mul3A_967 = arith.constant 50 : i32
        %mul3A_968 = arith.muli %scan3A_66, %mul3A_967 : i32
        %add3A_969 = arith.constant 19 : i32
        %add3A_970 = arith.addi %mul3A_968, %add3A_969 : i32
        %get3A_971 = arith.index_cast %add3A_970 : i32 to index
        %get3A_972 = arith.constant 48 : index
        %get3A_973 = tpu.vector_load %arg10[%get3A_971, %get3A_972] {strides = array<i32>} : memref<400x64xf32, #tpu.memory_space<vmem>>, vector<1x16xf32>,
        %get3A_974 = vector.shape_cast %get3A_973 : vector<1x16xf32> to vector<16xf32>
        %mul3A_975 = arith.mulf %get3A_974, %broadcast_in_dim3A_935 : vector<16xf32>
        %add3A_976 = arith.addf %add3A_932, %mul3A_975 : vector<16xf32>
        %slice3A_977 = vector.extract_strided_slice %convert_element_type3A_81 {offsets = [4], sizes = [1], strides = [1]} : vector<16xf32> to vector<1xf32>
        %squeeze3A_978 = vector.extract %slice3A_977[0] : f32 from vector<1xf32>
        %broadcast_in_dim3A_979 = vector.broadcast %squeeze3A_978 : f32 to vector<16xf32>
        %add3A_980 = arith.addf %add3A_936, %broadcast_in_dim3A_979 : vector<16xf32>
        %mul3A_981 = arith.constant 50 : i32
        %mul3A_982 = arith.muli %scan3A_66, %mul3A_981 : i32
        %add3A_983 = arith.constant 20 : i32
        %add3A_984 = arith.addi %mul3A_982, %add3A_983 : i32
        %get3A_985 = arith.index_cast %add3A_984 : i32 to index
        %get3A_986 = arith.constant 0 : index
        %get3A_987 = tpu.vector_load %arg10[%get3A_985, %get3A_986] {strides = array<i32>} : memref<400x64xf32, #tpu.memory_space<vmem>>, vector<1x16xf32>,
        %get3A_988 = vector.shape_cast %get3A_987 : vector<1x16xf32> to vector<16xf32>
        %mul3A_989 = arith.mulf %get3A_988, %broadcast_in_dim3A_979 : vector<16xf32>
        %add3A_990 = arith.addf %add3A_946, %mul3A_989 : vector<16xf32>
        %mul3A_991 = arith.constant 50 : i32
        %mul3A_992 = arith.muli %scan3A_66, %mul3A_991 : i32
        %add3A_993 = arith.constant 20 : i32
        %add3A_994 = arith.addi %mul3A_992, %add3A_993 : i32
        %get3A_995 = arith.index_cast %add3A_994 : i32 to index
        %get3A_996 = arith.constant 16 : index
        %get3A_997 = tpu.vector_load %arg10[%get3A_995, %get3A_996] {strides = array<i32>} : memref<400x64xf32, #tpu.memory_space<vmem>>, vector<1x16xf32>,
        %get3A_998 = vector.shape_cast %get3A_997 : vector<1x16xf32> to vector<16xf32>
        %mul3A_999 = arith.mulf %get3A_998, %broadcast_in_dim3A_979 : vector<16xf32>
        %add3A_1000 = arith.addf %add3A_956, %mul3A_999 : vector<16xf32>
        %mul3A_1001 = arith.constant 50 : i32
        %mul3A_1002 = arith.muli %scan3A_66, %mul3A_1001 : i32
        %add3A_1003 = arith.constant 20 : i32
        %add3A_1004 = arith.addi %mul3A_1002, %add3A_1003 : i32
        %get3A_1005 = arith.index_cast %add3A_1004 : i32 to index
        %get3A_1006 = arith.constant 32 : index
        %get3A_1007 = tpu.vector_load %arg10[%get3A_1005, %get3A_1006] {strides = array<i32>} : memref<400x64xf32, #tpu.memory_space<vmem>>, vector<1x16xf32>,
        %get3A_1008 = vector.shape_cast %get3A_1007 : vector<1x16xf32> to vector<16xf32>
        %mul3A_1009 = arith.mulf %get3A_1008, %broadcast_in_dim3A_979 : vector<16xf32>
        %add3A_1010 = arith.addf %add3A_966, %mul3A_1009 : vector<16xf32>
        %mul3A_1011 = arith.constant 50 : i32
        %mul3A_1012 = arith.muli %scan3A_66, %mul3A_1011 : i32
        %add3A_1013 = arith.constant 20 : i32
        %add3A_1014 = arith.addi %mul3A_1012, %add3A_1013 : i32
        %get3A_1015 = arith.index_cast %add3A_1014 : i32 to index
        %get3A_1016 = arith.constant 48 : index
        %get3A_1017 = tpu.vector_load %arg10[%get3A_1015, %get3A_1016] {strides = array<i32>} : memref<400x64xf32, #tpu.memory_space<vmem>>, vector<1x16xf32>,
        %get3A_1018 = vector.shape_cast %get3A_1017 : vector<1x16xf32> to vector<16xf32>
        %mul3A_1019 = arith.mulf %get3A_1018, %broadcast_in_dim3A_979 : vector<16xf32>
        %add3A_1020 = arith.addf %add3A_976, %mul3A_1019 : vector<16xf32>
        %slice3A_1021 = vector.extract_strided_slice %convert_element_type3A_81 {offsets = [5], sizes = [1], strides = [1]} : vector<16xf32> to vector<1xf32>
        %squeeze3A_1022 = vector.extract %slice3A_1021[0] : f32 from vector<1xf32>
        %broadcast_in_dim3A_1023 = vector.broadcast %squeeze3A_1022 : f32 to vector<16xf32>
        %add3A_1024 = arith.addf %add3A_980, %broadcast_in_dim3A_1023 : vector<16xf32>
        %mul3A_1025 = arith.constant 50 : i32
        %mul3A_1026 = arith.muli %scan3A_66, %mul3A_1025 : i32
        %add3A_1027 = arith.constant 21 : i32
        %add3A_1028 = arith.addi %mul3A_1026, %add3A_1027 : i32
        %get3A_1029 = arith.index_cast %add3A_1028 : i32 to index
        %get3A_1030 = arith.constant 0 : index
        %get3A_1031 = tpu.vector_load %arg10[%get3A_1029, %get3A_1030] {strides = array<i32>} : memref<400x64xf32, #tpu.memory_space<vmem>>, vector<1x16xf32>,
        %get3A_1032 = vector.shape_cast %get3A_1031 : vector<1x16xf32> to vector<16xf32>
        %mul3A_1033 = arith.mulf %get3A_1032, %broadcast_in_dim3A_1023 : vector<16xf32>
        %add3A_1034 = arith.addf %add3A_990, %mul3A_1033 : vector<16xf32>
        %mul3A_1035 = arith.constant 50 : i32
        %mul3A_1036 = arith.muli %scan3A_66, %mul3A_1035 : i32
        %add3A_1037 = arith.constant 21 : i32
        %add3A_1038 = arith.addi %mul3A_1036, %add3A_1037 : i32
        %get3A_1039 = arith.index_cast %add3A_1038 : i32 to index
        %get3A_1040 = arith.constant 16 : index
        %get3A_1041 = tpu.vector_load %arg10[%get3A_1039, %get3A_1040] {strides = array<i32>} : memref<400x64xf32, #tpu.memory_space<vmem>>, vector<1x16xf32>,
        %get3A_1042 = vector.shape_cast %get3A_1041 : vector<1x16xf32> to vector<16xf32>
        %mul3A_1043 = arith.mulf %get3A_1042, %broadcast_in_dim3A_1023 : vector<16xf32>
        %add3A_1044 = arith.addf %add3A_1000, %mul3A_1043 : vector<16xf32>
        %mul3A_1045 = arith.constant 50 : i32
        %mul3A_1046 = arith.muli %scan3A_66, %mul3A_1045 : i32
        %add3A_1047 = arith.constant 21 : i32
        %add3A_1048 = arith.addi %mul3A_1046, %add3A_1047 : i32
        %get3A_1049 = arith.index_cast %add3A_1048 : i32 to index
        %get3A_1050 = arith.constant 32 : index
        %get3A_1051 = tpu.vector_load %arg10[%get3A_1049, %get3A_1050] {strides = array<i32>} : memref<400x64xf32, #tpu.memory_space<vmem>>, vector<1x16xf32>,
        %get3A_1052 = vector.shape_cast %get3A_1051 : vector<1x16xf32> to vector<16xf32>
        %mul3A_1053 = arith.mulf %get3A_1052, %broadcast_in_dim3A_1023 : vector<16xf32>
        %add3A_1054 = arith.addf %add3A_1010, %mul3A_1053 : vector<16xf32>
        %mul3A_1055 = arith.constant 50 : i32
        %mul3A_1056 = arith.muli %scan3A_66, %mul3A_1055 : i32
        %add3A_1057 = arith.constant 21 : i32
        %add3A_1058 = arith.addi %mul3A_1056, %add3A_1057 : i32
        %get3A_1059 = arith.index_cast %add3A_1058 : i32 to index
        %get3A_1060 = arith.constant 48 : index
        %get3A_1061 = tpu.vector_load %arg10[%get3A_1059, %get3A_1060] {strides = array<i32>} : memref<400x64xf32, #tpu.memory_space<vmem>>, vector<1x16xf32>,
        %get3A_1062 = vector.shape_cast %get3A_1061 : vector<1x16xf32> to vector<16xf32>
        %mul3A_1063 = arith.mulf %get3A_1062, %broadcast_in_dim3A_1023 : vector<16xf32>
        %add3A_1064 = arith.addf %add3A_1020, %mul3A_1063 : vector<16xf32>
        %slice3A_1065 = vector.extract_strided_slice %convert_element_type3A_81 {offsets = [6], sizes = [1], strides = [1]} : vector<16xf32> to vector<1xf32>
        %squeeze3A_1066 = vector.extract %slice3A_1065[0] : f32 from vector<1xf32>
        %broadcast_in_dim3A_1067 = vector.broadcast %squeeze3A_1066 : f32 to vector<16xf32>
        %add3A_1068 = arith.addf %add3A_1024, %broadcast_in_dim3A_1067 : vector<16xf32>
        %mul3A_1069 = arith.constant 50 : i32
        %mul3A_1070 = arith.muli %scan3A_66, %mul3A_1069 : i32
        %add3A_1071 = arith.constant 22 : i32
        %add3A_1072 = arith.addi %mul3A_1070, %add3A_1071 : i32
        %get3A_1073 = arith.index_cast %add3A_1072 : i32 to index
        %get3A_1074 = arith.constant 0 : index
        %get3A_1075 = tpu.vector_load %arg10[%get3A_1073, %get3A_1074] {strides = array<i32>} : memref<400x64xf32, #tpu.memory_space<vmem>>, vector<1x16xf32>,
        %get3A_1076 = vector.shape_cast %get3A_1075 : vector<1x16xf32> to vector<16xf32>
        %mul3A_1077 = arith.mulf %get3A_1076, %broadcast_in_dim3A_1067 : vector<16xf32>
        %add3A_1078 = arith.addf %add3A_1034, %mul3A_1077 : vector<16xf32>
        %mul3A_1079 = arith.constant 50 : i32
        %mul3A_1080 = arith.muli %scan3A_66, %mul3A_1079 : i32
        %add3A_1081 = arith.constant 22 : i32
        %add3A_1082 = arith.addi %mul3A_1080, %add3A_1081 : i32
        %get3A_1083 = arith.index_cast %add3A_1082 : i32 to index
        %get3A_1084 = arith.constant 16 : index
        %get3A_1085 = tpu.vector_load %arg10[%get3A_1083, %get3A_1084] {strides = array<i32>} : memref<400x64xf32, #tpu.memory_space<vmem>>, vector<1x16xf32>,
        %get3A_1086 = vector.shape_cast %get3A_1085 : vector<1x16xf32> to vector<16xf32>
        %mul3A_1087 = arith.mulf %get3A_1086, %broadcast_in_dim3A_1067 : vector<16xf32>
        %add3A_1088 = arith.addf %add3A_1044, %mul3A_1087 : vector<16xf32>
        %mul3A_1089 = arith.constant 50 : i32
        %mul3A_1090 = arith.muli %scan3A_66, %mul3A_1089 : i32
        %add3A_1091 = arith.constant 22 : i32
        %add3A_1092 = arith.addi %mul3A_1090, %add3A_1091 : i32
        %get3A_1093 = arith.index_cast %add3A_1092 : i32 to index
        %get3A_1094 = arith.constant 32 : index
        %get3A_1095 = tpu.vector_load %arg10[%get3A_1093, %get3A_1094] {strides = array<i32>} : memref<400x64xf32, #tpu.memory_space<vmem>>, vector<1x16xf32>,
        %get3A_1096 = vector.shape_cast %get3A_1095 : vector<1x16xf32> to vector<16xf32>
        %mul3A_1097 = arith.mulf %get3A_1096, %broadcast_in_dim3A_1067 : vector<16xf32>
        %add3A_1098 = arith.addf %add3A_1054, %mul3A_1097 : vector<16xf32>
        %mul3A_1099 = arith.constant 50 : i32
        %mul3A_1100 = arith.muli %scan3A_66, %mul3A_1099 : i32
        %add3A_1101 = arith.constant 22 : i32
        %add3A_1102 = arith.addi %mul3A_1100, %add3A_1101 : i32
        %get3A_1103 = arith.index_cast %add3A_1102 : i32 to index
        %get3A_1104 = arith.constant 48 : index
        %get3A_1105 = tpu.vector_load %arg10[%get3A_1103, %get3A_1104] {strides = array<i32>} : memref<400x64xf32, #tpu.memory_space<vmem>>, vector<1x16xf32>,
        %get3A_1106 = vector.shape_cast %get3A_1105 : vector<1x16xf32> to vector<16xf32>
        %mul3A_1107 = arith.mulf %get3A_1106, %broadcast_in_dim3A_1067 : vector<16xf32>
        %add3A_1108 = arith.addf %add3A_1064, %mul3A_1107 : vector<16xf32>
        %slice3A_1109 = vector.extract_strided_slice %convert_element_type3A_81 {offsets = [7], sizes = [1], strides = [1]} : vector<16xf32> to vector<1xf32>
        %squeeze3A_1110 = vector.extract %slice3A_1109[0] : f32 from vector<1xf32>
        %broadcast_in_dim3A_1111 = vector.broadcast %squeeze3A_1110 : f32 to vector<16xf32>
        %add3A_1112 = arith.addf %add3A_1068, %broadcast_in_dim3A_1111 : vector<16xf32>
        %mul3A_1113 = arith.constant 50 : i32
        %mul3A_1114 = arith.muli %scan3A_66, %mul3A_1113 : i32
        %add3A_1115 = arith.constant 23 : i32
        %add3A_1116 = arith.addi %mul3A_1114, %add3A_1115 : i32
        %get3A_1117 = arith.index_cast %add3A_1116 : i32 to index
        %get3A_1118 = arith.constant 0 : index
        %get3A_1119 = tpu.vector_load %arg10[%get3A_1117, %get3A_1118] {strides = array<i32>} : memref<400x64xf32, #tpu.memory_space<vmem>>, vector<1x16xf32>,
        %get3A_1120 = vector.shape_cast %get3A_1119 : vector<1x16xf32> to vector<16xf32>
        %mul3A_1121 = arith.mulf %get3A_1120, %broadcast_in_dim3A_1111 : vector<16xf32>
        %add3A_1122 = arith.addf %add3A_1078, %mul3A_1121 : vector<16xf32>
        %mul3A_1123 = arith.constant 50 : i32
        %mul3A_1124 = arith.muli %scan3A_66, %mul3A_1123 : i32
        %add3A_1125 = arith.constant 23 : i32
        %add3A_1126 = arith.addi %mul3A_1124, %add3A_1125 : i32
        %get3A_1127 = arith.index_cast %add3A_1126 : i32 to index
        %get3A_1128 = arith.constant 16 : index
        %get3A_1129 = tpu.vector_load %arg10[%get3A_1127, %get3A_1128] {strides = array<i32>} : memref<400x64xf32, #tpu.memory_space<vmem>>, vector<1x16xf32>,
        %get3A_1130 = vector.shape_cast %get3A_1129 : vector<1x16xf32> to vector<16xf32>
        %mul3A_1131 = arith.mulf %get3A_1130, %broadcast_in_dim3A_1111 : vector<16xf32>
        %add3A_1132 = arith.addf %add3A_1088, %mul3A_1131 : vector<16xf32>
        %mul3A_1133 = arith.constant 50 : i32
        %mul3A_1134 = arith.muli %scan3A_66, %mul3A_1133 : i32
        %add3A_1135 = arith.constant 23 : i32
        %add3A_1136 = arith.addi %mul3A_1134, %add3A_1135 : i32
        %get3A_1137 = arith.index_cast %add3A_1136 : i32 to index
        %get3A_1138 = arith.constant 32 : index
        %get3A_1139 = tpu.vector_load %arg10[%get3A_1137, %get3A_1138] {strides = array<i32>} : memref<400x64xf32, #tpu.memory_space<vmem>>, vector<1x16xf32>,
        %get3A_1140 = vector.shape_cast %get3A_1139 : vector<1x16xf32> to vector<16xf32>
        %mul3A_1141 = arith.mulf %get3A_1140, %broadcast_in_dim3A_1111 : vector<16xf32>
        %add3A_1142 = arith.addf %add3A_1098, %mul3A_1141 : vector<16xf32>
        %mul3A_1143 = arith.constant 50 : i32
        %mul3A_1144 = arith.muli %scan3A_66, %mul3A_1143 : i32
        %add3A_1145 = arith.constant 23 : i32
        %add3A_1146 = arith.addi %mul3A_1144, %add3A_1145 : i32
        %get3A_1147 = arith.index_cast %add3A_1146 : i32 to index
        %get3A_1148 = arith.constant 48 : index
        %get3A_1149 = tpu.vector_load %arg10[%get3A_1147, %get3A_1148] {strides = array<i32>} : memref<400x64xf32, #tpu.memory_space<vmem>>, vector<1x16xf32>,
        %get3A_1150 = vector.shape_cast %get3A_1149 : vector<1x16xf32> to vector<16xf32>
        %mul3A_1151 = arith.mulf %get3A_1150, %broadcast_in_dim3A_1111 : vector<16xf32>
        %add3A_1152 = arith.addf %add3A_1108, %mul3A_1151 : vector<16xf32>
        %slice3A_1153 = vector.extract_strided_slice %convert_element_type3A_81 {offsets = [8], sizes = [1], strides = [1]} : vector<16xf32> to vector<1xf32>
        %squeeze3A_1154 = vector.extract %slice3A_1153[0] : f32 from vector<1xf32>
        %broadcast_in_dim3A_1155 = vector.broadcast %squeeze3A_1154 : f32 to vector<16xf32>
        %add3A_1156 = arith.addf %add3A_1112, %broadcast_in_dim3A_1155 : vector<16xf32>
        %mul3A_1157 = arith.constant 50 : i32
        %mul3A_1158 = arith.muli %scan3A_66, %mul3A_1157 : i32
        %add3A_1159 = arith.constant 24 : i32
        %add3A_1160 = arith.addi %mul3A_1158, %add3A_1159 : i32
        %get3A_1161 = arith.index_cast %add3A_1160 : i32 to index
        %get3A_1162 = arith.constant 0 : index
        %get3A_1163 = tpu.vector_load %arg10[%get3A_1161, %get3A_1162] {strides = array<i32>} : memref<400x64xf32, #tpu.memory_space<vmem>>, vector<1x16xf32>,
        %get3A_1164 = vector.shape_cast %get3A_1163 : vector<1x16xf32> to vector<16xf32>
        %mul3A_1165 = arith.mulf %get3A_1164, %broadcast_in_dim3A_1155 : vector<16xf32>
        %add3A_1166 = arith.addf %add3A_1122, %mul3A_1165 : vector<16xf32>
        %mul3A_1167 = arith.constant 50 : i32
        %mul3A_1168 = arith.muli %scan3A_66, %mul3A_1167 : i32
        %add3A_1169 = arith.constant 24 : i32
        %add3A_1170 = arith.addi %mul3A_1168, %add3A_1169 : i32
        %get3A_1171 = arith.index_cast %add3A_1170 : i32 to index
        %get3A_1172 = arith.constant 16 : index
        %get3A_1173 = tpu.vector_load %arg10[%get3A_1171, %get3A_1172] {strides = array<i32>} : memref<400x64xf32, #tpu.memory_space<vmem>>, vector<1x16xf32>,
        %get3A_1174 = vector.shape_cast %get3A_1173 : vector<1x16xf32> to vector<16xf32>
        %mul3A_1175 = arith.mulf %get3A_1174, %broadcast_in_dim3A_1155 : vector<16xf32>
        %add3A_1176 = arith.addf %add3A_1132, %mul3A_1175 : vector<16xf32>
        %mul3A_1177 = arith.constant 50 : i32
        %mul3A_1178 = arith.muli %scan3A_66, %mul3A_1177 : i32
        %add3A_1179 = arith.constant 24 : i32
        %add3A_1180 = arith.addi %mul3A_1178, %add3A_1179 : i32
        %get3A_1181 = arith.index_cast %add3A_1180 : i32 to index
        %get3A_1182 = arith.constant 32 : index
        %get3A_1183 = tpu.vector_load %arg10[%get3A_1181, %get3A_1182] {strides = array<i32>} : memref<400x64xf32, #tpu.memory_space<vmem>>, vector<1x16xf32>,
        %get3A_1184 = vector.shape_cast %get3A_1183 : vector<1x16xf32> to vector<16xf32>
        %mul3A_1185 = arith.mulf %get3A_1184, %broadcast_in_dim3A_1155 : vector<16xf32>
        %add3A_1186 = arith.addf %add3A_1142, %mul3A_1185 : vector<16xf32>
        %mul3A_1187 = arith.constant 50 : i32
        %mul3A_1188 = arith.muli %scan3A_66, %mul3A_1187 : i32
        %add3A_1189 = arith.constant 24 : i32
        %add3A_1190 = arith.addi %mul3A_1188, %add3A_1189 : i32
        %get3A_1191 = arith.index_cast %add3A_1190 : i32 to index
        %get3A_1192 = arith.constant 48 : index
        %get3A_1193 = tpu.vector_load %arg10[%get3A_1191, %get3A_1192] {strides = array<i32>} : memref<400x64xf32, #tpu.memory_space<vmem>>, vector<1x16xf32>,
        %get3A_1194 = vector.shape_cast %get3A_1193 : vector<1x16xf32> to vector<16xf32>
        %mul3A_1195 = arith.mulf %get3A_1194, %broadcast_in_dim3A_1155 : vector<16xf32>
        %add3A_1196 = arith.addf %add3A_1152, %mul3A_1195 : vector<16xf32>
        %slice3A_1197 = vector.extract_strided_slice %convert_element_type3A_81 {offsets = [9], sizes = [1], strides = [1]} : vector<16xf32> to vector<1xf32>
        %squeeze3A_1198 = vector.extract %slice3A_1197[0] : f32 from vector<1xf32>
        %broadcast_in_dim3A_1199 = vector.broadcast %squeeze3A_1198 : f32 to vector<16xf32>
        %add3A_1200 = arith.addf %add3A_1156, %broadcast_in_dim3A_1199 : vector<16xf32>
        %mul3A_1201 = arith.constant 50 : i32
        %mul3A_1202 = arith.muli %scan3A_66, %mul3A_1201 : i32
        %add3A_1203 = arith.constant 25 : i32
        %add3A_1204 = arith.addi %mul3A_1202, %add3A_1203 : i32
        %get3A_1205 = arith.index_cast %add3A_1204 : i32 to index
        %get3A_1206 = arith.constant 0 : index
        %get3A_1207 = tpu.vector_load %arg10[%get3A_1205, %get3A_1206] {strides = array<i32>} : memref<400x64xf32, #tpu.memory_space<vmem>>, vector<1x16xf32>,
        %get3A_1208 = vector.shape_cast %get3A_1207 : vector<1x16xf32> to vector<16xf32>
        %mul3A_1209 = arith.mulf %get3A_1208, %broadcast_in_dim3A_1199 : vector<16xf32>
        %add3A_1210 = arith.addf %add3A_1166, %mul3A_1209 : vector<16xf32>
        %mul3A_1211 = arith.constant 50 : i32
        %mul3A_1212 = arith.muli %scan3A_66, %mul3A_1211 : i32
        %add3A_1213 = arith.constant 25 : i32
        %add3A_1214 = arith.addi %mul3A_1212, %add3A_1213 : i32
        %get3A_1215 = arith.index_cast %add3A_1214 : i32 to index
        %get3A_1216 = arith.constant 16 : index
        %get3A_1217 = tpu.vector_load %arg10[%get3A_1215, %get3A_1216] {strides = array<i32>} : memref<400x64xf32, #tpu.memory_space<vmem>>, vector<1x16xf32>,
        %get3A_1218 = vector.shape_cast %get3A_1217 : vector<1x16xf32> to vector<16xf32>
        %mul3A_1219 = arith.mulf %get3A_1218, %broadcast_in_dim3A_1199 : vector<16xf32>
        %add3A_1220 = arith.addf %add3A_1176, %mul3A_1219 : vector<16xf32>
        %mul3A_1221 = arith.constant 50 : i32
        %mul3A_1222 = arith.muli %scan3A_66, %mul3A_1221 : i32
        %add3A_1223 = arith.constant 25 : i32
        %add3A_1224 = arith.addi %mul3A_1222, %add3A_1223 : i32
        %get3A_1225 = arith.index_cast %add3A_1224 : i32 to index
        %get3A_1226 = arith.constant 32 : index
        %get3A_1227 = tpu.vector_load %arg10[%get3A_1225, %get3A_1226] {strides = array<i32>} : memref<400x64xf32, #tpu.memory_space<vmem>>, vector<1x16xf32>,
        %get3A_1228 = vector.shape_cast %get3A_1227 : vector<1x16xf32> to vector<16xf32>
        %mul3A_1229 = arith.mulf %get3A_1228, %broadcast_in_dim3A_1199 : vector<16xf32>
        %add3A_1230 = arith.addf %add3A_1186, %mul3A_1229 : vector<16xf32>
        %mul3A_1231 = arith.constant 50 : i32
        %mul3A_1232 = arith.muli %scan3A_66, %mul3A_1231 : i32
        %add3A_1233 = arith.constant 25 : i32
        %add3A_1234 = arith.addi %mul3A_1232, %add3A_1233 : i32
        %get3A_1235 = arith.index_cast %add3A_1234 : i32 to index
        %get3A_1236 = arith.constant 48 : index
        %get3A_1237 = tpu.vector_load %arg10[%get3A_1235, %get3A_1236] {strides = array<i32>} : memref<400x64xf32, #tpu.memory_space<vmem>>, vector<1x16xf32>,
        %get3A_1238 = vector.shape_cast %get3A_1237 : vector<1x16xf32> to vector<16xf32>
        %mul3A_1239 = arith.mulf %get3A_1238, %broadcast_in_dim3A_1199 : vector<16xf32>
        %add3A_1240 = arith.addf %add3A_1196, %mul3A_1239 : vector<16xf32>
        %slice3A_1241 = vector.extract_strided_slice %convert_element_type3A_81 {offsets = [10], sizes = [1], strides = [1]} : vector<16xf32> to vector<1xf32>
        %squeeze3A_1242 = vector.extract %slice3A_1241[0] : f32 from vector<1xf32>
        %broadcast_in_dim3A_1243 = vector.broadcast %squeeze3A_1242 : f32 to vector<16xf32>
        %add3A_1244 = arith.addf %add3A_1200, %broadcast_in_dim3A_1243 : vector<16xf32>
        %mul3A_1245 = arith.constant 50 : i32
        %mul3A_1246 = arith.muli %scan3A_66, %mul3A_1245 : i32
        %add3A_1247 = arith.constant 26 : i32
        %add3A_1248 = arith.addi %mul3A_1246, %add3A_1247 : i32
        %get3A_1249 = arith.index_cast %add3A_1248 : i32 to index
        %get3A_1250 = arith.constant 0 : index
        %get3A_1251 = tpu.vector_load %arg10[%get3A_1249, %get3A_1250] {strides = array<i32>} : memref<400x64xf32, #tpu.memory_space<vmem>>, vector<1x16xf32>,
        %get3A_1252 = vector.shape_cast %get3A_1251 : vector<1x16xf32> to vector<16xf32>
        %mul3A_1253 = arith.mulf %get3A_1252, %broadcast_in_dim3A_1243 : vector<16xf32>
        %add3A_1254 = arith.addf %add3A_1210, %mul3A_1253 : vector<16xf32>
        %mul3A_1255 = arith.constant 50 : i32
        %mul3A_1256 = arith.muli %scan3A_66, %mul3A_1255 : i32
        %add3A_1257 = arith.constant 26 : i32
        %add3A_1258 = arith.addi %mul3A_1256, %add3A_1257 : i32
        %get3A_1259 = arith.index_cast %add3A_1258 : i32 to index
        %get3A_1260 = arith.constant 16 : index
        %get3A_1261 = tpu.vector_load %arg10[%get3A_1259, %get3A_1260] {strides = array<i32>} : memref<400x64xf32, #tpu.memory_space<vmem>>, vector<1x16xf32>,
        %get3A_1262 = vector.shape_cast %get3A_1261 : vector<1x16xf32> to vector<16xf32>
        %mul3A_1263 = arith.mulf %get3A_1262, %broadcast_in_dim3A_1243 : vector<16xf32>
        %add3A_1264 = arith.addf %add3A_1220, %mul3A_1263 : vector<16xf32>
        %mul3A_1265 = arith.constant 50 : i32
        %mul3A_1266 = arith.muli %scan3A_66, %mul3A_1265 : i32
        %add3A_1267 = arith.constant 26 : i32
        %add3A_1268 = arith.addi %mul3A_1266, %add3A_1267 : i32
        %get3A_1269 = arith.index_cast %add3A_1268 : i32 to index
        %get3A_1270 = arith.constant 32 : index
        %get3A_1271 = tpu.vector_load %arg10[%get3A_1269, %get3A_1270] {strides = array<i32>} : memref<400x64xf32, #tpu.memory_space<vmem>>, vector<1x16xf32>,
        %get3A_1272 = vector.shape_cast %get3A_1271 : vector<1x16xf32> to vector<16xf32>
        %mul3A_1273 = arith.mulf %get3A_1272, %broadcast_in_dim3A_1243 : vector<16xf32>
        %add3A_1274 = arith.addf %add3A_1230, %mul3A_1273 : vector<16xf32>
        %mul3A_1275 = arith.constant 50 : i32
        %mul3A_1276 = arith.muli %scan3A_66, %mul3A_1275 : i32
        %add3A_1277 = arith.constant 26 : i32
        %add3A_1278 = arith.addi %mul3A_1276, %add3A_1277 : i32
        %get3A_1279 = arith.index_cast %add3A_1278 : i32 to index
        %get3A_1280 = arith.constant 48 : index
        %get3A_1281 = tpu.vector_load %arg10[%get3A_1279, %get3A_1280] {strides = array<i32>} : memref<400x64xf32, #tpu.memory_space<vmem>>, vector<1x16xf32>,
        %get3A_1282 = vector.shape_cast %get3A_1281 : vector<1x16xf32> to vector<16xf32>
        %mul3A_1283 = arith.mulf %get3A_1282, %broadcast_in_dim3A_1243 : vector<16xf32>
        %add3A_1284 = arith.addf %add3A_1240, %mul3A_1283 : vector<16xf32>
        %slice3A_1285 = vector.extract_strided_slice %convert_element_type3A_81 {offsets = [11], sizes = [1], strides = [1]} : vector<16xf32> to vector<1xf32>
        %squeeze3A_1286 = vector.extract %slice3A_1285[0] : f32 from vector<1xf32>
        %broadcast_in_dim3A_1287 = vector.broadcast %squeeze3A_1286 : f32 to vector<16xf32>
        %add3A_1288 = arith.addf %add3A_1244, %broadcast_in_dim3A_1287 : vector<16xf32>
        %mul3A_1289 = arith.constant 50 : i32
        %mul3A_1290 = arith.muli %scan3A_66, %mul3A_1289 : i32
        %add3A_1291 = arith.constant 27 : i32
        %add3A_1292 = arith.addi %mul3A_1290, %add3A_1291 : i32
        %get3A_1293 = arith.index_cast %add3A_1292 : i32 to index
        %get3A_1294 = arith.constant 0 : index
        %get3A_1295 = tpu.vector_load %arg10[%get3A_1293, %get3A_1294] {strides = array<i32>} : memref<400x64xf32, #tpu.memory_space<vmem>>, vector<1x16xf32>,
        %get3A_1296 = vector.shape_cast %get3A_1295 : vector<1x16xf32> to vector<16xf32>
        %mul3A_1297 = arith.mulf %get3A_1296, %broadcast_in_dim3A_1287 : vector<16xf32>
        %add3A_1298 = arith.addf %add3A_1254, %mul3A_1297 : vector<16xf32>
        %mul3A_1299 = arith.constant 50 : i32
        %mul3A_1300 = arith.muli %scan3A_66, %mul3A_1299 : i32
        %add3A_1301 = arith.constant 27 : i32
        %add3A_1302 = arith.addi %mul3A_1300, %add3A_1301 : i32
        %get3A_1303 = arith.index_cast %add3A_1302 : i32 to index
        %get3A_1304 = arith.constant 16 : index
        %get3A_1305 = tpu.vector_load %arg10[%get3A_1303, %get3A_1304] {strides = array<i32>} : memref<400x64xf32, #tpu.memory_space<vmem>>, vector<1x16xf32>,
        %get3A_1306 = vector.shape_cast %get3A_1305 : vector<1x16xf32> to vector<16xf32>
        %mul3A_1307 = arith.mulf %get3A_1306, %broadcast_in_dim3A_1287 : vector<16xf32>
        %add3A_1308 = arith.addf %add3A_1264, %mul3A_1307 : vector<16xf32>
        %mul3A_1309 = arith.constant 50 : i32
        %mul3A_1310 = arith.muli %scan3A_66, %mul3A_1309 : i32
        %add3A_1311 = arith.constant 27 : i32
        %add3A_1312 = arith.addi %mul3A_1310, %add3A_1311 : i32
        %get3A_1313 = arith.index_cast %add3A_1312 : i32 to index
        %get3A_1314 = arith.constant 32 : index
        %get3A_1315 = tpu.vector_load %arg10[%get3A_1313, %get3A_1314] {strides = array<i32>} : memref<400x64xf32, #tpu.memory_space<vmem>>, vector<1x16xf32>,
        %get3A_1316 = vector.shape_cast %get3A_1315 : vector<1x16xf32> to vector<16xf32>
        %mul3A_1317 = arith.mulf %get3A_1316, %broadcast_in_dim3A_1287 : vector<16xf32>
        %add3A_1318 = arith.addf %add3A_1274, %mul3A_1317 : vector<16xf32>
        %mul3A_1319 = arith.constant 50 : i32
        %mul3A_1320 = arith.muli %scan3A_66, %mul3A_1319 : i32
        %add3A_1321 = arith.constant 27 : i32
        %add3A_1322 = arith.addi %mul3A_1320, %add3A_1321 : i32
        %get3A_1323 = arith.index_cast %add3A_1322 : i32 to index
        %get3A_1324 = arith.constant 48 : index
        %get3A_1325 = tpu.vector_load %arg10[%get3A_1323, %get3A_1324] {strides = array<i32>} : memref<400x64xf32, #tpu.memory_space<vmem>>, vector<1x16xf32>,
        %get3A_1326 = vector.shape_cast %get3A_1325 : vector<1x16xf32> to vector<16xf32>
        %mul3A_1327 = arith.mulf %get3A_1326, %broadcast_in_dim3A_1287 : vector<16xf32>
        %add3A_1328 = arith.addf %add3A_1284, %mul3A_1327 : vector<16xf32>
        %slice3A_1329 = vector.extract_strided_slice %convert_element_type3A_81 {offsets = [12], sizes = [1], strides = [1]} : vector<16xf32> to vector<1xf32>
        %squeeze3A_1330 = vector.extract %slice3A_1329[0] : f32 from vector<1xf32>
        %broadcast_in_dim3A_1331 = vector.broadcast %squeeze3A_1330 : f32 to vector<16xf32>
        %add3A_1332 = arith.addf %add3A_1288, %broadcast_in_dim3A_1331 : vector<16xf32>
        %mul3A_1333 = arith.constant 50 : i32
        %mul3A_1334 = arith.muli %scan3A_66, %mul3A_1333 : i32
        %add3A_1335 = arith.constant 28 : i32
        %add3A_1336 = arith.addi %mul3A_1334, %add3A_1335 : i32
        %get3A_1337 = arith.index_cast %add3A_1336 : i32 to index
        %get3A_1338 = arith.constant 0 : index
        %get3A_1339 = tpu.vector_load %arg10[%get3A_1337, %get3A_1338] {strides = array<i32>} : memref<400x64xf32, #tpu.memory_space<vmem>>, vector<1x16xf32>,
        %get3A_1340 = vector.shape_cast %get3A_1339 : vector<1x16xf32> to vector<16xf32>
        %mul3A_1341 = arith.mulf %get3A_1340, %broadcast_in_dim3A_1331 : vector<16xf32>
        %add3A_1342 = arith.addf %add3A_1298, %mul3A_1341 : vector<16xf32>
        %mul3A_1343 = arith.constant 50 : i32
        %mul3A_1344 = arith.muli %scan3A_66, %mul3A_1343 : i32
        %add3A_1345 = arith.constant 28 : i32
        %add3A_1346 = arith.addi %mul3A_1344, %add3A_1345 : i32
        %get3A_1347 = arith.index_cast %add3A_1346 : i32 to index
        %get3A_1348 = arith.constant 16 : index
        %get3A_1349 = tpu.vector_load %arg10[%get3A_1347, %get3A_1348] {strides = array<i32>} : memref<400x64xf32, #tpu.memory_space<vmem>>, vector<1x16xf32>,
        %get3A_1350 = vector.shape_cast %get3A_1349 : vector<1x16xf32> to vector<16xf32>
        %mul3A_1351 = arith.mulf %get3A_1350, %broadcast_in_dim3A_1331 : vector<16xf32>
        %add3A_1352 = arith.addf %add3A_1308, %mul3A_1351 : vector<16xf32>
        %mul3A_1353 = arith.constant 50 : i32
        %mul3A_1354 = arith.muli %scan3A_66, %mul3A_1353 : i32
        %add3A_1355 = arith.constant 28 : i32
        %add3A_1356 = arith.addi %mul3A_1354, %add3A_1355 : i32
        %get3A_1357 = arith.index_cast %add3A_1356 : i32 to index
        %get3A_1358 = arith.constant 32 : index
        %get3A_1359 = tpu.vector_load %arg10[%get3A_1357, %get3A_1358] {strides = array<i32>} : memref<400x64xf32, #tpu.memory_space<vmem>>, vector<1x16xf32>,
        %get3A_1360 = vector.shape_cast %get3A_1359 : vector<1x16xf32> to vector<16xf32>
        %mul3A_1361 = arith.mulf %get3A_1360, %broadcast_in_dim3A_1331 : vector<16xf32>
        %add3A_1362 = arith.addf %add3A_1318, %mul3A_1361 : vector<16xf32>
        %mul3A_1363 = arith.constant 50 : i32
        %mul3A_1364 = arith.muli %scan3A_66, %mul3A_1363 : i32
        %add3A_1365 = arith.constant 28 : i32
        %add3A_1366 = arith.addi %mul3A_1364, %add3A_1365 : i32
        %get3A_1367 = arith.index_cast %add3A_1366 : i32 to index
        %get3A_1368 = arith.constant 48 : index
        %get3A_1369 = tpu.vector_load %arg10[%get3A_1367, %get3A_1368] {strides = array<i32>} : memref<400x64xf32, #tpu.memory_space<vmem>>, vector<1x16xf32>,
        %get3A_1370 = vector.shape_cast %get3A_1369 : vector<1x16xf32> to vector<16xf32>
        %mul3A_1371 = arith.mulf %get3A_1370, %broadcast_in_dim3A_1331 : vector<16xf32>
        %add3A_1372 = arith.addf %add3A_1328, %mul3A_1371 : vector<16xf32>
        %slice3A_1373 = vector.extract_strided_slice %convert_element_type3A_81 {offsets = [13], sizes = [1], strides = [1]} : vector<16xf32> to vector<1xf32>
        %squeeze3A_1374 = vector.extract %slice3A_1373[0] : f32 from vector<1xf32>
        %broadcast_in_dim3A_1375 = vector.broadcast %squeeze3A_1374 : f32 to vector<16xf32>
        %add3A_1376 = arith.addf %add3A_1332, %broadcast_in_dim3A_1375 : vector<16xf32>
        %mul3A_1377 = arith.constant 50 : i32
        %mul3A_1378 = arith.muli %scan3A_66, %mul3A_1377 : i32
        %add3A_1379 = arith.constant 29 : i32
        %add3A_1380 = arith.addi %mul3A_1378, %add3A_1379 : i32
        %get3A_1381 = arith.index_cast %add3A_1380 : i32 to index
        %get3A_1382 = arith.constant 0 : index
        %get3A_1383 = tpu.vector_load %arg10[%get3A_1381, %get3A_1382] {strides = array<i32>} : memref<400x64xf32, #tpu.memory_space<vmem>>, vector<1x16xf32>,
        %get3A_1384 = vector.shape_cast %get3A_1383 : vector<1x16xf32> to vector<16xf32>
        %mul3A_1385 = arith.mulf %get3A_1384, %broadcast_in_dim3A_1375 : vector<16xf32>
        %add3A_1386 = arith.addf %add3A_1342, %mul3A_1385 : vector<16xf32>
        %mul3A_1387 = arith.constant 50 : i32
        %mul3A_1388 = arith.muli %scan3A_66, %mul3A_1387 : i32
        %add3A_1389 = arith.constant 29 : i32
        %add3A_1390 = arith.addi %mul3A_1388, %add3A_1389 : i32
        %get3A_1391 = arith.index_cast %add3A_1390 : i32 to index
        %get3A_1392 = arith.constant 16 : index
        %get3A_1393 = tpu.vector_load %arg10[%get3A_1391, %get3A_1392] {strides = array<i32>} : memref<400x64xf32, #tpu.memory_space<vmem>>, vector<1x16xf32>,
        %get3A_1394 = vector.shape_cast %get3A_1393 : vector<1x16xf32> to vector<16xf32>
        %mul3A_1395 = arith.mulf %get3A_1394, %broadcast_in_dim3A_1375 : vector<16xf32>
        %add3A_1396 = arith.addf %add3A_1352, %mul3A_1395 : vector<16xf32>
        %mul3A_1397 = arith.constant 50 : i32
        %mul3A_1398 = arith.muli %scan3A_66, %mul3A_1397 : i32
        %add3A_1399 = arith.constant 29 : i32
        %add3A_1400 = arith.addi %mul3A_1398, %add3A_1399 : i32
        %get3A_1401 = arith.index_cast %add3A_1400 : i32 to index
        %get3A_1402 = arith.constant 32 : index
        %get3A_1403 = tpu.vector_load %arg10[%get3A_1401, %get3A_1402] {strides = array<i32>} : memref<400x64xf32, #tpu.memory_space<vmem>>, vector<1x16xf32>,
        %get3A_1404 = vector.shape_cast %get3A_1403 : vector<1x16xf32> to vector<16xf32>
        %mul3A_1405 = arith.mulf %get3A_1404, %broadcast_in_dim3A_1375 : vector<16xf32>
        %add3A_1406 = arith.addf %add3A_1362, %mul3A_1405 : vector<16xf32>
        %mul3A_1407 = arith.constant 50 : i32
        %mul3A_1408 = arith.muli %scan3A_66, %mul3A_1407 : i32
        %add3A_1409 = arith.constant 29 : i32
        %add3A_1410 = arith.addi %mul3A_1408, %add3A_1409 : i32
        %get3A_1411 = arith.index_cast %add3A_1410 : i32 to index
        %get3A_1412 = arith.constant 48 : index
        %get3A_1413 = tpu.vector_load %arg10[%get3A_1411, %get3A_1412] {strides = array<i32>} : memref<400x64xf32, #tpu.memory_space<vmem>>, vector<1x16xf32>,
        %get3A_1414 = vector.shape_cast %get3A_1413 : vector<1x16xf32> to vector<16xf32>
        %mul3A_1415 = arith.mulf %get3A_1414, %broadcast_in_dim3A_1375 : vector<16xf32>
        %add3A_1416 = arith.addf %add3A_1372, %mul3A_1415 : vector<16xf32>
        %slice3A_1417 = vector.extract_strided_slice %convert_element_type3A_81 {offsets = [14], sizes = [1], strides = [1]} : vector<16xf32> to vector<1xf32>
        %squeeze3A_1418 = vector.extract %slice3A_1417[0] : f32 from vector<1xf32>
        %broadcast_in_dim3A_1419 = vector.broadcast %squeeze3A_1418 : f32 to vector<16xf32>
        %add3A_1420 = arith.addf %add3A_1376, %broadcast_in_dim3A_1419 : vector<16xf32>
        %mul3A_1421 = arith.constant 50 : i32
        %mul3A_1422 = arith.muli %scan3A_66, %mul3A_1421 : i32
        %add3A_1423 = arith.constant 30 : i32
        %add3A_1424 = arith.addi %mul3A_1422, %add3A_1423 : i32
        %get3A_1425 = arith.index_cast %add3A_1424 : i32 to index
        %get3A_1426 = arith.constant 0 : index
        %get3A_1427 = tpu.vector_load %arg10[%get3A_1425, %get3A_1426] {strides = array<i32>} : memref<400x64xf32, #tpu.memory_space<vmem>>, vector<1x16xf32>,
        %get3A_1428 = vector.shape_cast %get3A_1427 : vector<1x16xf32> to vector<16xf32>
        %mul3A_1429 = arith.mulf %get3A_1428, %broadcast_in_dim3A_1419 : vector<16xf32>
        %add3A_1430 = arith.addf %add3A_1386, %mul3A_1429 : vector<16xf32>
        %mul3A_1431 = arith.constant 50 : i32
        %mul3A_1432 = arith.muli %scan3A_66, %mul3A_1431 : i32
        %add3A_1433 = arith.constant 30 : i32
        %add3A_1434 = arith.addi %mul3A_1432, %add3A_1433 : i32
        %get3A_1435 = arith.index_cast %add3A_1434 : i32 to index
        %get3A_1436 = arith.constant 16 : index
        %get3A_1437 = tpu.vector_load %arg10[%get3A_1435, %get3A_1436] {strides = array<i32>} : memref<400x64xf32, #tpu.memory_space<vmem>>, vector<1x16xf32>,
        %get3A_1438 = vector.shape_cast %get3A_1437 : vector<1x16xf32> to vector<16xf32>
        %mul3A_1439 = arith.mulf %get3A_1438, %broadcast_in_dim3A_1419 : vector<16xf32>
        %add3A_1440 = arith.addf %add3A_1396, %mul3A_1439 : vector<16xf32>
        %mul3A_1441 = arith.constant 50 : i32
        %mul3A_1442 = arith.muli %scan3A_66, %mul3A_1441 : i32
        %add3A_1443 = arith.constant 30 : i32
        %add3A_1444 = arith.addi %mul3A_1442, %add3A_1443 : i32
        %get3A_1445 = arith.index_cast %add3A_1444 : i32 to index
        %get3A_1446 = arith.constant 32 : index
        %get3A_1447 = tpu.vector_load %arg10[%get3A_1445, %get3A_1446] {strides = array<i32>} : memref<400x64xf32, #tpu.memory_space<vmem>>, vector<1x16xf32>,
        %get3A_1448 = vector.shape_cast %get3A_1447 : vector<1x16xf32> to vector<16xf32>
        %mul3A_1449 = arith.mulf %get3A_1448, %broadcast_in_dim3A_1419 : vector<16xf32>
        %add3A_1450 = arith.addf %add3A_1406, %mul3A_1449 : vector<16xf32>
        %mul3A_1451 = arith.constant 50 : i32
        %mul3A_1452 = arith.muli %scan3A_66, %mul3A_1451 : i32
        %add3A_1453 = arith.constant 30 : i32
        %add3A_1454 = arith.addi %mul3A_1452, %add3A_1453 : i32
        %get3A_1455 = arith.index_cast %add3A_1454 : i32 to index
        %get3A_1456 = arith.constant 48 : index
        %get3A_1457 = tpu.vector_load %arg10[%get3A_1455, %get3A_1456] {strides = array<i32>} : memref<400x64xf32, #tpu.memory_space<vmem>>, vector<1x16xf32>,
        %get3A_1458 = vector.shape_cast %get3A_1457 : vector<1x16xf32> to vector<16xf32>
        %mul3A_1459 = arith.mulf %get3A_1458, %broadcast_in_dim3A_1419 : vector<16xf32>
        %add3A_1460 = arith.addf %add3A_1416, %mul3A_1459 : vector<16xf32>
        %slice3A_1461 = vector.extract_strided_slice %convert_element_type3A_81 {offsets = [15], sizes = [1], strides = [1]} : vector<16xf32> to vector<1xf32>
        %squeeze3A_1462 = vector.extract %slice3A_1461[0] : f32 from vector<1xf32>
        %broadcast_in_dim3A_1463 = vector.broadcast %squeeze3A_1462 : f32 to vector<16xf32>
        %add3A_1464 = arith.addf %add3A_1420, %broadcast_in_dim3A_1463 : vector<16xf32>
        %mul3A_1465 = arith.constant 50 : i32
        %mul3A_1466 = arith.muli %scan3A_66, %mul3A_1465 : i32
        %add3A_1467 = arith.constant 31 : i32
        %add3A_1468 = arith.addi %mul3A_1466, %add3A_1467 : i32
        %get3A_1469 = arith.index_cast %add3A_1468 : i32 to index
        %get3A_1470 = arith.constant 0 : index
        %get3A_1471 = tpu.vector_load %arg10[%get3A_1469, %get3A_1470] {strides = array<i32>} : memref<400x64xf32, #tpu.memory_space<vmem>>, vector<1x16xf32>,
        %get3A_1472 = vector.shape_cast %get3A_1471 : vector<1x16xf32> to vector<16xf32>
        %mul3A_1473 = arith.mulf %get3A_1472, %broadcast_in_dim3A_1463 : vector<16xf32>
        %add3A_1474 = arith.addf %add3A_1430, %mul3A_1473 : vector<16xf32>
        %mul3A_1475 = arith.constant 50 : i32
        %mul3A_1476 = arith.muli %scan3A_66, %mul3A_1475 : i32
        %add3A_1477 = arith.constant 31 : i32
        %add3A_1478 = arith.addi %mul3A_1476, %add3A_1477 : i32
        %get3A_1479 = arith.index_cast %add3A_1478 : i32 to index
        %get3A_1480 = arith.constant 16 : index
        %get3A_1481 = tpu.vector_load %arg10[%get3A_1479, %get3A_1480] {strides = array<i32>} : memref<400x64xf32, #tpu.memory_space<vmem>>, vector<1x16xf32>,
        %get3A_1482 = vector.shape_cast %get3A_1481 : vector<1x16xf32> to vector<16xf32>
        %mul3A_1483 = arith.mulf %get3A_1482, %broadcast_in_dim3A_1463 : vector<16xf32>
        %add3A_1484 = arith.addf %add3A_1440, %mul3A_1483 : vector<16xf32>
        %mul3A_1485 = arith.constant 50 : i32
        %mul3A_1486 = arith.muli %scan3A_66, %mul3A_1485 : i32
        %add3A_1487 = arith.constant 31 : i32
        %add3A_1488 = arith.addi %mul3A_1486, %add3A_1487 : i32
        %get3A_1489 = arith.index_cast %add3A_1488 : i32 to index
        %get3A_1490 = arith.constant 32 : index
        %get3A_1491 = tpu.vector_load %arg10[%get3A_1489, %get3A_1490] {strides = array<i32>} : memref<400x64xf32, #tpu.memory_space<vmem>>, vector<1x16xf32>,
        %get3A_1492 = vector.shape_cast %get3A_1491 : vector<1x16xf32> to vector<16xf32>
        %mul3A_1493 = arith.mulf %get3A_1492, %broadcast_in_dim3A_1463 : vector<16xf32>
        %add3A_1494 = arith.addf %add3A_1450, %mul3A_1493 : vector<16xf32>
        %mul3A_1495 = arith.constant 50 : i32
        %mul3A_1496 = arith.muli %scan3A_66, %mul3A_1495 : i32
        %add3A_1497 = arith.constant 31 : i32
        %add3A_1498 = arith.addi %mul3A_1496, %add3A_1497 : i32
        %get3A_1499 = arith.index_cast %add3A_1498 : i32 to index
        %get3A_1500 = arith.constant 48 : index
        %get3A_1501 = tpu.vector_load %arg10[%get3A_1499, %get3A_1500] {strides = array<i32>} : memref<400x64xf32, #tpu.memory_space<vmem>>, vector<1x16xf32>,
        %get3A_1502 = vector.shape_cast %get3A_1501 : vector<1x16xf32> to vector<16xf32>
        %mul3A_1503 = arith.mulf %get3A_1502, %broadcast_in_dim3A_1463 : vector<16xf32>
        %add3A_1504 = arith.addf %add3A_1460, %mul3A_1503 : vector<16xf32>
        %slice3A_1505 = vector.extract_strided_slice %convert_element_type3A_89 {offsets = [0], sizes = [1], strides = [1]} : vector<16xf32> to vector<1xf32>
        %squeeze3A_1506 = vector.extract %slice3A_1505[0] : f32 from vector<1xf32>
        %broadcast_in_dim3A_1507 = vector.broadcast %squeeze3A_1506 : f32 to vector<16xf32>
        %add3A_1508 = arith.addf %add3A_1464, %broadcast_in_dim3A_1507 : vector<16xf32>
        %mul3A_1509 = arith.constant 50 : i32
        %mul3A_1510 = arith.muli %scan3A_66, %mul3A_1509 : i32
        %add3A_1511 = arith.constant 32 : i32
        %add3A_1512 = arith.addi %mul3A_1510, %add3A_1511 : i32
        %get3A_1513 = arith.index_cast %add3A_1512 : i32 to index
        %get3A_1514 = arith.constant 0 : index
        %get3A_1515 = tpu.vector_load %arg10[%get3A_1513, %get3A_1514] {strides = array<i32>} : memref<400x64xf32, #tpu.memory_space<vmem>>, vector<1x16xf32>,
        %get3A_1516 = vector.shape_cast %get3A_1515 : vector<1x16xf32> to vector<16xf32>
        %mul3A_1517 = arith.mulf %get3A_1516, %broadcast_in_dim3A_1507 : vector<16xf32>
        %add3A_1518 = arith.addf %add3A_1474, %mul3A_1517 : vector<16xf32>
        %mul3A_1519 = arith.constant 50 : i32
        %mul3A_1520 = arith.muli %scan3A_66, %mul3A_1519 : i32
        %add3A_1521 = arith.constant 32 : i32
        %add3A_1522 = arith.addi %mul3A_1520, %add3A_1521 : i32
        %get3A_1523 = arith.index_cast %add3A_1522 : i32 to index
        %get3A_1524 = arith.constant 16 : index
        %get3A_1525 = tpu.vector_load %arg10[%get3A_1523, %get3A_1524] {strides = array<i32>} : memref<400x64xf32, #tpu.memory_space<vmem>>, vector<1x16xf32>,
        %get3A_1526 = vector.shape_cast %get3A_1525 : vector<1x16xf32> to vector<16xf32>
        %mul3A_1527 = arith.mulf %get3A_1526, %broadcast_in_dim3A_1507 : vector<16xf32>
        %add3A_1528 = arith.addf %add3A_1484, %mul3A_1527 : vector<16xf32>
        %mul3A_1529 = arith.constant 50 : i32
        %mul3A_1530 = arith.muli %scan3A_66, %mul3A_1529 : i32
        %add3A_1531 = arith.constant 32 : i32
        %add3A_1532 = arith.addi %mul3A_1530, %add3A_1531 : i32
        %get3A_1533 = arith.index_cast %add3A_1532 : i32 to index
        %get3A_1534 = arith.constant 32 : index
        %get3A_1535 = tpu.vector_load %arg10[%get3A_1533, %get3A_1534] {strides = array<i32>} : memref<400x64xf32, #tpu.memory_space<vmem>>, vector<1x16xf32>,
        %get3A_1536 = vector.shape_cast %get3A_1535 : vector<1x16xf32> to vector<16xf32>
        %mul3A_1537 = arith.mulf %get3A_1536, %broadcast_in_dim3A_1507 : vector<16xf32>
        %add3A_1538 = arith.addf %add3A_1494, %mul3A_1537 : vector<16xf32>
        %mul3A_1539 = arith.constant 50 : i32
        %mul3A_1540 = arith.muli %scan3A_66, %mul3A_1539 : i32
        %add3A_1541 = arith.constant 32 : i32
        %add3A_1542 = arith.addi %mul3A_1540, %add3A_1541 : i32
        %get3A_1543 = arith.index_cast %add3A_1542 : i32 to index
        %get3A_1544 = arith.constant 48 : index
        %get3A_1545 = tpu.vector_load %arg10[%get3A_1543, %get3A_1544] {strides = array<i32>} : memref<400x64xf32, #tpu.memory_space<vmem>>, vector<1x16xf32>,
        %get3A_1546 = vector.shape_cast %get3A_1545 : vector<1x16xf32> to vector<16xf32>
        %mul3A_1547 = arith.mulf %get3A_1546, %broadcast_in_dim3A_1507 : vector<16xf32>
        %add3A_1548 = arith.addf %add3A_1504, %mul3A_1547 : vector<16xf32>
        %slice3A_1549 = vector.extract_strided_slice %convert_element_type3A_89 {offsets = [1], sizes = [1], strides = [1]} : vector<16xf32> to vector<1xf32>
        %squeeze3A_1550 = vector.extract %slice3A_1549[0] : f32 from vector<1xf32>
        %broadcast_in_dim3A_1551 = vector.broadcast %squeeze3A_1550 : f32 to vector<16xf32>
        %add3A_1552 = arith.addf %add3A_1508, %broadcast_in_dim3A_1551 : vector<16xf32>
        %mul3A_1553 = arith.constant 50 : i32
        %mul3A_1554 = arith.muli %scan3A_66, %mul3A_1553 : i32
        %add3A_1555 = arith.constant 33 : i32
        %add3A_1556 = arith.addi %mul3A_1554, %add3A_1555 : i32
        %get3A_1557 = arith.index_cast %add3A_1556 : i32 to index
        %get3A_1558 = arith.constant 0 : index
        %get3A_1559 = tpu.vector_load %arg10[%get3A_1557, %get3A_1558] {strides = array<i32>} : memref<400x64xf32, #tpu.memory_space<vmem>>, vector<1x16xf32>,
        %get3A_1560 = vector.shape_cast %get3A_1559 : vector<1x16xf32> to vector<16xf32>
        %mul3A_1561 = arith.mulf %get3A_1560, %broadcast_in_dim3A_1551 : vector<16xf32>
        %add3A_1562 = arith.addf %add3A_1518, %mul3A_1561 : vector<16xf32>
        %mul3A_1563 = arith.constant 50 : i32
        %mul3A_1564 = arith.muli %scan3A_66, %mul3A_1563 : i32
        %add3A_1565 = arith.constant 33 : i32
        %add3A_1566 = arith.addi %mul3A_1564, %add3A_1565 : i32
        %get3A_1567 = arith.index_cast %add3A_1566 : i32 to index
        %get3A_1568 = arith.constant 16 : index
        %get3A_1569 = tpu.vector_load %arg10[%get3A_1567, %get3A_1568] {strides = array<i32>} : memref<400x64xf32, #tpu.memory_space<vmem>>, vector<1x16xf32>,
        %get3A_1570 = vector.shape_cast %get3A_1569 : vector<1x16xf32> to vector<16xf32>
        %mul3A_1571 = arith.mulf %get3A_1570, %broadcast_in_dim3A_1551 : vector<16xf32>
        %add3A_1572 = arith.addf %add3A_1528, %mul3A_1571 : vector<16xf32>
        %mul3A_1573 = arith.constant 50 : i32
        %mul3A_1574 = arith.muli %scan3A_66, %mul3A_1573 : i32
        %add3A_1575 = arith.constant 33 : i32
        %add3A_1576 = arith.addi %mul3A_1574, %add3A_1575 : i32
        %get3A_1577 = arith.index_cast %add3A_1576 : i32 to index
        %get3A_1578 = arith.constant 32 : index
        %get3A_1579 = tpu.vector_load %arg10[%get3A_1577, %get3A_1578] {strides = array<i32>} : memref<400x64xf32, #tpu.memory_space<vmem>>, vector<1x16xf32>,
        %get3A_1580 = vector.shape_cast %get3A_1579 : vector<1x16xf32> to vector<16xf32>
        %mul3A_1581 = arith.mulf %get3A_1580, %broadcast_in_dim3A_1551 : vector<16xf32>
        %add3A_1582 = arith.addf %add3A_1538, %mul3A_1581 : vector<16xf32>
        %mul3A_1583 = arith.constant 50 : i32
        %mul3A_1584 = arith.muli %scan3A_66, %mul3A_1583 : i32
        %add3A_1585 = arith.constant 33 : i32
        %add3A_1586 = arith.addi %mul3A_1584, %add3A_1585 : i32
        %get3A_1587 = arith.index_cast %add3A_1586 : i32 to index
        %get3A_1588 = arith.constant 48 : index
        %get3A_1589 = tpu.vector_load %arg10[%get3A_1587, %get3A_1588] {strides = array<i32>} : memref<400x64xf32, #tpu.memory_space<vmem>>, vector<1x16xf32>,
        %get3A_1590 = vector.shape_cast %get3A_1589 : vector<1x16xf32> to vector<16xf32>
        %mul3A_1591 = arith.mulf %get3A_1590, %broadcast_in_dim3A_1551 : vector<16xf32>
        %add3A_1592 = arith.addf %add3A_1548, %mul3A_1591 : vector<16xf32>
        %slice3A_1593 = vector.extract_strided_slice %convert_element_type3A_89 {offsets = [2], sizes = [1], strides = [1]} : vector<16xf32> to vector<1xf32>
        %squeeze3A_1594 = vector.extract %slice3A_1593[0] : f32 from vector<1xf32>
        %broadcast_in_dim3A_1595 = vector.broadcast %squeeze3A_1594 : f32 to vector<16xf32>
        %add3A_1596 = arith.addf %add3A_1552, %broadcast_in_dim3A_1595 : vector<16xf32>
        %mul3A_1597 = arith.constant 50 : i32
        %mul3A_1598 = arith.muli %scan3A_66, %mul3A_1597 : i32
        %add3A_1599 = arith.constant 34 : i32
        %add3A_1600 = arith.addi %mul3A_1598, %add3A_1599 : i32
        %get3A_1601 = arith.index_cast %add3A_1600 : i32 to index
        %get3A_1602 = arith.constant 0 : index
        %get3A_1603 = tpu.vector_load %arg10[%get3A_1601, %get3A_1602] {strides = array<i32>} : memref<400x64xf32, #tpu.memory_space<vmem>>, vector<1x16xf32>,
        %get3A_1604 = vector.shape_cast %get3A_1603 : vector<1x16xf32> to vector<16xf32>
        %mul3A_1605 = arith.mulf %get3A_1604, %broadcast_in_dim3A_1595 : vector<16xf32>
        %add3A_1606 = arith.addf %add3A_1562, %mul3A_1605 : vector<16xf32>
        %mul3A_1607 = arith.constant 50 : i32
        %mul3A_1608 = arith.muli %scan3A_66, %mul3A_1607 : i32
        %add3A_1609 = arith.constant 34 : i32
        %add3A_1610 = arith.addi %mul3A_1608, %add3A_1609 : i32
        %get3A_1611 = arith.index_cast %add3A_1610 : i32 to index
        %get3A_1612 = arith.constant 16 : index
        %get3A_1613 = tpu.vector_load %arg10[%get3A_1611, %get3A_1612] {strides = array<i32>} : memref<400x64xf32, #tpu.memory_space<vmem>>, vector<1x16xf32>,
        %get3A_1614 = vector.shape_cast %get3A_1613 : vector<1x16xf32> to vector<16xf32>
        %mul3A_1615 = arith.mulf %get3A_1614, %broadcast_in_dim3A_1595 : vector<16xf32>
        %add3A_1616 = arith.addf %add3A_1572, %mul3A_1615 : vector<16xf32>
        %mul3A_1617 = arith.constant 50 : i32
        %mul3A_1618 = arith.muli %scan3A_66, %mul3A_1617 : i32
        %add3A_1619 = arith.constant 34 : i32
        %add3A_1620 = arith.addi %mul3A_1618, %add3A_1619 : i32
        %get3A_1621 = arith.index_cast %add3A_1620 : i32 to index
        %get3A_1622 = arith.constant 32 : index
        %get3A_1623 = tpu.vector_load %arg10[%get3A_1621, %get3A_1622] {strides = array<i32>} : memref<400x64xf32, #tpu.memory_space<vmem>>, vector<1x16xf32>,
        %get3A_1624 = vector.shape_cast %get3A_1623 : vector<1x16xf32> to vector<16xf32>
        %mul3A_1625 = arith.mulf %get3A_1624, %broadcast_in_dim3A_1595 : vector<16xf32>
        %add3A_1626 = arith.addf %add3A_1582, %mul3A_1625 : vector<16xf32>
        %mul3A_1627 = arith.constant 50 : i32
        %mul3A_1628 = arith.muli %scan3A_66, %mul3A_1627 : i32
        %add3A_1629 = arith.constant 34 : i32
        %add3A_1630 = arith.addi %mul3A_1628, %add3A_1629 : i32
        %get3A_1631 = arith.index_cast %add3A_1630 : i32 to index
        %get3A_1632 = arith.constant 48 : index
        %get3A_1633 = tpu.vector_load %arg10[%get3A_1631, %get3A_1632] {strides = array<i32>} : memref<400x64xf32, #tpu.memory_space<vmem>>, vector<1x16xf32>,
        %get3A_1634 = vector.shape_cast %get3A_1633 : vector<1x16xf32> to vector<16xf32>
        %mul3A_1635 = arith.mulf %get3A_1634, %broadcast_in_dim3A_1595 : vector<16xf32>
        %add3A_1636 = arith.addf %add3A_1592, %mul3A_1635 : vector<16xf32>
        %slice3A_1637 = vector.extract_strided_slice %convert_element_type3A_89 {offsets = [3], sizes = [1], strides = [1]} : vector<16xf32> to vector<1xf32>
        %squeeze3A_1638 = vector.extract %slice3A_1637[0] : f32 from vector<1xf32>
        %broadcast_in_dim3A_1639 = vector.broadcast %squeeze3A_1638 : f32 to vector<16xf32>
        %add3A_1640 = arith.addf %add3A_1596, %broadcast_in_dim3A_1639 : vector<16xf32>
        %mul3A_1641 = arith.constant 50 : i32
        %mul3A_1642 = arith.muli %scan3A_66, %mul3A_1641 : i32
        %add3A_1643 = arith.constant 35 : i32
        %add3A_1644 = arith.addi %mul3A_1642, %add3A_1643 : i32
        %get3A_1645 = arith.index_cast %add3A_1644 : i32 to index
        %get3A_1646 = arith.constant 0 : index
        %get3A_1647 = tpu.vector_load %arg10[%get3A_1645, %get3A_1646] {strides = array<i32>} : memref<400x64xf32, #tpu.memory_space<vmem>>, vector<1x16xf32>,
        %get3A_1648 = vector.shape_cast %get3A_1647 : vector<1x16xf32> to vector<16xf32>
        %mul3A_1649 = arith.mulf %get3A_1648, %broadcast_in_dim3A_1639 : vector<16xf32>
        %add3A_1650 = arith.addf %add3A_1606, %mul3A_1649 : vector<16xf32>
        %mul3A_1651 = arith.constant 50 : i32
        %mul3A_1652 = arith.muli %scan3A_66, %mul3A_1651 : i32
        %add3A_1653 = arith.constant 35 : i32
        %add3A_1654 = arith.addi %mul3A_1652, %add3A_1653 : i32
        %get3A_1655 = arith.index_cast %add3A_1654 : i32 to index
        %get3A_1656 = arith.constant 16 : index
        %get3A_1657 = tpu.vector_load %arg10[%get3A_1655, %get3A_1656] {strides = array<i32>} : memref<400x64xf32, #tpu.memory_space<vmem>>, vector<1x16xf32>,
        %get3A_1658 = vector.shape_cast %get3A_1657 : vector<1x16xf32> to vector<16xf32>
        %mul3A_1659 = arith.mulf %get3A_1658, %broadcast_in_dim3A_1639 : vector<16xf32>
        %add3A_1660 = arith.addf %add3A_1616, %mul3A_1659 : vector<16xf32>
        %mul3A_1661 = arith.constant 50 : i32
        %mul3A_1662 = arith.muli %scan3A_66, %mul3A_1661 : i32
        %add3A_1663 = arith.constant 35 : i32
        %add3A_1664 = arith.addi %mul3A_1662, %add3A_1663 : i32
        %get3A_1665 = arith.index_cast %add3A_1664 : i32 to index
        %get3A_1666 = arith.constant 32 : index
        %get3A_1667 = tpu.vector_load %arg10[%get3A_1665, %get3A_1666] {strides = array<i32>} : memref<400x64xf32, #tpu.memory_space<vmem>>, vector<1x16xf32>,
        %get3A_1668 = vector.shape_cast %get3A_1667 : vector<1x16xf32> to vector<16xf32>
        %mul3A_1669 = arith.mulf %get3A_1668, %broadcast_in_dim3A_1639 : vector<16xf32>
        %add3A_1670 = arith.addf %add3A_1626, %mul3A_1669 : vector<16xf32>
        %mul3A_1671 = arith.constant 50 : i32
        %mul3A_1672 = arith.muli %scan3A_66, %mul3A_1671 : i32
        %add3A_1673 = arith.constant 35 : i32
        %add3A_1674 = arith.addi %mul3A_1672, %add3A_1673 : i32
        %get3A_1675 = arith.index_cast %add3A_1674 : i32 to index
        %get3A_1676 = arith.constant 48 : index
        %get3A_1677 = tpu.vector_load %arg10[%get3A_1675, %get3A_1676] {strides = array<i32>} : memref<400x64xf32, #tpu.memory_space<vmem>>, vector<1x16xf32>,
        %get3A_1678 = vector.shape_cast %get3A_1677 : vector<1x16xf32> to vector<16xf32>
        %mul3A_1679 = arith.mulf %get3A_1678, %broadcast_in_dim3A_1639 : vector<16xf32>
        %add3A_1680 = arith.addf %add3A_1636, %mul3A_1679 : vector<16xf32>
        %slice3A_1681 = vector.extract_strided_slice %convert_element_type3A_89 {offsets = [4], sizes = [1], strides = [1]} : vector<16xf32> to vector<1xf32>
        %squeeze3A_1682 = vector.extract %slice3A_1681[0] : f32 from vector<1xf32>
        %broadcast_in_dim3A_1683 = vector.broadcast %squeeze3A_1682 : f32 to vector<16xf32>
        %add3A_1684 = arith.addf %add3A_1640, %broadcast_in_dim3A_1683 : vector<16xf32>
        %mul3A_1685 = arith.constant 50 : i32
        %mul3A_1686 = arith.muli %scan3A_66, %mul3A_1685 : i32
        %add3A_1687 = arith.constant 36 : i32
        %add3A_1688 = arith.addi %mul3A_1686, %add3A_1687 : i32
        %get3A_1689 = arith.index_cast %add3A_1688 : i32 to index
        %get3A_1690 = arith.constant 0 : index
        %get3A_1691 = tpu.vector_load %arg10[%get3A_1689, %get3A_1690] {strides = array<i32>} : memref<400x64xf32, #tpu.memory_space<vmem>>, vector<1x16xf32>,
        %get3A_1692 = vector.shape_cast %get3A_1691 : vector<1x16xf32> to vector<16xf32>
        %mul3A_1693 = arith.mulf %get3A_1692, %broadcast_in_dim3A_1683 : vector<16xf32>
        %add3A_1694 = arith.addf %add3A_1650, %mul3A_1693 : vector<16xf32>
        %mul3A_1695 = arith.constant 50 : i32
        %mul3A_1696 = arith.muli %scan3A_66, %mul3A_1695 : i32
        %add3A_1697 = arith.constant 36 : i32
        %add3A_1698 = arith.addi %mul3A_1696, %add3A_1697 : i32
        %get3A_1699 = arith.index_cast %add3A_1698 : i32 to index
        %get3A_1700 = arith.constant 16 : index
        %get3A_1701 = tpu.vector_load %arg10[%get3A_1699, %get3A_1700] {strides = array<i32>} : memref<400x64xf32, #tpu.memory_space<vmem>>, vector<1x16xf32>,
        %get3A_1702 = vector.shape_cast %get3A_1701 : vector<1x16xf32> to vector<16xf32>
        %mul3A_1703 = arith.mulf %get3A_1702, %broadcast_in_dim3A_1683 : vector<16xf32>
        %add3A_1704 = arith.addf %add3A_1660, %mul3A_1703 : vector<16xf32>
        %mul3A_1705 = arith.constant 50 : i32
        %mul3A_1706 = arith.muli %scan3A_66, %mul3A_1705 : i32
        %add3A_1707 = arith.constant 36 : i32
        %add3A_1708 = arith.addi %mul3A_1706, %add3A_1707 : i32
        %get3A_1709 = arith.index_cast %add3A_1708 : i32 to index
        %get3A_1710 = arith.constant 32 : index
        %get3A_1711 = tpu.vector_load %arg10[%get3A_1709, %get3A_1710] {strides = array<i32>} : memref<400x64xf32, #tpu.memory_space<vmem>>, vector<1x16xf32>,
        %get3A_1712 = vector.shape_cast %get3A_1711 : vector<1x16xf32> to vector<16xf32>
        %mul3A_1713 = arith.mulf %get3A_1712, %broadcast_in_dim3A_1683 : vector<16xf32>
        %add3A_1714 = arith.addf %add3A_1670, %mul3A_1713 : vector<16xf32>
        %mul3A_1715 = arith.constant 50 : i32
        %mul3A_1716 = arith.muli %scan3A_66, %mul3A_1715 : i32
        %add3A_1717 = arith.constant 36 : i32
        %add3A_1718 = arith.addi %mul3A_1716, %add3A_1717 : i32
        %get3A_1719 = arith.index_cast %add3A_1718 : i32 to index
        %get3A_1720 = arith.constant 48 : index
        %get3A_1721 = tpu.vector_load %arg10[%get3A_1719, %get3A_1720] {strides = array<i32>} : memref<400x64xf32, #tpu.memory_space<vmem>>, vector<1x16xf32>,
        %get3A_1722 = vector.shape_cast %get3A_1721 : vector<1x16xf32> to vector<16xf32>
        %mul3A_1723 = arith.mulf %get3A_1722, %broadcast_in_dim3A_1683 : vector<16xf32>
        %add3A_1724 = arith.addf %add3A_1680, %mul3A_1723 : vector<16xf32>
        %slice3A_1725 = vector.extract_strided_slice %convert_element_type3A_89 {offsets = [5], sizes = [1], strides = [1]} : vector<16xf32> to vector<1xf32>
        %squeeze3A_1726 = vector.extract %slice3A_1725[0] : f32 from vector<1xf32>
        %broadcast_in_dim3A_1727 = vector.broadcast %squeeze3A_1726 : f32 to vector<16xf32>
        %add3A_1728 = arith.addf %add3A_1684, %broadcast_in_dim3A_1727 : vector<16xf32>
        %mul3A_1729 = arith.constant 50 : i32
        %mul3A_1730 = arith.muli %scan3A_66, %mul3A_1729 : i32
        %add3A_1731 = arith.constant 37 : i32
        %add3A_1732 = arith.addi %mul3A_1730, %add3A_1731 : i32
        %get3A_1733 = arith.index_cast %add3A_1732 : i32 to index
        %get3A_1734 = arith.constant 0 : index
        %get3A_1735 = tpu.vector_load %arg10[%get3A_1733, %get3A_1734] {strides = array<i32>} : memref<400x64xf32, #tpu.memory_space<vmem>>, vector<1x16xf32>,
        %get3A_1736 = vector.shape_cast %get3A_1735 : vector<1x16xf32> to vector<16xf32>
        %mul3A_1737 = arith.mulf %get3A_1736, %broadcast_in_dim3A_1727 : vector<16xf32>
        %add3A_1738 = arith.addf %add3A_1694, %mul3A_1737 : vector<16xf32>
        %mul3A_1739 = arith.constant 50 : i32
        %mul3A_1740 = arith.muli %scan3A_66, %mul3A_1739 : i32
        %add3A_1741 = arith.constant 37 : i32
        %add3A_1742 = arith.addi %mul3A_1740, %add3A_1741 : i32
        %get3A_1743 = arith.index_cast %add3A_1742 : i32 to index
        %get3A_1744 = arith.constant 16 : index
        %get3A_1745 = tpu.vector_load %arg10[%get3A_1743, %get3A_1744] {strides = array<i32>} : memref<400x64xf32, #tpu.memory_space<vmem>>, vector<1x16xf32>,
        %get3A_1746 = vector.shape_cast %get3A_1745 : vector<1x16xf32> to vector<16xf32>
        %mul3A_1747 = arith.mulf %get3A_1746, %broadcast_in_dim3A_1727 : vector<16xf32>
        %add3A_1748 = arith.addf %add3A_1704, %mul3A_1747 : vector<16xf32>
        %mul3A_1749 = arith.constant 50 : i32
        %mul3A_1750 = arith.muli %scan3A_66, %mul3A_1749 : i32
        %add3A_1751 = arith.constant 37 : i32
        %add3A_1752 = arith.addi %mul3A_1750, %add3A_1751 : i32
        %get3A_1753 = arith.index_cast %add3A_1752 : i32 to index
        %get3A_1754 = arith.constant 32 : index
        %get3A_1755 = tpu.vector_load %arg10[%get3A_1753, %get3A_1754] {strides = array<i32>} : memref<400x64xf32, #tpu.memory_space<vmem>>, vector<1x16xf32>,
        %get3A_1756 = vector.shape_cast %get3A_1755 : vector<1x16xf32> to vector<16xf32>
        %mul3A_1757 = arith.mulf %get3A_1756, %broadcast_in_dim3A_1727 : vector<16xf32>
        %add3A_1758 = arith.addf %add3A_1714, %mul3A_1757 : vector<16xf32>
        %mul3A_1759 = arith.constant 50 : i32
        %mul3A_1760 = arith.muli %scan3A_66, %mul3A_1759 : i32
        %add3A_1761 = arith.constant 37 : i32
        %add3A_1762 = arith.addi %mul3A_1760, %add3A_1761 : i32
        %get3A_1763 = arith.index_cast %add3A_1762 : i32 to index
        %get3A_1764 = arith.constant 48 : index
        %get3A_1765 = tpu.vector_load %arg10[%get3A_1763, %get3A_1764] {strides = array<i32>} : memref<400x64xf32, #tpu.memory_space<vmem>>, vector<1x16xf32>,
        %get3A_1766 = vector.shape_cast %get3A_1765 : vector<1x16xf32> to vector<16xf32>
        %mul3A_1767 = arith.mulf %get3A_1766, %broadcast_in_dim3A_1727 : vector<16xf32>
        %add3A_1768 = arith.addf %add3A_1724, %mul3A_1767 : vector<16xf32>
        %slice3A_1769 = vector.extract_strided_slice %convert_element_type3A_89 {offsets = [6], sizes = [1], strides = [1]} : vector<16xf32> to vector<1xf32>
        %squeeze3A_1770 = vector.extract %slice3A_1769[0] : f32 from vector<1xf32>
        %broadcast_in_dim3A_1771 = vector.broadcast %squeeze3A_1770 : f32 to vector<16xf32>
        %add3A_1772 = arith.addf %add3A_1728, %broadcast_in_dim3A_1771 : vector<16xf32>
        %mul3A_1773 = arith.constant 50 : i32
        %mul3A_1774 = arith.muli %scan3A_66, %mul3A_1773 : i32
        %add3A_1775 = arith.constant 38 : i32
        %add3A_1776 = arith.addi %mul3A_1774, %add3A_1775 : i32
        %get3A_1777 = arith.index_cast %add3A_1776 : i32 to index
        %get3A_1778 = arith.constant 0 : index
        %get3A_1779 = tpu.vector_load %arg10[%get3A_1777, %get3A_1778] {strides = array<i32>} : memref<400x64xf32, #tpu.memory_space<vmem>>, vector<1x16xf32>,
        %get3A_1780 = vector.shape_cast %get3A_1779 : vector<1x16xf32> to vector<16xf32>
        %mul3A_1781 = arith.mulf %get3A_1780, %broadcast_in_dim3A_1771 : vector<16xf32>
        %add3A_1782 = arith.addf %add3A_1738, %mul3A_1781 : vector<16xf32>
        %mul3A_1783 = arith.constant 50 : i32
        %mul3A_1784 = arith.muli %scan3A_66, %mul3A_1783 : i32
        %add3A_1785 = arith.constant 38 : i32
        %add3A_1786 = arith.addi %mul3A_1784, %add3A_1785 : i32
        %get3A_1787 = arith.index_cast %add3A_1786 : i32 to index
        %get3A_1788 = arith.constant 16 : index
        %get3A_1789 = tpu.vector_load %arg10[%get3A_1787, %get3A_1788] {strides = array<i32>} : memref<400x64xf32, #tpu.memory_space<vmem>>, vector<1x16xf32>,
        %get3A_1790 = vector.shape_cast %get3A_1789 : vector<1x16xf32> to vector<16xf32>
        %mul3A_1791 = arith.mulf %get3A_1790, %broadcast_in_dim3A_1771 : vector<16xf32>
        %add3A_1792 = arith.addf %add3A_1748, %mul3A_1791 : vector<16xf32>
        %mul3A_1793 = arith.constant 50 : i32
        %mul3A_1794 = arith.muli %scan3A_66, %mul3A_1793 : i32
        %add3A_1795 = arith.constant 38 : i32
        %add3A_1796 = arith.addi %mul3A_1794, %add3A_1795 : i32
        %get3A_1797 = arith.index_cast %add3A_1796 : i32 to index
        %get3A_1798 = arith.constant 32 : index
        %get3A_1799 = tpu.vector_load %arg10[%get3A_1797, %get3A_1798] {strides = array<i32>} : memref<400x64xf32, #tpu.memory_space<vmem>>, vector<1x16xf32>,
        %get3A_1800 = vector.shape_cast %get3A_1799 : vector<1x16xf32> to vector<16xf32>
        %mul3A_1801 = arith.mulf %get3A_1800, %broadcast_in_dim3A_1771 : vector<16xf32>
        %add3A_1802 = arith.addf %add3A_1758, %mul3A_1801 : vector<16xf32>
        %mul3A_1803 = arith.constant 50 : i32
        %mul3A_1804 = arith.muli %scan3A_66, %mul3A_1803 : i32
        %add3A_1805 = arith.constant 38 : i32
        %add3A_1806 = arith.addi %mul3A_1804, %add3A_1805 : i32
        %get3A_1807 = arith.index_cast %add3A_1806 : i32 to index
        %get3A_1808 = arith.constant 48 : index
        %get3A_1809 = tpu.vector_load %arg10[%get3A_1807, %get3A_1808] {strides = array<i32>} : memref<400x64xf32, #tpu.memory_space<vmem>>, vector<1x16xf32>,
        %get3A_1810 = vector.shape_cast %get3A_1809 : vector<1x16xf32> to vector<16xf32>
        %mul3A_1811 = arith.mulf %get3A_1810, %broadcast_in_dim3A_1771 : vector<16xf32>
        %add3A_1812 = arith.addf %add3A_1768, %mul3A_1811 : vector<16xf32>
        %slice3A_1813 = vector.extract_strided_slice %convert_element_type3A_89 {offsets = [7], sizes = [1], strides = [1]} : vector<16xf32> to vector<1xf32>
        %squeeze3A_1814 = vector.extract %slice3A_1813[0] : f32 from vector<1xf32>
        %broadcast_in_dim3A_1815 = vector.broadcast %squeeze3A_1814 : f32 to vector<16xf32>
        %add3A_1816 = arith.addf %add3A_1772, %broadcast_in_dim3A_1815 : vector<16xf32>
        %mul3A_1817 = arith.constant 50 : i32
        %mul3A_1818 = arith.muli %scan3A_66, %mul3A_1817 : i32
        %add3A_1819 = arith.constant 39 : i32
        %add3A_1820 = arith.addi %mul3A_1818, %add3A_1819 : i32
        %get3A_1821 = arith.index_cast %add3A_1820 : i32 to index
        %get3A_1822 = arith.constant 0 : index
        %get3A_1823 = tpu.vector_load %arg10[%get3A_1821, %get3A_1822] {strides = array<i32>} : memref<400x64xf32, #tpu.memory_space<vmem>>, vector<1x16xf32>,
        %get3A_1824 = vector.shape_cast %get3A_1823 : vector<1x16xf32> to vector<16xf32>
        %mul3A_1825 = arith.mulf %get3A_1824, %broadcast_in_dim3A_1815 : vector<16xf32>
        %add3A_1826 = arith.addf %add3A_1782, %mul3A_1825 : vector<16xf32>
        %mul3A_1827 = arith.constant 50 : i32
        %mul3A_1828 = arith.muli %scan3A_66, %mul3A_1827 : i32
        %add3A_1829 = arith.constant 39 : i32
        %add3A_1830 = arith.addi %mul3A_1828, %add3A_1829 : i32
        %get3A_1831 = arith.index_cast %add3A_1830 : i32 to index
        %get3A_1832 = arith.constant 16 : index
        %get3A_1833 = tpu.vector_load %arg10[%get3A_1831, %get3A_1832] {strides = array<i32>} : memref<400x64xf32, #tpu.memory_space<vmem>>, vector<1x16xf32>,
        %get3A_1834 = vector.shape_cast %get3A_1833 : vector<1x16xf32> to vector<16xf32>
        %mul3A_1835 = arith.mulf %get3A_1834, %broadcast_in_dim3A_1815 : vector<16xf32>
        %add3A_1836 = arith.addf %add3A_1792, %mul3A_1835 : vector<16xf32>
        %mul3A_1837 = arith.constant 50 : i32
        %mul3A_1838 = arith.muli %scan3A_66, %mul3A_1837 : i32
        %add3A_1839 = arith.constant 39 : i32
        %add3A_1840 = arith.addi %mul3A_1838, %add3A_1839 : i32
        %get3A_1841 = arith.index_cast %add3A_1840 : i32 to index
        %get3A_1842 = arith.constant 32 : index
        %get3A_1843 = tpu.vector_load %arg10[%get3A_1841, %get3A_1842] {strides = array<i32>} : memref<400x64xf32, #tpu.memory_space<vmem>>, vector<1x16xf32>,
        %get3A_1844 = vector.shape_cast %get3A_1843 : vector<1x16xf32> to vector<16xf32>
        %mul3A_1845 = arith.mulf %get3A_1844, %broadcast_in_dim3A_1815 : vector<16xf32>
        %add3A_1846 = arith.addf %add3A_1802, %mul3A_1845 : vector<16xf32>
        %mul3A_1847 = arith.constant 50 : i32
        %mul3A_1848 = arith.muli %scan3A_66, %mul3A_1847 : i32
        %add3A_1849 = arith.constant 39 : i32
        %add3A_1850 = arith.addi %mul3A_1848, %add3A_1849 : i32
        %get3A_1851 = arith.index_cast %add3A_1850 : i32 to index
        %get3A_1852 = arith.constant 48 : index
        %get3A_1853 = tpu.vector_load %arg10[%get3A_1851, %get3A_1852] {strides = array<i32>} : memref<400x64xf32, #tpu.memory_space<vmem>>, vector<1x16xf32>,
        %get3A_1854 = vector.shape_cast %get3A_1853 : vector<1x16xf32> to vector<16xf32>
        %mul3A_1855 = arith.mulf %get3A_1854, %broadcast_in_dim3A_1815 : vector<16xf32>
        %add3A_1856 = arith.addf %add3A_1812, %mul3A_1855 : vector<16xf32>
        %slice3A_1857 = vector.extract_strided_slice %convert_element_type3A_89 {offsets = [8], sizes = [1], strides = [1]} : vector<16xf32> to vector<1xf32>
        %squeeze3A_1858 = vector.extract %slice3A_1857[0] : f32 from vector<1xf32>
        %broadcast_in_dim3A_1859 = vector.broadcast %squeeze3A_1858 : f32 to vector<16xf32>
        %add3A_1860 = arith.addf %add3A_1816, %broadcast_in_dim3A_1859 : vector<16xf32>
        %mul3A_1861 = arith.constant 50 : i32
        %mul3A_1862 = arith.muli %scan3A_66, %mul3A_1861 : i32
        %add3A_1863 = arith.constant 40 : i32
        %add3A_1864 = arith.addi %mul3A_1862, %add3A_1863 : i32
        %get3A_1865 = arith.index_cast %add3A_1864 : i32 to index
        %get3A_1866 = arith.constant 0 : index
        %get3A_1867 = tpu.vector_load %arg10[%get3A_1865, %get3A_1866] {strides = array<i32>} : memref<400x64xf32, #tpu.memory_space<vmem>>, vector<1x16xf32>,
        %get3A_1868 = vector.shape_cast %get3A_1867 : vector<1x16xf32> to vector<16xf32>
        %mul3A_1869 = arith.mulf %get3A_1868, %broadcast_in_dim3A_1859 : vector<16xf32>
        %add3A_1870 = arith.addf %add3A_1826, %mul3A_1869 : vector<16xf32>
        %mul3A_1871 = arith.constant 50 : i32
        %mul3A_1872 = arith.muli %scan3A_66, %mul3A_1871 : i32
        %add3A_1873 = arith.constant 40 : i32
        %add3A_1874 = arith.addi %mul3A_1872, %add3A_1873 : i32
        %get3A_1875 = arith.index_cast %add3A_1874 : i32 to index
        %get3A_1876 = arith.constant 16 : index
        %get3A_1877 = tpu.vector_load %arg10[%get3A_1875, %get3A_1876] {strides = array<i32>} : memref<400x64xf32, #tpu.memory_space<vmem>>, vector<1x16xf32>,
        %get3A_1878 = vector.shape_cast %get3A_1877 : vector<1x16xf32> to vector<16xf32>
        %mul3A_1879 = arith.mulf %get3A_1878, %broadcast_in_dim3A_1859 : vector<16xf32>
        %add3A_1880 = arith.addf %add3A_1836, %mul3A_1879 : vector<16xf32>
        %mul3A_1881 = arith.constant 50 : i32
        %mul3A_1882 = arith.muli %scan3A_66, %mul3A_1881 : i32
        %add3A_1883 = arith.constant 40 : i32
        %add3A_1884 = arith.addi %mul3A_1882, %add3A_1883 : i32
        %get3A_1885 = arith.index_cast %add3A_1884 : i32 to index
        %get3A_1886 = arith.constant 32 : index
        %get3A_1887 = tpu.vector_load %arg10[%get3A_1885, %get3A_1886] {strides = array<i32>} : memref<400x64xf32, #tpu.memory_space<vmem>>, vector<1x16xf32>,
        %get3A_1888 = vector.shape_cast %get3A_1887 : vector<1x16xf32> to vector<16xf32>
        %mul3A_1889 = arith.mulf %get3A_1888, %broadcast_in_dim3A_1859 : vector<16xf32>
        %add3A_1890 = arith.addf %add3A_1846, %mul3A_1889 : vector<16xf32>
        %mul3A_1891 = arith.constant 50 : i32
        %mul3A_1892 = arith.muli %scan3A_66, %mul3A_1891 : i32
        %add3A_1893 = arith.constant 40 : i32
        %add3A_1894 = arith.addi %mul3A_1892, %add3A_1893 : i32
        %get3A_1895 = arith.index_cast %add3A_1894 : i32 to index
        %get3A_1896 = arith.constant 48 : index
        %get3A_1897 = tpu.vector_load %arg10[%get3A_1895, %get3A_1896] {strides = array<i32>} : memref<400x64xf32, #tpu.memory_space<vmem>>, vector<1x16xf32>,
        %get3A_1898 = vector.shape_cast %get3A_1897 : vector<1x16xf32> to vector<16xf32>
        %mul3A_1899 = arith.mulf %get3A_1898, %broadcast_in_dim3A_1859 : vector<16xf32>
        %add3A_1900 = arith.addf %add3A_1856, %mul3A_1899 : vector<16xf32>
        %slice3A_1901 = vector.extract_strided_slice %convert_element_type3A_89 {offsets = [9], sizes = [1], strides = [1]} : vector<16xf32> to vector<1xf32>
        %squeeze3A_1902 = vector.extract %slice3A_1901[0] : f32 from vector<1xf32>
        %broadcast_in_dim3A_1903 = vector.broadcast %squeeze3A_1902 : f32 to vector<16xf32>
        %add3A_1904 = arith.addf %add3A_1860, %broadcast_in_dim3A_1903 : vector<16xf32>
        %mul3A_1905 = arith.constant 50 : i32
        %mul3A_1906 = arith.muli %scan3A_66, %mul3A_1905 : i32
        %add3A_1907 = arith.constant 41 : i32
        %add3A_1908 = arith.addi %mul3A_1906, %add3A_1907 : i32
        %get3A_1909 = arith.index_cast %add3A_1908 : i32 to index
        %get3A_1910 = arith.constant 0 : index
        %get3A_1911 = tpu.vector_load %arg10[%get3A_1909, %get3A_1910] {strides = array<i32>} : memref<400x64xf32, #tpu.memory_space<vmem>>, vector<1x16xf32>,
        %get3A_1912 = vector.shape_cast %get3A_1911 : vector<1x16xf32> to vector<16xf32>
        %mul3A_1913 = arith.mulf %get3A_1912, %broadcast_in_dim3A_1903 : vector<16xf32>
        %add3A_1914 = arith.addf %add3A_1870, %mul3A_1913 : vector<16xf32>
        %mul3A_1915 = arith.constant 50 : i32
        %mul3A_1916 = arith.muli %scan3A_66, %mul3A_1915 : i32
        %add3A_1917 = arith.constant 41 : i32
        %add3A_1918 = arith.addi %mul3A_1916, %add3A_1917 : i32
        %get3A_1919 = arith.index_cast %add3A_1918 : i32 to index
        %get3A_1920 = arith.constant 16 : index
        %get3A_1921 = tpu.vector_load %arg10[%get3A_1919, %get3A_1920] {strides = array<i32>} : memref<400x64xf32, #tpu.memory_space<vmem>>, vector<1x16xf32>,
        %get3A_1922 = vector.shape_cast %get3A_1921 : vector<1x16xf32> to vector<16xf32>
        %mul3A_1923 = arith.mulf %get3A_1922, %broadcast_in_dim3A_1903 : vector<16xf32>
        %add3A_1924 = arith.addf %add3A_1880, %mul3A_1923 : vector<16xf32>
        %mul3A_1925 = arith.constant 50 : i32
        %mul3A_1926 = arith.muli %scan3A_66, %mul3A_1925 : i32
        %add3A_1927 = arith.constant 41 : i32
        %add3A_1928 = arith.addi %mul3A_1926, %add3A_1927 : i32
        %get3A_1929 = arith.index_cast %add3A_1928 : i32 to index
        %get3A_1930 = arith.constant 32 : index
        %get3A_1931 = tpu.vector_load %arg10[%get3A_1929, %get3A_1930] {strides = array<i32>} : memref<400x64xf32, #tpu.memory_space<vmem>>, vector<1x16xf32>,
        %get3A_1932 = vector.shape_cast %get3A_1931 : vector<1x16xf32> to vector<16xf32>
        %mul3A_1933 = arith.mulf %get3A_1932, %broadcast_in_dim3A_1903 : vector<16xf32>
        %add3A_1934 = arith.addf %add3A_1890, %mul3A_1933 : vector<16xf32>
        %mul3A_1935 = arith.constant 50 : i32
        %mul3A_1936 = arith.muli %scan3A_66, %mul3A_1935 : i32
        %add3A_1937 = arith.constant 41 : i32
        %add3A_1938 = arith.addi %mul3A_1936, %add3A_1937 : i32
        %get3A_1939 = arith.index_cast %add3A_1938 : i32 to index
        %get3A_1940 = arith.constant 48 : index
        %get3A_1941 = tpu.vector_load %arg10[%get3A_1939, %get3A_1940] {strides = array<i32>} : memref<400x64xf32, #tpu.memory_space<vmem>>, vector<1x16xf32>,
        %get3A_1942 = vector.shape_cast %get3A_1941 : vector<1x16xf32> to vector<16xf32>
        %mul3A_1943 = arith.mulf %get3A_1942, %broadcast_in_dim3A_1903 : vector<16xf32>
        %add3A_1944 = arith.addf %add3A_1900, %mul3A_1943 : vector<16xf32>
        %slice3A_1945 = vector.extract_strided_slice %convert_element_type3A_89 {offsets = [10], sizes = [1], strides = [1]} : vector<16xf32> to vector<1xf32>
        %squeeze3A_1946 = vector.extract %slice3A_1945[0] : f32 from vector<1xf32>
        %broadcast_in_dim3A_1947 = vector.broadcast %squeeze3A_1946 : f32 to vector<16xf32>
        %add3A_1948 = arith.addf %add3A_1904, %broadcast_in_dim3A_1947 : vector<16xf32>
        %mul3A_1949 = arith.constant 50 : i32
        %mul3A_1950 = arith.muli %scan3A_66, %mul3A_1949 : i32
        %add3A_1951 = arith.constant 42 : i32
        %add3A_1952 = arith.addi %mul3A_1950, %add3A_1951 : i32
        %get3A_1953 = arith.index_cast %add3A_1952 : i32 to index
        %get3A_1954 = arith.constant 0 : index
        %get3A_1955 = tpu.vector_load %arg10[%get3A_1953, %get3A_1954] {strides = array<i32>} : memref<400x64xf32, #tpu.memory_space<vmem>>, vector<1x16xf32>,
        %get3A_1956 = vector.shape_cast %get3A_1955 : vector<1x16xf32> to vector<16xf32>
        %mul3A_1957 = arith.mulf %get3A_1956, %broadcast_in_dim3A_1947 : vector<16xf32>
        %add3A_1958 = arith.addf %add3A_1914, %mul3A_1957 : vector<16xf32>
        %mul3A_1959 = arith.constant 50 : i32
        %mul3A_1960 = arith.muli %scan3A_66, %mul3A_1959 : i32
        %add3A_1961 = arith.constant 42 : i32
        %add3A_1962 = arith.addi %mul3A_1960, %add3A_1961 : i32
        %get3A_1963 = arith.index_cast %add3A_1962 : i32 to index
        %get3A_1964 = arith.constant 16 : index
        %get3A_1965 = tpu.vector_load %arg10[%get3A_1963, %get3A_1964] {strides = array<i32>} : memref<400x64xf32, #tpu.memory_space<vmem>>, vector<1x16xf32>,
        %get3A_1966 = vector.shape_cast %get3A_1965 : vector<1x16xf32> to vector<16xf32>
        %mul3A_1967 = arith.mulf %get3A_1966, %broadcast_in_dim3A_1947 : vector<16xf32>
        %add3A_1968 = arith.addf %add3A_1924, %mul3A_1967 : vector<16xf32>
        %mul3A_1969 = arith.constant 50 : i32
        %mul3A_1970 = arith.muli %scan3A_66, %mul3A_1969 : i32
        %add3A_1971 = arith.constant 42 : i32
        %add3A_1972 = arith.addi %mul3A_1970, %add3A_1971 : i32
        %get3A_1973 = arith.index_cast %add3A_1972 : i32 to index
        %get3A_1974 = arith.constant 32 : index
        %get3A_1975 = tpu.vector_load %arg10[%get3A_1973, %get3A_1974] {strides = array<i32>} : memref<400x64xf32, #tpu.memory_space<vmem>>, vector<1x16xf32>,
        %get3A_1976 = vector.shape_cast %get3A_1975 : vector<1x16xf32> to vector<16xf32>
        %mul3A_1977 = arith.mulf %get3A_1976, %broadcast_in_dim3A_1947 : vector<16xf32>
        %add3A_1978 = arith.addf %add3A_1934, %mul3A_1977 : vector<16xf32>
        %mul3A_1979 = arith.constant 50 : i32
        %mul3A_1980 = arith.muli %scan3A_66, %mul3A_1979 : i32
        %add3A_1981 = arith.constant 42 : i32
        %add3A_1982 = arith.addi %mul3A_1980, %add3A_1981 : i32
        %get3A_1983 = arith.index_cast %add3A_1982 : i32 to index
        %get3A_1984 = arith.constant 48 : index
        %get3A_1985 = tpu.vector_load %arg10[%get3A_1983, %get3A_1984] {strides = array<i32>} : memref<400x64xf32, #tpu.memory_space<vmem>>, vector<1x16xf32>,
        %get3A_1986 = vector.shape_cast %get3A_1985 : vector<1x16xf32> to vector<16xf32>
        %mul3A_1987 = arith.mulf %get3A_1986, %broadcast_in_dim3A_1947 : vector<16xf32>
        %add3A_1988 = arith.addf %add3A_1944, %mul3A_1987 : vector<16xf32>
        %slice3A_1989 = vector.extract_strided_slice %convert_element_type3A_89 {offsets = [11], sizes = [1], strides = [1]} : vector<16xf32> to vector<1xf32>
        %squeeze3A_1990 = vector.extract %slice3A_1989[0] : f32 from vector<1xf32>
        %broadcast_in_dim3A_1991 = vector.broadcast %squeeze3A_1990 : f32 to vector<16xf32>
        %add3A_1992 = arith.addf %add3A_1948, %broadcast_in_dim3A_1991 : vector<16xf32>
        %mul3A_1993 = arith.constant 50 : i32
        %mul3A_1994 = arith.muli %scan3A_66, %mul3A_1993 : i32
        %add3A_1995 = arith.constant 43 : i32
        %add3A_1996 = arith.addi %mul3A_1994, %add3A_1995 : i32
        %get3A_1997 = arith.index_cast %add3A_1996 : i32 to index
        %get3A_1998 = arith.constant 0 : index
        %get3A_1999 = tpu.vector_load %arg10[%get3A_1997, %get3A_1998] {strides = array<i32>} : memref<400x64xf32, #tpu.memory_space<vmem>>, vector<1x16xf32>,
        %get3A_2000 = vector.shape_cast %get3A_1999 : vector<1x16xf32> to vector<16xf32>
        %mul3A_2001 = arith.mulf %get3A_2000, %broadcast_in_dim3A_1991 : vector<16xf32>
        %add3A_2002 = arith.addf %add3A_1958, %mul3A_2001 : vector<16xf32>
        %mul3A_2003 = arith.constant 50 : i32
        %mul3A_2004 = arith.muli %scan3A_66, %mul3A_2003 : i32
        %add3A_2005 = arith.constant 43 : i32
        %add3A_2006 = arith.addi %mul3A_2004, %add3A_2005 : i32
        %get3A_2007 = arith.index_cast %add3A_2006 : i32 to index
        %get3A_2008 = arith.constant 16 : index
        %get3A_2009 = tpu.vector_load %arg10[%get3A_2007, %get3A_2008] {strides = array<i32>} : memref<400x64xf32, #tpu.memory_space<vmem>>, vector<1x16xf32>,
        %get3A_2010 = vector.shape_cast %get3A_2009 : vector<1x16xf32> to vector<16xf32>
        %mul3A_2011 = arith.mulf %get3A_2010, %broadcast_in_dim3A_1991 : vector<16xf32>
        %add3A_2012 = arith.addf %add3A_1968, %mul3A_2011 : vector<16xf32>
        %mul3A_2013 = arith.constant 50 : i32
        %mul3A_2014 = arith.muli %scan3A_66, %mul3A_2013 : i32
        %add3A_2015 = arith.constant 43 : i32
        %add3A_2016 = arith.addi %mul3A_2014, %add3A_2015 : i32
        %get3A_2017 = arith.index_cast %add3A_2016 : i32 to index
        %get3A_2018 = arith.constant 32 : index
        %get3A_2019 = tpu.vector_load %arg10[%get3A_2017, %get3A_2018] {strides = array<i32>} : memref<400x64xf32, #tpu.memory_space<vmem>>, vector<1x16xf32>,
        %get3A_2020 = vector.shape_cast %get3A_2019 : vector<1x16xf32> to vector<16xf32>
        %mul3A_2021 = arith.mulf %get3A_2020, %broadcast_in_dim3A_1991 : vector<16xf32>
        %add3A_2022 = arith.addf %add3A_1978, %mul3A_2021 : vector<16xf32>
        %mul3A_2023 = arith.constant 50 : i32
        %mul3A_2024 = arith.muli %scan3A_66, %mul3A_2023 : i32
        %add3A_2025 = arith.constant 43 : i32
        %add3A_2026 = arith.addi %mul3A_2024, %add3A_2025 : i32
        %get3A_2027 = arith.index_cast %add3A_2026 : i32 to index
        %get3A_2028 = arith.constant 48 : index
        %get3A_2029 = tpu.vector_load %arg10[%get3A_2027, %get3A_2028] {strides = array<i32>} : memref<400x64xf32, #tpu.memory_space<vmem>>, vector<1x16xf32>,
        %get3A_2030 = vector.shape_cast %get3A_2029 : vector<1x16xf32> to vector<16xf32>
        %mul3A_2031 = arith.mulf %get3A_2030, %broadcast_in_dim3A_1991 : vector<16xf32>
        %add3A_2032 = arith.addf %add3A_1988, %mul3A_2031 : vector<16xf32>
        %slice3A_2033 = vector.extract_strided_slice %convert_element_type3A_89 {offsets = [12], sizes = [1], strides = [1]} : vector<16xf32> to vector<1xf32>
        %squeeze3A_2034 = vector.extract %slice3A_2033[0] : f32 from vector<1xf32>
        %broadcast_in_dim3A_2035 = vector.broadcast %squeeze3A_2034 : f32 to vector<16xf32>
        %add3A_2036 = arith.addf %add3A_1992, %broadcast_in_dim3A_2035 : vector<16xf32>
        %mul3A_2037 = arith.constant 50 : i32
        %mul3A_2038 = arith.muli %scan3A_66, %mul3A_2037 : i32
        %add3A_2039 = arith.constant 44 : i32
        %add3A_2040 = arith.addi %mul3A_2038, %add3A_2039 : i32
        %get3A_2041 = arith.index_cast %add3A_2040 : i32 to index
        %get3A_2042 = arith.constant 0 : index
        %get3A_2043 = tpu.vector_load %arg10[%get3A_2041, %get3A_2042] {strides = array<i32>} : memref<400x64xf32, #tpu.memory_space<vmem>>, vector<1x16xf32>,
        %get3A_2044 = vector.shape_cast %get3A_2043 : vector<1x16xf32> to vector<16xf32>
        %mul3A_2045 = arith.mulf %get3A_2044, %broadcast_in_dim3A_2035 : vector<16xf32>
        %add3A_2046 = arith.addf %add3A_2002, %mul3A_2045 : vector<16xf32>
        %mul3A_2047 = arith.constant 50 : i32
        %mul3A_2048 = arith.muli %scan3A_66, %mul3A_2047 : i32
        %add3A_2049 = arith.constant 44 : i32
        %add3A_2050 = arith.addi %mul3A_2048, %add3A_2049 : i32
        %get3A_2051 = arith.index_cast %add3A_2050 : i32 to index
        %get3A_2052 = arith.constant 16 : index
        %get3A_2053 = tpu.vector_load %arg10[%get3A_2051, %get3A_2052] {strides = array<i32>} : memref<400x64xf32, #tpu.memory_space<vmem>>, vector<1x16xf32>,
        %get3A_2054 = vector.shape_cast %get3A_2053 : vector<1x16xf32> to vector<16xf32>
        %mul3A_2055 = arith.mulf %get3A_2054, %broadcast_in_dim3A_2035 : vector<16xf32>
        %add3A_2056 = arith.addf %add3A_2012, %mul3A_2055 : vector<16xf32>
        %mul3A_2057 = arith.constant 50 : i32
        %mul3A_2058 = arith.muli %scan3A_66, %mul3A_2057 : i32
        %add3A_2059 = arith.constant 44 : i32
        %add3A_2060 = arith.addi %mul3A_2058, %add3A_2059 : i32
        %get3A_2061 = arith.index_cast %add3A_2060 : i32 to index
        %get3A_2062 = arith.constant 32 : index
        %get3A_2063 = tpu.vector_load %arg10[%get3A_2061, %get3A_2062] {strides = array<i32>} : memref<400x64xf32, #tpu.memory_space<vmem>>, vector<1x16xf32>,
        %get3A_2064 = vector.shape_cast %get3A_2063 : vector<1x16xf32> to vector<16xf32>
        %mul3A_2065 = arith.mulf %get3A_2064, %broadcast_in_dim3A_2035 : vector<16xf32>
        %add3A_2066 = arith.addf %add3A_2022, %mul3A_2065 : vector<16xf32>
        %mul3A_2067 = arith.constant 50 : i32
        %mul3A_2068 = arith.muli %scan3A_66, %mul3A_2067 : i32
        %add3A_2069 = arith.constant 44 : i32
        %add3A_2070 = arith.addi %mul3A_2068, %add3A_2069 : i32
        %get3A_2071 = arith.index_cast %add3A_2070 : i32 to index
        %get3A_2072 = arith.constant 48 : index
        %get3A_2073 = tpu.vector_load %arg10[%get3A_2071, %get3A_2072] {strides = array<i32>} : memref<400x64xf32, #tpu.memory_space<vmem>>, vector<1x16xf32>,
        %get3A_2074 = vector.shape_cast %get3A_2073 : vector<1x16xf32> to vector<16xf32>
        %mul3A_2075 = arith.mulf %get3A_2074, %broadcast_in_dim3A_2035 : vector<16xf32>
        %add3A_2076 = arith.addf %add3A_2032, %mul3A_2075 : vector<16xf32>
        %slice3A_2077 = vector.extract_strided_slice %convert_element_type3A_89 {offsets = [13], sizes = [1], strides = [1]} : vector<16xf32> to vector<1xf32>
        %squeeze3A_2078 = vector.extract %slice3A_2077[0] : f32 from vector<1xf32>
        %broadcast_in_dim3A_2079 = vector.broadcast %squeeze3A_2078 : f32 to vector<16xf32>
        %add3A_2080 = arith.addf %add3A_2036, %broadcast_in_dim3A_2079 : vector<16xf32>
        %mul3A_2081 = arith.constant 50 : i32
        %mul3A_2082 = arith.muli %scan3A_66, %mul3A_2081 : i32
        %add3A_2083 = arith.constant 45 : i32
        %add3A_2084 = arith.addi %mul3A_2082, %add3A_2083 : i32
        %get3A_2085 = arith.index_cast %add3A_2084 : i32 to index
        %get3A_2086 = arith.constant 0 : index
        %get3A_2087 = tpu.vector_load %arg10[%get3A_2085, %get3A_2086] {strides = array<i32>} : memref<400x64xf32, #tpu.memory_space<vmem>>, vector<1x16xf32>,
        %get3A_2088 = vector.shape_cast %get3A_2087 : vector<1x16xf32> to vector<16xf32>
        %mul3A_2089 = arith.mulf %get3A_2088, %broadcast_in_dim3A_2079 : vector<16xf32>
        %add3A_2090 = arith.addf %add3A_2046, %mul3A_2089 : vector<16xf32>
        %mul3A_2091 = arith.constant 50 : i32
        %mul3A_2092 = arith.muli %scan3A_66, %mul3A_2091 : i32
        %add3A_2093 = arith.constant 45 : i32
        %add3A_2094 = arith.addi %mul3A_2092, %add3A_2093 : i32
        %get3A_2095 = arith.index_cast %add3A_2094 : i32 to index
        %get3A_2096 = arith.constant 16 : index
        %get3A_2097 = tpu.vector_load %arg10[%get3A_2095, %get3A_2096] {strides = array<i32>} : memref<400x64xf32, #tpu.memory_space<vmem>>, vector<1x16xf32>,
        %get3A_2098 = vector.shape_cast %get3A_2097 : vector<1x16xf32> to vector<16xf32>
        %mul3A_2099 = arith.mulf %get3A_2098, %broadcast_in_dim3A_2079 : vector<16xf32>
        %add3A_2100 = arith.addf %add3A_2056, %mul3A_2099 : vector<16xf32>
        %mul3A_2101 = arith.constant 50 : i32
        %mul3A_2102 = arith.muli %scan3A_66, %mul3A_2101 : i32
        %add3A_2103 = arith.constant 45 : i32
        %add3A_2104 = arith.addi %mul3A_2102, %add3A_2103 : i32
        %get3A_2105 = arith.index_cast %add3A_2104 : i32 to index
        %get3A_2106 = arith.constant 32 : index
        %get3A_2107 = tpu.vector_load %arg10[%get3A_2105, %get3A_2106] {strides = array<i32>} : memref<400x64xf32, #tpu.memory_space<vmem>>, vector<1x16xf32>,
        %get3A_2108 = vector.shape_cast %get3A_2107 : vector<1x16xf32> to vector<16xf32>
        %mul3A_2109 = arith.mulf %get3A_2108, %broadcast_in_dim3A_2079 : vector<16xf32>
        %add3A_2110 = arith.addf %add3A_2066, %mul3A_2109 : vector<16xf32>
        %mul3A_2111 = arith.constant 50 : i32
        %mul3A_2112 = arith.muli %scan3A_66, %mul3A_2111 : i32
        %add3A_2113 = arith.constant 45 : i32
        %add3A_2114 = arith.addi %mul3A_2112, %add3A_2113 : i32
        %get3A_2115 = arith.index_cast %add3A_2114 : i32 to index
        %get3A_2116 = arith.constant 48 : index
        %get3A_2117 = tpu.vector_load %arg10[%get3A_2115, %get3A_2116] {strides = array<i32>} : memref<400x64xf32, #tpu.memory_space<vmem>>, vector<1x16xf32>,
        %get3A_2118 = vector.shape_cast %get3A_2117 : vector<1x16xf32> to vector<16xf32>
        %mul3A_2119 = arith.mulf %get3A_2118, %broadcast_in_dim3A_2079 : vector<16xf32>
        %add3A_2120 = arith.addf %add3A_2076, %mul3A_2119 : vector<16xf32>
        %slice3A_2121 = vector.extract_strided_slice %convert_element_type3A_89 {offsets = [14], sizes = [1], strides = [1]} : vector<16xf32> to vector<1xf32>
        %squeeze3A_2122 = vector.extract %slice3A_2121[0] : f32 from vector<1xf32>
        %broadcast_in_dim3A_2123 = vector.broadcast %squeeze3A_2122 : f32 to vector<16xf32>
        %add3A_2124 = arith.addf %add3A_2080, %broadcast_in_dim3A_2123 : vector<16xf32>
        %mul3A_2125 = arith.constant 50 : i32
        %mul3A_2126 = arith.muli %scan3A_66, %mul3A_2125 : i32
        %add3A_2127 = arith.constant 46 : i32
        %add3A_2128 = arith.addi %mul3A_2126, %add3A_2127 : i32
        %get3A_2129 = arith.index_cast %add3A_2128 : i32 to index
        %get3A_2130 = arith.constant 0 : index
        %get3A_2131 = tpu.vector_load %arg10[%get3A_2129, %get3A_2130] {strides = array<i32>} : memref<400x64xf32, #tpu.memory_space<vmem>>, vector<1x16xf32>,
        %get3A_2132 = vector.shape_cast %get3A_2131 : vector<1x16xf32> to vector<16xf32>
        %mul3A_2133 = arith.mulf %get3A_2132, %broadcast_in_dim3A_2123 : vector<16xf32>
        %add3A_2134 = arith.addf %add3A_2090, %mul3A_2133 : vector<16xf32>
        %mul3A_2135 = arith.constant 50 : i32
        %mul3A_2136 = arith.muli %scan3A_66, %mul3A_2135 : i32
        %add3A_2137 = arith.constant 46 : i32
        %add3A_2138 = arith.addi %mul3A_2136, %add3A_2137 : i32
        %get3A_2139 = arith.index_cast %add3A_2138 : i32 to index
        %get3A_2140 = arith.constant 16 : index
        %get3A_2141 = tpu.vector_load %arg10[%get3A_2139, %get3A_2140] {strides = array<i32>} : memref<400x64xf32, #tpu.memory_space<vmem>>, vector<1x16xf32>,
        %get3A_2142 = vector.shape_cast %get3A_2141 : vector<1x16xf32> to vector<16xf32>
        %mul3A_2143 = arith.mulf %get3A_2142, %broadcast_in_dim3A_2123 : vector<16xf32>
        %add3A_2144 = arith.addf %add3A_2100, %mul3A_2143 : vector<16xf32>
        %mul3A_2145 = arith.constant 50 : i32
        %mul3A_2146 = arith.muli %scan3A_66, %mul3A_2145 : i32
        %add3A_2147 = arith.constant 46 : i32
        %add3A_2148 = arith.addi %mul3A_2146, %add3A_2147 : i32
        %get3A_2149 = arith.index_cast %add3A_2148 : i32 to index
        %get3A_2150 = arith.constant 32 : index
        %get3A_2151 = tpu.vector_load %arg10[%get3A_2149, %get3A_2150] {strides = array<i32>} : memref<400x64xf32, #tpu.memory_space<vmem>>, vector<1x16xf32>,
        %get3A_2152 = vector.shape_cast %get3A_2151 : vector<1x16xf32> to vector<16xf32>
        %mul3A_2153 = arith.mulf %get3A_2152, %broadcast_in_dim3A_2123 : vector<16xf32>
        %add3A_2154 = arith.addf %add3A_2110, %mul3A_2153 : vector<16xf32>
        %mul3A_2155 = arith.constant 50 : i32
        %mul3A_2156 = arith.muli %scan3A_66, %mul3A_2155 : i32
        %add3A_2157 = arith.constant 46 : i32
        %add3A_2158 = arith.addi %mul3A_2156, %add3A_2157 : i32
        %get3A_2159 = arith.index_cast %add3A_2158 : i32 to index
        %get3A_2160 = arith.constant 48 : index
        %get3A_2161 = tpu.vector_load %arg10[%get3A_2159, %get3A_2160] {strides = array<i32>} : memref<400x64xf32, #tpu.memory_space<vmem>>, vector<1x16xf32>,
        %get3A_2162 = vector.shape_cast %get3A_2161 : vector<1x16xf32> to vector<16xf32>
        %mul3A_2163 = arith.mulf %get3A_2162, %broadcast_in_dim3A_2123 : vector<16xf32>
        %add3A_2164 = arith.addf %add3A_2120, %mul3A_2163 : vector<16xf32>
        %slice3A_2165 = vector.extract_strided_slice %convert_element_type3A_89 {offsets = [15], sizes = [1], strides = [1]} : vector<16xf32> to vector<1xf32>
        %squeeze3A_2166 = vector.extract %slice3A_2165[0] : f32 from vector<1xf32>
        %broadcast_in_dim3A_2167 = vector.broadcast %squeeze3A_2166 : f32 to vector<16xf32>
        %add3A_2168 = arith.addf %add3A_2124, %broadcast_in_dim3A_2167 : vector<16xf32>
        %mul3A_2169 = arith.constant 50 : i32
        %mul3A_2170 = arith.muli %scan3A_66, %mul3A_2169 : i32
        %add3A_2171 = arith.constant 47 : i32
        %add3A_2172 = arith.addi %mul3A_2170, %add3A_2171 : i32
        %get3A_2173 = arith.index_cast %add3A_2172 : i32 to index
        %get3A_2174 = arith.constant 0 : index
        %get3A_2175 = tpu.vector_load %arg10[%get3A_2173, %get3A_2174] {strides = array<i32>} : memref<400x64xf32, #tpu.memory_space<vmem>>, vector<1x16xf32>,
        %get3A_2176 = vector.shape_cast %get3A_2175 : vector<1x16xf32> to vector<16xf32>
        %mul3A_2177 = arith.mulf %get3A_2176, %broadcast_in_dim3A_2167 : vector<16xf32>
        %add3A_2178 = arith.addf %add3A_2134, %mul3A_2177 : vector<16xf32>
        %mul3A_2179 = arith.constant 50 : i32
        %mul3A_2180 = arith.muli %scan3A_66, %mul3A_2179 : i32
        %add3A_2181 = arith.constant 47 : i32
        %add3A_2182 = arith.addi %mul3A_2180, %add3A_2181 : i32
        %get3A_2183 = arith.index_cast %add3A_2182 : i32 to index
        %get3A_2184 = arith.constant 16 : index
        %get3A_2185 = tpu.vector_load %arg10[%get3A_2183, %get3A_2184] {strides = array<i32>} : memref<400x64xf32, #tpu.memory_space<vmem>>, vector<1x16xf32>,
        %get3A_2186 = vector.shape_cast %get3A_2185 : vector<1x16xf32> to vector<16xf32>
        %mul3A_2187 = arith.mulf %get3A_2186, %broadcast_in_dim3A_2167 : vector<16xf32>
        %add3A_2188 = arith.addf %add3A_2144, %mul3A_2187 : vector<16xf32>
        %mul3A_2189 = arith.constant 50 : i32
        %mul3A_2190 = arith.muli %scan3A_66, %mul3A_2189 : i32
        %add3A_2191 = arith.constant 47 : i32
        %add3A_2192 = arith.addi %mul3A_2190, %add3A_2191 : i32
        %get3A_2193 = arith.index_cast %add3A_2192 : i32 to index
        %get3A_2194 = arith.constant 32 : index
        %get3A_2195 = tpu.vector_load %arg10[%get3A_2193, %get3A_2194] {strides = array<i32>} : memref<400x64xf32, #tpu.memory_space<vmem>>, vector<1x16xf32>,
        %get3A_2196 = vector.shape_cast %get3A_2195 : vector<1x16xf32> to vector<16xf32>
        %mul3A_2197 = arith.mulf %get3A_2196, %broadcast_in_dim3A_2167 : vector<16xf32>
        %add3A_2198 = arith.addf %add3A_2154, %mul3A_2197 : vector<16xf32>
        %mul3A_2199 = arith.constant 50 : i32
        %mul3A_2200 = arith.muli %scan3A_66, %mul3A_2199 : i32
        %add3A_2201 = arith.constant 47 : i32
        %add3A_2202 = arith.addi %mul3A_2200, %add3A_2201 : i32
        %get3A_2203 = arith.index_cast %add3A_2202 : i32 to index
        %get3A_2204 = arith.constant 48 : index
        %get3A_2205 = tpu.vector_load %arg10[%get3A_2203, %get3A_2204] {strides = array<i32>} : memref<400x64xf32, #tpu.memory_space<vmem>>, vector<1x16xf32>,
        %get3A_2206 = vector.shape_cast %get3A_2205 : vector<1x16xf32> to vector<16xf32>
        %mul3A_2207 = arith.mulf %get3A_2206, %broadcast_in_dim3A_2167 : vector<16xf32>
        %add3A_2208 = arith.addf %add3A_2164, %mul3A_2207 : vector<16xf32>
        %slice3A_2209 = vector.extract_strided_slice %convert_element_type3A_97 {offsets = [0], sizes = [1], strides = [1]} : vector<16xf32> to vector<1xf32>
        %squeeze3A_2210 = vector.extract %slice3A_2209[0] : f32 from vector<1xf32>
        %broadcast_in_dim3A_2211 = vector.broadcast %squeeze3A_2210 : f32 to vector<16xf32>
        %add3A_2212 = arith.addf %add3A_2168, %broadcast_in_dim3A_2211 : vector<16xf32>
        %mul3A_2213 = arith.constant 50 : i32
        %mul3A_2214 = arith.muli %scan3A_66, %mul3A_2213 : i32
        %add3A_2215 = arith.constant 48 : i32
        %add3A_2216 = arith.addi %mul3A_2214, %add3A_2215 : i32
        %get3A_2217 = arith.index_cast %add3A_2216 : i32 to index
        %get3A_2218 = arith.constant 0 : index
        %get3A_2219 = tpu.vector_load %arg10[%get3A_2217, %get3A_2218] {strides = array<i32>} : memref<400x64xf32, #tpu.memory_space<vmem>>, vector<1x16xf32>,
        %get3A_2220 = vector.shape_cast %get3A_2219 : vector<1x16xf32> to vector<16xf32>
        %mul3A_2221 = arith.mulf %get3A_2220, %broadcast_in_dim3A_2211 : vector<16xf32>
        %add3A_2222 = arith.addf %add3A_2178, %mul3A_2221 : vector<16xf32>
        %mul3A_2223 = arith.constant 50 : i32
        %mul3A_2224 = arith.muli %scan3A_66, %mul3A_2223 : i32
        %add3A_2225 = arith.constant 48 : i32
        %add3A_2226 = arith.addi %mul3A_2224, %add3A_2225 : i32
        %get3A_2227 = arith.index_cast %add3A_2226 : i32 to index
        %get3A_2228 = arith.constant 16 : index
        %get3A_2229 = tpu.vector_load %arg10[%get3A_2227, %get3A_2228] {strides = array<i32>} : memref<400x64xf32, #tpu.memory_space<vmem>>, vector<1x16xf32>,
        %get3A_2230 = vector.shape_cast %get3A_2229 : vector<1x16xf32> to vector<16xf32>
        %mul3A_2231 = arith.mulf %get3A_2230, %broadcast_in_dim3A_2211 : vector<16xf32>
        %add3A_2232 = arith.addf %add3A_2188, %mul3A_2231 : vector<16xf32>
        %mul3A_2233 = arith.constant 50 : i32
        %mul3A_2234 = arith.muli %scan3A_66, %mul3A_2233 : i32
        %add3A_2235 = arith.constant 48 : i32
        %add3A_2236 = arith.addi %mul3A_2234, %add3A_2235 : i32
        %get3A_2237 = arith.index_cast %add3A_2236 : i32 to index
        %get3A_2238 = arith.constant 32 : index
        %get3A_2239 = tpu.vector_load %arg10[%get3A_2237, %get3A_2238] {strides = array<i32>} : memref<400x64xf32, #tpu.memory_space<vmem>>, vector<1x16xf32>,
        %get3A_2240 = vector.shape_cast %get3A_2239 : vector<1x16xf32> to vector<16xf32>
        %mul3A_2241 = arith.mulf %get3A_2240, %broadcast_in_dim3A_2211 : vector<16xf32>
        %add3A_2242 = arith.addf %add3A_2198, %mul3A_2241 : vector<16xf32>
        %mul3A_2243 = arith.constant 50 : i32
        %mul3A_2244 = arith.muli %scan3A_66, %mul3A_2243 : i32
        %add3A_2245 = arith.constant 48 : i32
        %add3A_2246 = arith.addi %mul3A_2244, %add3A_2245 : i32
        %get3A_2247 = arith.index_cast %add3A_2246 : i32 to index
        %get3A_2248 = arith.constant 48 : index
        %get3A_2249 = tpu.vector_load %arg10[%get3A_2247, %get3A_2248] {strides = array<i32>} : memref<400x64xf32, #tpu.memory_space<vmem>>, vector<1x16xf32>,
        %get3A_2250 = vector.shape_cast %get3A_2249 : vector<1x16xf32> to vector<16xf32>
        %mul3A_2251 = arith.mulf %get3A_2250, %broadcast_in_dim3A_2211 : vector<16xf32>
        %add3A_2252 = arith.addf %add3A_2208, %mul3A_2251 : vector<16xf32>
        %slice3A_2253 = vector.extract_strided_slice %convert_element_type3A_97 {offsets = [1], sizes = [1], strides = [1]} : vector<16xf32> to vector<1xf32>
        %squeeze3A_2254 = vector.extract %slice3A_2253[0] : f32 from vector<1xf32>
        %broadcast_in_dim3A_2255 = vector.broadcast %squeeze3A_2254 : f32 to vector<16xf32>
        %add3A_2256 = arith.addf %add3A_2212, %broadcast_in_dim3A_2255 : vector<16xf32>
        %mul3A_2257 = arith.constant 50 : i32
        %mul3A_2258 = arith.muli %scan3A_66, %mul3A_2257 : i32
        %add3A_2259 = arith.constant 49 : i32
        %add3A_2260 = arith.addi %mul3A_2258, %add3A_2259 : i32
        %get3A_2261 = arith.index_cast %add3A_2260 : i32 to index
        %get3A_2262 = arith.constant 0 : index
        %get3A_2263 = tpu.vector_load %arg10[%get3A_2261, %get3A_2262] {strides = array<i32>} : memref<400x64xf32, #tpu.memory_space<vmem>>, vector<1x16xf32>,
        %get3A_2264 = vector.shape_cast %get3A_2263 : vector<1x16xf32> to vector<16xf32>
        %mul3A_2265 = arith.mulf %get3A_2264, %broadcast_in_dim3A_2255 : vector<16xf32>
        %add3A_2266 = arith.addf %add3A_2222, %mul3A_2265 : vector<16xf32>
        %mul3A_2267 = arith.constant 50 : i32
        %mul3A_2268 = arith.muli %scan3A_66, %mul3A_2267 : i32
        %add3A_2269 = arith.constant 49 : i32
        %add3A_2270 = arith.addi %mul3A_2268, %add3A_2269 : i32
        %get3A_2271 = arith.index_cast %add3A_2270 : i32 to index
        %get3A_2272 = arith.constant 16 : index
        %get3A_2273 = tpu.vector_load %arg10[%get3A_2271, %get3A_2272] {strides = array<i32>} : memref<400x64xf32, #tpu.memory_space<vmem>>, vector<1x16xf32>,
        %get3A_2274 = vector.shape_cast %get3A_2273 : vector<1x16xf32> to vector<16xf32>
        %mul3A_2275 = arith.mulf %get3A_2274, %broadcast_in_dim3A_2255 : vector<16xf32>
        %add3A_2276 = arith.addf %add3A_2232, %mul3A_2275 : vector<16xf32>
        %mul3A_2277 = arith.constant 50 : i32
        %mul3A_2278 = arith.muli %scan3A_66, %mul3A_2277 : i32
        %add3A_2279 = arith.constant 49 : i32
        %add3A_2280 = arith.addi %mul3A_2278, %add3A_2279 : i32
        %get3A_2281 = arith.index_cast %add3A_2280 : i32 to index
        %get3A_2282 = arith.constant 32 : index
        %get3A_2283 = tpu.vector_load %arg10[%get3A_2281, %get3A_2282] {strides = array<i32>} : memref<400x64xf32, #tpu.memory_space<vmem>>, vector<1x16xf32>,
        %get3A_2284 = vector.shape_cast %get3A_2283 : vector<1x16xf32> to vector<16xf32>
        %mul3A_2285 = arith.mulf %get3A_2284, %broadcast_in_dim3A_2255 : vector<16xf32>
        %add3A_2286 = arith.addf %add3A_2242, %mul3A_2285 : vector<16xf32>
        %mul3A_2287 = arith.constant 50 : i32
        %mul3A_2288 = arith.muli %scan3A_66, %mul3A_2287 : i32
        %add3A_2289 = arith.constant 49 : i32
        %add3A_2290 = arith.addi %mul3A_2288, %add3A_2289 : i32
        %get3A_2291 = arith.index_cast %add3A_2290 : i32 to index
        %get3A_2292 = arith.constant 48 : index
        %get3A_2293 = tpu.vector_load %arg10[%get3A_2291, %get3A_2292] {strides = array<i32>} : memref<400x64xf32, #tpu.memory_space<vmem>>, vector<1x16xf32>,
        %get3A_2294 = vector.shape_cast %get3A_2293 : vector<1x16xf32> to vector<16xf32>
        %mul3A_2295 = arith.mulf %get3A_2294, %broadcast_in_dim3A_2255 : vector<16xf32>
        %add3A_2296 = arith.addf %add3A_2252, %mul3A_2295 : vector<16xf32>
        %max3A = arith.constant 1.000000e+00 : f32
        %max3A_2297 = vector.broadcast %max3A : f32 to vector<16xf32>
        %max3A_2298 = arith.maximumf %add3A_2256, %max3A_2297 : vector<16xf32>
        %div3A = arith.constant 1.000000e+00 : f32
        %div3A_2299 = vector.broadcast %div3A : f32 to vector<16xf32>
        %div3A_2300 = arith.divf %div3A_2299, %max3A_2298 : vector<16xf32>
        %mul3A_2301 = arith.mulf %add3A_2266, %div3A_2300 : vector<16xf32>
        %swap3A = arith.index_cast %scan3A_66 : i32 to index
        %swap3A_2302 = arith.constant 0 : index
        %swap3A_2303 = tpu.vector_load %arg12[%swap3A, %swap3A_2302] {strides = array<i32>} : memref<8x64xf32, #tpu.memory_space<vmem>>, vector<1x16xf32>,
        %swap3A_2304 = vector.shape_cast %swap3A_2303 : vector<1x16xf32> to vector<16xf32>
        %swap3A_2305 = vector.shape_cast %mul3A_2301 : vector<16xf32> to vector<1x16xf32>
        tpu.vector_store %arg12[%swap3A, %swap3A_2302], %swap3A_2305 {strides = array<i32>} : memref<8x64xf32, #tpu.memory_space<vmem>>, vector<1x16xf32>,
        %mul3A_2306 = arith.mulf %add3A_2276, %div3A_2300 : vector<16xf32>
        %swap3A_2307 = arith.index_cast %scan3A_66 : i32 to index
        %swap3A_2308 = arith.constant 16 : index
        %swap3A_2309 = tpu.vector_load %arg12[%swap3A_2307, %swap3A_2308] {strides = array<i32>} : memref<8x64xf32, #tpu.memory_space<vmem>>, vector<1x16xf32>,
        %swap3A_2310 = vector.shape_cast %swap3A_2309 : vector<1x16xf32> to vector<16xf32>
        %swap3A_2311 = vector.shape_cast %mul3A_2306 : vector<16xf32> to vector<1x16xf32>
        tpu.vector_store %arg12[%swap3A_2307, %swap3A_2308], %swap3A_2311 {strides = array<i32>} : memref<8x64xf32, #tpu.memory_space<vmem>>, vector<1x16xf32>,
        %mul3A_2312 = arith.mulf %add3A_2286, %div3A_2300 : vector<16xf32>
        %swap3A_2313 = arith.index_cast %scan3A_66 : i32 to index
        %swap3A_2314 = arith.constant 32 : index
        %swap3A_2315 = tpu.vector_load %arg12[%swap3A_2313, %swap3A_2314] {strides = array<i32>} : memref<8x64xf32, #tpu.memory_space<vmem>>, vector<1x16xf32>,
        %swap3A_2316 = vector.shape_cast %swap3A_2315 : vector<1x16xf32> to vector<16xf32>
        %swap3A_2317 = vector.shape_cast %mul3A_2312 : vector<16xf32> to vector<1x16xf32>
        tpu.vector_store %arg12[%swap3A_2313, %swap3A_2314], %swap3A_2317 {strides = array<i32>} : memref<8x64xf32, #tpu.memory_space<vmem>>, vector<1x16xf32>,
        %mul3A_2318 = arith.mulf %add3A_2296, %div3A_2300 : vector<16xf32>
        %swap3A_2319 = arith.index_cast %scan3A_66 : i32 to index
        %swap3A_2320 = arith.constant 48 : index
        %swap3A_2321 = tpu.vector_load %arg12[%swap3A_2319, %swap3A_2320] {strides = array<i32>} : memref<8x64xf32, #tpu.memory_space<vmem>>, vector<1x16xf32>,
        %swap3A_2322 = vector.shape_cast %swap3A_2321 : vector<1x16xf32> to vector<16xf32>
        %swap3A_2323 = vector.shape_cast %mul3A_2318 : vector<16xf32> to vector<1x16xf32>
        tpu.vector_store %arg12[%swap3A_2319, %swap3A_2320], %swap3A_2323 {strides = array<i32>} : memref<8x64xf32, #tpu.memory_space<vmem>>, vector<1x16xf32>,
      }
      %scan3A_43 = arith.constant 8 : i32
      "tpu.region"() ({
        %run_scoped3A = tpu.sem_alloc : memref<!tpu.dma_semaphore, #tpu.memory_space<semaphore_mem>>
        %dma_start3A_66 = arith.constant 0 : i32
        %dma_start3A_67 = tpu.memref_slice %arg5[%add3A_37, %dma_start3A_66] : memref<16384x64xf32, #tpu.memory_space<hbm>> -> memref<8x64xf32, #tpu.memory_space<hbm>>
        %dma_start3A_68 = arith.constant 0 : i32
        %dma_start3A_69 = tpu.memref_slice %arg5[%add3A_37, %dma_start3A_68] : memref<16384x64xf32, #tpu.memory_space<hbm>> -> memref<8x64xf32, #tpu.memory_space<hbm>>
        tpu.enqueue_dma source(%arg12 : memref<8x64xf32, #tpu.memory_space<vmem>>) target(%dma_start3A_69 : memref<8x64xf32, #tpu.memory_space<hbm>>) target_semaphore(%run_scoped3A : memref<!tpu.dma_semaphore, #tpu.memory_space<semaphore_mem>>)
        %dma_wait3A_70 = arith.constant 0 : i32
        %dma_wait3A_71 = tpu.memref_slice %arg5[%add3A_37, %dma_wait3A_70] : memref<16384x64xf32, #tpu.memory_space<hbm>> -> memref<8x64xf32, #tpu.memory_space<hbm>>
        %dma_wait3A_72 = arith.constant 0 : i32
        %dma_wait3A_73 = tpu.memref_slice %arg5[%add3A_37, %dma_wait3A_72] : memref<16384x64xf32, #tpu.memory_space<hbm>> -> memref<8x64xf32, #tpu.memory_space<hbm>>
        tpu.wait_dma2 semaphore(%run_scoped3A : memref<!tpu.dma_semaphore, #tpu.memory_space<semaphore_mem>>) src(%arg12 : memref<8x64xf32, #tpu.memory_space<vmem>>) dst(%dma_wait3A_73 : memref<8x64xf32, #tpu.memory_space<hbm>>)
        tpu.yield
      }) : () -> ()
      %mul3A_44 = arith.constant 2 : i32
      %mul3A_45 = arith.muli %mul3A_44, %scan3A_16 : i32
      %add3A_46 = arith.constant 2 : i32
      %add3A_47 = arith.addi %mul3A_45, %add3A_46 : i32
      %lt3A = arith.constant 64 : i32
      %lt3A_48 = arith.cmpi slt, %add3A_47, %lt3A : i32
      %convert_element_type3A = arith.extui %lt3A_48 : i1 to i32
      %cond3A = arith.constant 0 : i32
      %cond3A_49 = arith.cmpi ne, %convert_element_type3A, %cond3A : i32
      scf.if %cond3A_49 {
        %mul3A_66 = arith.constant 2 : i32
        %mul3A_67 = arith.muli %mul3A_66, %scan3A_16 : i32
        %add3A_68 = arith.constant 2 : i32
        %add3A_69 = arith.addi %mul3A_67, %add3A_68 : i32
        %mul3A_70 = arith.constant 8 : i32
        %mul3A_71 = arith.muli %add3A_69, %mul3A_70 : i32
        %add3A_72 = arith.addi %mul3A_2, %mul3A_71 : i32
        %mul3A_73 = arith.constant 50 : i32
        %mul3A_74 = arith.muli %add3A_72, %mul3A_73 : i32
        "tpu.region"() ({
          %run_scoped3A = tpu.sem_alloc : memref<!tpu.dma_semaphore, #tpu.memory_space<semaphore_mem>>
          %dma_start3A_80 = tpu.memref_slice %arg2[%mul3A_74] : memref<819200xi32, #tpu.memory_space<hbm>> -> memref<400xi32, #tpu.memory_space<hbm>>
          %dma_start3A_81 = tpu.memref_slice %arg2[%mul3A_74] : memref<819200xi32, #tpu.memory_space<hbm>> -> memref<400xi32, #tpu.memory_space<hbm>>
          tpu.enqueue_dma source(%dma_start3A_81 : memref<400xi32, #tpu.memory_space<hbm>>) target(%arg6 : memref<400xi32, #tpu.memory_space<vmem>>) target_semaphore(%run_scoped3A : memref<!tpu.dma_semaphore, #tpu.memory_space<semaphore_mem>>)
          %dma_wait3A_82 = tpu.memref_slice %arg2[%mul3A_74] : memref<819200xi32, #tpu.memory_space<hbm>> -> memref<400xi32, #tpu.memory_space<hbm>>
          %dma_wait3A_83 = tpu.memref_slice %arg2[%mul3A_74] : memref<819200xi32, #tpu.memory_space<hbm>> -> memref<400xi32, #tpu.memory_space<hbm>>
          tpu.wait_dma2 semaphore(%run_scoped3A : memref<!tpu.dma_semaphore, #tpu.memory_space<semaphore_mem>>) src(%dma_wait3A_83 : memref<400xi32, #tpu.memory_space<hbm>>) dst(%arg6 : memref<400xi32, #tpu.memory_space<vmem>>)
          tpu.yield
        }) : () -> ()
        %mul3A_75 = arith.constant 50 : i32
        %mul3A_76 = arith.muli %add3A_72, %mul3A_75 : i32
        "tpu.region"() ({
          %run_scoped3A = tpu.sem_alloc : memref<!tpu.dma_semaphore, #tpu.memory_space<semaphore_mem>>
          %dma_start3A_80 = arith.constant 0 : i32
          %dma_start3A_81 = tpu.memref_slice %arg8[%dma_start3A_80] : memref<416xi32, #tpu.memory_space<vmem>> -> memref<400xi32, #tpu.memory_space<vmem>>
          %dma_start3A_82 = tpu.memref_slice %arg3[%mul3A_76] : memref<819200xi32, #tpu.memory_space<hbm>> -> memref<400xi32, #tpu.memory_space<hbm>>
          %dma_start3A_83 = arith.constant 0 : i32
          %dma_start3A_84 = tpu.memref_slice %arg8[%dma_start3A_83] : memref<416xi32, #tpu.memory_space<vmem>> -> memref<400xi32, #tpu.memory_space<vmem>>
          %dma_start3A_85 = tpu.memref_slice %arg3[%mul3A_76] : memref<819200xi32, #tpu.memory_space<hbm>> -> memref<400xi32, #tpu.memory_space<hbm>>
          tpu.enqueue_dma source(%dma_start3A_85 : memref<400xi32, #tpu.memory_space<hbm>>) target(%dma_start3A_84 : memref<400xi32, #tpu.memory_space<vmem>>) target_semaphore(%run_scoped3A : memref<!tpu.dma_semaphore, #tpu.memory_space<semaphore_mem>>)
          %dma_wait3A_86 = arith.constant 0 : i32
          %dma_wait3A_87 = tpu.memref_slice %arg8[%dma_wait3A_86] : memref<416xi32, #tpu.memory_space<vmem>> -> memref<400xi32, #tpu.memory_space<vmem>>
          %dma_wait3A_88 = tpu.memref_slice %arg3[%mul3A_76] : memref<819200xi32, #tpu.memory_space<hbm>> -> memref<400xi32, #tpu.memory_space<hbm>>
          %dma_wait3A_89 = arith.constant 0 : i32
          %dma_wait3A_90 = tpu.memref_slice %arg8[%dma_wait3A_89] : memref<416xi32, #tpu.memory_space<vmem>> -> memref<400xi32, #tpu.memory_space<vmem>>
          %dma_wait3A_91 = tpu.memref_slice %arg3[%mul3A_76] : memref<819200xi32, #tpu.memory_space<hbm>> -> memref<400xi32, #tpu.memory_space<hbm>>
          tpu.wait_dma2 semaphore(%run_scoped3A : memref<!tpu.dma_semaphore, #tpu.memory_space<semaphore_mem>>) src(%dma_wait3A_91 : memref<400xi32, #tpu.memory_space<hbm>>) dst(%dma_wait3A_90 : memref<400xi32, #tpu.memory_space<vmem>>)
          tpu.yield
        }) : () -> ()
        %dma_start3A_77 = arith.constant 0 : i32
        %dma_start3A_78 = arith.constant 0 : i32
        %dma_start3A_79 = tpu.memref_slice %arg4[%dma_start3A_77, %dma_start3A_78] : memref<1000000x64xf32, #tpu.memory_space<hbm>> -> memref<1000000x64xf32, #tpu.memory_space<hbm>>
        tpu.enqueue_indirect_dma source(%dma_start3A_79 : memref<1000000x64xf32, #tpu.memory_space<hbm>>) target(%arg10 : memref<400x64xf32, #tpu.memory_space<vmem>>) offsets(%arg6 : memref<400xi32, #tpu.memory_space<vmem>>) semaphore(%arg13 : memref<!tpu.dma_semaphore, #tpu.memory_space<semaphore_mem>>)
      } else {
      }
      %dma_wait3A_50 = arith.constant 0 : i32
      %dma_wait3A_51 = arith.constant 0 : i32
      %dma_wait3A_52 = tpu.memref_slice %arg4[%dma_wait3A_50, %dma_wait3A_51] : memref<1000000x64xf32, #tpu.memory_space<hbm>> -> memref<1000000x64xf32, #tpu.memory_space<hbm>>
      tpu.wait_indirect_dma semaphore(%arg14 : memref<!tpu.dma_semaphore, #tpu.memory_space<semaphore_mem>>) src(%dma_wait3A_52 : memref<1000000x64xf32, #tpu.memory_space<hbm>>) dst(%arg11 : memref<400x64xf32, #tpu.memory_space<vmem>>)
      %mul3A_53 = arith.constant 2 : i32
      %mul3A_54 = arith.muli %mul3A_53, %scan3A_16 : i32
      %add3A_55 = arith.constant 1 : i32
      %add3A_56 = arith.addi %mul3A_54, %add3A_55 : i32
      %mul3A_57 = arith.constant 8 : i32
      %mul3A_58 = arith.muli %add3A_56, %mul3A_57 : i32
      %add3A_59 = arith.addi %mul3A_2, %mul3A_58 : i32
      %scan3A_60 = arith.constant 0 : i32
      %scan3A_61 = arith.constant 0 : i32
      %scan3A_62 = arith.constant 8 : i32
      %scan3A_63 = arith.addi %scan3A_61, %scan3A_62 : i32
      %scan3A_64 = arith.constant 1 : i32
      scf.for %scan3A_66 = %scan3A_61 to %scan3A_63 step %scan3A_64  : i32 {
        %mul3A_67 = arith.constant 50 : i32
        %mul3A_68 = arith.muli %scan3A_66, %mul3A_67 : i32
        %add3A_69 = arith.constant 0 : i32
        %add3A_70 = arith.addi %mul3A_68, %add3A_69 : i32
        %get3A = arith.index_cast %add3A_70 : i32 to index
        %get3A_71 = tpu.vector_load %arg9[%get3A] {strides = array<i32>} : memref<416xi32, #tpu.memory_space<vmem>>, vector<16xi32>,
        %get3A_72 = vector.shape_cast %get3A_71 : vector<16xi32> to vector<16xi32>
        %convert_element_type3A_73 = arith.sitofp %get3A_72 : vector<16xi32> to vector<16xf32>
        %mul3A_74 = arith.constant 50 : i32
        %mul3A_75 = arith.muli %scan3A_66, %mul3A_74 : i32
        %add3A_76 = arith.constant 16 : i32
        %add3A_77 = arith.addi %mul3A_75, %add3A_76 : i32
        %get3A_78 = arith.index_cast %add3A_77 : i32 to index
        %get3A_79 = tpu.vector_load %arg9[%get3A_78] {strides = array<i32>} : memref<416xi32, #tpu.memory_space<vmem>>, vector<16xi32>,
        %get3A_80 = vector.shape_cast %get3A_79 : vector<16xi32> to vector<16xi32>
        %convert_element_type3A_81 = arith.sitofp %get3A_80 : vector<16xi32> to vector<16xf32>
        %mul3A_82 = arith.constant 50 : i32
        %mul3A_83 = arith.muli %scan3A_66, %mul3A_82 : i32
        %add3A_84 = arith.constant 32 : i32
        %add3A_85 = arith.addi %mul3A_83, %add3A_84 : i32
        %get3A_86 = arith.index_cast %add3A_85 : i32 to index
        %get3A_87 = tpu.vector_load %arg9[%get3A_86] {strides = array<i32>} : memref<416xi32, #tpu.memory_space<vmem>>, vector<16xi32>,
        %get3A_88 = vector.shape_cast %get3A_87 : vector<16xi32> to vector<16xi32>
        %convert_element_type3A_89 = arith.sitofp %get3A_88 : vector<16xi32> to vector<16xf32>
        %mul3A_90 = arith.constant 50 : i32
        %mul3A_91 = arith.muli %scan3A_66, %mul3A_90 : i32
        %add3A_92 = arith.constant 48 : i32
        %add3A_93 = arith.addi %mul3A_91, %add3A_92 : i32
        %get3A_94 = arith.index_cast %add3A_93 : i32 to index
        %get3A_95 = tpu.vector_load %arg9[%get3A_94] {strides = array<i32>} : memref<416xi32, #tpu.memory_space<vmem>>, vector<16xi32>,
        %get3A_96 = vector.shape_cast %get3A_95 : vector<16xi32> to vector<16xi32>
        %convert_element_type3A_97 = arith.sitofp %get3A_96 : vector<16xi32> to vector<16xf32>
        %broadcast_in_dim3A = arith.constant 0.000000e+00 : f32
        %broadcast_in_dim3A_98 = vector.broadcast %broadcast_in_dim3A : f32 to vector<16xf32>
        %slice3A = vector.extract_strided_slice %convert_element_type3A_73 {offsets = [0], sizes = [1], strides = [1]} : vector<16xf32> to vector<1xf32>
        %squeeze3A = vector.extract %slice3A[0] : f32 from vector<1xf32>
        %broadcast_in_dim3A_99 = vector.broadcast %squeeze3A : f32 to vector<16xf32>
        %add3A_100 = arith.addf %broadcast_in_dim3A_98, %broadcast_in_dim3A_99 : vector<16xf32>
        %mul3A_101 = arith.constant 50 : i32
        %mul3A_102 = arith.muli %scan3A_66, %mul3A_101 : i32
        %add3A_103 = arith.constant 0 : i32
        %add3A_104 = arith.addi %mul3A_102, %add3A_103 : i32
        %get3A_105 = arith.index_cast %add3A_104 : i32 to index
        %get3A_106 = arith.constant 0 : index
        %get3A_107 = tpu.vector_load %arg11[%get3A_105, %get3A_106] {strides = array<i32>} : memref<400x64xf32, #tpu.memory_space<vmem>>, vector<1x16xf32>,
        %get3A_108 = vector.shape_cast %get3A_107 : vector<1x16xf32> to vector<16xf32>
        %mul3A_109 = arith.mulf %get3A_108, %broadcast_in_dim3A_99 : vector<16xf32>
        %add3A_110 = arith.addf %broadcast_in_dim3A_98, %mul3A_109 : vector<16xf32>
        %mul3A_111 = arith.constant 50 : i32
        %mul3A_112 = arith.muli %scan3A_66, %mul3A_111 : i32
        %add3A_113 = arith.constant 0 : i32
        %add3A_114 = arith.addi %mul3A_112, %add3A_113 : i32
        %get3A_115 = arith.index_cast %add3A_114 : i32 to index
        %get3A_116 = arith.constant 16 : index
        %get3A_117 = tpu.vector_load %arg11[%get3A_115, %get3A_116] {strides = array<i32>} : memref<400x64xf32, #tpu.memory_space<vmem>>, vector<1x16xf32>,
        %get3A_118 = vector.shape_cast %get3A_117 : vector<1x16xf32> to vector<16xf32>
        %mul3A_119 = arith.mulf %get3A_118, %broadcast_in_dim3A_99 : vector<16xf32>
        %add3A_120 = arith.addf %broadcast_in_dim3A_98, %mul3A_119 : vector<16xf32>
        %mul3A_121 = arith.constant 50 : i32
        %mul3A_122 = arith.muli %scan3A_66, %mul3A_121 : i32
        %add3A_123 = arith.constant 0 : i32
        %add3A_124 = arith.addi %mul3A_122, %add3A_123 : i32
        %get3A_125 = arith.index_cast %add3A_124 : i32 to index
        %get3A_126 = arith.constant 32 : index
        %get3A_127 = tpu.vector_load %arg11[%get3A_125, %get3A_126] {strides = array<i32>} : memref<400x64xf32, #tpu.memory_space<vmem>>, vector<1x16xf32>,
        %get3A_128 = vector.shape_cast %get3A_127 : vector<1x16xf32> to vector<16xf32>
        %mul3A_129 = arith.mulf %get3A_128, %broadcast_in_dim3A_99 : vector<16xf32>
        %add3A_130 = arith.addf %broadcast_in_dim3A_98, %mul3A_129 : vector<16xf32>
        %mul3A_131 = arith.constant 50 : i32
        %mul3A_132 = arith.muli %scan3A_66, %mul3A_131 : i32
        %add3A_133 = arith.constant 0 : i32
        %add3A_134 = arith.addi %mul3A_132, %add3A_133 : i32
        %get3A_135 = arith.index_cast %add3A_134 : i32 to index
        %get3A_136 = arith.constant 48 : index
        %get3A_137 = tpu.vector_load %arg11[%get3A_135, %get3A_136] {strides = array<i32>} : memref<400x64xf32, #tpu.memory_space<vmem>>, vector<1x16xf32>,
        %get3A_138 = vector.shape_cast %get3A_137 : vector<1x16xf32> to vector<16xf32>
        %mul3A_139 = arith.mulf %get3A_138, %broadcast_in_dim3A_99 : vector<16xf32>
        %add3A_140 = arith.addf %broadcast_in_dim3A_98, %mul3A_139 : vector<16xf32>
        %slice3A_141 = vector.extract_strided_slice %convert_element_type3A_73 {offsets = [1], sizes = [1], strides = [1]} : vector<16xf32> to vector<1xf32>
        %squeeze3A_142 = vector.extract %slice3A_141[0] : f32 from vector<1xf32>
        %broadcast_in_dim3A_143 = vector.broadcast %squeeze3A_142 : f32 to vector<16xf32>
        %add3A_144 = arith.addf %add3A_100, %broadcast_in_dim3A_143 : vector<16xf32>
        %mul3A_145 = arith.constant 50 : i32
        %mul3A_146 = arith.muli %scan3A_66, %mul3A_145 : i32
        %add3A_147 = arith.constant 1 : i32
        %add3A_148 = arith.addi %mul3A_146, %add3A_147 : i32
        %get3A_149 = arith.index_cast %add3A_148 : i32 to index
        %get3A_150 = arith.constant 0 : index
        %get3A_151 = tpu.vector_load %arg11[%get3A_149, %get3A_150] {strides = array<i32>} : memref<400x64xf32, #tpu.memory_space<vmem>>, vector<1x16xf32>,
        %get3A_152 = vector.shape_cast %get3A_151 : vector<1x16xf32> to vector<16xf32>
        %mul3A_153 = arith.mulf %get3A_152, %broadcast_in_dim3A_143 : vector<16xf32>
        %add3A_154 = arith.addf %add3A_110, %mul3A_153 : vector<16xf32>
        %mul3A_155 = arith.constant 50 : i32
        %mul3A_156 = arith.muli %scan3A_66, %mul3A_155 : i32
        %add3A_157 = arith.constant 1 : i32
        %add3A_158 = arith.addi %mul3A_156, %add3A_157 : i32
        %get3A_159 = arith.index_cast %add3A_158 : i32 to index
        %get3A_160 = arith.constant 16 : index
        %get3A_161 = tpu.vector_load %arg11[%get3A_159, %get3A_160] {strides = array<i32>} : memref<400x64xf32, #tpu.memory_space<vmem>>, vector<1x16xf32>,
        %get3A_162 = vector.shape_cast %get3A_161 : vector<1x16xf32> to vector<16xf32>
        %mul3A_163 = arith.mulf %get3A_162, %broadcast_in_dim3A_143 : vector<16xf32>
        %add3A_164 = arith.addf %add3A_120, %mul3A_163 : vector<16xf32>
        %mul3A_165 = arith.constant 50 : i32
        %mul3A_166 = arith.muli %scan3A_66, %mul3A_165 : i32
        %add3A_167 = arith.constant 1 : i32
        %add3A_168 = arith.addi %mul3A_166, %add3A_167 : i32
        %get3A_169 = arith.index_cast %add3A_168 : i32 to index
        %get3A_170 = arith.constant 32 : index
        %get3A_171 = tpu.vector_load %arg11[%get3A_169, %get3A_170] {strides = array<i32>} : memref<400x64xf32, #tpu.memory_space<vmem>>, vector<1x16xf32>,
        %get3A_172 = vector.shape_cast %get3A_171 : vector<1x16xf32> to vector<16xf32>
        %mul3A_173 = arith.mulf %get3A_172, %broadcast_in_dim3A_143 : vector<16xf32>
        %add3A_174 = arith.addf %add3A_130, %mul3A_173 : vector<16xf32>
        %mul3A_175 = arith.constant 50 : i32
        %mul3A_176 = arith.muli %scan3A_66, %mul3A_175 : i32
        %add3A_177 = arith.constant 1 : i32
        %add3A_178 = arith.addi %mul3A_176, %add3A_177 : i32
        %get3A_179 = arith.index_cast %add3A_178 : i32 to index
        %get3A_180 = arith.constant 48 : index
        %get3A_181 = tpu.vector_load %arg11[%get3A_179, %get3A_180] {strides = array<i32>} : memref<400x64xf32, #tpu.memory_space<vmem>>, vector<1x16xf32>,
        %get3A_182 = vector.shape_cast %get3A_181 : vector<1x16xf32> to vector<16xf32>
        %mul3A_183 = arith.mulf %get3A_182, %broadcast_in_dim3A_143 : vector<16xf32>
        %add3A_184 = arith.addf %add3A_140, %mul3A_183 : vector<16xf32>
        %slice3A_185 = vector.extract_strided_slice %convert_element_type3A_73 {offsets = [2], sizes = [1], strides = [1]} : vector<16xf32> to vector<1xf32>
        %squeeze3A_186 = vector.extract %slice3A_185[0] : f32 from vector<1xf32>
        %broadcast_in_dim3A_187 = vector.broadcast %squeeze3A_186 : f32 to vector<16xf32>
        %add3A_188 = arith.addf %add3A_144, %broadcast_in_dim3A_187 : vector<16xf32>
        %mul3A_189 = arith.constant 50 : i32
        %mul3A_190 = arith.muli %scan3A_66, %mul3A_189 : i32
        %add3A_191 = arith.constant 2 : i32
        %add3A_192 = arith.addi %mul3A_190, %add3A_191 : i32
        %get3A_193 = arith.index_cast %add3A_192 : i32 to index
        %get3A_194 = arith.constant 0 : index
        %get3A_195 = tpu.vector_load %arg11[%get3A_193, %get3A_194] {strides = array<i32>} : memref<400x64xf32, #tpu.memory_space<vmem>>, vector<1x16xf32>,
        %get3A_196 = vector.shape_cast %get3A_195 : vector<1x16xf32> to vector<16xf32>
        %mul3A_197 = arith.mulf %get3A_196, %broadcast_in_dim3A_187 : vector<16xf32>
        %add3A_198 = arith.addf %add3A_154, %mul3A_197 : vector<16xf32>
        %mul3A_199 = arith.constant 50 : i32
        %mul3A_200 = arith.muli %scan3A_66, %mul3A_199 : i32
        %add3A_201 = arith.constant 2 : i32
        %add3A_202 = arith.addi %mul3A_200, %add3A_201 : i32
        %get3A_203 = arith.index_cast %add3A_202 : i32 to index
        %get3A_204 = arith.constant 16 : index
        %get3A_205 = tpu.vector_load %arg11[%get3A_203, %get3A_204] {strides = array<i32>} : memref<400x64xf32, #tpu.memory_space<vmem>>, vector<1x16xf32>,
        %get3A_206 = vector.shape_cast %get3A_205 : vector<1x16xf32> to vector<16xf32>
        %mul3A_207 = arith.mulf %get3A_206, %broadcast_in_dim3A_187 : vector<16xf32>
        %add3A_208 = arith.addf %add3A_164, %mul3A_207 : vector<16xf32>
        %mul3A_209 = arith.constant 50 : i32
        %mul3A_210 = arith.muli %scan3A_66, %mul3A_209 : i32
        %add3A_211 = arith.constant 2 : i32
        %add3A_212 = arith.addi %mul3A_210, %add3A_211 : i32
        %get3A_213 = arith.index_cast %add3A_212 : i32 to index
        %get3A_214 = arith.constant 32 : index
        %get3A_215 = tpu.vector_load %arg11[%get3A_213, %get3A_214] {strides = array<i32>} : memref<400x64xf32, #tpu.memory_space<vmem>>, vector<1x16xf32>,
        %get3A_216 = vector.shape_cast %get3A_215 : vector<1x16xf32> to vector<16xf32>
        %mul3A_217 = arith.mulf %get3A_216, %broadcast_in_dim3A_187 : vector<16xf32>
        %add3A_218 = arith.addf %add3A_174, %mul3A_217 : vector<16xf32>
        %mul3A_219 = arith.constant 50 : i32
        %mul3A_220 = arith.muli %scan3A_66, %mul3A_219 : i32
        %add3A_221 = arith.constant 2 : i32
        %add3A_222 = arith.addi %mul3A_220, %add3A_221 : i32
        %get3A_223 = arith.index_cast %add3A_222 : i32 to index
        %get3A_224 = arith.constant 48 : index
        %get3A_225 = tpu.vector_load %arg11[%get3A_223, %get3A_224] {strides = array<i32>} : memref<400x64xf32, #tpu.memory_space<vmem>>, vector<1x16xf32>,
        %get3A_226 = vector.shape_cast %get3A_225 : vector<1x16xf32> to vector<16xf32>
        %mul3A_227 = arith.mulf %get3A_226, %broadcast_in_dim3A_187 : vector<16xf32>
        %add3A_228 = arith.addf %add3A_184, %mul3A_227 : vector<16xf32>
        %slice3A_229 = vector.extract_strided_slice %convert_element_type3A_73 {offsets = [3], sizes = [1], strides = [1]} : vector<16xf32> to vector<1xf32>
        %squeeze3A_230 = vector.extract %slice3A_229[0] : f32 from vector<1xf32>
        %broadcast_in_dim3A_231 = vector.broadcast %squeeze3A_230 : f32 to vector<16xf32>
        %add3A_232 = arith.addf %add3A_188, %broadcast_in_dim3A_231 : vector<16xf32>
        %mul3A_233 = arith.constant 50 : i32
        %mul3A_234 = arith.muli %scan3A_66, %mul3A_233 : i32
        %add3A_235 = arith.constant 3 : i32
        %add3A_236 = arith.addi %mul3A_234, %add3A_235 : i32
        %get3A_237 = arith.index_cast %add3A_236 : i32 to index
        %get3A_238 = arith.constant 0 : index
        %get3A_239 = tpu.vector_load %arg11[%get3A_237, %get3A_238] {strides = array<i32>} : memref<400x64xf32, #tpu.memory_space<vmem>>, vector<1x16xf32>,
        %get3A_240 = vector.shape_cast %get3A_239 : vector<1x16xf32> to vector<16xf32>
        %mul3A_241 = arith.mulf %get3A_240, %broadcast_in_dim3A_231 : vector<16xf32>
        %add3A_242 = arith.addf %add3A_198, %mul3A_241 : vector<16xf32>
        %mul3A_243 = arith.constant 50 : i32
        %mul3A_244 = arith.muli %scan3A_66, %mul3A_243 : i32
        %add3A_245 = arith.constant 3 : i32
        %add3A_246 = arith.addi %mul3A_244, %add3A_245 : i32
        %get3A_247 = arith.index_cast %add3A_246 : i32 to index
        %get3A_248 = arith.constant 16 : index
        %get3A_249 = tpu.vector_load %arg11[%get3A_247, %get3A_248] {strides = array<i32>} : memref<400x64xf32, #tpu.memory_space<vmem>>, vector<1x16xf32>,
        %get3A_250 = vector.shape_cast %get3A_249 : vector<1x16xf32> to vector<16xf32>
        %mul3A_251 = arith.mulf %get3A_250, %broadcast_in_dim3A_231 : vector<16xf32>
        %add3A_252 = arith.addf %add3A_208, %mul3A_251 : vector<16xf32>
        %mul3A_253 = arith.constant 50 : i32
        %mul3A_254 = arith.muli %scan3A_66, %mul3A_253 : i32
        %add3A_255 = arith.constant 3 : i32
        %add3A_256 = arith.addi %mul3A_254, %add3A_255 : i32
        %get3A_257 = arith.index_cast %add3A_256 : i32 to index
        %get3A_258 = arith.constant 32 : index
        %get3A_259 = tpu.vector_load %arg11[%get3A_257, %get3A_258] {strides = array<i32>} : memref<400x64xf32, #tpu.memory_space<vmem>>, vector<1x16xf32>,
        %get3A_260 = vector.shape_cast %get3A_259 : vector<1x16xf32> to vector<16xf32>
        %mul3A_261 = arith.mulf %get3A_260, %broadcast_in_dim3A_231 : vector<16xf32>
        %add3A_262 = arith.addf %add3A_218, %mul3A_261 : vector<16xf32>
        %mul3A_263 = arith.constant 50 : i32
        %mul3A_264 = arith.muli %scan3A_66, %mul3A_263 : i32
        %add3A_265 = arith.constant 3 : i32
        %add3A_266 = arith.addi %mul3A_264, %add3A_265 : i32
        %get3A_267 = arith.index_cast %add3A_266 : i32 to index
        %get3A_268 = arith.constant 48 : index
        %get3A_269 = tpu.vector_load %arg11[%get3A_267, %get3A_268] {strides = array<i32>} : memref<400x64xf32, #tpu.memory_space<vmem>>, vector<1x16xf32>,
        %get3A_270 = vector.shape_cast %get3A_269 : vector<1x16xf32> to vector<16xf32>
        %mul3A_271 = arith.mulf %get3A_270, %broadcast_in_dim3A_231 : vector<16xf32>
        %add3A_272 = arith.addf %add3A_228, %mul3A_271 : vector<16xf32>
        %slice3A_273 = vector.extract_strided_slice %convert_element_type3A_73 {offsets = [4], sizes = [1], strides = [1]} : vector<16xf32> to vector<1xf32>
        %squeeze3A_274 = vector.extract %slice3A_273[0] : f32 from vector<1xf32>
        %broadcast_in_dim3A_275 = vector.broadcast %squeeze3A_274 : f32 to vector<16xf32>
        %add3A_276 = arith.addf %add3A_232, %broadcast_in_dim3A_275 : vector<16xf32>
        %mul3A_277 = arith.constant 50 : i32
        %mul3A_278 = arith.muli %scan3A_66, %mul3A_277 : i32
        %add3A_279 = arith.constant 4 : i32
        %add3A_280 = arith.addi %mul3A_278, %add3A_279 : i32
        %get3A_281 = arith.index_cast %add3A_280 : i32 to index
        %get3A_282 = arith.constant 0 : index
        %get3A_283 = tpu.vector_load %arg11[%get3A_281, %get3A_282] {strides = array<i32>} : memref<400x64xf32, #tpu.memory_space<vmem>>, vector<1x16xf32>,
        %get3A_284 = vector.shape_cast %get3A_283 : vector<1x16xf32> to vector<16xf32>
        %mul3A_285 = arith.mulf %get3A_284, %broadcast_in_dim3A_275 : vector<16xf32>
        %add3A_286 = arith.addf %add3A_242, %mul3A_285 : vector<16xf32>
        %mul3A_287 = arith.constant 50 : i32
        %mul3A_288 = arith.muli %scan3A_66, %mul3A_287 : i32
        %add3A_289 = arith.constant 4 : i32
        %add3A_290 = arith.addi %mul3A_288, %add3A_289 : i32
        %get3A_291 = arith.index_cast %add3A_290 : i32 to index
        %get3A_292 = arith.constant 16 : index
        %get3A_293 = tpu.vector_load %arg11[%get3A_291, %get3A_292] {strides = array<i32>} : memref<400x64xf32, #tpu.memory_space<vmem>>, vector<1x16xf32>,
        %get3A_294 = vector.shape_cast %get3A_293 : vector<1x16xf32> to vector<16xf32>
        %mul3A_295 = arith.mulf %get3A_294, %broadcast_in_dim3A_275 : vector<16xf32>
        %add3A_296 = arith.addf %add3A_252, %mul3A_295 : vector<16xf32>
        %mul3A_297 = arith.constant 50 : i32
        %mul3A_298 = arith.muli %scan3A_66, %mul3A_297 : i32
        %add3A_299 = arith.constant 4 : i32
        %add3A_300 = arith.addi %mul3A_298, %add3A_299 : i32
        %get3A_301 = arith.index_cast %add3A_300 : i32 to index
        %get3A_302 = arith.constant 32 : index
        %get3A_303 = tpu.vector_load %arg11[%get3A_301, %get3A_302] {strides = array<i32>} : memref<400x64xf32, #tpu.memory_space<vmem>>, vector<1x16xf32>,
        %get3A_304 = vector.shape_cast %get3A_303 : vector<1x16xf32> to vector<16xf32>
        %mul3A_305 = arith.mulf %get3A_304, %broadcast_in_dim3A_275 : vector<16xf32>
        %add3A_306 = arith.addf %add3A_262, %mul3A_305 : vector<16xf32>
        %mul3A_307 = arith.constant 50 : i32
        %mul3A_308 = arith.muli %scan3A_66, %mul3A_307 : i32
        %add3A_309 = arith.constant 4 : i32
        %add3A_310 = arith.addi %mul3A_308, %add3A_309 : i32
        %get3A_311 = arith.index_cast %add3A_310 : i32 to index
        %get3A_312 = arith.constant 48 : index
        %get3A_313 = tpu.vector_load %arg11[%get3A_311, %get3A_312] {strides = array<i32>} : memref<400x64xf32, #tpu.memory_space<vmem>>, vector<1x16xf32>,
        %get3A_314 = vector.shape_cast %get3A_313 : vector<1x16xf32> to vector<16xf32>
        %mul3A_315 = arith.mulf %get3A_314, %broadcast_in_dim3A_275 : vector<16xf32>
        %add3A_316 = arith.addf %add3A_272, %mul3A_315 : vector<16xf32>
        %slice3A_317 = vector.extract_strided_slice %convert_element_type3A_73 {offsets = [5], sizes = [1], strides = [1]} : vector<16xf32> to vector<1xf32>
        %squeeze3A_318 = vector.extract %slice3A_317[0] : f32 from vector<1xf32>
        %broadcast_in_dim3A_319 = vector.broadcast %squeeze3A_318 : f32 to vector<16xf32>
        %add3A_320 = arith.addf %add3A_276, %broadcast_in_dim3A_319 : vector<16xf32>
        %mul3A_321 = arith.constant 50 : i32
        %mul3A_322 = arith.muli %scan3A_66, %mul3A_321 : i32
        %add3A_323 = arith.constant 5 : i32
        %add3A_324 = arith.addi %mul3A_322, %add3A_323 : i32
        %get3A_325 = arith.index_cast %add3A_324 : i32 to index
        %get3A_326 = arith.constant 0 : index
        %get3A_327 = tpu.vector_load %arg11[%get3A_325, %get3A_326] {strides = array<i32>} : memref<400x64xf32, #tpu.memory_space<vmem>>, vector<1x16xf32>,
        %get3A_328 = vector.shape_cast %get3A_327 : vector<1x16xf32> to vector<16xf32>
        %mul3A_329 = arith.mulf %get3A_328, %broadcast_in_dim3A_319 : vector<16xf32>
        %add3A_330 = arith.addf %add3A_286, %mul3A_329 : vector<16xf32>
        %mul3A_331 = arith.constant 50 : i32
        %mul3A_332 = arith.muli %scan3A_66, %mul3A_331 : i32
        %add3A_333 = arith.constant 5 : i32
        %add3A_334 = arith.addi %mul3A_332, %add3A_333 : i32
        %get3A_335 = arith.index_cast %add3A_334 : i32 to index
        %get3A_336 = arith.constant 16 : index
        %get3A_337 = tpu.vector_load %arg11[%get3A_335, %get3A_336] {strides = array<i32>} : memref<400x64xf32, #tpu.memory_space<vmem>>, vector<1x16xf32>,
        %get3A_338 = vector.shape_cast %get3A_337 : vector<1x16xf32> to vector<16xf32>
        %mul3A_339 = arith.mulf %get3A_338, %broadcast_in_dim3A_319 : vector<16xf32>
        %add3A_340 = arith.addf %add3A_296, %mul3A_339 : vector<16xf32>
        %mul3A_341 = arith.constant 50 : i32
        %mul3A_342 = arith.muli %scan3A_66, %mul3A_341 : i32
        %add3A_343 = arith.constant 5 : i32
        %add3A_344 = arith.addi %mul3A_342, %add3A_343 : i32
        %get3A_345 = arith.index_cast %add3A_344 : i32 to index
        %get3A_346 = arith.constant 32 : index
        %get3A_347 = tpu.vector_load %arg11[%get3A_345, %get3A_346] {strides = array<i32>} : memref<400x64xf32, #tpu.memory_space<vmem>>, vector<1x16xf32>,
        %get3A_348 = vector.shape_cast %get3A_347 : vector<1x16xf32> to vector<16xf32>
        %mul3A_349 = arith.mulf %get3A_348, %broadcast_in_dim3A_319 : vector<16xf32>
        %add3A_350 = arith.addf %add3A_306, %mul3A_349 : vector<16xf32>
        %mul3A_351 = arith.constant 50 : i32
        %mul3A_352 = arith.muli %scan3A_66, %mul3A_351 : i32
        %add3A_353 = arith.constant 5 : i32
        %add3A_354 = arith.addi %mul3A_352, %add3A_353 : i32
        %get3A_355 = arith.index_cast %add3A_354 : i32 to index
        %get3A_356 = arith.constant 48 : index
        %get3A_357 = tpu.vector_load %arg11[%get3A_355, %get3A_356] {strides = array<i32>} : memref<400x64xf32, #tpu.memory_space<vmem>>, vector<1x16xf32>,
        %get3A_358 = vector.shape_cast %get3A_357 : vector<1x16xf32> to vector<16xf32>
        %mul3A_359 = arith.mulf %get3A_358, %broadcast_in_dim3A_319 : vector<16xf32>
        %add3A_360 = arith.addf %add3A_316, %mul3A_359 : vector<16xf32>
        %slice3A_361 = vector.extract_strided_slice %convert_element_type3A_73 {offsets = [6], sizes = [1], strides = [1]} : vector<16xf32> to vector<1xf32>
        %squeeze3A_362 = vector.extract %slice3A_361[0] : f32 from vector<1xf32>
        %broadcast_in_dim3A_363 = vector.broadcast %squeeze3A_362 : f32 to vector<16xf32>
        %add3A_364 = arith.addf %add3A_320, %broadcast_in_dim3A_363 : vector<16xf32>
        %mul3A_365 = arith.constant 50 : i32
        %mul3A_366 = arith.muli %scan3A_66, %mul3A_365 : i32
        %add3A_367 = arith.constant 6 : i32
        %add3A_368 = arith.addi %mul3A_366, %add3A_367 : i32
        %get3A_369 = arith.index_cast %add3A_368 : i32 to index
        %get3A_370 = arith.constant 0 : index
        %get3A_371 = tpu.vector_load %arg11[%get3A_369, %get3A_370] {strides = array<i32>} : memref<400x64xf32, #tpu.memory_space<vmem>>, vector<1x16xf32>,
        %get3A_372 = vector.shape_cast %get3A_371 : vector<1x16xf32> to vector<16xf32>
        %mul3A_373 = arith.mulf %get3A_372, %broadcast_in_dim3A_363 : vector<16xf32>
        %add3A_374 = arith.addf %add3A_330, %mul3A_373 : vector<16xf32>
        %mul3A_375 = arith.constant 50 : i32
        %mul3A_376 = arith.muli %scan3A_66, %mul3A_375 : i32
        %add3A_377 = arith.constant 6 : i32
        %add3A_378 = arith.addi %mul3A_376, %add3A_377 : i32
        %get3A_379 = arith.index_cast %add3A_378 : i32 to index
        %get3A_380 = arith.constant 16 : index
        %get3A_381 = tpu.vector_load %arg11[%get3A_379, %get3A_380] {strides = array<i32>} : memref<400x64xf32, #tpu.memory_space<vmem>>, vector<1x16xf32>,
        %get3A_382 = vector.shape_cast %get3A_381 : vector<1x16xf32> to vector<16xf32>
        %mul3A_383 = arith.mulf %get3A_382, %broadcast_in_dim3A_363 : vector<16xf32>
        %add3A_384 = arith.addf %add3A_340, %mul3A_383 : vector<16xf32>
        %mul3A_385 = arith.constant 50 : i32
        %mul3A_386 = arith.muli %scan3A_66, %mul3A_385 : i32
        %add3A_387 = arith.constant 6 : i32
        %add3A_388 = arith.addi %mul3A_386, %add3A_387 : i32
        %get3A_389 = arith.index_cast %add3A_388 : i32 to index
        %get3A_390 = arith.constant 32 : index
        %get3A_391 = tpu.vector_load %arg11[%get3A_389, %get3A_390] {strides = array<i32>} : memref<400x64xf32, #tpu.memory_space<vmem>>, vector<1x16xf32>,
        %get3A_392 = vector.shape_cast %get3A_391 : vector<1x16xf32> to vector<16xf32>
        %mul3A_393 = arith.mulf %get3A_392, %broadcast_in_dim3A_363 : vector<16xf32>
        %add3A_394 = arith.addf %add3A_350, %mul3A_393 : vector<16xf32>
        %mul3A_395 = arith.constant 50 : i32
        %mul3A_396 = arith.muli %scan3A_66, %mul3A_395 : i32
        %add3A_397 = arith.constant 6 : i32
        %add3A_398 = arith.addi %mul3A_396, %add3A_397 : i32
        %get3A_399 = arith.index_cast %add3A_398 : i32 to index
        %get3A_400 = arith.constant 48 : index
        %get3A_401 = tpu.vector_load %arg11[%get3A_399, %get3A_400] {strides = array<i32>} : memref<400x64xf32, #tpu.memory_space<vmem>>, vector<1x16xf32>,
        %get3A_402 = vector.shape_cast %get3A_401 : vector<1x16xf32> to vector<16xf32>
        %mul3A_403 = arith.mulf %get3A_402, %broadcast_in_dim3A_363 : vector<16xf32>
        %add3A_404 = arith.addf %add3A_360, %mul3A_403 : vector<16xf32>
        %slice3A_405 = vector.extract_strided_slice %convert_element_type3A_73 {offsets = [7], sizes = [1], strides = [1]} : vector<16xf32> to vector<1xf32>
        %squeeze3A_406 = vector.extract %slice3A_405[0] : f32 from vector<1xf32>
        %broadcast_in_dim3A_407 = vector.broadcast %squeeze3A_406 : f32 to vector<16xf32>
        %add3A_408 = arith.addf %add3A_364, %broadcast_in_dim3A_407 : vector<16xf32>
        %mul3A_409 = arith.constant 50 : i32
        %mul3A_410 = arith.muli %scan3A_66, %mul3A_409 : i32
        %add3A_411 = arith.constant 7 : i32
        %add3A_412 = arith.addi %mul3A_410, %add3A_411 : i32
        %get3A_413 = arith.index_cast %add3A_412 : i32 to index
        %get3A_414 = arith.constant 0 : index
        %get3A_415 = tpu.vector_load %arg11[%get3A_413, %get3A_414] {strides = array<i32>} : memref<400x64xf32, #tpu.memory_space<vmem>>, vector<1x16xf32>,
        %get3A_416 = vector.shape_cast %get3A_415 : vector<1x16xf32> to vector<16xf32>
        %mul3A_417 = arith.mulf %get3A_416, %broadcast_in_dim3A_407 : vector<16xf32>
        %add3A_418 = arith.addf %add3A_374, %mul3A_417 : vector<16xf32>
        %mul3A_419 = arith.constant 50 : i32
        %mul3A_420 = arith.muli %scan3A_66, %mul3A_419 : i32
        %add3A_421 = arith.constant 7 : i32
        %add3A_422 = arith.addi %mul3A_420, %add3A_421 : i32
        %get3A_423 = arith.index_cast %add3A_422 : i32 to index
        %get3A_424 = arith.constant 16 : index
        %get3A_425 = tpu.vector_load %arg11[%get3A_423, %get3A_424] {strides = array<i32>} : memref<400x64xf32, #tpu.memory_space<vmem>>, vector<1x16xf32>,
        %get3A_426 = vector.shape_cast %get3A_425 : vector<1x16xf32> to vector<16xf32>
        %mul3A_427 = arith.mulf %get3A_426, %broadcast_in_dim3A_407 : vector<16xf32>
        %add3A_428 = arith.addf %add3A_384, %mul3A_427 : vector<16xf32>
        %mul3A_429 = arith.constant 50 : i32
        %mul3A_430 = arith.muli %scan3A_66, %mul3A_429 : i32
        %add3A_431 = arith.constant 7 : i32
        %add3A_432 = arith.addi %mul3A_430, %add3A_431 : i32
        %get3A_433 = arith.index_cast %add3A_432 : i32 to index
        %get3A_434 = arith.constant 32 : index
        %get3A_435 = tpu.vector_load %arg11[%get3A_433, %get3A_434] {strides = array<i32>} : memref<400x64xf32, #tpu.memory_space<vmem>>, vector<1x16xf32>,
        %get3A_436 = vector.shape_cast %get3A_435 : vector<1x16xf32> to vector<16xf32>
        %mul3A_437 = arith.mulf %get3A_436, %broadcast_in_dim3A_407 : vector<16xf32>
        %add3A_438 = arith.addf %add3A_394, %mul3A_437 : vector<16xf32>
        %mul3A_439 = arith.constant 50 : i32
        %mul3A_440 = arith.muli %scan3A_66, %mul3A_439 : i32
        %add3A_441 = arith.constant 7 : i32
        %add3A_442 = arith.addi %mul3A_440, %add3A_441 : i32
        %get3A_443 = arith.index_cast %add3A_442 : i32 to index
        %get3A_444 = arith.constant 48 : index
        %get3A_445 = tpu.vector_load %arg11[%get3A_443, %get3A_444] {strides = array<i32>} : memref<400x64xf32, #tpu.memory_space<vmem>>, vector<1x16xf32>,
        %get3A_446 = vector.shape_cast %get3A_445 : vector<1x16xf32> to vector<16xf32>
        %mul3A_447 = arith.mulf %get3A_446, %broadcast_in_dim3A_407 : vector<16xf32>
        %add3A_448 = arith.addf %add3A_404, %mul3A_447 : vector<16xf32>
        %slice3A_449 = vector.extract_strided_slice %convert_element_type3A_73 {offsets = [8], sizes = [1], strides = [1]} : vector<16xf32> to vector<1xf32>
        %squeeze3A_450 = vector.extract %slice3A_449[0] : f32 from vector<1xf32>
        %broadcast_in_dim3A_451 = vector.broadcast %squeeze3A_450 : f32 to vector<16xf32>
        %add3A_452 = arith.addf %add3A_408, %broadcast_in_dim3A_451 : vector<16xf32>
        %mul3A_453 = arith.constant 50 : i32
        %mul3A_454 = arith.muli %scan3A_66, %mul3A_453 : i32
        %add3A_455 = arith.constant 8 : i32
        %add3A_456 = arith.addi %mul3A_454, %add3A_455 : i32
        %get3A_457 = arith.index_cast %add3A_456 : i32 to index
        %get3A_458 = arith.constant 0 : index
        %get3A_459 = tpu.vector_load %arg11[%get3A_457, %get3A_458] {strides = array<i32>} : memref<400x64xf32, #tpu.memory_space<vmem>>, vector<1x16xf32>,
        %get3A_460 = vector.shape_cast %get3A_459 : vector<1x16xf32> to vector<16xf32>
        %mul3A_461 = arith.mulf %get3A_460, %broadcast_in_dim3A_451 : vector<16xf32>
        %add3A_462 = arith.addf %add3A_418, %mul3A_461 : vector<16xf32>
        %mul3A_463 = arith.constant 50 : i32
        %mul3A_464 = arith.muli %scan3A_66, %mul3A_463 : i32
        %add3A_465 = arith.constant 8 : i32
        %add3A_466 = arith.addi %mul3A_464, %add3A_465 : i32
        %get3A_467 = arith.index_cast %add3A_466 : i32 to index
        %get3A_468 = arith.constant 16 : index
        %get3A_469 = tpu.vector_load %arg11[%get3A_467, %get3A_468] {strides = array<i32>} : memref<400x64xf32, #tpu.memory_space<vmem>>, vector<1x16xf32>,
        %get3A_470 = vector.shape_cast %get3A_469 : vector<1x16xf32> to vector<16xf32>
        %mul3A_471 = arith.mulf %get3A_470, %broadcast_in_dim3A_451 : vector<16xf32>
        %add3A_472 = arith.addf %add3A_428, %mul3A_471 : vector<16xf32>
        %mul3A_473 = arith.constant 50 : i32
        %mul3A_474 = arith.muli %scan3A_66, %mul3A_473 : i32
        %add3A_475 = arith.constant 8 : i32
        %add3A_476 = arith.addi %mul3A_474, %add3A_475 : i32
        %get3A_477 = arith.index_cast %add3A_476 : i32 to index
        %get3A_478 = arith.constant 32 : index
        %get3A_479 = tpu.vector_load %arg11[%get3A_477, %get3A_478] {strides = array<i32>} : memref<400x64xf32, #tpu.memory_space<vmem>>, vector<1x16xf32>,
        %get3A_480 = vector.shape_cast %get3A_479 : vector<1x16xf32> to vector<16xf32>
        %mul3A_481 = arith.mulf %get3A_480, %broadcast_in_dim3A_451 : vector<16xf32>
        %add3A_482 = arith.addf %add3A_438, %mul3A_481 : vector<16xf32>
        %mul3A_483 = arith.constant 50 : i32
        %mul3A_484 = arith.muli %scan3A_66, %mul3A_483 : i32
        %add3A_485 = arith.constant 8 : i32
        %add3A_486 = arith.addi %mul3A_484, %add3A_485 : i32
        %get3A_487 = arith.index_cast %add3A_486 : i32 to index
        %get3A_488 = arith.constant 48 : index
        %get3A_489 = tpu.vector_load %arg11[%get3A_487, %get3A_488] {strides = array<i32>} : memref<400x64xf32, #tpu.memory_space<vmem>>, vector<1x16xf32>,
        %get3A_490 = vector.shape_cast %get3A_489 : vector<1x16xf32> to vector<16xf32>
        %mul3A_491 = arith.mulf %get3A_490, %broadcast_in_dim3A_451 : vector<16xf32>
        %add3A_492 = arith.addf %add3A_448, %mul3A_491 : vector<16xf32>
        %slice3A_493 = vector.extract_strided_slice %convert_element_type3A_73 {offsets = [9], sizes = [1], strides = [1]} : vector<16xf32> to vector<1xf32>
        %squeeze3A_494 = vector.extract %slice3A_493[0] : f32 from vector<1xf32>
        %broadcast_in_dim3A_495 = vector.broadcast %squeeze3A_494 : f32 to vector<16xf32>
        %add3A_496 = arith.addf %add3A_452, %broadcast_in_dim3A_495 : vector<16xf32>
        %mul3A_497 = arith.constant 50 : i32
        %mul3A_498 = arith.muli %scan3A_66, %mul3A_497 : i32
        %add3A_499 = arith.constant 9 : i32
        %add3A_500 = arith.addi %mul3A_498, %add3A_499 : i32
        %get3A_501 = arith.index_cast %add3A_500 : i32 to index
        %get3A_502 = arith.constant 0 : index
        %get3A_503 = tpu.vector_load %arg11[%get3A_501, %get3A_502] {strides = array<i32>} : memref<400x64xf32, #tpu.memory_space<vmem>>, vector<1x16xf32>,
        %get3A_504 = vector.shape_cast %get3A_503 : vector<1x16xf32> to vector<16xf32>
        %mul3A_505 = arith.mulf %get3A_504, %broadcast_in_dim3A_495 : vector<16xf32>
        %add3A_506 = arith.addf %add3A_462, %mul3A_505 : vector<16xf32>
        %mul3A_507 = arith.constant 50 : i32
        %mul3A_508 = arith.muli %scan3A_66, %mul3A_507 : i32
        %add3A_509 = arith.constant 9 : i32
        %add3A_510 = arith.addi %mul3A_508, %add3A_509 : i32
        %get3A_511 = arith.index_cast %add3A_510 : i32 to index
        %get3A_512 = arith.constant 16 : index
        %get3A_513 = tpu.vector_load %arg11[%get3A_511, %get3A_512] {strides = array<i32>} : memref<400x64xf32, #tpu.memory_space<vmem>>, vector<1x16xf32>,
        %get3A_514 = vector.shape_cast %get3A_513 : vector<1x16xf32> to vector<16xf32>
        %mul3A_515 = arith.mulf %get3A_514, %broadcast_in_dim3A_495 : vector<16xf32>
        %add3A_516 = arith.addf %add3A_472, %mul3A_515 : vector<16xf32>
        %mul3A_517 = arith.constant 50 : i32
        %mul3A_518 = arith.muli %scan3A_66, %mul3A_517 : i32
        %add3A_519 = arith.constant 9 : i32
        %add3A_520 = arith.addi %mul3A_518, %add3A_519 : i32
        %get3A_521 = arith.index_cast %add3A_520 : i32 to index
        %get3A_522 = arith.constant 32 : index
        %get3A_523 = tpu.vector_load %arg11[%get3A_521, %get3A_522] {strides = array<i32>} : memref<400x64xf32, #tpu.memory_space<vmem>>, vector<1x16xf32>,
        %get3A_524 = vector.shape_cast %get3A_523 : vector<1x16xf32> to vector<16xf32>
        %mul3A_525 = arith.mulf %get3A_524, %broadcast_in_dim3A_495 : vector<16xf32>
        %add3A_526 = arith.addf %add3A_482, %mul3A_525 : vector<16xf32>
        %mul3A_527 = arith.constant 50 : i32
        %mul3A_528 = arith.muli %scan3A_66, %mul3A_527 : i32
        %add3A_529 = arith.constant 9 : i32
        %add3A_530 = arith.addi %mul3A_528, %add3A_529 : i32
        %get3A_531 = arith.index_cast %add3A_530 : i32 to index
        %get3A_532 = arith.constant 48 : index
        %get3A_533 = tpu.vector_load %arg11[%get3A_531, %get3A_532] {strides = array<i32>} : memref<400x64xf32, #tpu.memory_space<vmem>>, vector<1x16xf32>,
        %get3A_534 = vector.shape_cast %get3A_533 : vector<1x16xf32> to vector<16xf32>
        %mul3A_535 = arith.mulf %get3A_534, %broadcast_in_dim3A_495 : vector<16xf32>
        %add3A_536 = arith.addf %add3A_492, %mul3A_535 : vector<16xf32>
        %slice3A_537 = vector.extract_strided_slice %convert_element_type3A_73 {offsets = [10], sizes = [1], strides = [1]} : vector<16xf32> to vector<1xf32>
        %squeeze3A_538 = vector.extract %slice3A_537[0] : f32 from vector<1xf32>
        %broadcast_in_dim3A_539 = vector.broadcast %squeeze3A_538 : f32 to vector<16xf32>
        %add3A_540 = arith.addf %add3A_496, %broadcast_in_dim3A_539 : vector<16xf32>
        %mul3A_541 = arith.constant 50 : i32
        %mul3A_542 = arith.muli %scan3A_66, %mul3A_541 : i32
        %add3A_543 = arith.constant 10 : i32
        %add3A_544 = arith.addi %mul3A_542, %add3A_543 : i32
        %get3A_545 = arith.index_cast %add3A_544 : i32 to index
        %get3A_546 = arith.constant 0 : index
        %get3A_547 = tpu.vector_load %arg11[%get3A_545, %get3A_546] {strides = array<i32>} : memref<400x64xf32, #tpu.memory_space<vmem>>, vector<1x16xf32>,
        %get3A_548 = vector.shape_cast %get3A_547 : vector<1x16xf32> to vector<16xf32>
        %mul3A_549 = arith.mulf %get3A_548, %broadcast_in_dim3A_539 : vector<16xf32>
        %add3A_550 = arith.addf %add3A_506, %mul3A_549 : vector<16xf32>
        %mul3A_551 = arith.constant 50 : i32
        %mul3A_552 = arith.muli %scan3A_66, %mul3A_551 : i32
        %add3A_553 = arith.constant 10 : i32
        %add3A_554 = arith.addi %mul3A_552, %add3A_553 : i32
        %get3A_555 = arith.index_cast %add3A_554 : i32 to index
        %get3A_556 = arith.constant 16 : index
        %get3A_557 = tpu.vector_load %arg11[%get3A_555, %get3A_556] {strides = array<i32>} : memref<400x64xf32, #tpu.memory_space<vmem>>, vector<1x16xf32>,
        %get3A_558 = vector.shape_cast %get3A_557 : vector<1x16xf32> to vector<16xf32>
        %mul3A_559 = arith.mulf %get3A_558, %broadcast_in_dim3A_539 : vector<16xf32>
        %add3A_560 = arith.addf %add3A_516, %mul3A_559 : vector<16xf32>
        %mul3A_561 = arith.constant 50 : i32
        %mul3A_562 = arith.muli %scan3A_66, %mul3A_561 : i32
        %add3A_563 = arith.constant 10 : i32
        %add3A_564 = arith.addi %mul3A_562, %add3A_563 : i32
        %get3A_565 = arith.index_cast %add3A_564 : i32 to index
        %get3A_566 = arith.constant 32 : index
        %get3A_567 = tpu.vector_load %arg11[%get3A_565, %get3A_566] {strides = array<i32>} : memref<400x64xf32, #tpu.memory_space<vmem>>, vector<1x16xf32>,
        %get3A_568 = vector.shape_cast %get3A_567 : vector<1x16xf32> to vector<16xf32>
        %mul3A_569 = arith.mulf %get3A_568, %broadcast_in_dim3A_539 : vector<16xf32>
        %add3A_570 = arith.addf %add3A_526, %mul3A_569 : vector<16xf32>
        %mul3A_571 = arith.constant 50 : i32
        %mul3A_572 = arith.muli %scan3A_66, %mul3A_571 : i32
        %add3A_573 = arith.constant 10 : i32
        %add3A_574 = arith.addi %mul3A_572, %add3A_573 : i32
        %get3A_575 = arith.index_cast %add3A_574 : i32 to index
        %get3A_576 = arith.constant 48 : index
        %get3A_577 = tpu.vector_load %arg11[%get3A_575, %get3A_576] {strides = array<i32>} : memref<400x64xf32, #tpu.memory_space<vmem>>, vector<1x16xf32>,
        %get3A_578 = vector.shape_cast %get3A_577 : vector<1x16xf32> to vector<16xf32>
        %mul3A_579 = arith.mulf %get3A_578, %broadcast_in_dim3A_539 : vector<16xf32>
        %add3A_580 = arith.addf %add3A_536, %mul3A_579 : vector<16xf32>
        %slice3A_581 = vector.extract_strided_slice %convert_element_type3A_73 {offsets = [11], sizes = [1], strides = [1]} : vector<16xf32> to vector<1xf32>
        %squeeze3A_582 = vector.extract %slice3A_581[0] : f32 from vector<1xf32>
        %broadcast_in_dim3A_583 = vector.broadcast %squeeze3A_582 : f32 to vector<16xf32>
        %add3A_584 = arith.addf %add3A_540, %broadcast_in_dim3A_583 : vector<16xf32>
        %mul3A_585 = arith.constant 50 : i32
        %mul3A_586 = arith.muli %scan3A_66, %mul3A_585 : i32
        %add3A_587 = arith.constant 11 : i32
        %add3A_588 = arith.addi %mul3A_586, %add3A_587 : i32
        %get3A_589 = arith.index_cast %add3A_588 : i32 to index
        %get3A_590 = arith.constant 0 : index
        %get3A_591 = tpu.vector_load %arg11[%get3A_589, %get3A_590] {strides = array<i32>} : memref<400x64xf32, #tpu.memory_space<vmem>>, vector<1x16xf32>,
        %get3A_592 = vector.shape_cast %get3A_591 : vector<1x16xf32> to vector<16xf32>
        %mul3A_593 = arith.mulf %get3A_592, %broadcast_in_dim3A_583 : vector<16xf32>
        %add3A_594 = arith.addf %add3A_550, %mul3A_593 : vector<16xf32>
        %mul3A_595 = arith.constant 50 : i32
        %mul3A_596 = arith.muli %scan3A_66, %mul3A_595 : i32
        %add3A_597 = arith.constant 11 : i32
        %add3A_598 = arith.addi %mul3A_596, %add3A_597 : i32
        %get3A_599 = arith.index_cast %add3A_598 : i32 to index
        %get3A_600 = arith.constant 16 : index
        %get3A_601 = tpu.vector_load %arg11[%get3A_599, %get3A_600] {strides = array<i32>} : memref<400x64xf32, #tpu.memory_space<vmem>>, vector<1x16xf32>,
        %get3A_602 = vector.shape_cast %get3A_601 : vector<1x16xf32> to vector<16xf32>
        %mul3A_603 = arith.mulf %get3A_602, %broadcast_in_dim3A_583 : vector<16xf32>
        %add3A_604 = arith.addf %add3A_560, %mul3A_603 : vector<16xf32>
        %mul3A_605 = arith.constant 50 : i32
        %mul3A_606 = arith.muli %scan3A_66, %mul3A_605 : i32
        %add3A_607 = arith.constant 11 : i32
        %add3A_608 = arith.addi %mul3A_606, %add3A_607 : i32
        %get3A_609 = arith.index_cast %add3A_608 : i32 to index
        %get3A_610 = arith.constant 32 : index
        %get3A_611 = tpu.vector_load %arg11[%get3A_609, %get3A_610] {strides = array<i32>} : memref<400x64xf32, #tpu.memory_space<vmem>>, vector<1x16xf32>,
        %get3A_612 = vector.shape_cast %get3A_611 : vector<1x16xf32> to vector<16xf32>
        %mul3A_613 = arith.mulf %get3A_612, %broadcast_in_dim3A_583 : vector<16xf32>
        %add3A_614 = arith.addf %add3A_570, %mul3A_613 : vector<16xf32>
        %mul3A_615 = arith.constant 50 : i32
        %mul3A_616 = arith.muli %scan3A_66, %mul3A_615 : i32
        %add3A_617 = arith.constant 11 : i32
        %add3A_618 = arith.addi %mul3A_616, %add3A_617 : i32
        %get3A_619 = arith.index_cast %add3A_618 : i32 to index
        %get3A_620 = arith.constant 48 : index
        %get3A_621 = tpu.vector_load %arg11[%get3A_619, %get3A_620] {strides = array<i32>} : memref<400x64xf32, #tpu.memory_space<vmem>>, vector<1x16xf32>,
        %get3A_622 = vector.shape_cast %get3A_621 : vector<1x16xf32> to vector<16xf32>
        %mul3A_623 = arith.mulf %get3A_622, %broadcast_in_dim3A_583 : vector<16xf32>
        %add3A_624 = arith.addf %add3A_580, %mul3A_623 : vector<16xf32>
        %slice3A_625 = vector.extract_strided_slice %convert_element_type3A_73 {offsets = [12], sizes = [1], strides = [1]} : vector<16xf32> to vector<1xf32>
        %squeeze3A_626 = vector.extract %slice3A_625[0] : f32 from vector<1xf32>
        %broadcast_in_dim3A_627 = vector.broadcast %squeeze3A_626 : f32 to vector<16xf32>
        %add3A_628 = arith.addf %add3A_584, %broadcast_in_dim3A_627 : vector<16xf32>
        %mul3A_629 = arith.constant 50 : i32
        %mul3A_630 = arith.muli %scan3A_66, %mul3A_629 : i32
        %add3A_631 = arith.constant 12 : i32
        %add3A_632 = arith.addi %mul3A_630, %add3A_631 : i32
        %get3A_633 = arith.index_cast %add3A_632 : i32 to index
        %get3A_634 = arith.constant 0 : index
        %get3A_635 = tpu.vector_load %arg11[%get3A_633, %get3A_634] {strides = array<i32>} : memref<400x64xf32, #tpu.memory_space<vmem>>, vector<1x16xf32>,
        %get3A_636 = vector.shape_cast %get3A_635 : vector<1x16xf32> to vector<16xf32>
        %mul3A_637 = arith.mulf %get3A_636, %broadcast_in_dim3A_627 : vector<16xf32>
        %add3A_638 = arith.addf %add3A_594, %mul3A_637 : vector<16xf32>
        %mul3A_639 = arith.constant 50 : i32
        %mul3A_640 = arith.muli %scan3A_66, %mul3A_639 : i32
        %add3A_641 = arith.constant 12 : i32
        %add3A_642 = arith.addi %mul3A_640, %add3A_641 : i32
        %get3A_643 = arith.index_cast %add3A_642 : i32 to index
        %get3A_644 = arith.constant 16 : index
        %get3A_645 = tpu.vector_load %arg11[%get3A_643, %get3A_644] {strides = array<i32>} : memref<400x64xf32, #tpu.memory_space<vmem>>, vector<1x16xf32>,
        %get3A_646 = vector.shape_cast %get3A_645 : vector<1x16xf32> to vector<16xf32>
        %mul3A_647 = arith.mulf %get3A_646, %broadcast_in_dim3A_627 : vector<16xf32>
        %add3A_648 = arith.addf %add3A_604, %mul3A_647 : vector<16xf32>
        %mul3A_649 = arith.constant 50 : i32
        %mul3A_650 = arith.muli %scan3A_66, %mul3A_649 : i32
        %add3A_651 = arith.constant 12 : i32
        %add3A_652 = arith.addi %mul3A_650, %add3A_651 : i32
        %get3A_653 = arith.index_cast %add3A_652 : i32 to index
        %get3A_654 = arith.constant 32 : index
        %get3A_655 = tpu.vector_load %arg11[%get3A_653, %get3A_654] {strides = array<i32>} : memref<400x64xf32, #tpu.memory_space<vmem>>, vector<1x16xf32>,
        %get3A_656 = vector.shape_cast %get3A_655 : vector<1x16xf32> to vector<16xf32>
        %mul3A_657 = arith.mulf %get3A_656, %broadcast_in_dim3A_627 : vector<16xf32>
        %add3A_658 = arith.addf %add3A_614, %mul3A_657 : vector<16xf32>
        %mul3A_659 = arith.constant 50 : i32
        %mul3A_660 = arith.muli %scan3A_66, %mul3A_659 : i32
        %add3A_661 = arith.constant 12 : i32
        %add3A_662 = arith.addi %mul3A_660, %add3A_661 : i32
        %get3A_663 = arith.index_cast %add3A_662 : i32 to index
        %get3A_664 = arith.constant 48 : index
        %get3A_665 = tpu.vector_load %arg11[%get3A_663, %get3A_664] {strides = array<i32>} : memref<400x64xf32, #tpu.memory_space<vmem>>, vector<1x16xf32>,
        %get3A_666 = vector.shape_cast %get3A_665 : vector<1x16xf32> to vector<16xf32>
        %mul3A_667 = arith.mulf %get3A_666, %broadcast_in_dim3A_627 : vector<16xf32>
        %add3A_668 = arith.addf %add3A_624, %mul3A_667 : vector<16xf32>
        %slice3A_669 = vector.extract_strided_slice %convert_element_type3A_73 {offsets = [13], sizes = [1], strides = [1]} : vector<16xf32> to vector<1xf32>
        %squeeze3A_670 = vector.extract %slice3A_669[0] : f32 from vector<1xf32>
        %broadcast_in_dim3A_671 = vector.broadcast %squeeze3A_670 : f32 to vector<16xf32>
        %add3A_672 = arith.addf %add3A_628, %broadcast_in_dim3A_671 : vector<16xf32>
        %mul3A_673 = arith.constant 50 : i32
        %mul3A_674 = arith.muli %scan3A_66, %mul3A_673 : i32
        %add3A_675 = arith.constant 13 : i32
        %add3A_676 = arith.addi %mul3A_674, %add3A_675 : i32
        %get3A_677 = arith.index_cast %add3A_676 : i32 to index
        %get3A_678 = arith.constant 0 : index
        %get3A_679 = tpu.vector_load %arg11[%get3A_677, %get3A_678] {strides = array<i32>} : memref<400x64xf32, #tpu.memory_space<vmem>>, vector<1x16xf32>,
        %get3A_680 = vector.shape_cast %get3A_679 : vector<1x16xf32> to vector<16xf32>
        %mul3A_681 = arith.mulf %get3A_680, %broadcast_in_dim3A_671 : vector<16xf32>
        %add3A_682 = arith.addf %add3A_638, %mul3A_681 : vector<16xf32>
        %mul3A_683 = arith.constant 50 : i32
        %mul3A_684 = arith.muli %scan3A_66, %mul3A_683 : i32
        %add3A_685 = arith.constant 13 : i32
        %add3A_686 = arith.addi %mul3A_684, %add3A_685 : i32
        %get3A_687 = arith.index_cast %add3A_686 : i32 to index
        %get3A_688 = arith.constant 16 : index
        %get3A_689 = tpu.vector_load %arg11[%get3A_687, %get3A_688] {strides = array<i32>} : memref<400x64xf32, #tpu.memory_space<vmem>>, vector<1x16xf32>,
        %get3A_690 = vector.shape_cast %get3A_689 : vector<1x16xf32> to vector<16xf32>
        %mul3A_691 = arith.mulf %get3A_690, %broadcast_in_dim3A_671 : vector<16xf32>
        %add3A_692 = arith.addf %add3A_648, %mul3A_691 : vector<16xf32>
        %mul3A_693 = arith.constant 50 : i32
        %mul3A_694 = arith.muli %scan3A_66, %mul3A_693 : i32
        %add3A_695 = arith.constant 13 : i32
        %add3A_696 = arith.addi %mul3A_694, %add3A_695 : i32
        %get3A_697 = arith.index_cast %add3A_696 : i32 to index
        %get3A_698 = arith.constant 32 : index
        %get3A_699 = tpu.vector_load %arg11[%get3A_697, %get3A_698] {strides = array<i32>} : memref<400x64xf32, #tpu.memory_space<vmem>>, vector<1x16xf32>,
        %get3A_700 = vector.shape_cast %get3A_699 : vector<1x16xf32> to vector<16xf32>
        %mul3A_701 = arith.mulf %get3A_700, %broadcast_in_dim3A_671 : vector<16xf32>
        %add3A_702 = arith.addf %add3A_658, %mul3A_701 : vector<16xf32>
        %mul3A_703 = arith.constant 50 : i32
        %mul3A_704 = arith.muli %scan3A_66, %mul3A_703 : i32
        %add3A_705 = arith.constant 13 : i32
        %add3A_706 = arith.addi %mul3A_704, %add3A_705 : i32
        %get3A_707 = arith.index_cast %add3A_706 : i32 to index
        %get3A_708 = arith.constant 48 : index
        %get3A_709 = tpu.vector_load %arg11[%get3A_707, %get3A_708] {strides = array<i32>} : memref<400x64xf32, #tpu.memory_space<vmem>>, vector<1x16xf32>,
        %get3A_710 = vector.shape_cast %get3A_709 : vector<1x16xf32> to vector<16xf32>
        %mul3A_711 = arith.mulf %get3A_710, %broadcast_in_dim3A_671 : vector<16xf32>
        %add3A_712 = arith.addf %add3A_668, %mul3A_711 : vector<16xf32>
        %slice3A_713 = vector.extract_strided_slice %convert_element_type3A_73 {offsets = [14], sizes = [1], strides = [1]} : vector<16xf32> to vector<1xf32>
        %squeeze3A_714 = vector.extract %slice3A_713[0] : f32 from vector<1xf32>
        %broadcast_in_dim3A_715 = vector.broadcast %squeeze3A_714 : f32 to vector<16xf32>
        %add3A_716 = arith.addf %add3A_672, %broadcast_in_dim3A_715 : vector<16xf32>
        %mul3A_717 = arith.constant 50 : i32
        %mul3A_718 = arith.muli %scan3A_66, %mul3A_717 : i32
        %add3A_719 = arith.constant 14 : i32
        %add3A_720 = arith.addi %mul3A_718, %add3A_719 : i32
        %get3A_721 = arith.index_cast %add3A_720 : i32 to index
        %get3A_722 = arith.constant 0 : index
        %get3A_723 = tpu.vector_load %arg11[%get3A_721, %get3A_722] {strides = array<i32>} : memref<400x64xf32, #tpu.memory_space<vmem>>, vector<1x16xf32>,
        %get3A_724 = vector.shape_cast %get3A_723 : vector<1x16xf32> to vector<16xf32>
        %mul3A_725 = arith.mulf %get3A_724, %broadcast_in_dim3A_715 : vector<16xf32>
        %add3A_726 = arith.addf %add3A_682, %mul3A_725 : vector<16xf32>
        %mul3A_727 = arith.constant 50 : i32
        %mul3A_728 = arith.muli %scan3A_66, %mul3A_727 : i32
        %add3A_729 = arith.constant 14 : i32
        %add3A_730 = arith.addi %mul3A_728, %add3A_729 : i32
        %get3A_731 = arith.index_cast %add3A_730 : i32 to index
        %get3A_732 = arith.constant 16 : index
        %get3A_733 = tpu.vector_load %arg11[%get3A_731, %get3A_732] {strides = array<i32>} : memref<400x64xf32, #tpu.memory_space<vmem>>, vector<1x16xf32>,
        %get3A_734 = vector.shape_cast %get3A_733 : vector<1x16xf32> to vector<16xf32>
        %mul3A_735 = arith.mulf %get3A_734, %broadcast_in_dim3A_715 : vector<16xf32>
        %add3A_736 = arith.addf %add3A_692, %mul3A_735 : vector<16xf32>
        %mul3A_737 = arith.constant 50 : i32
        %mul3A_738 = arith.muli %scan3A_66, %mul3A_737 : i32
        %add3A_739 = arith.constant 14 : i32
        %add3A_740 = arith.addi %mul3A_738, %add3A_739 : i32
        %get3A_741 = arith.index_cast %add3A_740 : i32 to index
        %get3A_742 = arith.constant 32 : index
        %get3A_743 = tpu.vector_load %arg11[%get3A_741, %get3A_742] {strides = array<i32>} : memref<400x64xf32, #tpu.memory_space<vmem>>, vector<1x16xf32>,
        %get3A_744 = vector.shape_cast %get3A_743 : vector<1x16xf32> to vector<16xf32>
        %mul3A_745 = arith.mulf %get3A_744, %broadcast_in_dim3A_715 : vector<16xf32>
        %add3A_746 = arith.addf %add3A_702, %mul3A_745 : vector<16xf32>
        %mul3A_747 = arith.constant 50 : i32
        %mul3A_748 = arith.muli %scan3A_66, %mul3A_747 : i32
        %add3A_749 = arith.constant 14 : i32
        %add3A_750 = arith.addi %mul3A_748, %add3A_749 : i32
        %get3A_751 = arith.index_cast %add3A_750 : i32 to index
        %get3A_752 = arith.constant 48 : index
        %get3A_753 = tpu.vector_load %arg11[%get3A_751, %get3A_752] {strides = array<i32>} : memref<400x64xf32, #tpu.memory_space<vmem>>, vector<1x16xf32>,
        %get3A_754 = vector.shape_cast %get3A_753 : vector<1x16xf32> to vector<16xf32>
        %mul3A_755 = arith.mulf %get3A_754, %broadcast_in_dim3A_715 : vector<16xf32>
        %add3A_756 = arith.addf %add3A_712, %mul3A_755 : vector<16xf32>
        %slice3A_757 = vector.extract_strided_slice %convert_element_type3A_73 {offsets = [15], sizes = [1], strides = [1]} : vector<16xf32> to vector<1xf32>
        %squeeze3A_758 = vector.extract %slice3A_757[0] : f32 from vector<1xf32>
        %broadcast_in_dim3A_759 = vector.broadcast %squeeze3A_758 : f32 to vector<16xf32>
        %add3A_760 = arith.addf %add3A_716, %broadcast_in_dim3A_759 : vector<16xf32>
        %mul3A_761 = arith.constant 50 : i32
        %mul3A_762 = arith.muli %scan3A_66, %mul3A_761 : i32
        %add3A_763 = arith.constant 15 : i32
        %add3A_764 = arith.addi %mul3A_762, %add3A_763 : i32
        %get3A_765 = arith.index_cast %add3A_764 : i32 to index
        %get3A_766 = arith.constant 0 : index
        %get3A_767 = tpu.vector_load %arg11[%get3A_765, %get3A_766] {strides = array<i32>} : memref<400x64xf32, #tpu.memory_space<vmem>>, vector<1x16xf32>,
        %get3A_768 = vector.shape_cast %get3A_767 : vector<1x16xf32> to vector<16xf32>
        %mul3A_769 = arith.mulf %get3A_768, %broadcast_in_dim3A_759 : vector<16xf32>
        %add3A_770 = arith.addf %add3A_726, %mul3A_769 : vector<16xf32>
        %mul3A_771 = arith.constant 50 : i32
        %mul3A_772 = arith.muli %scan3A_66, %mul3A_771 : i32
        %add3A_773 = arith.constant 15 : i32
        %add3A_774 = arith.addi %mul3A_772, %add3A_773 : i32
        %get3A_775 = arith.index_cast %add3A_774 : i32 to index
        %get3A_776 = arith.constant 16 : index
        %get3A_777 = tpu.vector_load %arg11[%get3A_775, %get3A_776] {strides = array<i32>} : memref<400x64xf32, #tpu.memory_space<vmem>>, vector<1x16xf32>,
        %get3A_778 = vector.shape_cast %get3A_777 : vector<1x16xf32> to vector<16xf32>
        %mul3A_779 = arith.mulf %get3A_778, %broadcast_in_dim3A_759 : vector<16xf32>
        %add3A_780 = arith.addf %add3A_736, %mul3A_779 : vector<16xf32>
        %mul3A_781 = arith.constant 50 : i32
        %mul3A_782 = arith.muli %scan3A_66, %mul3A_781 : i32
        %add3A_783 = arith.constant 15 : i32
        %add3A_784 = arith.addi %mul3A_782, %add3A_783 : i32
        %get3A_785 = arith.index_cast %add3A_784 : i32 to index
        %get3A_786 = arith.constant 32 : index
        %get3A_787 = tpu.vector_load %arg11[%get3A_785, %get3A_786] {strides = array<i32>} : memref<400x64xf32, #tpu.memory_space<vmem>>, vector<1x16xf32>,
        %get3A_788 = vector.shape_cast %get3A_787 : vector<1x16xf32> to vector<16xf32>
        %mul3A_789 = arith.mulf %get3A_788, %broadcast_in_dim3A_759 : vector<16xf32>
        %add3A_790 = arith.addf %add3A_746, %mul3A_789 : vector<16xf32>
        %mul3A_791 = arith.constant 50 : i32
        %mul3A_792 = arith.muli %scan3A_66, %mul3A_791 : i32
        %add3A_793 = arith.constant 15 : i32
        %add3A_794 = arith.addi %mul3A_792, %add3A_793 : i32
        %get3A_795 = arith.index_cast %add3A_794 : i32 to index
        %get3A_796 = arith.constant 48 : index
        %get3A_797 = tpu.vector_load %arg11[%get3A_795, %get3A_796] {strides = array<i32>} : memref<400x64xf32, #tpu.memory_space<vmem>>, vector<1x16xf32>,
        %get3A_798 = vector.shape_cast %get3A_797 : vector<1x16xf32> to vector<16xf32>
        %mul3A_799 = arith.mulf %get3A_798, %broadcast_in_dim3A_759 : vector<16xf32>
        %add3A_800 = arith.addf %add3A_756, %mul3A_799 : vector<16xf32>
        %slice3A_801 = vector.extract_strided_slice %convert_element_type3A_81 {offsets = [0], sizes = [1], strides = [1]} : vector<16xf32> to vector<1xf32>
        %squeeze3A_802 = vector.extract %slice3A_801[0] : f32 from vector<1xf32>
        %broadcast_in_dim3A_803 = vector.broadcast %squeeze3A_802 : f32 to vector<16xf32>
        %add3A_804 = arith.addf %add3A_760, %broadcast_in_dim3A_803 : vector<16xf32>
        %mul3A_805 = arith.constant 50 : i32
        %mul3A_806 = arith.muli %scan3A_66, %mul3A_805 : i32
        %add3A_807 = arith.constant 16 : i32
        %add3A_808 = arith.addi %mul3A_806, %add3A_807 : i32
        %get3A_809 = arith.index_cast %add3A_808 : i32 to index
        %get3A_810 = arith.constant 0 : index
        %get3A_811 = tpu.vector_load %arg11[%get3A_809, %get3A_810] {strides = array<i32>} : memref<400x64xf32, #tpu.memory_space<vmem>>, vector<1x16xf32>,
        %get3A_812 = vector.shape_cast %get3A_811 : vector<1x16xf32> to vector<16xf32>
        %mul3A_813 = arith.mulf %get3A_812, %broadcast_in_dim3A_803 : vector<16xf32>
        %add3A_814 = arith.addf %add3A_770, %mul3A_813 : vector<16xf32>
        %mul3A_815 = arith.constant 50 : i32
        %mul3A_816 = arith.muli %scan3A_66, %mul3A_815 : i32
        %add3A_817 = arith.constant 16 : i32
        %add3A_818 = arith.addi %mul3A_816, %add3A_817 : i32
        %get3A_819 = arith.index_cast %add3A_818 : i32 to index
        %get3A_820 = arith.constant 16 : index
        %get3A_821 = tpu.vector_load %arg11[%get3A_819, %get3A_820] {strides = array<i32>} : memref<400x64xf32, #tpu.memory_space<vmem>>, vector<1x16xf32>,
        %get3A_822 = vector.shape_cast %get3A_821 : vector<1x16xf32> to vector<16xf32>
        %mul3A_823 = arith.mulf %get3A_822, %broadcast_in_dim3A_803 : vector<16xf32>
        %add3A_824 = arith.addf %add3A_780, %mul3A_823 : vector<16xf32>
        %mul3A_825 = arith.constant 50 : i32
        %mul3A_826 = arith.muli %scan3A_66, %mul3A_825 : i32
        %add3A_827 = arith.constant 16 : i32
        %add3A_828 = arith.addi %mul3A_826, %add3A_827 : i32
        %get3A_829 = arith.index_cast %add3A_828 : i32 to index
        %get3A_830 = arith.constant 32 : index
        %get3A_831 = tpu.vector_load %arg11[%get3A_829, %get3A_830] {strides = array<i32>} : memref<400x64xf32, #tpu.memory_space<vmem>>, vector<1x16xf32>,
        %get3A_832 = vector.shape_cast %get3A_831 : vector<1x16xf32> to vector<16xf32>
        %mul3A_833 = arith.mulf %get3A_832, %broadcast_in_dim3A_803 : vector<16xf32>
        %add3A_834 = arith.addf %add3A_790, %mul3A_833 : vector<16xf32>
        %mul3A_835 = arith.constant 50 : i32
        %mul3A_836 = arith.muli %scan3A_66, %mul3A_835 : i32
        %add3A_837 = arith.constant 16 : i32
        %add3A_838 = arith.addi %mul3A_836, %add3A_837 : i32
        %get3A_839 = arith.index_cast %add3A_838 : i32 to index
        %get3A_840 = arith.constant 48 : index
        %get3A_841 = tpu.vector_load %arg11[%get3A_839, %get3A_840] {strides = array<i32>} : memref<400x64xf32, #tpu.memory_space<vmem>>, vector<1x16xf32>,
        %get3A_842 = vector.shape_cast %get3A_841 : vector<1x16xf32> to vector<16xf32>
        %mul3A_843 = arith.mulf %get3A_842, %broadcast_in_dim3A_803 : vector<16xf32>
        %add3A_844 = arith.addf %add3A_800, %mul3A_843 : vector<16xf32>
        %slice3A_845 = vector.extract_strided_slice %convert_element_type3A_81 {offsets = [1], sizes = [1], strides = [1]} : vector<16xf32> to vector<1xf32>
        %squeeze3A_846 = vector.extract %slice3A_845[0] : f32 from vector<1xf32>
        %broadcast_in_dim3A_847 = vector.broadcast %squeeze3A_846 : f32 to vector<16xf32>
        %add3A_848 = arith.addf %add3A_804, %broadcast_in_dim3A_847 : vector<16xf32>
        %mul3A_849 = arith.constant 50 : i32
        %mul3A_850 = arith.muli %scan3A_66, %mul3A_849 : i32
        %add3A_851 = arith.constant 17 : i32
        %add3A_852 = arith.addi %mul3A_850, %add3A_851 : i32
        %get3A_853 = arith.index_cast %add3A_852 : i32 to index
        %get3A_854 = arith.constant 0 : index
        %get3A_855 = tpu.vector_load %arg11[%get3A_853, %get3A_854] {strides = array<i32>} : memref<400x64xf32, #tpu.memory_space<vmem>>, vector<1x16xf32>,
        %get3A_856 = vector.shape_cast %get3A_855 : vector<1x16xf32> to vector<16xf32>
        %mul3A_857 = arith.mulf %get3A_856, %broadcast_in_dim3A_847 : vector<16xf32>
        %add3A_858 = arith.addf %add3A_814, %mul3A_857 : vector<16xf32>
        %mul3A_859 = arith.constant 50 : i32
        %mul3A_860 = arith.muli %scan3A_66, %mul3A_859 : i32
        %add3A_861 = arith.constant 17 : i32
        %add3A_862 = arith.addi %mul3A_860, %add3A_861 : i32
        %get3A_863 = arith.index_cast %add3A_862 : i32 to index
        %get3A_864 = arith.constant 16 : index
        %get3A_865 = tpu.vector_load %arg11[%get3A_863, %get3A_864] {strides = array<i32>} : memref<400x64xf32, #tpu.memory_space<vmem>>, vector<1x16xf32>,
        %get3A_866 = vector.shape_cast %get3A_865 : vector<1x16xf32> to vector<16xf32>
        %mul3A_867 = arith.mulf %get3A_866, %broadcast_in_dim3A_847 : vector<16xf32>
        %add3A_868 = arith.addf %add3A_824, %mul3A_867 : vector<16xf32>
        %mul3A_869 = arith.constant 50 : i32
        %mul3A_870 = arith.muli %scan3A_66, %mul3A_869 : i32
        %add3A_871 = arith.constant 17 : i32
        %add3A_872 = arith.addi %mul3A_870, %add3A_871 : i32
        %get3A_873 = arith.index_cast %add3A_872 : i32 to index
        %get3A_874 = arith.constant 32 : index
        %get3A_875 = tpu.vector_load %arg11[%get3A_873, %get3A_874] {strides = array<i32>} : memref<400x64xf32, #tpu.memory_space<vmem>>, vector<1x16xf32>,
        %get3A_876 = vector.shape_cast %get3A_875 : vector<1x16xf32> to vector<16xf32>
        %mul3A_877 = arith.mulf %get3A_876, %broadcast_in_dim3A_847 : vector<16xf32>
        %add3A_878 = arith.addf %add3A_834, %mul3A_877 : vector<16xf32>
        %mul3A_879 = arith.constant 50 : i32
        %mul3A_880 = arith.muli %scan3A_66, %mul3A_879 : i32
        %add3A_881 = arith.constant 17 : i32
        %add3A_882 = arith.addi %mul3A_880, %add3A_881 : i32
        %get3A_883 = arith.index_cast %add3A_882 : i32 to index
        %get3A_884 = arith.constant 48 : index
        %get3A_885 = tpu.vector_load %arg11[%get3A_883, %get3A_884] {strides = array<i32>} : memref<400x64xf32, #tpu.memory_space<vmem>>, vector<1x16xf32>,
        %get3A_886 = vector.shape_cast %get3A_885 : vector<1x16xf32> to vector<16xf32>
        %mul3A_887 = arith.mulf %get3A_886, %broadcast_in_dim3A_847 : vector<16xf32>
        %add3A_888 = arith.addf %add3A_844, %mul3A_887 : vector<16xf32>
        %slice3A_889 = vector.extract_strided_slice %convert_element_type3A_81 {offsets = [2], sizes = [1], strides = [1]} : vector<16xf32> to vector<1xf32>
        %squeeze3A_890 = vector.extract %slice3A_889[0] : f32 from vector<1xf32>
        %broadcast_in_dim3A_891 = vector.broadcast %squeeze3A_890 : f32 to vector<16xf32>
        %add3A_892 = arith.addf %add3A_848, %broadcast_in_dim3A_891 : vector<16xf32>
        %mul3A_893 = arith.constant 50 : i32
        %mul3A_894 = arith.muli %scan3A_66, %mul3A_893 : i32
        %add3A_895 = arith.constant 18 : i32
        %add3A_896 = arith.addi %mul3A_894, %add3A_895 : i32
        %get3A_897 = arith.index_cast %add3A_896 : i32 to index
        %get3A_898 = arith.constant 0 : index
        %get3A_899 = tpu.vector_load %arg11[%get3A_897, %get3A_898] {strides = array<i32>} : memref<400x64xf32, #tpu.memory_space<vmem>>, vector<1x16xf32>,
        %get3A_900 = vector.shape_cast %get3A_899 : vector<1x16xf32> to vector<16xf32>
        %mul3A_901 = arith.mulf %get3A_900, %broadcast_in_dim3A_891 : vector<16xf32>
        %add3A_902 = arith.addf %add3A_858, %mul3A_901 : vector<16xf32>
        %mul3A_903 = arith.constant 50 : i32
        %mul3A_904 = arith.muli %scan3A_66, %mul3A_903 : i32
        %add3A_905 = arith.constant 18 : i32
        %add3A_906 = arith.addi %mul3A_904, %add3A_905 : i32
        %get3A_907 = arith.index_cast %add3A_906 : i32 to index
        %get3A_908 = arith.constant 16 : index
        %get3A_909 = tpu.vector_load %arg11[%get3A_907, %get3A_908] {strides = array<i32>} : memref<400x64xf32, #tpu.memory_space<vmem>>, vector<1x16xf32>,
        %get3A_910 = vector.shape_cast %get3A_909 : vector<1x16xf32> to vector<16xf32>
        %mul3A_911 = arith.mulf %get3A_910, %broadcast_in_dim3A_891 : vector<16xf32>
        %add3A_912 = arith.addf %add3A_868, %mul3A_911 : vector<16xf32>
        %mul3A_913 = arith.constant 50 : i32
        %mul3A_914 = arith.muli %scan3A_66, %mul3A_913 : i32
        %add3A_915 = arith.constant 18 : i32
        %add3A_916 = arith.addi %mul3A_914, %add3A_915 : i32
        %get3A_917 = arith.index_cast %add3A_916 : i32 to index
        %get3A_918 = arith.constant 32 : index
        %get3A_919 = tpu.vector_load %arg11[%get3A_917, %get3A_918] {strides = array<i32>} : memref<400x64xf32, #tpu.memory_space<vmem>>, vector<1x16xf32>,
        %get3A_920 = vector.shape_cast %get3A_919 : vector<1x16xf32> to vector<16xf32>
        %mul3A_921 = arith.mulf %get3A_920, %broadcast_in_dim3A_891 : vector<16xf32>
        %add3A_922 = arith.addf %add3A_878, %mul3A_921 : vector<16xf32>
        %mul3A_923 = arith.constant 50 : i32
        %mul3A_924 = arith.muli %scan3A_66, %mul3A_923 : i32
        %add3A_925 = arith.constant 18 : i32
        %add3A_926 = arith.addi %mul3A_924, %add3A_925 : i32
        %get3A_927 = arith.index_cast %add3A_926 : i32 to index
        %get3A_928 = arith.constant 48 : index
        %get3A_929 = tpu.vector_load %arg11[%get3A_927, %get3A_928] {strides = array<i32>} : memref<400x64xf32, #tpu.memory_space<vmem>>, vector<1x16xf32>,
        %get3A_930 = vector.shape_cast %get3A_929 : vector<1x16xf32> to vector<16xf32>
        %mul3A_931 = arith.mulf %get3A_930, %broadcast_in_dim3A_891 : vector<16xf32>
        %add3A_932 = arith.addf %add3A_888, %mul3A_931 : vector<16xf32>
        %slice3A_933 = vector.extract_strided_slice %convert_element_type3A_81 {offsets = [3], sizes = [1], strides = [1]} : vector<16xf32> to vector<1xf32>
        %squeeze3A_934 = vector.extract %slice3A_933[0] : f32 from vector<1xf32>
        %broadcast_in_dim3A_935 = vector.broadcast %squeeze3A_934 : f32 to vector<16xf32>
        %add3A_936 = arith.addf %add3A_892, %broadcast_in_dim3A_935 : vector<16xf32>
        %mul3A_937 = arith.constant 50 : i32
        %mul3A_938 = arith.muli %scan3A_66, %mul3A_937 : i32
        %add3A_939 = arith.constant 19 : i32
        %add3A_940 = arith.addi %mul3A_938, %add3A_939 : i32
        %get3A_941 = arith.index_cast %add3A_940 : i32 to index
        %get3A_942 = arith.constant 0 : index
        %get3A_943 = tpu.vector_load %arg11[%get3A_941, %get3A_942] {strides = array<i32>} : memref<400x64xf32, #tpu.memory_space<vmem>>, vector<1x16xf32>,
        %get3A_944 = vector.shape_cast %get3A_943 : vector<1x16xf32> to vector<16xf32>
        %mul3A_945 = arith.mulf %get3A_944, %broadcast_in_dim3A_935 : vector<16xf32>
        %add3A_946 = arith.addf %add3A_902, %mul3A_945 : vector<16xf32>
        %mul3A_947 = arith.constant 50 : i32
        %mul3A_948 = arith.muli %scan3A_66, %mul3A_947 : i32
        %add3A_949 = arith.constant 19 : i32
        %add3A_950 = arith.addi %mul3A_948, %add3A_949 : i32
        %get3A_951 = arith.index_cast %add3A_950 : i32 to index
        %get3A_952 = arith.constant 16 : index
        %get3A_953 = tpu.vector_load %arg11[%get3A_951, %get3A_952] {strides = array<i32>} : memref<400x64xf32, #tpu.memory_space<vmem>>, vector<1x16xf32>,
        %get3A_954 = vector.shape_cast %get3A_953 : vector<1x16xf32> to vector<16xf32>
        %mul3A_955 = arith.mulf %get3A_954, %broadcast_in_dim3A_935 : vector<16xf32>
        %add3A_956 = arith.addf %add3A_912, %mul3A_955 : vector<16xf32>
        %mul3A_957 = arith.constant 50 : i32
        %mul3A_958 = arith.muli %scan3A_66, %mul3A_957 : i32
        %add3A_959 = arith.constant 19 : i32
        %add3A_960 = arith.addi %mul3A_958, %add3A_959 : i32
        %get3A_961 = arith.index_cast %add3A_960 : i32 to index
        %get3A_962 = arith.constant 32 : index
        %get3A_963 = tpu.vector_load %arg11[%get3A_961, %get3A_962] {strides = array<i32>} : memref<400x64xf32, #tpu.memory_space<vmem>>, vector<1x16xf32>,
        %get3A_964 = vector.shape_cast %get3A_963 : vector<1x16xf32> to vector<16xf32>
        %mul3A_965 = arith.mulf %get3A_964, %broadcast_in_dim3A_935 : vector<16xf32>
        %add3A_966 = arith.addf %add3A_922, %mul3A_965 : vector<16xf32>
        %mul3A_967 = arith.constant 50 : i32
        %mul3A_968 = arith.muli %scan3A_66, %mul3A_967 : i32
        %add3A_969 = arith.constant 19 : i32
        %add3A_970 = arith.addi %mul3A_968, %add3A_969 : i32
        %get3A_971 = arith.index_cast %add3A_970 : i32 to index
        %get3A_972 = arith.constant 48 : index
        %get3A_973 = tpu.vector_load %arg11[%get3A_971, %get3A_972] {strides = array<i32>} : memref<400x64xf32, #tpu.memory_space<vmem>>, vector<1x16xf32>,
        %get3A_974 = vector.shape_cast %get3A_973 : vector<1x16xf32> to vector<16xf32>
        %mul3A_975 = arith.mulf %get3A_974, %broadcast_in_dim3A_935 : vector<16xf32>
        %add3A_976 = arith.addf %add3A_932, %mul3A_975 : vector<16xf32>
        %slice3A_977 = vector.extract_strided_slice %convert_element_type3A_81 {offsets = [4], sizes = [1], strides = [1]} : vector<16xf32> to vector<1xf32>
        %squeeze3A_978 = vector.extract %slice3A_977[0] : f32 from vector<1xf32>
        %broadcast_in_dim3A_979 = vector.broadcast %squeeze3A_978 : f32 to vector<16xf32>
        %add3A_980 = arith.addf %add3A_936, %broadcast_in_dim3A_979 : vector<16xf32>
        %mul3A_981 = arith.constant 50 : i32
        %mul3A_982 = arith.muli %scan3A_66, %mul3A_981 : i32
        %add3A_983 = arith.constant 20 : i32
        %add3A_984 = arith.addi %mul3A_982, %add3A_983 : i32
        %get3A_985 = arith.index_cast %add3A_984 : i32 to index
        %get3A_986 = arith.constant 0 : index
        %get3A_987 = tpu.vector_load %arg11[%get3A_985, %get3A_986] {strides = array<i32>} : memref<400x64xf32, #tpu.memory_space<vmem>>, vector<1x16xf32>,
        %get3A_988 = vector.shape_cast %get3A_987 : vector<1x16xf32> to vector<16xf32>
        %mul3A_989 = arith.mulf %get3A_988, %broadcast_in_dim3A_979 : vector<16xf32>
        %add3A_990 = arith.addf %add3A_946, %mul3A_989 : vector<16xf32>
        %mul3A_991 = arith.constant 50 : i32
        %mul3A_992 = arith.muli %scan3A_66, %mul3A_991 : i32
        %add3A_993 = arith.constant 20 : i32
        %add3A_994 = arith.addi %mul3A_992, %add3A_993 : i32
        %get3A_995 = arith.index_cast %add3A_994 : i32 to index
        %get3A_996 = arith.constant 16 : index
        %get3A_997 = tpu.vector_load %arg11[%get3A_995, %get3A_996] {strides = array<i32>} : memref<400x64xf32, #tpu.memory_space<vmem>>, vector<1x16xf32>,
        %get3A_998 = vector.shape_cast %get3A_997 : vector<1x16xf32> to vector<16xf32>
        %mul3A_999 = arith.mulf %get3A_998, %broadcast_in_dim3A_979 : vector<16xf32>
        %add3A_1000 = arith.addf %add3A_956, %mul3A_999 : vector<16xf32>
        %mul3A_1001 = arith.constant 50 : i32
        %mul3A_1002 = arith.muli %scan3A_66, %mul3A_1001 : i32
        %add3A_1003 = arith.constant 20 : i32
        %add3A_1004 = arith.addi %mul3A_1002, %add3A_1003 : i32
        %get3A_1005 = arith.index_cast %add3A_1004 : i32 to index
        %get3A_1006 = arith.constant 32 : index
        %get3A_1007 = tpu.vector_load %arg11[%get3A_1005, %get3A_1006] {strides = array<i32>} : memref<400x64xf32, #tpu.memory_space<vmem>>, vector<1x16xf32>,
        %get3A_1008 = vector.shape_cast %get3A_1007 : vector<1x16xf32> to vector<16xf32>
        %mul3A_1009 = arith.mulf %get3A_1008, %broadcast_in_dim3A_979 : vector<16xf32>
        %add3A_1010 = arith.addf %add3A_966, %mul3A_1009 : vector<16xf32>
        %mul3A_1011 = arith.constant 50 : i32
        %mul3A_1012 = arith.muli %scan3A_66, %mul3A_1011 : i32
        %add3A_1013 = arith.constant 20 : i32
        %add3A_1014 = arith.addi %mul3A_1012, %add3A_1013 : i32
        %get3A_1015 = arith.index_cast %add3A_1014 : i32 to index
        %get3A_1016 = arith.constant 48 : index
        %get3A_1017 = tpu.vector_load %arg11[%get3A_1015, %get3A_1016] {strides = array<i32>} : memref<400x64xf32, #tpu.memory_space<vmem>>, vector<1x16xf32>,
        %get3A_1018 = vector.shape_cast %get3A_1017 : vector<1x16xf32> to vector<16xf32>
        %mul3A_1019 = arith.mulf %get3A_1018, %broadcast_in_dim3A_979 : vector<16xf32>
        %add3A_1020 = arith.addf %add3A_976, %mul3A_1019 : vector<16xf32>
        %slice3A_1021 = vector.extract_strided_slice %convert_element_type3A_81 {offsets = [5], sizes = [1], strides = [1]} : vector<16xf32> to vector<1xf32>
        %squeeze3A_1022 = vector.extract %slice3A_1021[0] : f32 from vector<1xf32>
        %broadcast_in_dim3A_1023 = vector.broadcast %squeeze3A_1022 : f32 to vector<16xf32>
        %add3A_1024 = arith.addf %add3A_980, %broadcast_in_dim3A_1023 : vector<16xf32>
        %mul3A_1025 = arith.constant 50 : i32
        %mul3A_1026 = arith.muli %scan3A_66, %mul3A_1025 : i32
        %add3A_1027 = arith.constant 21 : i32
        %add3A_1028 = arith.addi %mul3A_1026, %add3A_1027 : i32
        %get3A_1029 = arith.index_cast %add3A_1028 : i32 to index
        %get3A_1030 = arith.constant 0 : index
        %get3A_1031 = tpu.vector_load %arg11[%get3A_1029, %get3A_1030] {strides = array<i32>} : memref<400x64xf32, #tpu.memory_space<vmem>>, vector<1x16xf32>,
        %get3A_1032 = vector.shape_cast %get3A_1031 : vector<1x16xf32> to vector<16xf32>
        %mul3A_1033 = arith.mulf %get3A_1032, %broadcast_in_dim3A_1023 : vector<16xf32>
        %add3A_1034 = arith.addf %add3A_990, %mul3A_1033 : vector<16xf32>
        %mul3A_1035 = arith.constant 50 : i32
        %mul3A_1036 = arith.muli %scan3A_66, %mul3A_1035 : i32
        %add3A_1037 = arith.constant 21 : i32
        %add3A_1038 = arith.addi %mul3A_1036, %add3A_1037 : i32
        %get3A_1039 = arith.index_cast %add3A_1038 : i32 to index
        %get3A_1040 = arith.constant 16 : index
        %get3A_1041 = tpu.vector_load %arg11[%get3A_1039, %get3A_1040] {strides = array<i32>} : memref<400x64xf32, #tpu.memory_space<vmem>>, vector<1x16xf32>,
        %get3A_1042 = vector.shape_cast %get3A_1041 : vector<1x16xf32> to vector<16xf32>
        %mul3A_1043 = arith.mulf %get3A_1042, %broadcast_in_dim3A_1023 : vector<16xf32>
        %add3A_1044 = arith.addf %add3A_1000, %mul3A_1043 : vector<16xf32>
        %mul3A_1045 = arith.constant 50 : i32
        %mul3A_1046 = arith.muli %scan3A_66, %mul3A_1045 : i32
        %add3A_1047 = arith.constant 21 : i32
        %add3A_1048 = arith.addi %mul3A_1046, %add3A_1047 : i32
        %get3A_1049 = arith.index_cast %add3A_1048 : i32 to index
        %get3A_1050 = arith.constant 32 : index
        %get3A_1051 = tpu.vector_load %arg11[%get3A_1049, %get3A_1050] {strides = array<i32>} : memref<400x64xf32, #tpu.memory_space<vmem>>, vector<1x16xf32>,
        %get3A_1052 = vector.shape_cast %get3A_1051 : vector<1x16xf32> to vector<16xf32>
        %mul3A_1053 = arith.mulf %get3A_1052, %broadcast_in_dim3A_1023 : vector<16xf32>
        %add3A_1054 = arith.addf %add3A_1010, %mul3A_1053 : vector<16xf32>
        %mul3A_1055 = arith.constant 50 : i32
        %mul3A_1056 = arith.muli %scan3A_66, %mul3A_1055 : i32
        %add3A_1057 = arith.constant 21 : i32
        %add3A_1058 = arith.addi %mul3A_1056, %add3A_1057 : i32
        %get3A_1059 = arith.index_cast %add3A_1058 : i32 to index
        %get3A_1060 = arith.constant 48 : index
        %get3A_1061 = tpu.vector_load %arg11[%get3A_1059, %get3A_1060] {strides = array<i32>} : memref<400x64xf32, #tpu.memory_space<vmem>>, vector<1x16xf32>,
        %get3A_1062 = vector.shape_cast %get3A_1061 : vector<1x16xf32> to vector<16xf32>
        %mul3A_1063 = arith.mulf %get3A_1062, %broadcast_in_dim3A_1023 : vector<16xf32>
        %add3A_1064 = arith.addf %add3A_1020, %mul3A_1063 : vector<16xf32>
        %slice3A_1065 = vector.extract_strided_slice %convert_element_type3A_81 {offsets = [6], sizes = [1], strides = [1]} : vector<16xf32> to vector<1xf32>
        %squeeze3A_1066 = vector.extract %slice3A_1065[0] : f32 from vector<1xf32>
        %broadcast_in_dim3A_1067 = vector.broadcast %squeeze3A_1066 : f32 to vector<16xf32>
        %add3A_1068 = arith.addf %add3A_1024, %broadcast_in_dim3A_1067 : vector<16xf32>
        %mul3A_1069 = arith.constant 50 : i32
        %mul3A_1070 = arith.muli %scan3A_66, %mul3A_1069 : i32
        %add3A_1071 = arith.constant 22 : i32
        %add3A_1072 = arith.addi %mul3A_1070, %add3A_1071 : i32
        %get3A_1073 = arith.index_cast %add3A_1072 : i32 to index
        %get3A_1074 = arith.constant 0 : index
        %get3A_1075 = tpu.vector_load %arg11[%get3A_1073, %get3A_1074] {strides = array<i32>} : memref<400x64xf32, #tpu.memory_space<vmem>>, vector<1x16xf32>,
        %get3A_1076 = vector.shape_cast %get3A_1075 : vector<1x16xf32> to vector<16xf32>
        %mul3A_1077 = arith.mulf %get3A_1076, %broadcast_in_dim3A_1067 : vector<16xf32>
        %add3A_1078 = arith.addf %add3A_1034, %mul3A_1077 : vector<16xf32>
        %mul3A_1079 = arith.constant 50 : i32
        %mul3A_1080 = arith.muli %scan3A_66, %mul3A_1079 : i32
        %add3A_1081 = arith.constant 22 : i32
        %add3A_1082 = arith.addi %mul3A_1080, %add3A_1081 : i32
        %get3A_1083 = arith.index_cast %add3A_1082 : i32 to index
        %get3A_1084 = arith.constant 16 : index
        %get3A_1085 = tpu.vector_load %arg11[%get3A_1083, %get3A_1084] {strides = array<i32>} : memref<400x64xf32, #tpu.memory_space<vmem>>, vector<1x16xf32>,
        %get3A_1086 = vector.shape_cast %get3A_1085 : vector<1x16xf32> to vector<16xf32>
        %mul3A_1087 = arith.mulf %get3A_1086, %broadcast_in_dim3A_1067 : vector<16xf32>
        %add3A_1088 = arith.addf %add3A_1044, %mul3A_1087 : vector<16xf32>
        %mul3A_1089 = arith.constant 50 : i32
        %mul3A_1090 = arith.muli %scan3A_66, %mul3A_1089 : i32
        %add3A_1091 = arith.constant 22 : i32
        %add3A_1092 = arith.addi %mul3A_1090, %add3A_1091 : i32
        %get3A_1093 = arith.index_cast %add3A_1092 : i32 to index
        %get3A_1094 = arith.constant 32 : index
        %get3A_1095 = tpu.vector_load %arg11[%get3A_1093, %get3A_1094] {strides = array<i32>} : memref<400x64xf32, #tpu.memory_space<vmem>>, vector<1x16xf32>,
        %get3A_1096 = vector.shape_cast %get3A_1095 : vector<1x16xf32> to vector<16xf32>
        %mul3A_1097 = arith.mulf %get3A_1096, %broadcast_in_dim3A_1067 : vector<16xf32>
        %add3A_1098 = arith.addf %add3A_1054, %mul3A_1097 : vector<16xf32>
        %mul3A_1099 = arith.constant 50 : i32
        %mul3A_1100 = arith.muli %scan3A_66, %mul3A_1099 : i32
        %add3A_1101 = arith.constant 22 : i32
        %add3A_1102 = arith.addi %mul3A_1100, %add3A_1101 : i32
        %get3A_1103 = arith.index_cast %add3A_1102 : i32 to index
        %get3A_1104 = arith.constant 48 : index
        %get3A_1105 = tpu.vector_load %arg11[%get3A_1103, %get3A_1104] {strides = array<i32>} : memref<400x64xf32, #tpu.memory_space<vmem>>, vector<1x16xf32>,
        %get3A_1106 = vector.shape_cast %get3A_1105 : vector<1x16xf32> to vector<16xf32>
        %mul3A_1107 = arith.mulf %get3A_1106, %broadcast_in_dim3A_1067 : vector<16xf32>
        %add3A_1108 = arith.addf %add3A_1064, %mul3A_1107 : vector<16xf32>
        %slice3A_1109 = vector.extract_strided_slice %convert_element_type3A_81 {offsets = [7], sizes = [1], strides = [1]} : vector<16xf32> to vector<1xf32>
        %squeeze3A_1110 = vector.extract %slice3A_1109[0] : f32 from vector<1xf32>
        %broadcast_in_dim3A_1111 = vector.broadcast %squeeze3A_1110 : f32 to vector<16xf32>
        %add3A_1112 = arith.addf %add3A_1068, %broadcast_in_dim3A_1111 : vector<16xf32>
        %mul3A_1113 = arith.constant 50 : i32
        %mul3A_1114 = arith.muli %scan3A_66, %mul3A_1113 : i32
        %add3A_1115 = arith.constant 23 : i32
        %add3A_1116 = arith.addi %mul3A_1114, %add3A_1115 : i32
        %get3A_1117 = arith.index_cast %add3A_1116 : i32 to index
        %get3A_1118 = arith.constant 0 : index
        %get3A_1119 = tpu.vector_load %arg11[%get3A_1117, %get3A_1118] {strides = array<i32>} : memref<400x64xf32, #tpu.memory_space<vmem>>, vector<1x16xf32>,
        %get3A_1120 = vector.shape_cast %get3A_1119 : vector<1x16xf32> to vector<16xf32>
        %mul3A_1121 = arith.mulf %get3A_1120, %broadcast_in_dim3A_1111 : vector<16xf32>
        %add3A_1122 = arith.addf %add3A_1078, %mul3A_1121 : vector<16xf32>
        %mul3A_1123 = arith.constant 50 : i32
        %mul3A_1124 = arith.muli %scan3A_66, %mul3A_1123 : i32
        %add3A_1125 = arith.constant 23 : i32
        %add3A_1126 = arith.addi %mul3A_1124, %add3A_1125 : i32
        %get3A_1127 = arith.index_cast %add3A_1126 : i32 to index
        %get3A_1128 = arith.constant 16 : index
        %get3A_1129 = tpu.vector_load %arg11[%get3A_1127, %get3A_1128] {strides = array<i32>} : memref<400x64xf32, #tpu.memory_space<vmem>>, vector<1x16xf32>,
        %get3A_1130 = vector.shape_cast %get3A_1129 : vector<1x16xf32> to vector<16xf32>
        %mul3A_1131 = arith.mulf %get3A_1130, %broadcast_in_dim3A_1111 : vector<16xf32>
        %add3A_1132 = arith.addf %add3A_1088, %mul3A_1131 : vector<16xf32>
        %mul3A_1133 = arith.constant 50 : i32
        %mul3A_1134 = arith.muli %scan3A_66, %mul3A_1133 : i32
        %add3A_1135 = arith.constant 23 : i32
        %add3A_1136 = arith.addi %mul3A_1134, %add3A_1135 : i32
        %get3A_1137 = arith.index_cast %add3A_1136 : i32 to index
        %get3A_1138 = arith.constant 32 : index
        %get3A_1139 = tpu.vector_load %arg11[%get3A_1137, %get3A_1138] {strides = array<i32>} : memref<400x64xf32, #tpu.memory_space<vmem>>, vector<1x16xf32>,
        %get3A_1140 = vector.shape_cast %get3A_1139 : vector<1x16xf32> to vector<16xf32>
        %mul3A_1141 = arith.mulf %get3A_1140, %broadcast_in_dim3A_1111 : vector<16xf32>
        %add3A_1142 = arith.addf %add3A_1098, %mul3A_1141 : vector<16xf32>
        %mul3A_1143 = arith.constant 50 : i32
        %mul3A_1144 = arith.muli %scan3A_66, %mul3A_1143 : i32
        %add3A_1145 = arith.constant 23 : i32
        %add3A_1146 = arith.addi %mul3A_1144, %add3A_1145 : i32
        %get3A_1147 = arith.index_cast %add3A_1146 : i32 to index
        %get3A_1148 = arith.constant 48 : index
        %get3A_1149 = tpu.vector_load %arg11[%get3A_1147, %get3A_1148] {strides = array<i32>} : memref<400x64xf32, #tpu.memory_space<vmem>>, vector<1x16xf32>,
        %get3A_1150 = vector.shape_cast %get3A_1149 : vector<1x16xf32> to vector<16xf32>
        %mul3A_1151 = arith.mulf %get3A_1150, %broadcast_in_dim3A_1111 : vector<16xf32>
        %add3A_1152 = arith.addf %add3A_1108, %mul3A_1151 : vector<16xf32>
        %slice3A_1153 = vector.extract_strided_slice %convert_element_type3A_81 {offsets = [8], sizes = [1], strides = [1]} : vector<16xf32> to vector<1xf32>
        %squeeze3A_1154 = vector.extract %slice3A_1153[0] : f32 from vector<1xf32>
        %broadcast_in_dim3A_1155 = vector.broadcast %squeeze3A_1154 : f32 to vector<16xf32>
        %add3A_1156 = arith.addf %add3A_1112, %broadcast_in_dim3A_1155 : vector<16xf32>
        %mul3A_1157 = arith.constant 50 : i32
        %mul3A_1158 = arith.muli %scan3A_66, %mul3A_1157 : i32
        %add3A_1159 = arith.constant 24 : i32
        %add3A_1160 = arith.addi %mul3A_1158, %add3A_1159 : i32
        %get3A_1161 = arith.index_cast %add3A_1160 : i32 to index
        %get3A_1162 = arith.constant 0 : index
        %get3A_1163 = tpu.vector_load %arg11[%get3A_1161, %get3A_1162] {strides = array<i32>} : memref<400x64xf32, #tpu.memory_space<vmem>>, vector<1x16xf32>,
        %get3A_1164 = vector.shape_cast %get3A_1163 : vector<1x16xf32> to vector<16xf32>
        %mul3A_1165 = arith.mulf %get3A_1164, %broadcast_in_dim3A_1155 : vector<16xf32>
        %add3A_1166 = arith.addf %add3A_1122, %mul3A_1165 : vector<16xf32>
        %mul3A_1167 = arith.constant 50 : i32
        %mul3A_1168 = arith.muli %scan3A_66, %mul3A_1167 : i32
        %add3A_1169 = arith.constant 24 : i32
        %add3A_1170 = arith.addi %mul3A_1168, %add3A_1169 : i32
        %get3A_1171 = arith.index_cast %add3A_1170 : i32 to index
        %get3A_1172 = arith.constant 16 : index
        %get3A_1173 = tpu.vector_load %arg11[%get3A_1171, %get3A_1172] {strides = array<i32>} : memref<400x64xf32, #tpu.memory_space<vmem>>, vector<1x16xf32>,
        %get3A_1174 = vector.shape_cast %get3A_1173 : vector<1x16xf32> to vector<16xf32>
        %mul3A_1175 = arith.mulf %get3A_1174, %broadcast_in_dim3A_1155 : vector<16xf32>
        %add3A_1176 = arith.addf %add3A_1132, %mul3A_1175 : vector<16xf32>
        %mul3A_1177 = arith.constant 50 : i32
        %mul3A_1178 = arith.muli %scan3A_66, %mul3A_1177 : i32
        %add3A_1179 = arith.constant 24 : i32
        %add3A_1180 = arith.addi %mul3A_1178, %add3A_1179 : i32
        %get3A_1181 = arith.index_cast %add3A_1180 : i32 to index
        %get3A_1182 = arith.constant 32 : index
        %get3A_1183 = tpu.vector_load %arg11[%get3A_1181, %get3A_1182] {strides = array<i32>} : memref<400x64xf32, #tpu.memory_space<vmem>>, vector<1x16xf32>,
        %get3A_1184 = vector.shape_cast %get3A_1183 : vector<1x16xf32> to vector<16xf32>
        %mul3A_1185 = arith.mulf %get3A_1184, %broadcast_in_dim3A_1155 : vector<16xf32>
        %add3A_1186 = arith.addf %add3A_1142, %mul3A_1185 : vector<16xf32>
        %mul3A_1187 = arith.constant 50 : i32
        %mul3A_1188 = arith.muli %scan3A_66, %mul3A_1187 : i32
        %add3A_1189 = arith.constant 24 : i32
        %add3A_1190 = arith.addi %mul3A_1188, %add3A_1189 : i32
        %get3A_1191 = arith.index_cast %add3A_1190 : i32 to index
        %get3A_1192 = arith.constant 48 : index
        %get3A_1193 = tpu.vector_load %arg11[%get3A_1191, %get3A_1192] {strides = array<i32>} : memref<400x64xf32, #tpu.memory_space<vmem>>, vector<1x16xf32>,
        %get3A_1194 = vector.shape_cast %get3A_1193 : vector<1x16xf32> to vector<16xf32>
        %mul3A_1195 = arith.mulf %get3A_1194, %broadcast_in_dim3A_1155 : vector<16xf32>
        %add3A_1196 = arith.addf %add3A_1152, %mul3A_1195 : vector<16xf32>
        %slice3A_1197 = vector.extract_strided_slice %convert_element_type3A_81 {offsets = [9], sizes = [1], strides = [1]} : vector<16xf32> to vector<1xf32>
        %squeeze3A_1198 = vector.extract %slice3A_1197[0] : f32 from vector<1xf32>
        %broadcast_in_dim3A_1199 = vector.broadcast %squeeze3A_1198 : f32 to vector<16xf32>
        %add3A_1200 = arith.addf %add3A_1156, %broadcast_in_dim3A_1199 : vector<16xf32>
        %mul3A_1201 = arith.constant 50 : i32
        %mul3A_1202 = arith.muli %scan3A_66, %mul3A_1201 : i32
        %add3A_1203 = arith.constant 25 : i32
        %add3A_1204 = arith.addi %mul3A_1202, %add3A_1203 : i32
        %get3A_1205 = arith.index_cast %add3A_1204 : i32 to index
        %get3A_1206 = arith.constant 0 : index
        %get3A_1207 = tpu.vector_load %arg11[%get3A_1205, %get3A_1206] {strides = array<i32>} : memref<400x64xf32, #tpu.memory_space<vmem>>, vector<1x16xf32>,
        %get3A_1208 = vector.shape_cast %get3A_1207 : vector<1x16xf32> to vector<16xf32>
        %mul3A_1209 = arith.mulf %get3A_1208, %broadcast_in_dim3A_1199 : vector<16xf32>
        %add3A_1210 = arith.addf %add3A_1166, %mul3A_1209 : vector<16xf32>
        %mul3A_1211 = arith.constant 50 : i32
        %mul3A_1212 = arith.muli %scan3A_66, %mul3A_1211 : i32
        %add3A_1213 = arith.constant 25 : i32
        %add3A_1214 = arith.addi %mul3A_1212, %add3A_1213 : i32
        %get3A_1215 = arith.index_cast %add3A_1214 : i32 to index
        %get3A_1216 = arith.constant 16 : index
        %get3A_1217 = tpu.vector_load %arg11[%get3A_1215, %get3A_1216] {strides = array<i32>} : memref<400x64xf32, #tpu.memory_space<vmem>>, vector<1x16xf32>,
        %get3A_1218 = vector.shape_cast %get3A_1217 : vector<1x16xf32> to vector<16xf32>
        %mul3A_1219 = arith.mulf %get3A_1218, %broadcast_in_dim3A_1199 : vector<16xf32>
        %add3A_1220 = arith.addf %add3A_1176, %mul3A_1219 : vector<16xf32>
        %mul3A_1221 = arith.constant 50 : i32
        %mul3A_1222 = arith.muli %scan3A_66, %mul3A_1221 : i32
        %add3A_1223 = arith.constant 25 : i32
        %add3A_1224 = arith.addi %mul3A_1222, %add3A_1223 : i32
        %get3A_1225 = arith.index_cast %add3A_1224 : i32 to index
        %get3A_1226 = arith.constant 32 : index
        %get3A_1227 = tpu.vector_load %arg11[%get3A_1225, %get3A_1226] {strides = array<i32>} : memref<400x64xf32, #tpu.memory_space<vmem>>, vector<1x16xf32>,
        %get3A_1228 = vector.shape_cast %get3A_1227 : vector<1x16xf32> to vector<16xf32>
        %mul3A_1229 = arith.mulf %get3A_1228, %broadcast_in_dim3A_1199 : vector<16xf32>
        %add3A_1230 = arith.addf %add3A_1186, %mul3A_1229 : vector<16xf32>
        %mul3A_1231 = arith.constant 50 : i32
        %mul3A_1232 = arith.muli %scan3A_66, %mul3A_1231 : i32
        %add3A_1233 = arith.constant 25 : i32
        %add3A_1234 = arith.addi %mul3A_1232, %add3A_1233 : i32
        %get3A_1235 = arith.index_cast %add3A_1234 : i32 to index
        %get3A_1236 = arith.constant 48 : index
        %get3A_1237 = tpu.vector_load %arg11[%get3A_1235, %get3A_1236] {strides = array<i32>} : memref<400x64xf32, #tpu.memory_space<vmem>>, vector<1x16xf32>,
        %get3A_1238 = vector.shape_cast %get3A_1237 : vector<1x16xf32> to vector<16xf32>
        %mul3A_1239 = arith.mulf %get3A_1238, %broadcast_in_dim3A_1199 : vector<16xf32>
        %add3A_1240 = arith.addf %add3A_1196, %mul3A_1239 : vector<16xf32>
        %slice3A_1241 = vector.extract_strided_slice %convert_element_type3A_81 {offsets = [10], sizes = [1], strides = [1]} : vector<16xf32> to vector<1xf32>
        %squeeze3A_1242 = vector.extract %slice3A_1241[0] : f32 from vector<1xf32>
        %broadcast_in_dim3A_1243 = vector.broadcast %squeeze3A_1242 : f32 to vector<16xf32>
        %add3A_1244 = arith.addf %add3A_1200, %broadcast_in_dim3A_1243 : vector<16xf32>
        %mul3A_1245 = arith.constant 50 : i32
        %mul3A_1246 = arith.muli %scan3A_66, %mul3A_1245 : i32
        %add3A_1247 = arith.constant 26 : i32
        %add3A_1248 = arith.addi %mul3A_1246, %add3A_1247 : i32
        %get3A_1249 = arith.index_cast %add3A_1248 : i32 to index
        %get3A_1250 = arith.constant 0 : index
        %get3A_1251 = tpu.vector_load %arg11[%get3A_1249, %get3A_1250] {strides = array<i32>} : memref<400x64xf32, #tpu.memory_space<vmem>>, vector<1x16xf32>,
        %get3A_1252 = vector.shape_cast %get3A_1251 : vector<1x16xf32> to vector<16xf32>
        %mul3A_1253 = arith.mulf %get3A_1252, %broadcast_in_dim3A_1243 : vector<16xf32>
        %add3A_1254 = arith.addf %add3A_1210, %mul3A_1253 : vector<16xf32>
        %mul3A_1255 = arith.constant 50 : i32
        %mul3A_1256 = arith.muli %scan3A_66, %mul3A_1255 : i32
        %add3A_1257 = arith.constant 26 : i32
        %add3A_1258 = arith.addi %mul3A_1256, %add3A_1257 : i32
        %get3A_1259 = arith.index_cast %add3A_1258 : i32 to index
        %get3A_1260 = arith.constant 16 : index
        %get3A_1261 = tpu.vector_load %arg11[%get3A_1259, %get3A_1260] {strides = array<i32>} : memref<400x64xf32, #tpu.memory_space<vmem>>, vector<1x16xf32>,
        %get3A_1262 = vector.shape_cast %get3A_1261 : vector<1x16xf32> to vector<16xf32>
        %mul3A_1263 = arith.mulf %get3A_1262, %broadcast_in_dim3A_1243 : vector<16xf32>
        %add3A_1264 = arith.addf %add3A_1220, %mul3A_1263 : vector<16xf32>
        %mul3A_1265 = arith.constant 50 : i32
        %mul3A_1266 = arith.muli %scan3A_66, %mul3A_1265 : i32
        %add3A_1267 = arith.constant 26 : i32
        %add3A_1268 = arith.addi %mul3A_1266, %add3A_1267 : i32
        %get3A_1269 = arith.index_cast %add3A_1268 : i32 to index
        %get3A_1270 = arith.constant 32 : index
        %get3A_1271 = tpu.vector_load %arg11[%get3A_1269, %get3A_1270] {strides = array<i32>} : memref<400x64xf32, #tpu.memory_space<vmem>>, vector<1x16xf32>,
        %get3A_1272 = vector.shape_cast %get3A_1271 : vector<1x16xf32> to vector<16xf32>
        %mul3A_1273 = arith.mulf %get3A_1272, %broadcast_in_dim3A_1243 : vector<16xf32>
        %add3A_1274 = arith.addf %add3A_1230, %mul3A_1273 : vector<16xf32>
        %mul3A_1275 = arith.constant 50 : i32
        %mul3A_1276 = arith.muli %scan3A_66, %mul3A_1275 : i32
        %add3A_1277 = arith.constant 26 : i32
        %add3A_1278 = arith.addi %mul3A_1276, %add3A_1277 : i32
        %get3A_1279 = arith.index_cast %add3A_1278 : i32 to index
        %get3A_1280 = arith.constant 48 : index
        %get3A_1281 = tpu.vector_load %arg11[%get3A_1279, %get3A_1280] {strides = array<i32>} : memref<400x64xf32, #tpu.memory_space<vmem>>, vector<1x16xf32>,
        %get3A_1282 = vector.shape_cast %get3A_1281 : vector<1x16xf32> to vector<16xf32>
        %mul3A_1283 = arith.mulf %get3A_1282, %broadcast_in_dim3A_1243 : vector<16xf32>
        %add3A_1284 = arith.addf %add3A_1240, %mul3A_1283 : vector<16xf32>
        %slice3A_1285 = vector.extract_strided_slice %convert_element_type3A_81 {offsets = [11], sizes = [1], strides = [1]} : vector<16xf32> to vector<1xf32>
        %squeeze3A_1286 = vector.extract %slice3A_1285[0] : f32 from vector<1xf32>
        %broadcast_in_dim3A_1287 = vector.broadcast %squeeze3A_1286 : f32 to vector<16xf32>
        %add3A_1288 = arith.addf %add3A_1244, %broadcast_in_dim3A_1287 : vector<16xf32>
        %mul3A_1289 = arith.constant 50 : i32
        %mul3A_1290 = arith.muli %scan3A_66, %mul3A_1289 : i32
        %add3A_1291 = arith.constant 27 : i32
        %add3A_1292 = arith.addi %mul3A_1290, %add3A_1291 : i32
        %get3A_1293 = arith.index_cast %add3A_1292 : i32 to index
        %get3A_1294 = arith.constant 0 : index
        %get3A_1295 = tpu.vector_load %arg11[%get3A_1293, %get3A_1294] {strides = array<i32>} : memref<400x64xf32, #tpu.memory_space<vmem>>, vector<1x16xf32>,
        %get3A_1296 = vector.shape_cast %get3A_1295 : vector<1x16xf32> to vector<16xf32>
        %mul3A_1297 = arith.mulf %get3A_1296, %broadcast_in_dim3A_1287 : vector<16xf32>
        %add3A_1298 = arith.addf %add3A_1254, %mul3A_1297 : vector<16xf32>
        %mul3A_1299 = arith.constant 50 : i32
        %mul3A_1300 = arith.muli %scan3A_66, %mul3A_1299 : i32
        %add3A_1301 = arith.constant 27 : i32
        %add3A_1302 = arith.addi %mul3A_1300, %add3A_1301 : i32
        %get3A_1303 = arith.index_cast %add3A_1302 : i32 to index
        %get3A_1304 = arith.constant 16 : index
        %get3A_1305 = tpu.vector_load %arg11[%get3A_1303, %get3A_1304] {strides = array<i32>} : memref<400x64xf32, #tpu.memory_space<vmem>>, vector<1x16xf32>,
        %get3A_1306 = vector.shape_cast %get3A_1305 : vector<1x16xf32> to vector<16xf32>
        %mul3A_1307 = arith.mulf %get3A_1306, %broadcast_in_dim3A_1287 : vector<16xf32>
        %add3A_1308 = arith.addf %add3A_1264, %mul3A_1307 : vector<16xf32>
        %mul3A_1309 = arith.constant 50 : i32
        %mul3A_1310 = arith.muli %scan3A_66, %mul3A_1309 : i32
        %add3A_1311 = arith.constant 27 : i32
        %add3A_1312 = arith.addi %mul3A_1310, %add3A_1311 : i32
        %get3A_1313 = arith.index_cast %add3A_1312 : i32 to index
        %get3A_1314 = arith.constant 32 : index
        %get3A_1315 = tpu.vector_load %arg11[%get3A_1313, %get3A_1314] {strides = array<i32>} : memref<400x64xf32, #tpu.memory_space<vmem>>, vector<1x16xf32>,
        %get3A_1316 = vector.shape_cast %get3A_1315 : vector<1x16xf32> to vector<16xf32>
        %mul3A_1317 = arith.mulf %get3A_1316, %broadcast_in_dim3A_1287 : vector<16xf32>
        %add3A_1318 = arith.addf %add3A_1274, %mul3A_1317 : vector<16xf32>
        %mul3A_1319 = arith.constant 50 : i32
        %mul3A_1320 = arith.muli %scan3A_66, %mul3A_1319 : i32
        %add3A_1321 = arith.constant 27 : i32
        %add3A_1322 = arith.addi %mul3A_1320, %add3A_1321 : i32
        %get3A_1323 = arith.index_cast %add3A_1322 : i32 to index
        %get3A_1324 = arith.constant 48 : index
        %get3A_1325 = tpu.vector_load %arg11[%get3A_1323, %get3A_1324] {strides = array<i32>} : memref<400x64xf32, #tpu.memory_space<vmem>>, vector<1x16xf32>,
        %get3A_1326 = vector.shape_cast %get3A_1325 : vector<1x16xf32> to vector<16xf32>
        %mul3A_1327 = arith.mulf %get3A_1326, %broadcast_in_dim3A_1287 : vector<16xf32>
        %add3A_1328 = arith.addf %add3A_1284, %mul3A_1327 : vector<16xf32>
        %slice3A_1329 = vector.extract_strided_slice %convert_element_type3A_81 {offsets = [12], sizes = [1], strides = [1]} : vector<16xf32> to vector<1xf32>
        %squeeze3A_1330 = vector.extract %slice3A_1329[0] : f32 from vector<1xf32>
        %broadcast_in_dim3A_1331 = vector.broadcast %squeeze3A_1330 : f32 to vector<16xf32>
        %add3A_1332 = arith.addf %add3A_1288, %broadcast_in_dim3A_1331 : vector<16xf32>
        %mul3A_1333 = arith.constant 50 : i32
        %mul3A_1334 = arith.muli %scan3A_66, %mul3A_1333 : i32
        %add3A_1335 = arith.constant 28 : i32
        %add3A_1336 = arith.addi %mul3A_1334, %add3A_1335 : i32
        %get3A_1337 = arith.index_cast %add3A_1336 : i32 to index
        %get3A_1338 = arith.constant 0 : index
        %get3A_1339 = tpu.vector_load %arg11[%get3A_1337, %get3A_1338] {strides = array<i32>} : memref<400x64xf32, #tpu.memory_space<vmem>>, vector<1x16xf32>,
        %get3A_1340 = vector.shape_cast %get3A_1339 : vector<1x16xf32> to vector<16xf32>
        %mul3A_1341 = arith.mulf %get3A_1340, %broadcast_in_dim3A_1331 : vector<16xf32>
        %add3A_1342 = arith.addf %add3A_1298, %mul3A_1341 : vector<16xf32>
        %mul3A_1343 = arith.constant 50 : i32
        %mul3A_1344 = arith.muli %scan3A_66, %mul3A_1343 : i32
        %add3A_1345 = arith.constant 28 : i32
        %add3A_1346 = arith.addi %mul3A_1344, %add3A_1345 : i32
        %get3A_1347 = arith.index_cast %add3A_1346 : i32 to index
        %get3A_1348 = arith.constant 16 : index
        %get3A_1349 = tpu.vector_load %arg11[%get3A_1347, %get3A_1348] {strides = array<i32>} : memref<400x64xf32, #tpu.memory_space<vmem>>, vector<1x16xf32>,
        %get3A_1350 = vector.shape_cast %get3A_1349 : vector<1x16xf32> to vector<16xf32>
        %mul3A_1351 = arith.mulf %get3A_1350, %broadcast_in_dim3A_1331 : vector<16xf32>
        %add3A_1352 = arith.addf %add3A_1308, %mul3A_1351 : vector<16xf32>
        %mul3A_1353 = arith.constant 50 : i32
        %mul3A_1354 = arith.muli %scan3A_66, %mul3A_1353 : i32
        %add3A_1355 = arith.constant 28 : i32
        %add3A_1356 = arith.addi %mul3A_1354, %add3A_1355 : i32
        %get3A_1357 = arith.index_cast %add3A_1356 : i32 to index
        %get3A_1358 = arith.constant 32 : index
        %get3A_1359 = tpu.vector_load %arg11[%get3A_1357, %get3A_1358] {strides = array<i32>} : memref<400x64xf32, #tpu.memory_space<vmem>>, vector<1x16xf32>,
        %get3A_1360 = vector.shape_cast %get3A_1359 : vector<1x16xf32> to vector<16xf32>
        %mul3A_1361 = arith.mulf %get3A_1360, %broadcast_in_dim3A_1331 : vector<16xf32>
        %add3A_1362 = arith.addf %add3A_1318, %mul3A_1361 : vector<16xf32>
        %mul3A_1363 = arith.constant 50 : i32
        %mul3A_1364 = arith.muli %scan3A_66, %mul3A_1363 : i32
        %add3A_1365 = arith.constant 28 : i32
        %add3A_1366 = arith.addi %mul3A_1364, %add3A_1365 : i32
        %get3A_1367 = arith.index_cast %add3A_1366 : i32 to index
        %get3A_1368 = arith.constant 48 : index
        %get3A_1369 = tpu.vector_load %arg11[%get3A_1367, %get3A_1368] {strides = array<i32>} : memref<400x64xf32, #tpu.memory_space<vmem>>, vector<1x16xf32>,
        %get3A_1370 = vector.shape_cast %get3A_1369 : vector<1x16xf32> to vector<16xf32>
        %mul3A_1371 = arith.mulf %get3A_1370, %broadcast_in_dim3A_1331 : vector<16xf32>
        %add3A_1372 = arith.addf %add3A_1328, %mul3A_1371 : vector<16xf32>
        %slice3A_1373 = vector.extract_strided_slice %convert_element_type3A_81 {offsets = [13], sizes = [1], strides = [1]} : vector<16xf32> to vector<1xf32>
        %squeeze3A_1374 = vector.extract %slice3A_1373[0] : f32 from vector<1xf32>
        %broadcast_in_dim3A_1375 = vector.broadcast %squeeze3A_1374 : f32 to vector<16xf32>
        %add3A_1376 = arith.addf %add3A_1332, %broadcast_in_dim3A_1375 : vector<16xf32>
        %mul3A_1377 = arith.constant 50 : i32
        %mul3A_1378 = arith.muli %scan3A_66, %mul3A_1377 : i32
        %add3A_1379 = arith.constant 29 : i32
        %add3A_1380 = arith.addi %mul3A_1378, %add3A_1379 : i32
        %get3A_1381 = arith.index_cast %add3A_1380 : i32 to index
        %get3A_1382 = arith.constant 0 : index
        %get3A_1383 = tpu.vector_load %arg11[%get3A_1381, %get3A_1382] {strides = array<i32>} : memref<400x64xf32, #tpu.memory_space<vmem>>, vector<1x16xf32>,
        %get3A_1384 = vector.shape_cast %get3A_1383 : vector<1x16xf32> to vector<16xf32>
        %mul3A_1385 = arith.mulf %get3A_1384, %broadcast_in_dim3A_1375 : vector<16xf32>
        %add3A_1386 = arith.addf %add3A_1342, %mul3A_1385 : vector<16xf32>
        %mul3A_1387 = arith.constant 50 : i32
        %mul3A_1388 = arith.muli %scan3A_66, %mul3A_1387 : i32
        %add3A_1389 = arith.constant 29 : i32
        %add3A_1390 = arith.addi %mul3A_1388, %add3A_1389 : i32
        %get3A_1391 = arith.index_cast %add3A_1390 : i32 to index
        %get3A_1392 = arith.constant 16 : index
        %get3A_1393 = tpu.vector_load %arg11[%get3A_1391, %get3A_1392] {strides = array<i32>} : memref<400x64xf32, #tpu.memory_space<vmem>>, vector<1x16xf32>,
        %get3A_1394 = vector.shape_cast %get3A_1393 : vector<1x16xf32> to vector<16xf32>
        %mul3A_1395 = arith.mulf %get3A_1394, %broadcast_in_dim3A_1375 : vector<16xf32>
        %add3A_1396 = arith.addf %add3A_1352, %mul3A_1395 : vector<16xf32>
        %mul3A_1397 = arith.constant 50 : i32
        %mul3A_1398 = arith.muli %scan3A_66, %mul3A_1397 : i32
        %add3A_1399 = arith.constant 29 : i32
        %add3A_1400 = arith.addi %mul3A_1398, %add3A_1399 : i32
        %get3A_1401 = arith.index_cast %add3A_1400 : i32 to index
        %get3A_1402 = arith.constant 32 : index
        %get3A_1403 = tpu.vector_load %arg11[%get3A_1401, %get3A_1402] {strides = array<i32>} : memref<400x64xf32, #tpu.memory_space<vmem>>, vector<1x16xf32>,
        %get3A_1404 = vector.shape_cast %get3A_1403 : vector<1x16xf32> to vector<16xf32>
        %mul3A_1405 = arith.mulf %get3A_1404, %broadcast_in_dim3A_1375 : vector<16xf32>
        %add3A_1406 = arith.addf %add3A_1362, %mul3A_1405 : vector<16xf32>
        %mul3A_1407 = arith.constant 50 : i32
        %mul3A_1408 = arith.muli %scan3A_66, %mul3A_1407 : i32
        %add3A_1409 = arith.constant 29 : i32
        %add3A_1410 = arith.addi %mul3A_1408, %add3A_1409 : i32
        %get3A_1411 = arith.index_cast %add3A_1410 : i32 to index
        %get3A_1412 = arith.constant 48 : index
        %get3A_1413 = tpu.vector_load %arg11[%get3A_1411, %get3A_1412] {strides = array<i32>} : memref<400x64xf32, #tpu.memory_space<vmem>>, vector<1x16xf32>,
        %get3A_1414 = vector.shape_cast %get3A_1413 : vector<1x16xf32> to vector<16xf32>
        %mul3A_1415 = arith.mulf %get3A_1414, %broadcast_in_dim3A_1375 : vector<16xf32>
        %add3A_1416 = arith.addf %add3A_1372, %mul3A_1415 : vector<16xf32>
        %slice3A_1417 = vector.extract_strided_slice %convert_element_type3A_81 {offsets = [14], sizes = [1], strides = [1]} : vector<16xf32> to vector<1xf32>
        %squeeze3A_1418 = vector.extract %slice3A_1417[0] : f32 from vector<1xf32>
        %broadcast_in_dim3A_1419 = vector.broadcast %squeeze3A_1418 : f32 to vector<16xf32>
        %add3A_1420 = arith.addf %add3A_1376, %broadcast_in_dim3A_1419 : vector<16xf32>
        %mul3A_1421 = arith.constant 50 : i32
        %mul3A_1422 = arith.muli %scan3A_66, %mul3A_1421 : i32
        %add3A_1423 = arith.constant 30 : i32
        %add3A_1424 = arith.addi %mul3A_1422, %add3A_1423 : i32
        %get3A_1425 = arith.index_cast %add3A_1424 : i32 to index
        %get3A_1426 = arith.constant 0 : index
        %get3A_1427 = tpu.vector_load %arg11[%get3A_1425, %get3A_1426] {strides = array<i32>} : memref<400x64xf32, #tpu.memory_space<vmem>>, vector<1x16xf32>,
        %get3A_1428 = vector.shape_cast %get3A_1427 : vector<1x16xf32> to vector<16xf32>
        %mul3A_1429 = arith.mulf %get3A_1428, %broadcast_in_dim3A_1419 : vector<16xf32>
        %add3A_1430 = arith.addf %add3A_1386, %mul3A_1429 : vector<16xf32>
        %mul3A_1431 = arith.constant 50 : i32
        %mul3A_1432 = arith.muli %scan3A_66, %mul3A_1431 : i32
        %add3A_1433 = arith.constant 30 : i32
        %add3A_1434 = arith.addi %mul3A_1432, %add3A_1433 : i32
        %get3A_1435 = arith.index_cast %add3A_1434 : i32 to index
        %get3A_1436 = arith.constant 16 : index
        %get3A_1437 = tpu.vector_load %arg11[%get3A_1435, %get3A_1436] {strides = array<i32>} : memref<400x64xf32, #tpu.memory_space<vmem>>, vector<1x16xf32>,
        %get3A_1438 = vector.shape_cast %get3A_1437 : vector<1x16xf32> to vector<16xf32>
        %mul3A_1439 = arith.mulf %get3A_1438, %broadcast_in_dim3A_1419 : vector<16xf32>
        %add3A_1440 = arith.addf %add3A_1396, %mul3A_1439 : vector<16xf32>
        %mul3A_1441 = arith.constant 50 : i32
        %mul3A_1442 = arith.muli %scan3A_66, %mul3A_1441 : i32
        %add3A_1443 = arith.constant 30 : i32
        %add3A_1444 = arith.addi %mul3A_1442, %add3A_1443 : i32
        %get3A_1445 = arith.index_cast %add3A_1444 : i32 to index
        %get3A_1446 = arith.constant 32 : index
        %get3A_1447 = tpu.vector_load %arg11[%get3A_1445, %get3A_1446] {strides = array<i32>} : memref<400x64xf32, #tpu.memory_space<vmem>>, vector<1x16xf32>,
        %get3A_1448 = vector.shape_cast %get3A_1447 : vector<1x16xf32> to vector<16xf32>
        %mul3A_1449 = arith.mulf %get3A_1448, %broadcast_in_dim3A_1419 : vector<16xf32>
        %add3A_1450 = arith.addf %add3A_1406, %mul3A_1449 : vector<16xf32>
        %mul3A_1451 = arith.constant 50 : i32
        %mul3A_1452 = arith.muli %scan3A_66, %mul3A_1451 : i32
        %add3A_1453 = arith.constant 30 : i32
        %add3A_1454 = arith.addi %mul3A_1452, %add3A_1453 : i32
        %get3A_1455 = arith.index_cast %add3A_1454 : i32 to index
        %get3A_1456 = arith.constant 48 : index
        %get3A_1457 = tpu.vector_load %arg11[%get3A_1455, %get3A_1456] {strides = array<i32>} : memref<400x64xf32, #tpu.memory_space<vmem>>, vector<1x16xf32>,
        %get3A_1458 = vector.shape_cast %get3A_1457 : vector<1x16xf32> to vector<16xf32>
        %mul3A_1459 = arith.mulf %get3A_1458, %broadcast_in_dim3A_1419 : vector<16xf32>
        %add3A_1460 = arith.addf %add3A_1416, %mul3A_1459 : vector<16xf32>
        %slice3A_1461 = vector.extract_strided_slice %convert_element_type3A_81 {offsets = [15], sizes = [1], strides = [1]} : vector<16xf32> to vector<1xf32>
        %squeeze3A_1462 = vector.extract %slice3A_1461[0] : f32 from vector<1xf32>
        %broadcast_in_dim3A_1463 = vector.broadcast %squeeze3A_1462 : f32 to vector<16xf32>
        %add3A_1464 = arith.addf %add3A_1420, %broadcast_in_dim3A_1463 : vector<16xf32>
        %mul3A_1465 = arith.constant 50 : i32
        %mul3A_1466 = arith.muli %scan3A_66, %mul3A_1465 : i32
        %add3A_1467 = arith.constant 31 : i32
        %add3A_1468 = arith.addi %mul3A_1466, %add3A_1467 : i32
        %get3A_1469 = arith.index_cast %add3A_1468 : i32 to index
        %get3A_1470 = arith.constant 0 : index
        %get3A_1471 = tpu.vector_load %arg11[%get3A_1469, %get3A_1470] {strides = array<i32>} : memref<400x64xf32, #tpu.memory_space<vmem>>, vector<1x16xf32>,
        %get3A_1472 = vector.shape_cast %get3A_1471 : vector<1x16xf32> to vector<16xf32>
        %mul3A_1473 = arith.mulf %get3A_1472, %broadcast_in_dim3A_1463 : vector<16xf32>
        %add3A_1474 = arith.addf %add3A_1430, %mul3A_1473 : vector<16xf32>
        %mul3A_1475 = arith.constant 50 : i32
        %mul3A_1476 = arith.muli %scan3A_66, %mul3A_1475 : i32
        %add3A_1477 = arith.constant 31 : i32
        %add3A_1478 = arith.addi %mul3A_1476, %add3A_1477 : i32
        %get3A_1479 = arith.index_cast %add3A_1478 : i32 to index
        %get3A_1480 = arith.constant 16 : index
        %get3A_1481 = tpu.vector_load %arg11[%get3A_1479, %get3A_1480] {strides = array<i32>} : memref<400x64xf32, #tpu.memory_space<vmem>>, vector<1x16xf32>,
        %get3A_1482 = vector.shape_cast %get3A_1481 : vector<1x16xf32> to vector<16xf32>
        %mul3A_1483 = arith.mulf %get3A_1482, %broadcast_in_dim3A_1463 : vector<16xf32>
        %add3A_1484 = arith.addf %add3A_1440, %mul3A_1483 : vector<16xf32>
        %mul3A_1485 = arith.constant 50 : i32
        %mul3A_1486 = arith.muli %scan3A_66, %mul3A_1485 : i32
        %add3A_1487 = arith.constant 31 : i32
        %add3A_1488 = arith.addi %mul3A_1486, %add3A_1487 : i32
        %get3A_1489 = arith.index_cast %add3A_1488 : i32 to index
        %get3A_1490 = arith.constant 32 : index
        %get3A_1491 = tpu.vector_load %arg11[%get3A_1489, %get3A_1490] {strides = array<i32>} : memref<400x64xf32, #tpu.memory_space<vmem>>, vector<1x16xf32>,
        %get3A_1492 = vector.shape_cast %get3A_1491 : vector<1x16xf32> to vector<16xf32>
        %mul3A_1493 = arith.mulf %get3A_1492, %broadcast_in_dim3A_1463 : vector<16xf32>
        %add3A_1494 = arith.addf %add3A_1450, %mul3A_1493 : vector<16xf32>
        %mul3A_1495 = arith.constant 50 : i32
        %mul3A_1496 = arith.muli %scan3A_66, %mul3A_1495 : i32
        %add3A_1497 = arith.constant 31 : i32
        %add3A_1498 = arith.addi %mul3A_1496, %add3A_1497 : i32
        %get3A_1499 = arith.index_cast %add3A_1498 : i32 to index
        %get3A_1500 = arith.constant 48 : index
        %get3A_1501 = tpu.vector_load %arg11[%get3A_1499, %get3A_1500] {strides = array<i32>} : memref<400x64xf32, #tpu.memory_space<vmem>>, vector<1x16xf32>,
        %get3A_1502 = vector.shape_cast %get3A_1501 : vector<1x16xf32> to vector<16xf32>
        %mul3A_1503 = arith.mulf %get3A_1502, %broadcast_in_dim3A_1463 : vector<16xf32>
        %add3A_1504 = arith.addf %add3A_1460, %mul3A_1503 : vector<16xf32>
        %slice3A_1505 = vector.extract_strided_slice %convert_element_type3A_89 {offsets = [0], sizes = [1], strides = [1]} : vector<16xf32> to vector<1xf32>
        %squeeze3A_1506 = vector.extract %slice3A_1505[0] : f32 from vector<1xf32>
        %broadcast_in_dim3A_1507 = vector.broadcast %squeeze3A_1506 : f32 to vector<16xf32>
        %add3A_1508 = arith.addf %add3A_1464, %broadcast_in_dim3A_1507 : vector<16xf32>
        %mul3A_1509 = arith.constant 50 : i32
        %mul3A_1510 = arith.muli %scan3A_66, %mul3A_1509 : i32
        %add3A_1511 = arith.constant 32 : i32
        %add3A_1512 = arith.addi %mul3A_1510, %add3A_1511 : i32
        %get3A_1513 = arith.index_cast %add3A_1512 : i32 to index
        %get3A_1514 = arith.constant 0 : index
        %get3A_1515 = tpu.vector_load %arg11[%get3A_1513, %get3A_1514] {strides = array<i32>} : memref<400x64xf32, #tpu.memory_space<vmem>>, vector<1x16xf32>,
        %get3A_1516 = vector.shape_cast %get3A_1515 : vector<1x16xf32> to vector<16xf32>
        %mul3A_1517 = arith.mulf %get3A_1516, %broadcast_in_dim3A_1507 : vector<16xf32>
        %add3A_1518 = arith.addf %add3A_1474, %mul3A_1517 : vector<16xf32>
        %mul3A_1519 = arith.constant 50 : i32
        %mul3A_1520 = arith.muli %scan3A_66, %mul3A_1519 : i32
        %add3A_1521 = arith.constant 32 : i32
        %add3A_1522 = arith.addi %mul3A_1520, %add3A_1521 : i32
        %get3A_1523 = arith.index_cast %add3A_1522 : i32 to index
        %get3A_1524 = arith.constant 16 : index
        %get3A_1525 = tpu.vector_load %arg11[%get3A_1523, %get3A_1524] {strides = array<i32>} : memref<400x64xf32, #tpu.memory_space<vmem>>, vector<1x16xf32>,
        %get3A_1526 = vector.shape_cast %get3A_1525 : vector<1x16xf32> to vector<16xf32>
        %mul3A_1527 = arith.mulf %get3A_1526, %broadcast_in_dim3A_1507 : vector<16xf32>
        %add3A_1528 = arith.addf %add3A_1484, %mul3A_1527 : vector<16xf32>
        %mul3A_1529 = arith.constant 50 : i32
        %mul3A_1530 = arith.muli %scan3A_66, %mul3A_1529 : i32
        %add3A_1531 = arith.constant 32 : i32
        %add3A_1532 = arith.addi %mul3A_1530, %add3A_1531 : i32
        %get3A_1533 = arith.index_cast %add3A_1532 : i32 to index
        %get3A_1534 = arith.constant 32 : index
        %get3A_1535 = tpu.vector_load %arg11[%get3A_1533, %get3A_1534] {strides = array<i32>} : memref<400x64xf32, #tpu.memory_space<vmem>>, vector<1x16xf32>,
        %get3A_1536 = vector.shape_cast %get3A_1535 : vector<1x16xf32> to vector<16xf32>
        %mul3A_1537 = arith.mulf %get3A_1536, %broadcast_in_dim3A_1507 : vector<16xf32>
        %add3A_1538 = arith.addf %add3A_1494, %mul3A_1537 : vector<16xf32>
        %mul3A_1539 = arith.constant 50 : i32
        %mul3A_1540 = arith.muli %scan3A_66, %mul3A_1539 : i32
        %add3A_1541 = arith.constant 32 : i32
        %add3A_1542 = arith.addi %mul3A_1540, %add3A_1541 : i32
        %get3A_1543 = arith.index_cast %add3A_1542 : i32 to index
        %get3A_1544 = arith.constant 48 : index
        %get3A_1545 = tpu.vector_load %arg11[%get3A_1543, %get3A_1544] {strides = array<i32>} : memref<400x64xf32, #tpu.memory_space<vmem>>, vector<1x16xf32>,
        %get3A_1546 = vector.shape_cast %get3A_1545 : vector<1x16xf32> to vector<16xf32>
        %mul3A_1547 = arith.mulf %get3A_1546, %broadcast_in_dim3A_1507 : vector<16xf32>
        %add3A_1548 = arith.addf %add3A_1504, %mul3A_1547 : vector<16xf32>
        %slice3A_1549 = vector.extract_strided_slice %convert_element_type3A_89 {offsets = [1], sizes = [1], strides = [1]} : vector<16xf32> to vector<1xf32>
        %squeeze3A_1550 = vector.extract %slice3A_1549[0] : f32 from vector<1xf32>
        %broadcast_in_dim3A_1551 = vector.broadcast %squeeze3A_1550 : f32 to vector<16xf32>
        %add3A_1552 = arith.addf %add3A_1508, %broadcast_in_dim3A_1551 : vector<16xf32>
        %mul3A_1553 = arith.constant 50 : i32
        %mul3A_1554 = arith.muli %scan3A_66, %mul3A_1553 : i32
        %add3A_1555 = arith.constant 33 : i32
        %add3A_1556 = arith.addi %mul3A_1554, %add3A_1555 : i32
        %get3A_1557 = arith.index_cast %add3A_1556 : i32 to index
        %get3A_1558 = arith.constant 0 : index
        %get3A_1559 = tpu.vector_load %arg11[%get3A_1557, %get3A_1558] {strides = array<i32>} : memref<400x64xf32, #tpu.memory_space<vmem>>, vector<1x16xf32>,
        %get3A_1560 = vector.shape_cast %get3A_1559 : vector<1x16xf32> to vector<16xf32>
        %mul3A_1561 = arith.mulf %get3A_1560, %broadcast_in_dim3A_1551 : vector<16xf32>
        %add3A_1562 = arith.addf %add3A_1518, %mul3A_1561 : vector<16xf32>
        %mul3A_1563 = arith.constant 50 : i32
        %mul3A_1564 = arith.muli %scan3A_66, %mul3A_1563 : i32
        %add3A_1565 = arith.constant 33 : i32
        %add3A_1566 = arith.addi %mul3A_1564, %add3A_1565 : i32
        %get3A_1567 = arith.index_cast %add3A_1566 : i32 to index
        %get3A_1568 = arith.constant 16 : index
        %get3A_1569 = tpu.vector_load %arg11[%get3A_1567, %get3A_1568] {strides = array<i32>} : memref<400x64xf32, #tpu.memory_space<vmem>>, vector<1x16xf32>,
        %get3A_1570 = vector.shape_cast %get3A_1569 : vector<1x16xf32> to vector<16xf32>
        %mul3A_1571 = arith.mulf %get3A_1570, %broadcast_in_dim3A_1551 : vector<16xf32>
        %add3A_1572 = arith.addf %add3A_1528, %mul3A_1571 : vector<16xf32>
        %mul3A_1573 = arith.constant 50 : i32
        %mul3A_1574 = arith.muli %scan3A_66, %mul3A_1573 : i32
        %add3A_1575 = arith.constant 33 : i32
        %add3A_1576 = arith.addi %mul3A_1574, %add3A_1575 : i32
        %get3A_1577 = arith.index_cast %add3A_1576 : i32 to index
        %get3A_1578 = arith.constant 32 : index
        %get3A_1579 = tpu.vector_load %arg11[%get3A_1577, %get3A_1578] {strides = array<i32>} : memref<400x64xf32, #tpu.memory_space<vmem>>, vector<1x16xf32>,
        %get3A_1580 = vector.shape_cast %get3A_1579 : vector<1x16xf32> to vector<16xf32>
        %mul3A_1581 = arith.mulf %get3A_1580, %broadcast_in_dim3A_1551 : vector<16xf32>
        %add3A_1582 = arith.addf %add3A_1538, %mul3A_1581 : vector<16xf32>
        %mul3A_1583 = arith.constant 50 : i32
        %mul3A_1584 = arith.muli %scan3A_66, %mul3A_1583 : i32
        %add3A_1585 = arith.constant 33 : i32
        %add3A_1586 = arith.addi %mul3A_1584, %add3A_1585 : i32
        %get3A_1587 = arith.index_cast %add3A_1586 : i32 to index
        %get3A_1588 = arith.constant 48 : index
        %get3A_1589 = tpu.vector_load %arg11[%get3A_1587, %get3A_1588] {strides = array<i32>} : memref<400x64xf32, #tpu.memory_space<vmem>>, vector<1x16xf32>,
        %get3A_1590 = vector.shape_cast %get3A_1589 : vector<1x16xf32> to vector<16xf32>
        %mul3A_1591 = arith.mulf %get3A_1590, %broadcast_in_dim3A_1551 : vector<16xf32>
        %add3A_1592 = arith.addf %add3A_1548, %mul3A_1591 : vector<16xf32>
        %slice3A_1593 = vector.extract_strided_slice %convert_element_type3A_89 {offsets = [2], sizes = [1], strides = [1]} : vector<16xf32> to vector<1xf32>
        %squeeze3A_1594 = vector.extract %slice3A_1593[0] : f32 from vector<1xf32>
        %broadcast_in_dim3A_1595 = vector.broadcast %squeeze3A_1594 : f32 to vector<16xf32>
        %add3A_1596 = arith.addf %add3A_1552, %broadcast_in_dim3A_1595 : vector<16xf32>
        %mul3A_1597 = arith.constant 50 : i32
        %mul3A_1598 = arith.muli %scan3A_66, %mul3A_1597 : i32
        %add3A_1599 = arith.constant 34 : i32
        %add3A_1600 = arith.addi %mul3A_1598, %add3A_1599 : i32
        %get3A_1601 = arith.index_cast %add3A_1600 : i32 to index
        %get3A_1602 = arith.constant 0 : index
        %get3A_1603 = tpu.vector_load %arg11[%get3A_1601, %get3A_1602] {strides = array<i32>} : memref<400x64xf32, #tpu.memory_space<vmem>>, vector<1x16xf32>,
        %get3A_1604 = vector.shape_cast %get3A_1603 : vector<1x16xf32> to vector<16xf32>
        %mul3A_1605 = arith.mulf %get3A_1604, %broadcast_in_dim3A_1595 : vector<16xf32>
        %add3A_1606 = arith.addf %add3A_1562, %mul3A_1605 : vector<16xf32>
        %mul3A_1607 = arith.constant 50 : i32
        %mul3A_1608 = arith.muli %scan3A_66, %mul3A_1607 : i32
        %add3A_1609 = arith.constant 34 : i32
        %add3A_1610 = arith.addi %mul3A_1608, %add3A_1609 : i32
        %get3A_1611 = arith.index_cast %add3A_1610 : i32 to index
        %get3A_1612 = arith.constant 16 : index
        %get3A_1613 = tpu.vector_load %arg11[%get3A_1611, %get3A_1612] {strides = array<i32>} : memref<400x64xf32, #tpu.memory_space<vmem>>, vector<1x16xf32>,
        %get3A_1614 = vector.shape_cast %get3A_1613 : vector<1x16xf32> to vector<16xf32>
        %mul3A_1615 = arith.mulf %get3A_1614, %broadcast_in_dim3A_1595 : vector<16xf32>
        %add3A_1616 = arith.addf %add3A_1572, %mul3A_1615 : vector<16xf32>
        %mul3A_1617 = arith.constant 50 : i32
        %mul3A_1618 = arith.muli %scan3A_66, %mul3A_1617 : i32
        %add3A_1619 = arith.constant 34 : i32
        %add3A_1620 = arith.addi %mul3A_1618, %add3A_1619 : i32
        %get3A_1621 = arith.index_cast %add3A_1620 : i32 to index
        %get3A_1622 = arith.constant 32 : index
        %get3A_1623 = tpu.vector_load %arg11[%get3A_1621, %get3A_1622] {strides = array<i32>} : memref<400x64xf32, #tpu.memory_space<vmem>>, vector<1x16xf32>,
        %get3A_1624 = vector.shape_cast %get3A_1623 : vector<1x16xf32> to vector<16xf32>
        %mul3A_1625 = arith.mulf %get3A_1624, %broadcast_in_dim3A_1595 : vector<16xf32>
        %add3A_1626 = arith.addf %add3A_1582, %mul3A_1625 : vector<16xf32>
        %mul3A_1627 = arith.constant 50 : i32
        %mul3A_1628 = arith.muli %scan3A_66, %mul3A_1627 : i32
        %add3A_1629 = arith.constant 34 : i32
        %add3A_1630 = arith.addi %mul3A_1628, %add3A_1629 : i32
        %get3A_1631 = arith.index_cast %add3A_1630 : i32 to index
        %get3A_1632 = arith.constant 48 : index
        %get3A_1633 = tpu.vector_load %arg11[%get3A_1631, %get3A_1632] {strides = array<i32>} : memref<400x64xf32, #tpu.memory_space<vmem>>, vector<1x16xf32>,
        %get3A_1634 = vector.shape_cast %get3A_1633 : vector<1x16xf32> to vector<16xf32>
        %mul3A_1635 = arith.mulf %get3A_1634, %broadcast_in_dim3A_1595 : vector<16xf32>
        %add3A_1636 = arith.addf %add3A_1592, %mul3A_1635 : vector<16xf32>
        %slice3A_1637 = vector.extract_strided_slice %convert_element_type3A_89 {offsets = [3], sizes = [1], strides = [1]} : vector<16xf32> to vector<1xf32>
        %squeeze3A_1638 = vector.extract %slice3A_1637[0] : f32 from vector<1xf32>
        %broadcast_in_dim3A_1639 = vector.broadcast %squeeze3A_1638 : f32 to vector<16xf32>
        %add3A_1640 = arith.addf %add3A_1596, %broadcast_in_dim3A_1639 : vector<16xf32>
        %mul3A_1641 = arith.constant 50 : i32
        %mul3A_1642 = arith.muli %scan3A_66, %mul3A_1641 : i32
        %add3A_1643 = arith.constant 35 : i32
        %add3A_1644 = arith.addi %mul3A_1642, %add3A_1643 : i32
        %get3A_1645 = arith.index_cast %add3A_1644 : i32 to index
        %get3A_1646 = arith.constant 0 : index
        %get3A_1647 = tpu.vector_load %arg11[%get3A_1645, %get3A_1646] {strides = array<i32>} : memref<400x64xf32, #tpu.memory_space<vmem>>, vector<1x16xf32>,
        %get3A_1648 = vector.shape_cast %get3A_1647 : vector<1x16xf32> to vector<16xf32>
        %mul3A_1649 = arith.mulf %get3A_1648, %broadcast_in_dim3A_1639 : vector<16xf32>
        %add3A_1650 = arith.addf %add3A_1606, %mul3A_1649 : vector<16xf32>
        %mul3A_1651 = arith.constant 50 : i32
        %mul3A_1652 = arith.muli %scan3A_66, %mul3A_1651 : i32
        %add3A_1653 = arith.constant 35 : i32
        %add3A_1654 = arith.addi %mul3A_1652, %add3A_1653 : i32
        %get3A_1655 = arith.index_cast %add3A_1654 : i32 to index
        %get3A_1656 = arith.constant 16 : index
        %get3A_1657 = tpu.vector_load %arg11[%get3A_1655, %get3A_1656] {strides = array<i32>} : memref<400x64xf32, #tpu.memory_space<vmem>>, vector<1x16xf32>,
        %get3A_1658 = vector.shape_cast %get3A_1657 : vector<1x16xf32> to vector<16xf32>
        %mul3A_1659 = arith.mulf %get3A_1658, %broadcast_in_dim3A_1639 : vector<16xf32>
        %add3A_1660 = arith.addf %add3A_1616, %mul3A_1659 : vector<16xf32>
        %mul3A_1661 = arith.constant 50 : i32
        %mul3A_1662 = arith.muli %scan3A_66, %mul3A_1661 : i32
        %add3A_1663 = arith.constant 35 : i32
        %add3A_1664 = arith.addi %mul3A_1662, %add3A_1663 : i32
        %get3A_1665 = arith.index_cast %add3A_1664 : i32 to index
        %get3A_1666 = arith.constant 32 : index
        %get3A_1667 = tpu.vector_load %arg11[%get3A_1665, %get3A_1666] {strides = array<i32>} : memref<400x64xf32, #tpu.memory_space<vmem>>, vector<1x16xf32>,
        %get3A_1668 = vector.shape_cast %get3A_1667 : vector<1x16xf32> to vector<16xf32>
        %mul3A_1669 = arith.mulf %get3A_1668, %broadcast_in_dim3A_1639 : vector<16xf32>
        %add3A_1670 = arith.addf %add3A_1626, %mul3A_1669 : vector<16xf32>
        %mul3A_1671 = arith.constant 50 : i32
        %mul3A_1672 = arith.muli %scan3A_66, %mul3A_1671 : i32
        %add3A_1673 = arith.constant 35 : i32
        %add3A_1674 = arith.addi %mul3A_1672, %add3A_1673 : i32
        %get3A_1675 = arith.index_cast %add3A_1674 : i32 to index
        %get3A_1676 = arith.constant 48 : index
        %get3A_1677 = tpu.vector_load %arg11[%get3A_1675, %get3A_1676] {strides = array<i32>} : memref<400x64xf32, #tpu.memory_space<vmem>>, vector<1x16xf32>,
        %get3A_1678 = vector.shape_cast %get3A_1677 : vector<1x16xf32> to vector<16xf32>
        %mul3A_1679 = arith.mulf %get3A_1678, %broadcast_in_dim3A_1639 : vector<16xf32>
        %add3A_1680 = arith.addf %add3A_1636, %mul3A_1679 : vector<16xf32>
        %slice3A_1681 = vector.extract_strided_slice %convert_element_type3A_89 {offsets = [4], sizes = [1], strides = [1]} : vector<16xf32> to vector<1xf32>
        %squeeze3A_1682 = vector.extract %slice3A_1681[0] : f32 from vector<1xf32>
        %broadcast_in_dim3A_1683 = vector.broadcast %squeeze3A_1682 : f32 to vector<16xf32>
        %add3A_1684 = arith.addf %add3A_1640, %broadcast_in_dim3A_1683 : vector<16xf32>
        %mul3A_1685 = arith.constant 50 : i32
        %mul3A_1686 = arith.muli %scan3A_66, %mul3A_1685 : i32
        %add3A_1687 = arith.constant 36 : i32
        %add3A_1688 = arith.addi %mul3A_1686, %add3A_1687 : i32
        %get3A_1689 = arith.index_cast %add3A_1688 : i32 to index
        %get3A_1690 = arith.constant 0 : index
        %get3A_1691 = tpu.vector_load %arg11[%get3A_1689, %get3A_1690] {strides = array<i32>} : memref<400x64xf32, #tpu.memory_space<vmem>>, vector<1x16xf32>,
        %get3A_1692 = vector.shape_cast %get3A_1691 : vector<1x16xf32> to vector<16xf32>
        %mul3A_1693 = arith.mulf %get3A_1692, %broadcast_in_dim3A_1683 : vector<16xf32>
        %add3A_1694 = arith.addf %add3A_1650, %mul3A_1693 : vector<16xf32>
        %mul3A_1695 = arith.constant 50 : i32
        %mul3A_1696 = arith.muli %scan3A_66, %mul3A_1695 : i32
        %add3A_1697 = arith.constant 36 : i32
        %add3A_1698 = arith.addi %mul3A_1696, %add3A_1697 : i32
        %get3A_1699 = arith.index_cast %add3A_1698 : i32 to index
        %get3A_1700 = arith.constant 16 : index
        %get3A_1701 = tpu.vector_load %arg11[%get3A_1699, %get3A_1700] {strides = array<i32>} : memref<400x64xf32, #tpu.memory_space<vmem>>, vector<1x16xf32>,
        %get3A_1702 = vector.shape_cast %get3A_1701 : vector<1x16xf32> to vector<16xf32>
        %mul3A_1703 = arith.mulf %get3A_1702, %broadcast_in_dim3A_1683 : vector<16xf32>
        %add3A_1704 = arith.addf %add3A_1660, %mul3A_1703 : vector<16xf32>
        %mul3A_1705 = arith.constant 50 : i32
        %mul3A_1706 = arith.muli %scan3A_66, %mul3A_1705 : i32
        %add3A_1707 = arith.constant 36 : i32
        %add3A_1708 = arith.addi %mul3A_1706, %add3A_1707 : i32
        %get3A_1709 = arith.index_cast %add3A_1708 : i32 to index
        %get3A_1710 = arith.constant 32 : index
        %get3A_1711 = tpu.vector_load %arg11[%get3A_1709, %get3A_1710] {strides = array<i32>} : memref<400x64xf32, #tpu.memory_space<vmem>>, vector<1x16xf32>,
        %get3A_1712 = vector.shape_cast %get3A_1711 : vector<1x16xf32> to vector<16xf32>
        %mul3A_1713 = arith.mulf %get3A_1712, %broadcast_in_dim3A_1683 : vector<16xf32>
        %add3A_1714 = arith.addf %add3A_1670, %mul3A_1713 : vector<16xf32>
        %mul3A_1715 = arith.constant 50 : i32
        %mul3A_1716 = arith.muli %scan3A_66, %mul3A_1715 : i32
        %add3A_1717 = arith.constant 36 : i32
        %add3A_1718 = arith.addi %mul3A_1716, %add3A_1717 : i32
        %get3A_1719 = arith.index_cast %add3A_1718 : i32 to index
        %get3A_1720 = arith.constant 48 : index
        %get3A_1721 = tpu.vector_load %arg11[%get3A_1719, %get3A_1720] {strides = array<i32>} : memref<400x64xf32, #tpu.memory_space<vmem>>, vector<1x16xf32>,
        %get3A_1722 = vector.shape_cast %get3A_1721 : vector<1x16xf32> to vector<16xf32>
        %mul3A_1723 = arith.mulf %get3A_1722, %broadcast_in_dim3A_1683 : vector<16xf32>
        %add3A_1724 = arith.addf %add3A_1680, %mul3A_1723 : vector<16xf32>
        %slice3A_1725 = vector.extract_strided_slice %convert_element_type3A_89 {offsets = [5], sizes = [1], strides = [1]} : vector<16xf32> to vector<1xf32>
        %squeeze3A_1726 = vector.extract %slice3A_1725[0] : f32 from vector<1xf32>
        %broadcast_in_dim3A_1727 = vector.broadcast %squeeze3A_1726 : f32 to vector<16xf32>
        %add3A_1728 = arith.addf %add3A_1684, %broadcast_in_dim3A_1727 : vector<16xf32>
        %mul3A_1729 = arith.constant 50 : i32
        %mul3A_1730 = arith.muli %scan3A_66, %mul3A_1729 : i32
        %add3A_1731 = arith.constant 37 : i32
        %add3A_1732 = arith.addi %mul3A_1730, %add3A_1731 : i32
        %get3A_1733 = arith.index_cast %add3A_1732 : i32 to index
        %get3A_1734 = arith.constant 0 : index
        %get3A_1735 = tpu.vector_load %arg11[%get3A_1733, %get3A_1734] {strides = array<i32>} : memref<400x64xf32, #tpu.memory_space<vmem>>, vector<1x16xf32>,
        %get3A_1736 = vector.shape_cast %get3A_1735 : vector<1x16xf32> to vector<16xf32>
        %mul3A_1737 = arith.mulf %get3A_1736, %broadcast_in_dim3A_1727 : vector<16xf32>
        %add3A_1738 = arith.addf %add3A_1694, %mul3A_1737 : vector<16xf32>
        %mul3A_1739 = arith.constant 50 : i32
        %mul3A_1740 = arith.muli %scan3A_66, %mul3A_1739 : i32
        %add3A_1741 = arith.constant 37 : i32
        %add3A_1742 = arith.addi %mul3A_1740, %add3A_1741 : i32
        %get3A_1743 = arith.index_cast %add3A_1742 : i32 to index
        %get3A_1744 = arith.constant 16 : index
        %get3A_1745 = tpu.vector_load %arg11[%get3A_1743, %get3A_1744] {strides = array<i32>} : memref<400x64xf32, #tpu.memory_space<vmem>>, vector<1x16xf32>,
        %get3A_1746 = vector.shape_cast %get3A_1745 : vector<1x16xf32> to vector<16xf32>
        %mul3A_1747 = arith.mulf %get3A_1746, %broadcast_in_dim3A_1727 : vector<16xf32>
        %add3A_1748 = arith.addf %add3A_1704, %mul3A_1747 : vector<16xf32>
        %mul3A_1749 = arith.constant 50 : i32
        %mul3A_1750 = arith.muli %scan3A_66, %mul3A_1749 : i32
        %add3A_1751 = arith.constant 37 : i32
        %add3A_1752 = arith.addi %mul3A_1750, %add3A_1751 : i32
        %get3A_1753 = arith.index_cast %add3A_1752 : i32 to index
        %get3A_1754 = arith.constant 32 : index
        %get3A_1755 = tpu.vector_load %arg11[%get3A_1753, %get3A_1754] {strides = array<i32>} : memref<400x64xf32, #tpu.memory_space<vmem>>, vector<1x16xf32>,
        %get3A_1756 = vector.shape_cast %get3A_1755 : vector<1x16xf32> to vector<16xf32>
        %mul3A_1757 = arith.mulf %get3A_1756, %broadcast_in_dim3A_1727 : vector<16xf32>
        %add3A_1758 = arith.addf %add3A_1714, %mul3A_1757 : vector<16xf32>
        %mul3A_1759 = arith.constant 50 : i32
        %mul3A_1760 = arith.muli %scan3A_66, %mul3A_1759 : i32
        %add3A_1761 = arith.constant 37 : i32
        %add3A_1762 = arith.addi %mul3A_1760, %add3A_1761 : i32
        %get3A_1763 = arith.index_cast %add3A_1762 : i32 to index
        %get3A_1764 = arith.constant 48 : index
        %get3A_1765 = tpu.vector_load %arg11[%get3A_1763, %get3A_1764] {strides = array<i32>} : memref<400x64xf32, #tpu.memory_space<vmem>>, vector<1x16xf32>,
        %get3A_1766 = vector.shape_cast %get3A_1765 : vector<1x16xf32> to vector<16xf32>
        %mul3A_1767 = arith.mulf %get3A_1766, %broadcast_in_dim3A_1727 : vector<16xf32>
        %add3A_1768 = arith.addf %add3A_1724, %mul3A_1767 : vector<16xf32>
        %slice3A_1769 = vector.extract_strided_slice %convert_element_type3A_89 {offsets = [6], sizes = [1], strides = [1]} : vector<16xf32> to vector<1xf32>
        %squeeze3A_1770 = vector.extract %slice3A_1769[0] : f32 from vector<1xf32>
        %broadcast_in_dim3A_1771 = vector.broadcast %squeeze3A_1770 : f32 to vector<16xf32>
        %add3A_1772 = arith.addf %add3A_1728, %broadcast_in_dim3A_1771 : vector<16xf32>
        %mul3A_1773 = arith.constant 50 : i32
        %mul3A_1774 = arith.muli %scan3A_66, %mul3A_1773 : i32
        %add3A_1775 = arith.constant 38 : i32
        %add3A_1776 = arith.addi %mul3A_1774, %add3A_1775 : i32
        %get3A_1777 = arith.index_cast %add3A_1776 : i32 to index
        %get3A_1778 = arith.constant 0 : index
        %get3A_1779 = tpu.vector_load %arg11[%get3A_1777, %get3A_1778] {strides = array<i32>} : memref<400x64xf32, #tpu.memory_space<vmem>>, vector<1x16xf32>,
        %get3A_1780 = vector.shape_cast %get3A_1779 : vector<1x16xf32> to vector<16xf32>
        %mul3A_1781 = arith.mulf %get3A_1780, %broadcast_in_dim3A_1771 : vector<16xf32>
        %add3A_1782 = arith.addf %add3A_1738, %mul3A_1781 : vector<16xf32>
        %mul3A_1783 = arith.constant 50 : i32
        %mul3A_1784 = arith.muli %scan3A_66, %mul3A_1783 : i32
        %add3A_1785 = arith.constant 38 : i32
        %add3A_1786 = arith.addi %mul3A_1784, %add3A_1785 : i32
        %get3A_1787 = arith.index_cast %add3A_1786 : i32 to index
        %get3A_1788 = arith.constant 16 : index
        %get3A_1789 = tpu.vector_load %arg11[%get3A_1787, %get3A_1788] {strides = array<i32>} : memref<400x64xf32, #tpu.memory_space<vmem>>, vector<1x16xf32>,
        %get3A_1790 = vector.shape_cast %get3A_1789 : vector<1x16xf32> to vector<16xf32>
        %mul3A_1791 = arith.mulf %get3A_1790, %broadcast_in_dim3A_1771 : vector<16xf32>
        %add3A_1792 = arith.addf %add3A_1748, %mul3A_1791 : vector<16xf32>
        %mul3A_1793 = arith.constant 50 : i32
        %mul3A_1794 = arith.muli %scan3A_66, %mul3A_1793 : i32
        %add3A_1795 = arith.constant 38 : i32
        %add3A_1796 = arith.addi %mul3A_1794, %add3A_1795 : i32
        %get3A_1797 = arith.index_cast %add3A_1796 : i32 to index
        %get3A_1798 = arith.constant 32 : index
        %get3A_1799 = tpu.vector_load %arg11[%get3A_1797, %get3A_1798] {strides = array<i32>} : memref<400x64xf32, #tpu.memory_space<vmem>>, vector<1x16xf32>,
        %get3A_1800 = vector.shape_cast %get3A_1799 : vector<1x16xf32> to vector<16xf32>
        %mul3A_1801 = arith.mulf %get3A_1800, %broadcast_in_dim3A_1771 : vector<16xf32>
        %add3A_1802 = arith.addf %add3A_1758, %mul3A_1801 : vector<16xf32>
        %mul3A_1803 = arith.constant 50 : i32
        %mul3A_1804 = arith.muli %scan3A_66, %mul3A_1803 : i32
        %add3A_1805 = arith.constant 38 : i32
        %add3A_1806 = arith.addi %mul3A_1804, %add3A_1805 : i32
        %get3A_1807 = arith.index_cast %add3A_1806 : i32 to index
        %get3A_1808 = arith.constant 48 : index
        %get3A_1809 = tpu.vector_load %arg11[%get3A_1807, %get3A_1808] {strides = array<i32>} : memref<400x64xf32, #tpu.memory_space<vmem>>, vector<1x16xf32>,
        %get3A_1810 = vector.shape_cast %get3A_1809 : vector<1x16xf32> to vector<16xf32>
        %mul3A_1811 = arith.mulf %get3A_1810, %broadcast_in_dim3A_1771 : vector<16xf32>
        %add3A_1812 = arith.addf %add3A_1768, %mul3A_1811 : vector<16xf32>
        %slice3A_1813 = vector.extract_strided_slice %convert_element_type3A_89 {offsets = [7], sizes = [1], strides = [1]} : vector<16xf32> to vector<1xf32>
        %squeeze3A_1814 = vector.extract %slice3A_1813[0] : f32 from vector<1xf32>
        %broadcast_in_dim3A_1815 = vector.broadcast %squeeze3A_1814 : f32 to vector<16xf32>
        %add3A_1816 = arith.addf %add3A_1772, %broadcast_in_dim3A_1815 : vector<16xf32>
        %mul3A_1817 = arith.constant 50 : i32
        %mul3A_1818 = arith.muli %scan3A_66, %mul3A_1817 : i32
        %add3A_1819 = arith.constant 39 : i32
        %add3A_1820 = arith.addi %mul3A_1818, %add3A_1819 : i32
        %get3A_1821 = arith.index_cast %add3A_1820 : i32 to index
        %get3A_1822 = arith.constant 0 : index
        %get3A_1823 = tpu.vector_load %arg11[%get3A_1821, %get3A_1822] {strides = array<i32>} : memref<400x64xf32, #tpu.memory_space<vmem>>, vector<1x16xf32>,
        %get3A_1824 = vector.shape_cast %get3A_1823 : vector<1x16xf32> to vector<16xf32>
        %mul3A_1825 = arith.mulf %get3A_1824, %broadcast_in_dim3A_1815 : vector<16xf32>
        %add3A_1826 = arith.addf %add3A_1782, %mul3A_1825 : vector<16xf32>
        %mul3A_1827 = arith.constant 50 : i32
        %mul3A_1828 = arith.muli %scan3A_66, %mul3A_1827 : i32
        %add3A_1829 = arith.constant 39 : i32
        %add3A_1830 = arith.addi %mul3A_1828, %add3A_1829 : i32
        %get3A_1831 = arith.index_cast %add3A_1830 : i32 to index
        %get3A_1832 = arith.constant 16 : index
        %get3A_1833 = tpu.vector_load %arg11[%get3A_1831, %get3A_1832] {strides = array<i32>} : memref<400x64xf32, #tpu.memory_space<vmem>>, vector<1x16xf32>,
        %get3A_1834 = vector.shape_cast %get3A_1833 : vector<1x16xf32> to vector<16xf32>
        %mul3A_1835 = arith.mulf %get3A_1834, %broadcast_in_dim3A_1815 : vector<16xf32>
        %add3A_1836 = arith.addf %add3A_1792, %mul3A_1835 : vector<16xf32>
        %mul3A_1837 = arith.constant 50 : i32
        %mul3A_1838 = arith.muli %scan3A_66, %mul3A_1837 : i32
        %add3A_1839 = arith.constant 39 : i32
        %add3A_1840 = arith.addi %mul3A_1838, %add3A_1839 : i32
        %get3A_1841 = arith.index_cast %add3A_1840 : i32 to index
        %get3A_1842 = arith.constant 32 : index
        %get3A_1843 = tpu.vector_load %arg11[%get3A_1841, %get3A_1842] {strides = array<i32>} : memref<400x64xf32, #tpu.memory_space<vmem>>, vector<1x16xf32>,
        %get3A_1844 = vector.shape_cast %get3A_1843 : vector<1x16xf32> to vector<16xf32>
        %mul3A_1845 = arith.mulf %get3A_1844, %broadcast_in_dim3A_1815 : vector<16xf32>
        %add3A_1846 = arith.addf %add3A_1802, %mul3A_1845 : vector<16xf32>
        %mul3A_1847 = arith.constant 50 : i32
        %mul3A_1848 = arith.muli %scan3A_66, %mul3A_1847 : i32
        %add3A_1849 = arith.constant 39 : i32
        %add3A_1850 = arith.addi %mul3A_1848, %add3A_1849 : i32
        %get3A_1851 = arith.index_cast %add3A_1850 : i32 to index
        %get3A_1852 = arith.constant 48 : index
        %get3A_1853 = tpu.vector_load %arg11[%get3A_1851, %get3A_1852] {strides = array<i32>} : memref<400x64xf32, #tpu.memory_space<vmem>>, vector<1x16xf32>,
        %get3A_1854 = vector.shape_cast %get3A_1853 : vector<1x16xf32> to vector<16xf32>
        %mul3A_1855 = arith.mulf %get3A_1854, %broadcast_in_dim3A_1815 : vector<16xf32>
        %add3A_1856 = arith.addf %add3A_1812, %mul3A_1855 : vector<16xf32>
        %slice3A_1857 = vector.extract_strided_slice %convert_element_type3A_89 {offsets = [8], sizes = [1], strides = [1]} : vector<16xf32> to vector<1xf32>
        %squeeze3A_1858 = vector.extract %slice3A_1857[0] : f32 from vector<1xf32>
        %broadcast_in_dim3A_1859 = vector.broadcast %squeeze3A_1858 : f32 to vector<16xf32>
        %add3A_1860 = arith.addf %add3A_1816, %broadcast_in_dim3A_1859 : vector<16xf32>
        %mul3A_1861 = arith.constant 50 : i32
        %mul3A_1862 = arith.muli %scan3A_66, %mul3A_1861 : i32
        %add3A_1863 = arith.constant 40 : i32
        %add3A_1864 = arith.addi %mul3A_1862, %add3A_1863 : i32
        %get3A_1865 = arith.index_cast %add3A_1864 : i32 to index
        %get3A_1866 = arith.constant 0 : index
        %get3A_1867 = tpu.vector_load %arg11[%get3A_1865, %get3A_1866] {strides = array<i32>} : memref<400x64xf32, #tpu.memory_space<vmem>>, vector<1x16xf32>,
        %get3A_1868 = vector.shape_cast %get3A_1867 : vector<1x16xf32> to vector<16xf32>
        %mul3A_1869 = arith.mulf %get3A_1868, %broadcast_in_dim3A_1859 : vector<16xf32>
        %add3A_1870 = arith.addf %add3A_1826, %mul3A_1869 : vector<16xf32>
        %mul3A_1871 = arith.constant 50 : i32
        %mul3A_1872 = arith.muli %scan3A_66, %mul3A_1871 : i32
        %add3A_1873 = arith.constant 40 : i32
        %add3A_1874 = arith.addi %mul3A_1872, %add3A_1873 : i32
        %get3A_1875 = arith.index_cast %add3A_1874 : i32 to index
        %get3A_1876 = arith.constant 16 : index
        %get3A_1877 = tpu.vector_load %arg11[%get3A_1875, %get3A_1876] {strides = array<i32>} : memref<400x64xf32, #tpu.memory_space<vmem>>, vector<1x16xf32>,
        %get3A_1878 = vector.shape_cast %get3A_1877 : vector<1x16xf32> to vector<16xf32>
        %mul3A_1879 = arith.mulf %get3A_1878, %broadcast_in_dim3A_1859 : vector<16xf32>
        %add3A_1880 = arith.addf %add3A_1836, %mul3A_1879 : vector<16xf32>
        %mul3A_1881 = arith.constant 50 : i32
        %mul3A_1882 = arith.muli %scan3A_66, %mul3A_1881 : i32
        %add3A_1883 = arith.constant 40 : i32
        %add3A_1884 = arith.addi %mul3A_1882, %add3A_1883 : i32
        %get3A_1885 = arith.index_cast %add3A_1884 : i32 to index
        %get3A_1886 = arith.constant 32 : index
        %get3A_1887 = tpu.vector_load %arg11[%get3A_1885, %get3A_1886] {strides = array<i32>} : memref<400x64xf32, #tpu.memory_space<vmem>>, vector<1x16xf32>,
        %get3A_1888 = vector.shape_cast %get3A_1887 : vector<1x16xf32> to vector<16xf32>
        %mul3A_1889 = arith.mulf %get3A_1888, %broadcast_in_dim3A_1859 : vector<16xf32>
        %add3A_1890 = arith.addf %add3A_1846, %mul3A_1889 : vector<16xf32>
        %mul3A_1891 = arith.constant 50 : i32
        %mul3A_1892 = arith.muli %scan3A_66, %mul3A_1891 : i32
        %add3A_1893 = arith.constant 40 : i32
        %add3A_1894 = arith.addi %mul3A_1892, %add3A_1893 : i32
        %get3A_1895 = arith.index_cast %add3A_1894 : i32 to index
        %get3A_1896 = arith.constant 48 : index
        %get3A_1897 = tpu.vector_load %arg11[%get3A_1895, %get3A_1896] {strides = array<i32>} : memref<400x64xf32, #tpu.memory_space<vmem>>, vector<1x16xf32>,
        %get3A_1898 = vector.shape_cast %get3A_1897 : vector<1x16xf32> to vector<16xf32>
        %mul3A_1899 = arith.mulf %get3A_1898, %broadcast_in_dim3A_1859 : vector<16xf32>
        %add3A_1900 = arith.addf %add3A_1856, %mul3A_1899 : vector<16xf32>
        %slice3A_1901 = vector.extract_strided_slice %convert_element_type3A_89 {offsets = [9], sizes = [1], strides = [1]} : vector<16xf32> to vector<1xf32>
        %squeeze3A_1902 = vector.extract %slice3A_1901[0] : f32 from vector<1xf32>
        %broadcast_in_dim3A_1903 = vector.broadcast %squeeze3A_1902 : f32 to vector<16xf32>
        %add3A_1904 = arith.addf %add3A_1860, %broadcast_in_dim3A_1903 : vector<16xf32>
        %mul3A_1905 = arith.constant 50 : i32
        %mul3A_1906 = arith.muli %scan3A_66, %mul3A_1905 : i32
        %add3A_1907 = arith.constant 41 : i32
        %add3A_1908 = arith.addi %mul3A_1906, %add3A_1907 : i32
        %get3A_1909 = arith.index_cast %add3A_1908 : i32 to index
        %get3A_1910 = arith.constant 0 : index
        %get3A_1911 = tpu.vector_load %arg11[%get3A_1909, %get3A_1910] {strides = array<i32>} : memref<400x64xf32, #tpu.memory_space<vmem>>, vector<1x16xf32>,
        %get3A_1912 = vector.shape_cast %get3A_1911 : vector<1x16xf32> to vector<16xf32>
        %mul3A_1913 = arith.mulf %get3A_1912, %broadcast_in_dim3A_1903 : vector<16xf32>
        %add3A_1914 = arith.addf %add3A_1870, %mul3A_1913 : vector<16xf32>
        %mul3A_1915 = arith.constant 50 : i32
        %mul3A_1916 = arith.muli %scan3A_66, %mul3A_1915 : i32
        %add3A_1917 = arith.constant 41 : i32
        %add3A_1918 = arith.addi %mul3A_1916, %add3A_1917 : i32
        %get3A_1919 = arith.index_cast %add3A_1918 : i32 to index
        %get3A_1920 = arith.constant 16 : index
        %get3A_1921 = tpu.vector_load %arg11[%get3A_1919, %get3A_1920] {strides = array<i32>} : memref<400x64xf32, #tpu.memory_space<vmem>>, vector<1x16xf32>,
        %get3A_1922 = vector.shape_cast %get3A_1921 : vector<1x16xf32> to vector<16xf32>
        %mul3A_1923 = arith.mulf %get3A_1922, %broadcast_in_dim3A_1903 : vector<16xf32>
        %add3A_1924 = arith.addf %add3A_1880, %mul3A_1923 : vector<16xf32>
        %mul3A_1925 = arith.constant 50 : i32
        %mul3A_1926 = arith.muli %scan3A_66, %mul3A_1925 : i32
        %add3A_1927 = arith.constant 41 : i32
        %add3A_1928 = arith.addi %mul3A_1926, %add3A_1927 : i32
        %get3A_1929 = arith.index_cast %add3A_1928 : i32 to index
        %get3A_1930 = arith.constant 32 : index
        %get3A_1931 = tpu.vector_load %arg11[%get3A_1929, %get3A_1930] {strides = array<i32>} : memref<400x64xf32, #tpu.memory_space<vmem>>, vector<1x16xf32>,
        %get3A_1932 = vector.shape_cast %get3A_1931 : vector<1x16xf32> to vector<16xf32>
        %mul3A_1933 = arith.mulf %get3A_1932, %broadcast_in_dim3A_1903 : vector<16xf32>
        %add3A_1934 = arith.addf %add3A_1890, %mul3A_1933 : vector<16xf32>
        %mul3A_1935 = arith.constant 50 : i32
        %mul3A_1936 = arith.muli %scan3A_66, %mul3A_1935 : i32
        %add3A_1937 = arith.constant 41 : i32
        %add3A_1938 = arith.addi %mul3A_1936, %add3A_1937 : i32
        %get3A_1939 = arith.index_cast %add3A_1938 : i32 to index
        %get3A_1940 = arith.constant 48 : index
        %get3A_1941 = tpu.vector_load %arg11[%get3A_1939, %get3A_1940] {strides = array<i32>} : memref<400x64xf32, #tpu.memory_space<vmem>>, vector<1x16xf32>,
        %get3A_1942 = vector.shape_cast %get3A_1941 : vector<1x16xf32> to vector<16xf32>
        %mul3A_1943 = arith.mulf %get3A_1942, %broadcast_in_dim3A_1903 : vector<16xf32>
        %add3A_1944 = arith.addf %add3A_1900, %mul3A_1943 : vector<16xf32>
        %slice3A_1945 = vector.extract_strided_slice %convert_element_type3A_89 {offsets = [10], sizes = [1], strides = [1]} : vector<16xf32> to vector<1xf32>
        %squeeze3A_1946 = vector.extract %slice3A_1945[0] : f32 from vector<1xf32>
        %broadcast_in_dim3A_1947 = vector.broadcast %squeeze3A_1946 : f32 to vector<16xf32>
        %add3A_1948 = arith.addf %add3A_1904, %broadcast_in_dim3A_1947 : vector<16xf32>
        %mul3A_1949 = arith.constant 50 : i32
        %mul3A_1950 = arith.muli %scan3A_66, %mul3A_1949 : i32
        %add3A_1951 = arith.constant 42 : i32
        %add3A_1952 = arith.addi %mul3A_1950, %add3A_1951 : i32
        %get3A_1953 = arith.index_cast %add3A_1952 : i32 to index
        %get3A_1954 = arith.constant 0 : index
        %get3A_1955 = tpu.vector_load %arg11[%get3A_1953, %get3A_1954] {strides = array<i32>} : memref<400x64xf32, #tpu.memory_space<vmem>>, vector<1x16xf32>,
        %get3A_1956 = vector.shape_cast %get3A_1955 : vector<1x16xf32> to vector<16xf32>
        %mul3A_1957 = arith.mulf %get3A_1956, %broadcast_in_dim3A_1947 : vector<16xf32>
        %add3A_1958 = arith.addf %add3A_1914, %mul3A_1957 : vector<16xf32>
        %mul3A_1959 = arith.constant 50 : i32
        %mul3A_1960 = arith.muli %scan3A_66, %mul3A_1959 : i32
        %add3A_1961 = arith.constant 42 : i32
        %add3A_1962 = arith.addi %mul3A_1960, %add3A_1961 : i32
        %get3A_1963 = arith.index_cast %add3A_1962 : i32 to index
        %get3A_1964 = arith.constant 16 : index
        %get3A_1965 = tpu.vector_load %arg11[%get3A_1963, %get3A_1964] {strides = array<i32>} : memref<400x64xf32, #tpu.memory_space<vmem>>, vector<1x16xf32>,
        %get3A_1966 = vector.shape_cast %get3A_1965 : vector<1x16xf32> to vector<16xf32>
        %mul3A_1967 = arith.mulf %get3A_1966, %broadcast_in_dim3A_1947 : vector<16xf32>
        %add3A_1968 = arith.addf %add3A_1924, %mul3A_1967 : vector<16xf32>
        %mul3A_1969 = arith.constant 50 : i32
        %mul3A_1970 = arith.muli %scan3A_66, %mul3A_1969 : i32
        %add3A_1971 = arith.constant 42 : i32
        %add3A_1972 = arith.addi %mul3A_1970, %add3A_1971 : i32
        %get3A_1973 = arith.index_cast %add3A_1972 : i32 to index
        %get3A_1974 = arith.constant 32 : index
        %get3A_1975 = tpu.vector_load %arg11[%get3A_1973, %get3A_1974] {strides = array<i32>} : memref<400x64xf32, #tpu.memory_space<vmem>>, vector<1x16xf32>,
        %get3A_1976 = vector.shape_cast %get3A_1975 : vector<1x16xf32> to vector<16xf32>
        %mul3A_1977 = arith.mulf %get3A_1976, %broadcast_in_dim3A_1947 : vector<16xf32>
        %add3A_1978 = arith.addf %add3A_1934, %mul3A_1977 : vector<16xf32>
        %mul3A_1979 = arith.constant 50 : i32
        %mul3A_1980 = arith.muli %scan3A_66, %mul3A_1979 : i32
        %add3A_1981 = arith.constant 42 : i32
        %add3A_1982 = arith.addi %mul3A_1980, %add3A_1981 : i32
        %get3A_1983 = arith.index_cast %add3A_1982 : i32 to index
        %get3A_1984 = arith.constant 48 : index
        %get3A_1985 = tpu.vector_load %arg11[%get3A_1983, %get3A_1984] {strides = array<i32>} : memref<400x64xf32, #tpu.memory_space<vmem>>, vector<1x16xf32>,
        %get3A_1986 = vector.shape_cast %get3A_1985 : vector<1x16xf32> to vector<16xf32>
        %mul3A_1987 = arith.mulf %get3A_1986, %broadcast_in_dim3A_1947 : vector<16xf32>
        %add3A_1988 = arith.addf %add3A_1944, %mul3A_1987 : vector<16xf32>
        %slice3A_1989 = vector.extract_strided_slice %convert_element_type3A_89 {offsets = [11], sizes = [1], strides = [1]} : vector<16xf32> to vector<1xf32>
        %squeeze3A_1990 = vector.extract %slice3A_1989[0] : f32 from vector<1xf32>
        %broadcast_in_dim3A_1991 = vector.broadcast %squeeze3A_1990 : f32 to vector<16xf32>
        %add3A_1992 = arith.addf %add3A_1948, %broadcast_in_dim3A_1991 : vector<16xf32>
        %mul3A_1993 = arith.constant 50 : i32
        %mul3A_1994 = arith.muli %scan3A_66, %mul3A_1993 : i32
        %add3A_1995 = arith.constant 43 : i32
        %add3A_1996 = arith.addi %mul3A_1994, %add3A_1995 : i32
        %get3A_1997 = arith.index_cast %add3A_1996 : i32 to index
        %get3A_1998 = arith.constant 0 : index
        %get3A_1999 = tpu.vector_load %arg11[%get3A_1997, %get3A_1998] {strides = array<i32>} : memref<400x64xf32, #tpu.memory_space<vmem>>, vector<1x16xf32>,
        %get3A_2000 = vector.shape_cast %get3A_1999 : vector<1x16xf32> to vector<16xf32>
        %mul3A_2001 = arith.mulf %get3A_2000, %broadcast_in_dim3A_1991 : vector<16xf32>
        %add3A_2002 = arith.addf %add3A_1958, %mul3A_2001 : vector<16xf32>
        %mul3A_2003 = arith.constant 50 : i32
        %mul3A_2004 = arith.muli %scan3A_66, %mul3A_2003 : i32
        %add3A_2005 = arith.constant 43 : i32
        %add3A_2006 = arith.addi %mul3A_2004, %add3A_2005 : i32
        %get3A_2007 = arith.index_cast %add3A_2006 : i32 to index
        %get3A_2008 = arith.constant 16 : index
        %get3A_2009 = tpu.vector_load %arg11[%get3A_2007, %get3A_2008] {strides = array<i32>} : memref<400x64xf32, #tpu.memory_space<vmem>>, vector<1x16xf32>,
        %get3A_2010 = vector.shape_cast %get3A_2009 : vector<1x16xf32> to vector<16xf32>
        %mul3A_2011 = arith.mulf %get3A_2010, %broadcast_in_dim3A_1991 : vector<16xf32>
        %add3A_2012 = arith.addf %add3A_1968, %mul3A_2011 : vector<16xf32>
        %mul3A_2013 = arith.constant 50 : i32
        %mul3A_2014 = arith.muli %scan3A_66, %mul3A_2013 : i32
        %add3A_2015 = arith.constant 43 : i32
        %add3A_2016 = arith.addi %mul3A_2014, %add3A_2015 : i32
        %get3A_2017 = arith.index_cast %add3A_2016 : i32 to index
        %get3A_2018 = arith.constant 32 : index
        %get3A_2019 = tpu.vector_load %arg11[%get3A_2017, %get3A_2018] {strides = array<i32>} : memref<400x64xf32, #tpu.memory_space<vmem>>, vector<1x16xf32>,
        %get3A_2020 = vector.shape_cast %get3A_2019 : vector<1x16xf32> to vector<16xf32>
        %mul3A_2021 = arith.mulf %get3A_2020, %broadcast_in_dim3A_1991 : vector<16xf32>
        %add3A_2022 = arith.addf %add3A_1978, %mul3A_2021 : vector<16xf32>
        %mul3A_2023 = arith.constant 50 : i32
        %mul3A_2024 = arith.muli %scan3A_66, %mul3A_2023 : i32
        %add3A_2025 = arith.constant 43 : i32
        %add3A_2026 = arith.addi %mul3A_2024, %add3A_2025 : i32
        %get3A_2027 = arith.index_cast %add3A_2026 : i32 to index
        %get3A_2028 = arith.constant 48 : index
        %get3A_2029 = tpu.vector_load %arg11[%get3A_2027, %get3A_2028] {strides = array<i32>} : memref<400x64xf32, #tpu.memory_space<vmem>>, vector<1x16xf32>,
        %get3A_2030 = vector.shape_cast %get3A_2029 : vector<1x16xf32> to vector<16xf32>
        %mul3A_2031 = arith.mulf %get3A_2030, %broadcast_in_dim3A_1991 : vector<16xf32>
        %add3A_2032 = arith.addf %add3A_1988, %mul3A_2031 : vector<16xf32>
        %slice3A_2033 = vector.extract_strided_slice %convert_element_type3A_89 {offsets = [12], sizes = [1], strides = [1]} : vector<16xf32> to vector<1xf32>
        %squeeze3A_2034 = vector.extract %slice3A_2033[0] : f32 from vector<1xf32>
        %broadcast_in_dim3A_2035 = vector.broadcast %squeeze3A_2034 : f32 to vector<16xf32>
        %add3A_2036 = arith.addf %add3A_1992, %broadcast_in_dim3A_2035 : vector<16xf32>
        %mul3A_2037 = arith.constant 50 : i32
        %mul3A_2038 = arith.muli %scan3A_66, %mul3A_2037 : i32
        %add3A_2039 = arith.constant 44 : i32
        %add3A_2040 = arith.addi %mul3A_2038, %add3A_2039 : i32
        %get3A_2041 = arith.index_cast %add3A_2040 : i32 to index
        %get3A_2042 = arith.constant 0 : index
        %get3A_2043 = tpu.vector_load %arg11[%get3A_2041, %get3A_2042] {strides = array<i32>} : memref<400x64xf32, #tpu.memory_space<vmem>>, vector<1x16xf32>,
        %get3A_2044 = vector.shape_cast %get3A_2043 : vector<1x16xf32> to vector<16xf32>
        %mul3A_2045 = arith.mulf %get3A_2044, %broadcast_in_dim3A_2035 : vector<16xf32>
        %add3A_2046 = arith.addf %add3A_2002, %mul3A_2045 : vector<16xf32>
        %mul3A_2047 = arith.constant 50 : i32
        %mul3A_2048 = arith.muli %scan3A_66, %mul3A_2047 : i32
        %add3A_2049 = arith.constant 44 : i32
        %add3A_2050 = arith.addi %mul3A_2048, %add3A_2049 : i32
        %get3A_2051 = arith.index_cast %add3A_2050 : i32 to index
        %get3A_2052 = arith.constant 16 : index
        %get3A_2053 = tpu.vector_load %arg11[%get3A_2051, %get3A_2052] {strides = array<i32>} : memref<400x64xf32, #tpu.memory_space<vmem>>, vector<1x16xf32>,
        %get3A_2054 = vector.shape_cast %get3A_2053 : vector<1x16xf32> to vector<16xf32>
        %mul3A_2055 = arith.mulf %get3A_2054, %broadcast_in_dim3A_2035 : vector<16xf32>
        %add3A_2056 = arith.addf %add3A_2012, %mul3A_2055 : vector<16xf32>
        %mul3A_2057 = arith.constant 50 : i32
        %mul3A_2058 = arith.muli %scan3A_66, %mul3A_2057 : i32
        %add3A_2059 = arith.constant 44 : i32
        %add3A_2060 = arith.addi %mul3A_2058, %add3A_2059 : i32
        %get3A_2061 = arith.index_cast %add3A_2060 : i32 to index
        %get3A_2062 = arith.constant 32 : index
        %get3A_2063 = tpu.vector_load %arg11[%get3A_2061, %get3A_2062] {strides = array<i32>} : memref<400x64xf32, #tpu.memory_space<vmem>>, vector<1x16xf32>,
        %get3A_2064 = vector.shape_cast %get3A_2063 : vector<1x16xf32> to vector<16xf32>
        %mul3A_2065 = arith.mulf %get3A_2064, %broadcast_in_dim3A_2035 : vector<16xf32>
        %add3A_2066 = arith.addf %add3A_2022, %mul3A_2065 : vector<16xf32>
        %mul3A_2067 = arith.constant 50 : i32
        %mul3A_2068 = arith.muli %scan3A_66, %mul3A_2067 : i32
        %add3A_2069 = arith.constant 44 : i32
        %add3A_2070 = arith.addi %mul3A_2068, %add3A_2069 : i32
        %get3A_2071 = arith.index_cast %add3A_2070 : i32 to index
        %get3A_2072 = arith.constant 48 : index
        %get3A_2073 = tpu.vector_load %arg11[%get3A_2071, %get3A_2072] {strides = array<i32>} : memref<400x64xf32, #tpu.memory_space<vmem>>, vector<1x16xf32>,
        %get3A_2074 = vector.shape_cast %get3A_2073 : vector<1x16xf32> to vector<16xf32>
        %mul3A_2075 = arith.mulf %get3A_2074, %broadcast_in_dim3A_2035 : vector<16xf32>
        %add3A_2076 = arith.addf %add3A_2032, %mul3A_2075 : vector<16xf32>
        %slice3A_2077 = vector.extract_strided_slice %convert_element_type3A_89 {offsets = [13], sizes = [1], strides = [1]} : vector<16xf32> to vector<1xf32>
        %squeeze3A_2078 = vector.extract %slice3A_2077[0] : f32 from vector<1xf32>
        %broadcast_in_dim3A_2079 = vector.broadcast %squeeze3A_2078 : f32 to vector<16xf32>
        %add3A_2080 = arith.addf %add3A_2036, %broadcast_in_dim3A_2079 : vector<16xf32>
        %mul3A_2081 = arith.constant 50 : i32
        %mul3A_2082 = arith.muli %scan3A_66, %mul3A_2081 : i32
        %add3A_2083 = arith.constant 45 : i32
        %add3A_2084 = arith.addi %mul3A_2082, %add3A_2083 : i32
        %get3A_2085 = arith.index_cast %add3A_2084 : i32 to index
        %get3A_2086 = arith.constant 0 : index
        %get3A_2087 = tpu.vector_load %arg11[%get3A_2085, %get3A_2086] {strides = array<i32>} : memref<400x64xf32, #tpu.memory_space<vmem>>, vector<1x16xf32>,
        %get3A_2088 = vector.shape_cast %get3A_2087 : vector<1x16xf32> to vector<16xf32>
        %mul3A_2089 = arith.mulf %get3A_2088, %broadcast_in_dim3A_2079 : vector<16xf32>
        %add3A_2090 = arith.addf %add3A_2046, %mul3A_2089 : vector<16xf32>
        %mul3A_2091 = arith.constant 50 : i32
        %mul3A_2092 = arith.muli %scan3A_66, %mul3A_2091 : i32
        %add3A_2093 = arith.constant 45 : i32
        %add3A_2094 = arith.addi %mul3A_2092, %add3A_2093 : i32
        %get3A_2095 = arith.index_cast %add3A_2094 : i32 to index
        %get3A_2096 = arith.constant 16 : index
        %get3A_2097 = tpu.vector_load %arg11[%get3A_2095, %get3A_2096] {strides = array<i32>} : memref<400x64xf32, #tpu.memory_space<vmem>>, vector<1x16xf32>,
        %get3A_2098 = vector.shape_cast %get3A_2097 : vector<1x16xf32> to vector<16xf32>
        %mul3A_2099 = arith.mulf %get3A_2098, %broadcast_in_dim3A_2079 : vector<16xf32>
        %add3A_2100 = arith.addf %add3A_2056, %mul3A_2099 : vector<16xf32>
        %mul3A_2101 = arith.constant 50 : i32
        %mul3A_2102 = arith.muli %scan3A_66, %mul3A_2101 : i32
        %add3A_2103 = arith.constant 45 : i32
        %add3A_2104 = arith.addi %mul3A_2102, %add3A_2103 : i32
        %get3A_2105 = arith.index_cast %add3A_2104 : i32 to index
        %get3A_2106 = arith.constant 32 : index
        %get3A_2107 = tpu.vector_load %arg11[%get3A_2105, %get3A_2106] {strides = array<i32>} : memref<400x64xf32, #tpu.memory_space<vmem>>, vector<1x16xf32>,
        %get3A_2108 = vector.shape_cast %get3A_2107 : vector<1x16xf32> to vector<16xf32>
        %mul3A_2109 = arith.mulf %get3A_2108, %broadcast_in_dim3A_2079 : vector<16xf32>
        %add3A_2110 = arith.addf %add3A_2066, %mul3A_2109 : vector<16xf32>
        %mul3A_2111 = arith.constant 50 : i32
        %mul3A_2112 = arith.muli %scan3A_66, %mul3A_2111 : i32
        %add3A_2113 = arith.constant 45 : i32
        %add3A_2114 = arith.addi %mul3A_2112, %add3A_2113 : i32
        %get3A_2115 = arith.index_cast %add3A_2114 : i32 to index
        %get3A_2116 = arith.constant 48 : index
        %get3A_2117 = tpu.vector_load %arg11[%get3A_2115, %get3A_2116] {strides = array<i32>} : memref<400x64xf32, #tpu.memory_space<vmem>>, vector<1x16xf32>,
        %get3A_2118 = vector.shape_cast %get3A_2117 : vector<1x16xf32> to vector<16xf32>
        %mul3A_2119 = arith.mulf %get3A_2118, %broadcast_in_dim3A_2079 : vector<16xf32>
        %add3A_2120 = arith.addf %add3A_2076, %mul3A_2119 : vector<16xf32>
        %slice3A_2121 = vector.extract_strided_slice %convert_element_type3A_89 {offsets = [14], sizes = [1], strides = [1]} : vector<16xf32> to vector<1xf32>
        %squeeze3A_2122 = vector.extract %slice3A_2121[0] : f32 from vector<1xf32>
        %broadcast_in_dim3A_2123 = vector.broadcast %squeeze3A_2122 : f32 to vector<16xf32>
        %add3A_2124 = arith.addf %add3A_2080, %broadcast_in_dim3A_2123 : vector<16xf32>
        %mul3A_2125 = arith.constant 50 : i32
        %mul3A_2126 = arith.muli %scan3A_66, %mul3A_2125 : i32
        %add3A_2127 = arith.constant 46 : i32
        %add3A_2128 = arith.addi %mul3A_2126, %add3A_2127 : i32
        %get3A_2129 = arith.index_cast %add3A_2128 : i32 to index
        %get3A_2130 = arith.constant 0 : index
        %get3A_2131 = tpu.vector_load %arg11[%get3A_2129, %get3A_2130] {strides = array<i32>} : memref<400x64xf32, #tpu.memory_space<vmem>>, vector<1x16xf32>,
        %get3A_2132 = vector.shape_cast %get3A_2131 : vector<1x16xf32> to vector<16xf32>
        %mul3A_2133 = arith.mulf %get3A_2132, %broadcast_in_dim3A_2123 : vector<16xf32>
        %add3A_2134 = arith.addf %add3A_2090, %mul3A_2133 : vector<16xf32>
        %mul3A_2135 = arith.constant 50 : i32
        %mul3A_2136 = arith.muli %scan3A_66, %mul3A_2135 : i32
        %add3A_2137 = arith.constant 46 : i32
        %add3A_2138 = arith.addi %mul3A_2136, %add3A_2137 : i32
        %get3A_2139 = arith.index_cast %add3A_2138 : i32 to index
        %get3A_2140 = arith.constant 16 : index
        %get3A_2141 = tpu.vector_load %arg11[%get3A_2139, %get3A_2140] {strides = array<i32>} : memref<400x64xf32, #tpu.memory_space<vmem>>, vector<1x16xf32>,
        %get3A_2142 = vector.shape_cast %get3A_2141 : vector<1x16xf32> to vector<16xf32>
        %mul3A_2143 = arith.mulf %get3A_2142, %broadcast_in_dim3A_2123 : vector<16xf32>
        %add3A_2144 = arith.addf %add3A_2100, %mul3A_2143 : vector<16xf32>
        %mul3A_2145 = arith.constant 50 : i32
        %mul3A_2146 = arith.muli %scan3A_66, %mul3A_2145 : i32
        %add3A_2147 = arith.constant 46 : i32
        %add3A_2148 = arith.addi %mul3A_2146, %add3A_2147 : i32
        %get3A_2149 = arith.index_cast %add3A_2148 : i32 to index
        %get3A_2150 = arith.constant 32 : index
        %get3A_2151 = tpu.vector_load %arg11[%get3A_2149, %get3A_2150] {strides = array<i32>} : memref<400x64xf32, #tpu.memory_space<vmem>>, vector<1x16xf32>,
        %get3A_2152 = vector.shape_cast %get3A_2151 : vector<1x16xf32> to vector<16xf32>
        %mul3A_2153 = arith.mulf %get3A_2152, %broadcast_in_dim3A_2123 : vector<16xf32>
        %add3A_2154 = arith.addf %add3A_2110, %mul3A_2153 : vector<16xf32>
        %mul3A_2155 = arith.constant 50 : i32
        %mul3A_2156 = arith.muli %scan3A_66, %mul3A_2155 : i32
        %add3A_2157 = arith.constant 46 : i32
        %add3A_2158 = arith.addi %mul3A_2156, %add3A_2157 : i32
        %get3A_2159 = arith.index_cast %add3A_2158 : i32 to index
        %get3A_2160 = arith.constant 48 : index
        %get3A_2161 = tpu.vector_load %arg11[%get3A_2159, %get3A_2160] {strides = array<i32>} : memref<400x64xf32, #tpu.memory_space<vmem>>, vector<1x16xf32>,
        %get3A_2162 = vector.shape_cast %get3A_2161 : vector<1x16xf32> to vector<16xf32>
        %mul3A_2163 = arith.mulf %get3A_2162, %broadcast_in_dim3A_2123 : vector<16xf32>
        %add3A_2164 = arith.addf %add3A_2120, %mul3A_2163 : vector<16xf32>
        %slice3A_2165 = vector.extract_strided_slice %convert_element_type3A_89 {offsets = [15], sizes = [1], strides = [1]} : vector<16xf32> to vector<1xf32>
        %squeeze3A_2166 = vector.extract %slice3A_2165[0] : f32 from vector<1xf32>
        %broadcast_in_dim3A_2167 = vector.broadcast %squeeze3A_2166 : f32 to vector<16xf32>
        %add3A_2168 = arith.addf %add3A_2124, %broadcast_in_dim3A_2167 : vector<16xf32>
        %mul3A_2169 = arith.constant 50 : i32
        %mul3A_2170 = arith.muli %scan3A_66, %mul3A_2169 : i32
        %add3A_2171 = arith.constant 47 : i32
        %add3A_2172 = arith.addi %mul3A_2170, %add3A_2171 : i32
        %get3A_2173 = arith.index_cast %add3A_2172 : i32 to index
        %get3A_2174 = arith.constant 0 : index
        %get3A_2175 = tpu.vector_load %arg11[%get3A_2173, %get3A_2174] {strides = array<i32>} : memref<400x64xf32, #tpu.memory_space<vmem>>, vector<1x16xf32>,
        %get3A_2176 = vector.shape_cast %get3A_2175 : vector<1x16xf32> to vector<16xf32>
        %mul3A_2177 = arith.mulf %get3A_2176, %broadcast_in_dim3A_2167 : vector<16xf32>
        %add3A_2178 = arith.addf %add3A_2134, %mul3A_2177 : vector<16xf32>
        %mul3A_2179 = arith.constant 50 : i32
        %mul3A_2180 = arith.muli %scan3A_66, %mul3A_2179 : i32
        %add3A_2181 = arith.constant 47 : i32
        %add3A_2182 = arith.addi %mul3A_2180, %add3A_2181 : i32
        %get3A_2183 = arith.index_cast %add3A_2182 : i32 to index
        %get3A_2184 = arith.constant 16 : index
        %get3A_2185 = tpu.vector_load %arg11[%get3A_2183, %get3A_2184] {strides = array<i32>} : memref<400x64xf32, #tpu.memory_space<vmem>>, vector<1x16xf32>,
        %get3A_2186 = vector.shape_cast %get3A_2185 : vector<1x16xf32> to vector<16xf32>
        %mul3A_2187 = arith.mulf %get3A_2186, %broadcast_in_dim3A_2167 : vector<16xf32>
        %add3A_2188 = arith.addf %add3A_2144, %mul3A_2187 : vector<16xf32>
        %mul3A_2189 = arith.constant 50 : i32
        %mul3A_2190 = arith.muli %scan3A_66, %mul3A_2189 : i32
        %add3A_2191 = arith.constant 47 : i32
        %add3A_2192 = arith.addi %mul3A_2190, %add3A_2191 : i32
        %get3A_2193 = arith.index_cast %add3A_2192 : i32 to index
        %get3A_2194 = arith.constant 32 : index
        %get3A_2195 = tpu.vector_load %arg11[%get3A_2193, %get3A_2194] {strides = array<i32>} : memref<400x64xf32, #tpu.memory_space<vmem>>, vector<1x16xf32>,
        %get3A_2196 = vector.shape_cast %get3A_2195 : vector<1x16xf32> to vector<16xf32>
        %mul3A_2197 = arith.mulf %get3A_2196, %broadcast_in_dim3A_2167 : vector<16xf32>
        %add3A_2198 = arith.addf %add3A_2154, %mul3A_2197 : vector<16xf32>
        %mul3A_2199 = arith.constant 50 : i32
        %mul3A_2200 = arith.muli %scan3A_66, %mul3A_2199 : i32
        %add3A_2201 = arith.constant 47 : i32
        %add3A_2202 = arith.addi %mul3A_2200, %add3A_2201 : i32
        %get3A_2203 = arith.index_cast %add3A_2202 : i32 to index
        %get3A_2204 = arith.constant 48 : index
        %get3A_2205 = tpu.vector_load %arg11[%get3A_2203, %get3A_2204] {strides = array<i32>} : memref<400x64xf32, #tpu.memory_space<vmem>>, vector<1x16xf32>,
        %get3A_2206 = vector.shape_cast %get3A_2205 : vector<1x16xf32> to vector<16xf32>
        %mul3A_2207 = arith.mulf %get3A_2206, %broadcast_in_dim3A_2167 : vector<16xf32>
        %add3A_2208 = arith.addf %add3A_2164, %mul3A_2207 : vector<16xf32>
        %slice3A_2209 = vector.extract_strided_slice %convert_element_type3A_97 {offsets = [0], sizes = [1], strides = [1]} : vector<16xf32> to vector<1xf32>
        %squeeze3A_2210 = vector.extract %slice3A_2209[0] : f32 from vector<1xf32>
        %broadcast_in_dim3A_2211 = vector.broadcast %squeeze3A_2210 : f32 to vector<16xf32>
        %add3A_2212 = arith.addf %add3A_2168, %broadcast_in_dim3A_2211 : vector<16xf32>
        %mul3A_2213 = arith.constant 50 : i32
        %mul3A_2214 = arith.muli %scan3A_66, %mul3A_2213 : i32
        %add3A_2215 = arith.constant 48 : i32
        %add3A_2216 = arith.addi %mul3A_2214, %add3A_2215 : i32
        %get3A_2217 = arith.index_cast %add3A_2216 : i32 to index
        %get3A_2218 = arith.constant 0 : index
        %get3A_2219 = tpu.vector_load %arg11[%get3A_2217, %get3A_2218] {strides = array<i32>} : memref<400x64xf32, #tpu.memory_space<vmem>>, vector<1x16xf32>,
        %get3A_2220 = vector.shape_cast %get3A_2219 : vector<1x16xf32> to vector<16xf32>
        %mul3A_2221 = arith.mulf %get3A_2220, %broadcast_in_dim3A_2211 : vector<16xf32>
        %add3A_2222 = arith.addf %add3A_2178, %mul3A_2221 : vector<16xf32>
        %mul3A_2223 = arith.constant 50 : i32
        %mul3A_2224 = arith.muli %scan3A_66, %mul3A_2223 : i32
        %add3A_2225 = arith.constant 48 : i32
        %add3A_2226 = arith.addi %mul3A_2224, %add3A_2225 : i32
        %get3A_2227 = arith.index_cast %add3A_2226 : i32 to index
        %get3A_2228 = arith.constant 16 : index
        %get3A_2229 = tpu.vector_load %arg11[%get3A_2227, %get3A_2228] {strides = array<i32>} : memref<400x64xf32, #tpu.memory_space<vmem>>, vector<1x16xf32>,
        %get3A_2230 = vector.shape_cast %get3A_2229 : vector<1x16xf32> to vector<16xf32>
        %mul3A_2231 = arith.mulf %get3A_2230, %broadcast_in_dim3A_2211 : vector<16xf32>
        %add3A_2232 = arith.addf %add3A_2188, %mul3A_2231 : vector<16xf32>
        %mul3A_2233 = arith.constant 50 : i32
        %mul3A_2234 = arith.muli %scan3A_66, %mul3A_2233 : i32
        %add3A_2235 = arith.constant 48 : i32
        %add3A_2236 = arith.addi %mul3A_2234, %add3A_2235 : i32
        %get3A_2237 = arith.index_cast %add3A_2236 : i32 to index
        %get3A_2238 = arith.constant 32 : index
        %get3A_2239 = tpu.vector_load %arg11[%get3A_2237, %get3A_2238] {strides = array<i32>} : memref<400x64xf32, #tpu.memory_space<vmem>>, vector<1x16xf32>,
        %get3A_2240 = vector.shape_cast %get3A_2239 : vector<1x16xf32> to vector<16xf32>
        %mul3A_2241 = arith.mulf %get3A_2240, %broadcast_in_dim3A_2211 : vector<16xf32>
        %add3A_2242 = arith.addf %add3A_2198, %mul3A_2241 : vector<16xf32>
        %mul3A_2243 = arith.constant 50 : i32
        %mul3A_2244 = arith.muli %scan3A_66, %mul3A_2243 : i32
        %add3A_2245 = arith.constant 48 : i32
        %add3A_2246 = arith.addi %mul3A_2244, %add3A_2245 : i32
        %get3A_2247 = arith.index_cast %add3A_2246 : i32 to index
        %get3A_2248 = arith.constant 48 : index
        %get3A_2249 = tpu.vector_load %arg11[%get3A_2247, %get3A_2248] {strides = array<i32>} : memref<400x64xf32, #tpu.memory_space<vmem>>, vector<1x16xf32>,
        %get3A_2250 = vector.shape_cast %get3A_2249 : vector<1x16xf32> to vector<16xf32>
        %mul3A_2251 = arith.mulf %get3A_2250, %broadcast_in_dim3A_2211 : vector<16xf32>
        %add3A_2252 = arith.addf %add3A_2208, %mul3A_2251 : vector<16xf32>
        %slice3A_2253 = vector.extract_strided_slice %convert_element_type3A_97 {offsets = [1], sizes = [1], strides = [1]} : vector<16xf32> to vector<1xf32>
        %squeeze3A_2254 = vector.extract %slice3A_2253[0] : f32 from vector<1xf32>
        %broadcast_in_dim3A_2255 = vector.broadcast %squeeze3A_2254 : f32 to vector<16xf32>
        %add3A_2256 = arith.addf %add3A_2212, %broadcast_in_dim3A_2255 : vector<16xf32>
        %mul3A_2257 = arith.constant 50 : i32
        %mul3A_2258 = arith.muli %scan3A_66, %mul3A_2257 : i32
        %add3A_2259 = arith.constant 49 : i32
        %add3A_2260 = arith.addi %mul3A_2258, %add3A_2259 : i32
        %get3A_2261 = arith.index_cast %add3A_2260 : i32 to index
        %get3A_2262 = arith.constant 0 : index
        %get3A_2263 = tpu.vector_load %arg11[%get3A_2261, %get3A_2262] {strides = array<i32>} : memref<400x64xf32, #tpu.memory_space<vmem>>, vector<1x16xf32>,
        %get3A_2264 = vector.shape_cast %get3A_2263 : vector<1x16xf32> to vector<16xf32>
        %mul3A_2265 = arith.mulf %get3A_2264, %broadcast_in_dim3A_2255 : vector<16xf32>
        %add3A_2266 = arith.addf %add3A_2222, %mul3A_2265 : vector<16xf32>
        %mul3A_2267 = arith.constant 50 : i32
        %mul3A_2268 = arith.muli %scan3A_66, %mul3A_2267 : i32
        %add3A_2269 = arith.constant 49 : i32
        %add3A_2270 = arith.addi %mul3A_2268, %add3A_2269 : i32
        %get3A_2271 = arith.index_cast %add3A_2270 : i32 to index
        %get3A_2272 = arith.constant 16 : index
        %get3A_2273 = tpu.vector_load %arg11[%get3A_2271, %get3A_2272] {strides = array<i32>} : memref<400x64xf32, #tpu.memory_space<vmem>>, vector<1x16xf32>,
        %get3A_2274 = vector.shape_cast %get3A_2273 : vector<1x16xf32> to vector<16xf32>
        %mul3A_2275 = arith.mulf %get3A_2274, %broadcast_in_dim3A_2255 : vector<16xf32>
        %add3A_2276 = arith.addf %add3A_2232, %mul3A_2275 : vector<16xf32>
        %mul3A_2277 = arith.constant 50 : i32
        %mul3A_2278 = arith.muli %scan3A_66, %mul3A_2277 : i32
        %add3A_2279 = arith.constant 49 : i32
        %add3A_2280 = arith.addi %mul3A_2278, %add3A_2279 : i32
        %get3A_2281 = arith.index_cast %add3A_2280 : i32 to index
        %get3A_2282 = arith.constant 32 : index
        %get3A_2283 = tpu.vector_load %arg11[%get3A_2281, %get3A_2282] {strides = array<i32>} : memref<400x64xf32, #tpu.memory_space<vmem>>, vector<1x16xf32>,
        %get3A_2284 = vector.shape_cast %get3A_2283 : vector<1x16xf32> to vector<16xf32>
        %mul3A_2285 = arith.mulf %get3A_2284, %broadcast_in_dim3A_2255 : vector<16xf32>
        %add3A_2286 = arith.addf %add3A_2242, %mul3A_2285 : vector<16xf32>
        %mul3A_2287 = arith.constant 50 : i32
        %mul3A_2288 = arith.muli %scan3A_66, %mul3A_2287 : i32
        %add3A_2289 = arith.constant 49 : i32
        %add3A_2290 = arith.addi %mul3A_2288, %add3A_2289 : i32
        %get3A_2291 = arith.index_cast %add3A_2290 : i32 to index
        %get3A_2292 = arith.constant 48 : index
        %get3A_2293 = tpu.vector_load %arg11[%get3A_2291, %get3A_2292] {strides = array<i32>} : memref<400x64xf32, #tpu.memory_space<vmem>>, vector<1x16xf32>,
        %get3A_2294 = vector.shape_cast %get3A_2293 : vector<1x16xf32> to vector<16xf32>
        %mul3A_2295 = arith.mulf %get3A_2294, %broadcast_in_dim3A_2255 : vector<16xf32>
        %add3A_2296 = arith.addf %add3A_2252, %mul3A_2295 : vector<16xf32>
        %max3A = arith.constant 1.000000e+00 : f32
        %max3A_2297 = vector.broadcast %max3A : f32 to vector<16xf32>
        %max3A_2298 = arith.maximumf %add3A_2256, %max3A_2297 : vector<16xf32>
        %div3A = arith.constant 1.000000e+00 : f32
        %div3A_2299 = vector.broadcast %div3A : f32 to vector<16xf32>
        %div3A_2300 = arith.divf %div3A_2299, %max3A_2298 : vector<16xf32>
        %mul3A_2301 = arith.mulf %add3A_2266, %div3A_2300 : vector<16xf32>
        %swap3A = arith.index_cast %scan3A_66 : i32 to index
        %swap3A_2302 = arith.constant 0 : index
        %swap3A_2303 = tpu.vector_load %arg12[%swap3A, %swap3A_2302] {strides = array<i32>} : memref<8x64xf32, #tpu.memory_space<vmem>>, vector<1x16xf32>,
        %swap3A_2304 = vector.shape_cast %swap3A_2303 : vector<1x16xf32> to vector<16xf32>
        %swap3A_2305 = vector.shape_cast %mul3A_2301 : vector<16xf32> to vector<1x16xf32>
        tpu.vector_store %arg12[%swap3A, %swap3A_2302], %swap3A_2305 {strides = array<i32>} : memref<8x64xf32, #tpu.memory_space<vmem>>, vector<1x16xf32>,
        %mul3A_2306 = arith.mulf %add3A_2276, %div3A_2300 : vector<16xf32>
        %swap3A_2307 = arith.index_cast %scan3A_66 : i32 to index
        %swap3A_2308 = arith.constant 16 : index
        %swap3A_2309 = tpu.vector_load %arg12[%swap3A_2307, %swap3A_2308] {strides = array<i32>} : memref<8x64xf32, #tpu.memory_space<vmem>>, vector<1x16xf32>,
        %swap3A_2310 = vector.shape_cast %swap3A_2309 : vector<1x16xf32> to vector<16xf32>
        %swap3A_2311 = vector.shape_cast %mul3A_2306 : vector<16xf32> to vector<1x16xf32>
        tpu.vector_store %arg12[%swap3A_2307, %swap3A_2308], %swap3A_2311 {strides = array<i32>} : memref<8x64xf32, #tpu.memory_space<vmem>>, vector<1x16xf32>,
        %mul3A_2312 = arith.mulf %add3A_2286, %div3A_2300 : vector<16xf32>
        %swap3A_2313 = arith.index_cast %scan3A_66 : i32 to index
        %swap3A_2314 = arith.constant 32 : index
        %swap3A_2315 = tpu.vector_load %arg12[%swap3A_2313, %swap3A_2314] {strides = array<i32>} : memref<8x64xf32, #tpu.memory_space<vmem>>, vector<1x16xf32>,
        %swap3A_2316 = vector.shape_cast %swap3A_2315 : vector<1x16xf32> to vector<16xf32>
        %swap3A_2317 = vector.shape_cast %mul3A_2312 : vector<16xf32> to vector<1x16xf32>
        tpu.vector_store %arg12[%swap3A_2313, %swap3A_2314], %swap3A_2317 {strides = array<i32>} : memref<8x64xf32, #tpu.memory_space<vmem>>, vector<1x16xf32>,
        %mul3A_2318 = arith.mulf %add3A_2296, %div3A_2300 : vector<16xf32>
        %swap3A_2319 = arith.index_cast %scan3A_66 : i32 to index
        %swap3A_2320 = arith.constant 48 : index
        %swap3A_2321 = tpu.vector_load %arg12[%swap3A_2319, %swap3A_2320] {strides = array<i32>} : memref<8x64xf32, #tpu.memory_space<vmem>>, vector<1x16xf32>,
        %swap3A_2322 = vector.shape_cast %swap3A_2321 : vector<1x16xf32> to vector<16xf32>
        %swap3A_2323 = vector.shape_cast %mul3A_2318 : vector<16xf32> to vector<1x16xf32>
        tpu.vector_store %arg12[%swap3A_2319, %swap3A_2320], %swap3A_2323 {strides = array<i32>} : memref<8x64xf32, #tpu.memory_space<vmem>>, vector<1x16xf32>,
      }
      %scan3A_65 = arith.constant 8 : i32
      "tpu.region"() ({
        %run_scoped3A = tpu.sem_alloc : memref<!tpu.dma_semaphore, #tpu.memory_space<semaphore_mem>>
        %dma_start3A_66 = arith.constant 0 : i32
        %dma_start3A_67 = tpu.memref_slice %arg5[%add3A_59, %dma_start3A_66] : memref<16384x64xf32, #tpu.memory_space<hbm>> -> memref<8x64xf32, #tpu.memory_space<hbm>>
        %dma_start3A_68 = arith.constant 0 : i32
        %dma_start3A_69 = tpu.memref_slice %arg5[%add3A_59, %dma_start3A_68] : memref<16384x64xf32, #tpu.memory_space<hbm>> -> memref<8x64xf32, #tpu.memory_space<hbm>>
        tpu.enqueue_dma source(%arg12 : memref<8x64xf32, #tpu.memory_space<vmem>>) target(%dma_start3A_69 : memref<8x64xf32, #tpu.memory_space<hbm>>) target_semaphore(%run_scoped3A : memref<!tpu.dma_semaphore, #tpu.memory_space<semaphore_mem>>)
        %dma_wait3A_70 = arith.constant 0 : i32
        %dma_wait3A_71 = tpu.memref_slice %arg5[%add3A_59, %dma_wait3A_70] : memref<16384x64xf32, #tpu.memory_space<hbm>> -> memref<8x64xf32, #tpu.memory_space<hbm>>
        %dma_wait3A_72 = arith.constant 0 : i32
        %dma_wait3A_73 = tpu.memref_slice %arg5[%add3A_59, %dma_wait3A_72] : memref<16384x64xf32, #tpu.memory_space<hbm>> -> memref<8x64xf32, #tpu.memory_space<hbm>>
        tpu.wait_dma2 semaphore(%run_scoped3A : memref<!tpu.dma_semaphore, #tpu.memory_space<semaphore_mem>>) src(%arg12 : memref<8x64xf32, #tpu.memory_space<vmem>>) dst(%dma_wait3A_73 : memref<8x64xf32, #tpu.memory_space<hbm>>)
        tpu.yield
      }) : () -> ()
    }
    %scan3A_15 = arith.constant 32 : i32
    return
  }
}

</mosaic_0001>

<sc_bundles>
// kernel: kernel.3.cloned.1.call-start
scs
__scs_entry_jumppad:
0x0: {  	(pc) =	sbr.rel $0x88, $3  }
0x1: {  	(tag) =	ssettag $0x0;
	lr =	simm.s32 $0x1  }
0x2: {  	[smem:$0x3F9E] =	sst lr;
	_ =	strace $0xD0000000  }
0x3: {  	_ = 	snop  }
0x4: {  	_ = 	snop  }
0x5: {  	_ = 	snop  }
0x6: {  	_ = 	snop  }
0x7: {  	_ = 	snop  }
__scs_overlays_trampoline_lowered:
0x8: {  	[smem:$0x3FAD] =	sst s0  }
0x9: {  	[smem:$0x3FAE] =	sst s1  }
0xa: {  	[smem:$0x3FAF] =	sst s2  }
0xb: {  	[smem:$0x3FB0] =	sst s3  }
0xc: {  	[smem:$0x3FB1] =	sst s4  }
0xd: {  	[smem:$0x3FB2] =	sst s5  }
0xe: {  	[smem:$0x3FB3] =	sst s6  }
0xf: {  	[smem:$0x3FB4] =	sst s7  }
0x10: {  	[smem:$0x3FB5] =	sst s8  }
0x11: {  	[smem:$0x3FB6] =	sst s9;
	s0 =	simm.s32 @!p0 $0x0  }
0x12: {  	s1 =	sld [smem:$0x3F9C];
	s0 =	simm.s32 @p0 $0x1  }
0x13: {  	[smem:$0x3FB7] =	sst s0;
	s0 =	simm.s32 @!p1 $0x0  }
0x14: {  	s2 =	sld [smem:$0x3F9B];
	s0 =	simm.s32 @p1 $0x1  }
0x15: {  	[smem:$0x3FB8] =	sst s0;
	s0 =	simm.s32 @!p2 $0x0  }
0x16: {  	s3 =	sld [smem:$0x3FDB];
	s0 =	simm.s32 @p2 $0x1  }
0x17: {  	s4 =	simm.s32 $0x1BF5;
	[smem:$0x3FBA] =	sst s0  }
0x18: {  	s0 =	sld [smem:$0x3F9D];
	_ =	swait.ge [sflag:s4], $0x0  }
0x19: {  	s7 =	sld [smem:$0x3F9E]  }
0x1a: {  	s8 =	sadd.s32 $0xFFFFE003, lr  }
0x1b: {  	s9 =	sadd.s32 $0xFFFFFEF7, lr;
	s5 =	simm.s32 $0xFFFFFFFF;
	p2 =	slt.u32 s8, $0xFFFFF086  }
0x1c: {  	p1 =	slt.u32 s9, $0xF7A;
	s5 =	simm.s32 @!p2 $0x0  }
0x1d: {  	s5 =	simm.s32 @p1 $0x1;
	p0 =	seq.s32 s7, s2  }
0x1e: {  	s7 =	smul.u32 @!p0 $0xF7A, s2;
	p2 =	seq.s32 @!p0 s5, $0x0  }
0x1f: {  	s9 =	smul.u32 $0xF7A, s1;
	s8 =	simm.s32 @!p0 $0x1BF5;
	p2 =	por !p2, p0  }
0x20: {  	[sflag:s8] =	ssyncset.s32 @!p0 $0xFFFFF086;
	s6 =	sadd.s32 @!p0 s3, s7;
	s7 =	simm.s32 @!p0 $0x108  }
0x21: {  	s3 =	sadd.s32 s3, s9;
	s6 =	sadd.s32 @!p0 $0x88, s6;
	s7 =	simm.s32 @p2 $0x1082  }
0x22: {  	[simem:s7], [sflag:s8] =	dma.local @!p0 [hbm:s6], $0xF7A  }
0x23: {  	s9 =	sor.u32 $0xD0000000, s2;
	s6 =	simm.s32 $0x108;
	_ =	swait.ge @!p0 [sflag:s8], $0x0  }
0x24: {  	s3 =	sadd.s32 $0x88, s3;
	s6 =	simm.s32 @!p1 $0x1082;
	[sflag:s4] =	ssyncset.s32 $0xFFFFF086  }
0x25: {  	[simem:s6], [sflag:s4] =	dma.local [hbm:s3], $0xF7A  }
0x26: {  	[smem:$0x3F9E] =	sst s1;
	(tag) =	ssettag s2;
	_ =	strace s9  }
0x27: {  	s1 =	sld [smem:$0x3FAE]  }
0x28: {  	s2 =	sld [smem:$0x3FAF]  }
0x29: {  	s4 =	sld [smem:$0x3FB1]  }
0x2a: {  	p0 =	seq.s32 s5, $0x0;
	s5 =	sld [smem:$0x3FB2]  }
0x2b: {  	s6 =	sld [smem:$0x3FB3]  }
0x2c: {  	s7 =	sld [smem:$0x3FB4]  }
0x2d: {  	s3 =	simm.s32 $0x108;
	s8 =	sld [smem:$0x3FB5]  }
0x2e: {  	s3 =	simm.s32 @!p0 $0x1082;
	s9 =	sld [smem:$0x3FB6]  }
0x2f: {  	lr =	sadd.s32 s0, s3;
	s0 =	sld [smem:$0x3FAD]  }
0x30: {  	s3 =	sld [smem:$0x3FB0]  }
0x31: {  	[smem:$0x3FB9] =	sst s10  }
0x32: {  	s10 =	sld [smem:$0x3FB7];
	_ =	sdelay $0x3  }
0x33: {  	p0 =	seq.s32 s10, $0x1;
	s10 =	sld [smem:$0x3FB9];
	_ =	sdelay $0x3  }
0x34: {  	[smem:$0x3FB9] =	sst s10  }
0x35: {  	s10 =	sld [smem:$0x3FB8];
	_ =	sdelay $0x3  }
0x36: {  	p1 =	seq.s32 s10, $0x1;
	s10 =	sld [smem:$0x3FB9];
	_ =	sdelay $0x3  }
0x37: {  	[smem:$0x3FB9] =	sst s10  }
0x38: {  	s10 =	sld [smem:$0x3FBA]  }
0x39: {  	_ = 	snop;
	(pc) =	sbr.ind lr, $3  }
0x3a: {  	_ = 	snop  }
0x3b: {  	_ = 	snop  }
0x3c: {  	p2 =	seq.s32 s10, $0x1;
	s10 =	sld [smem:$0x3FB9]  }
0x3d: {  	_ =	shalt  }
0x3e: {  	_ =	shalt  }
0x3f: {  	_ =	shalt  }
0x40: {  	_ =	shalt  }
0x41: {  	_ =	shalt  }
0x42: {  	_ =	shalt  }
0x43: {  	_ =	shalt  }
0x44: {  	_ =	shalt  }
0x45: {  	_ =	shalt  }
0x46: {  	_ =	shalt  }
0x47: {  	_ =	shalt  }
0x48: {  	_ =	shalt  }
0x49: {  	_ =	shalt  }
0x4a: {  	_ =	shalt  }
0x4b: {  	_ =	shalt  }
0x4c: {  	_ =	shalt  }
0x4d: {  	_ =	shalt  }
0x4e: {  	_ =	shalt  }
0x4f: {  	_ =	shalt  }
0x50: {  	_ =	shalt  }
0x51: {  	_ =	shalt  }
0x52: {  	_ =	shalt  }
0x53: {  	_ =	shalt  }
0x54: {  	_ =	shalt  }
0x55: {  	_ =	shalt  }
0x56: {  	_ =	shalt  }
0x57: {  	_ =	shalt  }
0x58: {  	_ =	shalt  }
0x59: {  	_ =	shalt  }
0x5a: {  	_ =	shalt  }
0x5b: {  	_ =	shalt  }
0x5c: {  	_ =	shalt  }
0x5d: {  	_ =	shalt  }
0x5e: {  	_ =	shalt  }
0x5f: {  	_ =	shalt  }
0x60: {  	_ =	shalt  }
0x61: {  	_ =	shalt  }
0x62: {  	_ =	shalt  }
0x63: {  	_ =	shalt  }
0x64: {  	_ =	shalt  }
0x65: {  	_ =	shalt  }
0x66: {  	_ =	shalt  }
0x67: {  	_ =	shalt  }
0x68: {  	_ =	shalt  }
0x69: {  	_ =	shalt  }
0x6a: {  	_ =	shalt  }
0x6b: {  	_ =	shalt  }
0x6c: {  	_ =	shalt  }
0x6d: {  	_ =	shalt  }
0x6e: {  	_ =	shalt  }
0x6f: {  	_ =	shalt  }
0x70: {  	_ =	shalt  }
0x71: {  	_ =	shalt  }
0x72: {  	_ =	shalt  }
0x73: {  	_ =	shalt  }
0x74: {  	_ =	shalt  }
0x75: {  	_ =	shalt  }
0x76: {  	_ =	shalt  }
0x77: {  	_ =	shalt  }
0x78: {  	_ =	shalt  }
0x79: {  	_ =	shalt  }
0x7a: {  	_ =	shalt  }
0x7b: {  	_ =	shalt  }
0x7c: {  	_ =	shalt  }
0x7d: {  	_ =	shalt  }
0x7e: {  	_ =	shalt  }
0x7f: {  	_ =	shalt  }
0x80: {  	_ =	shalt  }
0x81: {  	_ =	shalt  }
0x82: {  	_ =	shalt  }
0x83: {  	_ =	shalt  }
0x84: {  	_ =	shalt  }
0x85: {  	_ =	shalt  }
0x86: {  	_ =	shalt  }
0x87: {  	_ =	shalt  }
.Lfunc_end0:
.L_simem_size_0:
called_computation_lowered:
.L_overlay_start_0:
0x88: {  	s2 =	sld [smem:$0x3FD9]  }
0x89: {  	s3 =	sld [smem:$0x3FFE];
	_ =	sdelay $0x1  }
0x8a: {  	s1 =	srdreg.scid  }
0x8b: {  	s0 =	sand.u32 $0x1, s1  }
0x8c: {  	s17 =	sshll.u32 s0, $0xA;
	s2 =	sadd.s32 s3, s2  }
0x8d: {  	s2 =	sadd.s32 s2, s17  }
0x8e: {  	[smem:$0x3FC5] =	sst s2  }
0x8f: {  	_ = 	snop  }
0x90: {  	s2 =	sld [smem:$0x3FD0];
	(tm) =	ssettm $0x1  }
0x91: {  	s18 =	sld [smem:$0x3FFB];
	_ =	sdelay $0x3  }
0x92: {  	_ =	strace s18  }
0x93: {  	s3 =	sld [smem:$0x3FFC];
	_ =	sdelay $0x3  }
0x94: {  	_ =	strace s3  }
0x95: {  	s3 =	sld [smem:$0x3FFD];
	_ =	sdelay $0x3  }
0x96: {  	_ =	strace s3  }
0x97: {  	_ =	strace $0x8FFFFFFF  }
0x98: {  	s19 =	sld [smem:$0x3FDB];
	_ =	sdelay $0x1  }
0x99: {  	s4 =	simm.s32 $_scs_section_size  }
0x9a: {  	s5 =	simm.s32 $_size__tile_overlayer_lowered;
	s6 =	simm.s32 $_tile_overlayer_lowered  }
0x9b: {  	s22 =	simm.s32 $0x1BFF;
	s21 =	sshll.u32 s6, $0x1;
	s3 =	sadd.s32 s4, s19  }
0x9c: {  	s7 =	simm.s32 $0x0;
	s20 =	sshll.u32 s5, $0x1;
	s5 =	sadd.s32 s21, s3  }
0x9d: {  	[timem:s7], [sflag:s22] =	dma.local [hbm:s5], s20  }
0x9e: {  	_ =	swait.ge [sflag:s22], s20  }
0x9f: {  	s4 =	ssub.s32 $0x0, s20;
	[sflag:s22] =	ssyncset.done $0x0  }
0xa0: {  	[sflag:s22] =	ssyncadd.s32 s4;
	_ =	sdelay $0x1  }
0xa1: {  	s23 =	simm.s32 $0x1B8B  }
0xa2: {  	_ =	swait.ge [sflag:s23], $0x1  }
0xa3: {  	[sflag:s23] =	ssyncset.done $0x0  }
0xa4: {  	s25 =	simm.s32 $0x1B8E;
	s24 =	sld [smem:$0x3FFE];
	[sflag:s23] =	ssyncadd.s32 $0xFFFFFFFF  }
0xa5: {  	s26 =	simm.s32 $execute0_lowered;
	[smem:$0x3FD2] =	sst s25  }
0xa6: {  	s5 =	sshll.u32 s26, $0x1;
	_ =	strace $0x80000046;
	[dreg:$0x1] =	wrdreg $0xFFFFFFFF  }
0xa7: {  	s28 =	simm.s32 $_size_execute0_lowered;
	s3 =	sadd.s32 s3, s5;
	[dreg:$0x0] =	wrdreg $0x0  }
0xa8: {  	s5 =	sshll.u32 s28, $0x1;
	[dreg:$0x2] =	wrdreg s3  }
0xa9: {  	[dreg:$0x3] =	wrdreg s5  }
0xaa: {  	[dreg:$0x4] =	wrdreg $0xC0  }
0xab: {  	_ =	task [dreg:s7], $0x5FFFF  }
0xac: {  	[dreg:$0x1] =	wrdreg $0xFFFFFFFF  }
0xad: {  	[dreg:$0x0] =	wrdreg $0x60  }
0xae: {  	[dreg:$0x2] =	wrdreg s24  }
0xaf: {  	[dreg:$0x3] =	wrdreg s2  }
0xb0: {  	[dreg:$0x4] =	wrdreg $0x9  }
0xb1: {  	_ =	task.clear_ibuf [dreg:s7], $0x5FFFF;
	_ =	strace $0x90000046  }
0xb2: {  	s29 =	simm.s32 $0x9;
	_ =	strace $0x80000048  }
0xb3: {  	_ =	swait.ge [sflag:s29], $0x1  }
0xb4: {  	[sflag:s29] =	ssyncadd.s32 $0xFFFFFFFF  }
0xb5: {  	_ =	strace $0x90000048  }
0xb6: {  	_ =	sfence  }
0xb7: {  	s30 =	sld [smem:$0x0];
	_ =	sdelay $0x2  }
0xb8: {  	s31 =	sshll.u32 s1, $0xD;
	s1 =	sshrl.u32 s1, $0x2  }
0xb9: {  	s3 =	sand.u32 $0x4000, s31;
	s1 =	sadd.s32 s1, s30  }
0xba: {  	s0 =	sor.u32 s3, s0;
	s1 =	sshll.u32 s1, $0x11  }
0xbb: {  	s0 =	sor.u32 s1, s0  }
0xbc: {  	s0 =	sadd.s32 $0x8F2B, s0  }
0xbd: {  	[sflag:s0] =	ssyncadd.remote.s32 $0x1  }
0xbe: {  	_ =	sfence.sel $0xFFFF  }
0xbf: {  	[dreg:$0x0] =	wrdreg $0xFFFFFFFF;
	(pc) =	sbr.abs _section_cstart, $3  }
0xc0: {  	[dreg:$0x1] =	wrdreg $0xFFFFFFFF  }
0xc1: {  	_ =	task.clear_ibuf [dreg:s7], $0x2FFFF;
	_ =	strace $0x9FFFFFFF  }
0xc2: {  	(tm) =	ssettm $0x7FFFFFFF  }
0xc3: {  	_ =	shalt  }
tec
execute0_lowered:
.L_overlay_start_1:
0x0: {  	(tag) =	ssettag $0x1  }
0x1: {  	s6 =	rddreg [dreg:$0x0]  }
0x2: {  	s2 =	rddreg [dreg:$0x1];
	s3 =	simm.s32 $0x0;
	s4 =	srdreg.scid  }
0x3: {  	s0 =	stileid.u32;
	s13 =	simm.s32 $0x3;
	s15 =	simm.s32 $0x190  }
0x4: {  	s16 =	simm.s32 $0x660;
	s17 =	simm.s32 $0x4C0;
	s18 =	simm.s32 $0x6A60  }
0x5: {  	s19 =	simm.s32 $0x1;
	s20 =	simm.s32 $0xCE60;
	s21 =	simm.s32 $0x2  }
0x6: {  	s22 =	simm.s32 $0x0;
	[smem:$0x7FF] =	sst s3;
	s4 =	sand.u32 $0x1, s4  }
0x7: {  	s5 =	sshll.u32 s0, $0x1;
	_ =	strace $0x80000047;
	s7 =	ssub.s32 $0x2, s4  }
0x8: {  	s8 =	sor.u32 s4, s5;
	s4 =	sadd.s32 $0x19800, s6;
	s5 =	sadd.s32 $0x800, s6  }
0x9: {  	s6 =	sadd.s32 $0xF42C00, s6;
	s9 =	sshrl.u32 s7, $0x1;
	s10 =	smul.u32 $0xC80, s8  }
0xa: {  	s12 =	sshll.u32 s8, $0x9;
	s31 =	sshll.u32 s8, $0xC;
	s11 =	ssub.s32 s7, s9  }
0xb: {  	s9 =	sadd.s32 s2, s31;
	s7 =	sadd.s32 s4, s10;
	s8 =	sadd.s32 s5, s10  }
0xc: {  	s10 =	sor.u32 $0x10, s12;
	s11 =	smax.u32 s11, $0x1;
	s12 =	sor.u32 $0x8, s12  }
.LBB2_1:
0xd: {  	[tilespmem:s3], [sflag:$0x3] =	stream.linear.gather [hbm4b:s7+s3], $0x190, $0x38;
	[tilespmem:$0xD060] =	vst v63  }
0xe: {  	_ =	swait.ge [sflag:s13], $0x190  }
0xf: {  	[sflag:s13] =	ssyncset.done $0x0  }
0x10: {  	s0 =	simm.s32 $0x320;
	[sflag:s13] =	ssyncadd.s32 $0xFFFFFE70  }
0x11: {  	[tilespmem:s0], [sflag:$0x3] =	stream.linear.gather [hbm4b:s8+s3], $0x190, $0x38;
	[tilespmem:$0xD060] =	vst v63  }
0x12: {  	_ =	swait.ge [sflag:s13], $0x190  }
0x13: {  	[sflag:s13] =	ssyncset.done $0x0  }
0x14: {  	s23 =	simm.s32 $0x0;
	[sflag:s13] =	ssyncadd.s32 $0xFFFFFE70  }
0x15: {  	[tilespmem:s16], [sflag:$0x1] =	stream.indirect.gather [hbm4b:s6+s15], $0x40, s3, s15, $0xb8;
	[tilespmem:$0xD060] =	vst v63  }
.LBB2_2:
0x16: {  	s25 =	sshll.u32 s23, $0x4  }
0x17: {  	s24 =	sor.u32 s12, s25  }
0x18: {  	s26 =	smul.u32 $0x32, s24;
	_ =	sdelay $0x1  }
0x19: {  	s28 =	sshrl.u32 s26, $0x3  }
0x1a: {  	s26 =	simm.s32 $0x0;
	s29 =	sadd.s32 s4, s28  }
0x1b: {  	[tilespmem:s15], [sflag:$0x3] =	stream.linear.gather [hbm4b:s29+s26], $0x190, $0x38;
	[tilespmem:$0xD060] =	vst v63  }
0x1c: {  	_ =	swait.ge [sflag:s13], $0x190  }
0x1d: {  	[sflag:s13] =	ssyncset.done $0x0  }
0x1e: {  	s28 =	sadd.s32 s5, s28;
	[sflag:s13] =	ssyncadd.s32 $0xFFFFFE70  }
0x1f: {  	[tilespmem:s17], [sflag:$0x3] =	stream.linear.gather [hbm4b:s28+s26], $0x190, $0x38;
	[tilespmem:$0xD060] =	vst v63  }
0x20: {  	_ =	swait.ge [sflag:s13], $0x190  }
0x21: {  	[sflag:s13] =	ssyncset.done $0x0  }
0x22: {  	[sflag:s13] =	ssyncadd.s32 $0xFFFFFE70  }
0x23: {  	[tilespmem:s18], [sflag:$0x2] =	stream.indirect.gather [hbm4b:s6+s15], $0x40, s15, s15, $0xb8;
	[tilespmem:$0xD060] =	vst v63  }
0x24: {  	_ =	swait.ge [sflag:s19], $0x6400  }
0x25: {  	[sflag:s19] =	ssyncset.done $0x0  }
0x26: {  	[sflag:s19] =	ssyncadd.s32 $0xFFFF9C00  }
.LBB2_3:
0x27: {  	s28 =	smul.u32 $0x32, s26;
	_ =	sdelay $0x1  }
0x28: {  	s31 =	sadd.s32 $0x10, s28  }
0x29: {  	s0 =	sand.u32 $0x6, s28;
	s30 =	sadd.s32 $0x20, s28;
	s29 =	sand.u32 $0x3F8, s31  }
0x2a: {  	v3 =	vld [tilespmem:s28+$0x320];
	s14 =	sand.u32 $0x3F8, s30;
	s1 =	sor.u32 s0, s29;
	s29 =	sadd.s32 $0x30, s28  }
0x2b: {  	s28 =	smul.u32 $0x3200, s26;
	v2 =	vld [tilespmem:s1+$0x320];
	s1 =	sor.u32 s0, s14;
	s14 =	sand.u32 $0x3F8, s29  }
0x2c: {  	v1 =	vld [tilespmem:s1+$0x320];
	s0 =	sor.u32 s0, s14  }
0x2d: {  	s28 =	sshra.s32 s28, $0x2;
	v0 =	vld [tilespmem:s0+$0x320]  }
0x2e: {  	v4 =	vld [tilespmem:s28+$0x660]  }
0x2f: {  	v5 =	vld [tilespmem:s28+$0x670]  }
0x30: {  	v6 =	vld [tilespmem:s28+$0x680]  }
0x31: {  	v7 =	vld [tilespmem:s28+$0x690]  }
0x32: {  	v8 =	vld [tilespmem:s28+$0x6A0]  }
0x33: {  	v9 =	vld [tilespmem:s28+$0x6B0]  }
0x34: {  	v10 =	vld [tilespmem:s28+$0x6C0]  }
0x35: {  	v11 =	vld [tilespmem:s28+$0x6D0]  }
0x36: {  	v12 =	vld [tilespmem:s28+$0x6E0]  }
0x37: {  	v13 =	vld [tilespmem:s28+$0x6F0]  }
0x38: {  	v14 =	vld [tilespmem:s28+$0x700]  }
0x39: {  	v15 =	vld [tilespmem:s28+$0x710]  }
0x3a: {  	v16 =	vld [tilespmem:s28+$0x720]  }
0x3b: {  	v17 =	vld [tilespmem:s28+$0x730]  }
0x3c: {  	v18 =	vld [tilespmem:s28+$0x740]  }
0x3d: {  	v19 =	vld [tilespmem:s28+$0x750]  }
0x3e: {  	v20 =	vld [tilespmem:s28+$0x760]  }
0x3f: {  	v21 =	vld [tilespmem:s28+$0x770]  }
0x40: {  	v22 =	vld [tilespmem:s28+$0x780]  }
0x41: {  	v23 =	vld [tilespmem:s28+$0x790]  }
0x42: {  	v24 =	vld [tilespmem:s28+$0x7A0]  }
0x43: {  	v25 =	vld [tilespmem:s28+$0x7B0]  }
0x44: {  	v26 =	vld [tilespmem:s28+$0x7C0]  }
0x45: {  	v27 =	vld [tilespmem:s28+$0x7D0]  }
0x46: {  	v28 =	vld [tilespmem:s28+$0x7E0]  }
0x47: {  	v29 =	vld [tilespmem:s28+$0x7F0]  }
0x48: {  	v30 =	vld [tilespmem:s28+$0x800]  }
0x49: {  	v31 =	vld [tilespmem:s28+$0x810]  }
0x4a: {  	v32 =	vld [tilespmem:s28+$0x820]  }
0x4b: {  	v33 =	vld [tilespmem:s28+$0x830]  }
0x4c: {  	v34 =	vld [tilespmem:s28+$0x840]  }
0x4d: {  	v35 =	vld [tilespmem:s28+$0x850]  }
0x4e: {  	v36 =	vld [tilespmem:s28+$0x860]  }
0x4f: {  	v37 =	vld [tilespmem:s28+$0x870]  }
0x50: {  	v3 =	vcvt.s32.f32 v3;
	v39 =	vld [tilespmem:s28+$0x880]  }
0x51: {  	v40 =	vld [tilespmem:s28+$0x890]  }
0x52: {  	v41 =	vld [tilespmem:s28+$0x8A0];
	v38 =	vbroadcast v3, $0x0  }
0x53: {  	v43 =	vld [tilespmem:s28+$0x8B0];
	v42 =	vbroadcast v3, $0x1;
	v46 =	vbroadcast v3, $0x2  }
0x54: {  	v44 =	vld [tilespmem:s28+$0x8C0];
	v4 =	vmul.f32 v4, v38;
	v5 =	vmul.f32 v5, v38  }
0x55: {  	v45 =	vld [tilespmem:s28+$0x8D0];
	v6 =	vmul.f32 v6, v38;
	v7 =	vmul.f32 v7, v38  }
0x56: {  	v47 =	vld [tilespmem:s28+$0x8E0];
	v8 =	vmul.f32 v8, v42;
	v9 =	vmul.f32 v9, v42  }
0x57: {  	v38 =	vadd.f32 v42, v38;
	v10 =	vmul.f32 v10, v42;
	v11 =	vmul.f32 v11, v42;
	v42 =	vld [tilespmem:s28+$0x8F0]  }
0x58: {  	v48 =	vbroadcast v3, $0x3;
	v62 =	vmul.f32 v13, v46;
	v13 =	vld [tilespmem:s28+$0x920]  }
0x59: {  	v54 =	vbroadcast v3, $0x4;
	v50 =	vmul.f32 v15, v46;
	v15 =	vld [tilespmem:s28+$0x930]  }
0x5a: {  	v58 =	vbroadcast v3, $0x5;
	v52 =	vmul.f32 v17, v48;
	v17 =	vld [tilespmem:s28+$0x940]  }
0x5b: {  	v2 =	vcvt.s32.f32 v2;
	v63 =	vmul.f32 v14, v46;
	v14 =	vld [tilespmem:s28+$0x960]  }
0x5c: {  	v1 =	vcvt.s32.f32 v1;
	v51 =	vmul.f32 v16, v48;
	v16 =	vld [tilespmem:s28+$0x970]  }
0x5d: {  	v61 =	vmul.f32 v12, v46;
	v56 =	vmul.f32 v20, v54;
	v20 =	vld [tilespmem:s28+$0x980]  }
0x5e: {  	v53 =	vmul.f32 v18, v48;
	v59 =	vmul.f32 v22, v54;
	v22 =	vld [tilespmem:s28+$0x990]  }
0x5f: {  	v57 =	vmul.f32 v21, v54;
	v21 =	vld [tilespmem:s28+$0x9B0];
	v4 =	vadd.f32 $0.0e+00, v4;
	v5 =	vadd.f32 $0.0e+00, v5  }
0x60: {  	v60 =	vmul.f32 v24, v58;
	v24 =	vld [tilespmem:s28+$0x9C0];
	v6 =	vadd.f32 $0.0e+00, v6;
	v7 =	vadd.f32 $0.0e+00, v7  }
0x61: {  	v12 =	vmul.f32 v19, v48;
	v19 =	vld [tilespmem:s28+$0x9D0];
	v49 =	vadd.f32 v38, v46;
	v4 =	vadd.f32 v8, v4  }
0x62: {  	v18 =	vmul.f32 v23, v54;
	v23 =	vld [tilespmem:s28+$0xA00];
	v5 =	vadd.f32 v9, v5;
	v6 =	vadd.f32 v10, v6  }
0x63: {  	v0 =	vcvt.s32.f32 v0;
	v38 =	vld [tilespmem:s28+$0x950];
	v7 =	vadd.f32 v11, v7;
	v55 =	vadd.f32 v49, v48  }
0x64: {  	v46 =	vmul.f32 v27, v58;
	v9 =	vld [tilespmem:s28+$0x900];
	v4 =	vadd.f32 v61, v4;
	v5 =	vadd.f32 v62, v5  }
0x65: {  	v11 =	vld [tilespmem:s28+$0x910];
	v6 =	vadd.f32 v63, v6;
	v7 =	vadd.f32 v50, v7;
	v61 =	vmul.f32 v25, v58  }
0x66: {  	v10 =	vld [tilespmem:s28+$0xB80];
	v8 =	vadd.f32 v55, v54;
	v62 =	vmul.f32 v26, v58;
	v63 =	vbroadcast v3, $0x6  }
0x67: {  	v26 =	vld [tilespmem:s28+$0x9E0];
	v55 =	vbroadcast v3, $0x8;
	v4 =	vadd.f32 v51, v4;
	v5 =	vadd.f32 v52, v5  }
0x68: {  	v25 =	vld [tilespmem:s28+$0xA10];
	v6 =	vadd.f32 v53, v6;
	v7 =	vadd.f32 v12, v7;
	v48 =	vmul.f32 v28, v63  }
0x69: {  	v12 =	vld [tilespmem:s28+$0x9A0];
	v8 =	vadd.f32 v8, v58;
	v49 =	vmul.f32 v29, v63;
	v50 =	vmul.f32 v30, v63  }
0x6a: {  	v51 =	vbroadcast v3, $0x7;
	v28 =	vld [tilespmem:s28+$0x9F0];
	v52 =	vmul.f32 v31, v63;
	v4 =	vadd.f32 v56, v4  }
0x6b: {  	s1 =	sshll.u32 s31, $0x6;
	v30 =	vld [tilespmem:s28+$0xA20];
	v58 =	vmul.f32 v37, v55;
	v5 =	vadd.f32 v57, v5;
	v6 =	vadd.f32 v59, v6  }
0x6c: {  	s0 =	sand.u32 $0x3FFFFF80, s1;
	v31 =	vld [tilespmem:s28+$0xA50];
	v7 =	vadd.f32 v18, v7;
	v53 =	vmul.f32 v32, v51;
	v54 =	vmul.f32 v33, v51  }
0x6d: {  	v29 =	vld [tilespmem:s0+$0x670];
	v8 =	vadd.f32 v8, v63;
	v56 =	vmul.f32 v34, v51;
	v27 =	vmul.f32 v35, v51  }
0x6e: {  	v37 =	vld [tilespmem:s28+$0xAD0];
	v57 =	vmul.f32 v36, v55;
	v4 =	vadd.f32 v60, v4;
	v5 =	vadd.f32 v61, v5  }
0x6f: {  	v32 =	vld [tilespmem:s28+$0xA30];
	v59 =	vmul.f32 v39, v55;
	v6 =	vadd.f32 v62, v6;
	v7 =	vadd.f32 v46, v7  }
0x70: {  	v18 =	vld [tilespmem:s28+$0xA40];
	v8 =	vadd.f32 v8, v51;
	v60 =	vbroadcast v3, $0x9;
	v4 =	vadd.f32 v48, v4  }
0x71: {  	v34 =	vld [tilespmem:s0+$0x660];
	v61 =	vmul.f32 v40, v55;
	v5 =	vadd.f32 v49, v5;
	v6 =	vadd.f32 v50, v6  }
0x72: {  	v36 =	vld [tilespmem:s0+$0x680];
	v7 =	vadd.f32 v52, v7;
	v62 =	vmul.f32 v41, v60;
	v63 =	vmul.f32 v43, v60  }
0x73: {  	v39 =	vld [tilespmem:s0+$0x690];
	v8 =	vadd.f32 v8, v55;
	v43 =	vmul.f32 v44, v60;
	v44 =	vbroadcast v3, $0xA  }
0x74: {  	v33 =	vld [tilespmem:s28+$0xAA0];
	v46 =	vmul.f32 v45, v60;
	v50 =	vbroadcast v3, $0xB;
	v4 =	vadd.f32 v53, v4  }
0x75: {  	v35 =	vld [tilespmem:s28+$0xAB0];
	v5 =	vadd.f32 v54, v5;
	v48 =	vmul.f32 v47, v44;
	v49 =	vmul.f32 v42, v44  }
0x76: {  	v41 =	vld [tilespmem:s28+$0xAC0];
	v6 =	vadd.f32 v56, v6;
	v9 =	vmul.f32 v9, v44;
	v11 =	vmul.f32 v11, v44  }
0x77: {  	v7 =	vadd.f32 v27, v7;
	v51 =	vmul.f32 v13, v50;
	v13 =	vld [tilespmem:s28+$0xAE0];
	v52 =	vmul.f32 v15, v50  }
0x78: {  	v8 =	vadd.f32 v8, v60;
	v53 =	vmul.f32 v17, v50;
	v54 =	vbroadcast v3, $0xC;
	v17 =	vld [tilespmem:s28+$0xB00]  }
0x79: {  	v55 =	vmul.f32 v38, v50;
	v27 =	vld [tilespmem:s28+$0xB10];
	v4 =	vadd.f32 v57, v4;
	v5 =	vadd.f32 v58, v5  }
0x7a: {  	v38 =	vld [tilespmem:s28+$0xB30];
	v6 =	vadd.f32 v59, v6;
	v7 =	vadd.f32 v61, v7;
	v56 =	vmul.f32 v14, v54  }
0x7b: {  	v15 =	vld [tilespmem:s28+$0xB40];
	v8 =	vadd.f32 v8, v44;
	v57 =	vmul.f32 v16, v54;
	v59 =	vbroadcast v3, $0xD  }
0x7c: {  	v16 =	vld [tilespmem:s28+$0xB20];
	v58 =	vmul.f32 v20, v54;
	v60 =	vmul.f32 v22, v54;
	v4 =	vadd.f32 v62, v4  }
0x7d: {  	v20 =	vld [tilespmem:s28+$0xB70];
	v5 =	vadd.f32 v63, v5;
	v61 =	vmul.f32 v12, v59;
	v62 =	vmul.f32 v21, v59  }
0x7e: {  	v22 =	vld [tilespmem:s28+$0xBA0];
	v6 =	vadd.f32 v43, v6;
	v63 =	vbroadcast v3, $0xE;
	v24 =	vmul.f32 v24, v59  }
0x7f: {  	v7 =	vadd.f32 v46, v7;
	v12 =	vld [tilespmem:s28+$0xB50];
	v19 =	vmul.f32 v19, v59;
	v3 =	vbroadcast v3, $0xF  }
0x80: {  	v8 =	vadd.f32 v8, v50;
	v21 =	vld [tilespmem:s28+$0xB60];
	v46 =	vbroadcast v2, $0x0;
	v50 =	vbroadcast v2, $0x1  }
0x81: {  	v7 =	vadd.f32 v11, v7;
	v11 =	vld [tilespmem:s28+$0xAF0];
	v40 =	vmul.f32 v26, v63;
	v42 =	vmul.f32 v28, v63  }
0x82: {  	v4 =	vadd.f32 v48, v4;
	v23 =	vmul.f32 v23, v63;
	v14 =	vmul.f32 v25, v63;
	v25 =	vld [tilespmem:s28+$0xBC0]  }
0x83: {  	v5 =	vadd.f32 v49, v5;
	v43 =	vmul.f32 v30, v3;
	v44 =	vmul.f32 v32, v3;
	v26 =	vld [tilespmem:s28+$0xBE0]  }
0x84: {  	v6 =	vadd.f32 v9, v6;
	v45 =	vmul.f32 v18, v3;
	v48 =	vmul.f32 v29, v46;
	v29 =	vld [tilespmem:s28+$0xC00]  }
0x85: {  	v8 =	vadd.f32 v8, v54;
	v47 =	vmul.f32 v34, v46;
	v49 =	vmul.f32 v36, v46;
	v18 =	vld [tilespmem:s28+$0xC20]  }
0x86: {  	v28 =	vld [tilespmem:s28+$0xC30];
	v54 =	vbroadcast v2, $0x2;
	v4 =	vadd.f32 v51, v4;
	v5 =	vadd.f32 v52, v5  }
0x87: {  	v30 =	vmul.f32 v37, v50;
	v9 =	vld [tilespmem:s28+$0xC60];
	v6 =	vadd.f32 v53, v6;
	v7 =	vadd.f32 v55, v7  }
0x88: {  	v32 =	vld [tilespmem:s28+$0xCA0];
	v8 =	vadd.f32 v8, v59;
	v51 =	vmul.f32 v39, v46;
	v52 =	vmul.f32 v33, v50  }
0x89: {  	v34 =	vld [tilespmem:s28+$0xCB0];
	v53 =	vmul.f32 v35, v50;
	v55 =	vmul.f32 v41, v50;
	v4 =	vadd.f32 v56, v4  }
0x8a: {  	v33 =	vld [tilespmem:s28+$0xC40];
	v59 =	vmul.f32 v27, v54;
	v5 =	vadd.f32 v57, v5;
	v6 =	vadd.f32 v58, v6  }
0x8b: {  	v35 =	vld [tilespmem:s28+$0xC50];
	v7 =	vadd.f32 v60, v7;
	v56 =	vmul.f32 v13, v54;
	v57 =	vmul.f32 v17, v54  }
0x8c: {  	v27 =	vld [tilespmem:s28+$0xC90];
	v8 =	vadd.f32 v8, v63;
	v58 =	vbroadcast v2, $0x3;
	v63 =	vbroadcast v2, $0x4  }
0x8d: {  	v13 =	vld [tilespmem:s28+$0xC70];
	v11 =	vmul.f32 v11, v54;
	v4 =	vadd.f32 v61, v4;
	v5 =	vadd.f32 v62, v5  }
0x8e: {  	v7 =	vadd.f32 v19, v7;
	v19 =	vld [tilespmem:s28+$0xB90];
	v8 =	vadd.f32 v8, v3;
	v3 =	vmul.f32 v31, v3  }
0x8f: {  	v6 =	vadd.f32 v24, v6;
	v24 =	vld [tilespmem:s28+$0xBB0];
	v60 =	vmul.f32 v16, v58;
	v61 =	vmul.f32 v38, v58  }
0x90: {  	v31 =	vld [tilespmem:s28+$0xC10];
	v62 =	vmul.f32 v15, v58;
	v37 =	vmul.f32 v12, v58  }
0x91: {  	v38 =	vld [tilespmem:s28+$0xCC0];
	v39 =	vmul.f32 v21, v63;
	v4 =	vadd.f32 v40, v4;
	v5 =	vadd.f32 v42, v5  }
0x92: {  	v41 =	vmul.f32 v20, v63;
	v21 =	vld [tilespmem:s28+$0xD60];
	v6 =	vadd.f32 v23, v6;
	v7 =	vadd.f32 v14, v7  }
0x93: {  	v23 =	vld [tilespmem:s28+$0xBD0];
	v8 =	vadd.f32 v8, v46;
	v42 =	vbroadcast v2, $0x5;
	v4 =	vadd.f32 v43, v4  }
0x94: {  	v10 =	vmul.f32 v10, v63;
	v14 =	vld [tilespmem:s28+$0xBF0];
	v5 =	vadd.f32 v44, v5;
	v6 =	vadd.f32 v45, v6  }
0x95: {  	v40 =	vld [tilespmem:s28+$0xCD0];
	v3 =	vadd.f32 v3, v7;
	v8 =	vadd.f32 v8, v50;
	v44 =	vmul.f32 v22, v42  }
0x96: {  	v43 =	vld [tilespmem:s28+$0xCE0];
	v46 =	vmul.f32 v25, v42;
	v15 =	vmul.f32 v19, v63;
	v4 =	vadd.f32 v47, v4  }
0x97: {  	v50 =	vld [tilespmem:s28+$0xD30];
	v45 =	vmul.f32 v24, v42;
	v5 =	vadd.f32 v48, v5;
	v6 =	vadd.f32 v49, v6  }
0x98: {  	v25 =	vld [tilespmem:s28+$0xD50];
	v3 =	vadd.f32 v51, v3;
	v8 =	vadd.f32 v8, v54;
	v47 =	vbroadcast v2, $0x6  }
0x99: {  	v19 =	vld [tilespmem:s28+$0xCF0];
	v54 =	vbroadcast v2, $0x7;
	v49 =	vmul.f32 v23, v42;
	v4 =	vadd.f32 v52, v4  }
0x9a: {  	v48 =	vld [tilespmem:s28+$0xD20];
	v5 =	vadd.f32 v53, v5;
	v6 =	vadd.f32 v55, v6;
	v51 =	vmul.f32 v26, v47  }
0x9b: {  	v3 =	vadd.f32 v30, v3;
	v30 =	vld [tilespmem:s28+$0xC80];
	v14 =	vmul.f32 v14, v47;
	v53 =	vmul.f32 v29, v47  }
0x9c: {  	v36 =	vadd.f32 v8, v58;
	v52 =	vld [tilespmem:s28+$0xD40];
	v55 =	vmul.f32 v31, v47;
	v58 =	vbroadcast v2, $0x8  }
0x9d: {  	v26 =	vld [tilespmem:s28+$0xD80];
	v24 =	vmul.f32 v35, v54;
	v4 =	vadd.f32 v56, v4;
	v5 =	vadd.f32 v11, v5  }
0x9e: {  	v29 =	vld [tilespmem:s28+$0xD90];
	v6 =	vadd.f32 v57, v6;
	v3 =	vadd.f32 v59, v3;
	v56 =	vmul.f32 v18, v54  }
0x9f: {  	v31 =	vld [tilespmem:s28+$0xFD0];
	v7 =	vadd.f32 v36, v63;
	v57 =	vmul.f32 v28, v54;
	v59 =	vmul.f32 v33, v54  }
0xa0: {  	v11 =	vld [tilespmem:s28+$0xD00];
	v63 =	vbroadcast v2, $0x9;
	v33 =	vmul.f32 v27, v58;
	v4 =	vadd.f32 v60, v4  }
0xa1: {  	v28 =	vld [tilespmem:s28+$0xDC0];
	v5 =	vadd.f32 v61, v5;
	v6 =	vadd.f32 v62, v6;
	v60 =	vmul.f32 v9, v58  }
0xa2: {  	v18 =	vld [tilespmem:s28+$0xDD0];
	v3 =	vadd.f32 v37, v3;
	v61 =	vmul.f32 v13, v58;
	v35 =	vmul.f32 v32, v63  }
0xa3: {  	v7 =	vadd.f32 v7, v42;
	v9 =	vld [tilespmem:s28+$0xDA0];
	v36 =	vmul.f32 v34, v63;
	v37 =	vmul.f32 v38, v63  }
0xa4: {  	v13 =	vld [tilespmem:s28+$0xDB0];
	v38 =	vbroadcast v2, $0xA;
	v4 =	vadd.f32 v39, v4;
	v5 =	vadd.f32 v41, v5  }
0xa5: {  	v40 =	vmul.f32 v40, v63;
	v34 =	vld [tilespmem:s28+$0xEC0];
	v6 =	vadd.f32 v10, v6;
	v3 =	vadd.f32 v15, v3  }
0xa6: {  	v62 =	vmul.f32 v30, v58;
	v30 =	vld [tilespmem:s28+$0xDE0];
	v7 =	vadd.f32 v7, v47;
	v4 =	vadd.f32 v44, v4  }
0xa7: {  	v15 =	vld [tilespmem:s28+$0xD10];
	v42 =	vmul.f32 v43, v38;
	v5 =	vadd.f32 v45, v5;
	v6 =	vadd.f32 v46, v6  }
0xa8: {  	v39 =	vld [tilespmem:s28+$0xDF0];
	v11 =	vmul.f32 v11, v38;
	v3 =	vadd.f32 v49, v3;
	v7 =	vadd.f32 v7, v54  }
0xa9: {  	v41 =	vld [tilespmem:s28+$0xE00];
	v45 =	vbroadcast v2, $0xB;
	v4 =	vadd.f32 v51, v4;
	v5 =	vadd.f32 v14, v5  }
0xaa: {  	v43 =	vld [tilespmem:s28+$0xE10];
	v44 =	vmul.f32 v19, v38;
	v6 =	vadd.f32 v53, v6;
	v3 =	vadd.f32 v55, v3  }
0xab: {  	v47 =	vld [tilespmem:s28+$0xE30];
	v7 =	vadd.f32 v7, v58;
	v48 =	vmul.f32 v48, v45;
	v50 =	vmul.f32 v50, v45  }
0xac: {  	v46 =	vld [tilespmem:s28+$0xE20];
	v52 =	vmul.f32 v52, v45;
	v53 =	vbroadcast v2, $0xC;
	v4 =	vadd.f32 v56, v4  }
0xad: {  	s14 =	sshll.u32 s30, $0x6;
	v14 =	vld [tilespmem:s28+$0xD70];
	v55 =	vmul.f32 v25, v45;
	v5 =	vadd.f32 v57, v5;
	v6 =	vadd.f32 v59, v6  }
0xae: {  	s0 =	sand.u32 $0x3FFFFF80, s14;
	v49 =	vld [tilespmem:s28+$0xE40];
	v12 =	vmul.f32 v15, v38;
	v3 =	vadd.f32 v24, v3;
	v7 =	vadd.f32 v7, v63  }
0xaf: {  	v54 =	vld [tilespmem:s0+$0x660];
	v57 =	vmul.f32 v21, v53;
	v59 =	vmul.f32 v26, v53;
	v4 =	vadd.f32 v60, v4  }
0xb0: {  	v51 =	vld [tilespmem:s28+$0xE50];
	v5 =	vadd.f32 v61, v5;
	v6 =	vadd.f32 v62, v6;
	v60 =	vbroadcast v2, $0xD  }
0xb1: {  	v58 =	vld [tilespmem:s0+$0x680];
	v3 =	vadd.f32 v33, v3;
	v62 =	vmul.f32 v29, v53;
	v33 =	vbroadcast v2, $0xE  }
0xb2: {  	v25 =	vld [tilespmem:s28+$0xFB0];
	v7 =	vadd.f32 v7, v38;
	v2 =	vbroadcast v2, $0xF;
	v14 =	vmul.f32 v14, v53  }
0xb3: {  	v56 =	vld [tilespmem:s0+$0x670];
	v4 =	vadd.f32 v35, v4;
	v5 =	vadd.f32 v36, v5;
	v9 =	vmul.f32 v9, v60  }
0xb4: {  	v63 =	vld [tilespmem:s28+$0xEA0];
	v6 =	vadd.f32 v37, v6;
	v32 =	vmul.f32 v13, v60;
	v35 =	vmul.f32 v28, v60  }
0xb5: {  	v24 =	vld [tilespmem:s28+$0x10D0];
	v3 =	vadd.f32 v40, v3;
	v18 =	vmul.f32 v18, v60;
	v37 =	vmul.f32 v30, v33  }
0xb6: {  	v61 =	vld [tilespmem:s0+$0x690];
	v7 =	vadd.f32 v7, v45;
	v39 =	vmul.f32 v39, v33;
	v41 =	vmul.f32 v41, v33  }
0xb7: {  	v29 =	vld [tilespmem:s28+$0xEB0];
	v13 =	vmul.f32 v43, v33;
	v4 =	vadd.f32 v42, v4;
	v5 =	vadd.f32 v44, v5  }
0xb8: {  	v38 =	vld [tilespmem:s28+$0xEE0];
	v10 =	vmul.f32 v49, v2;
	v6 =	vadd.f32 v11, v6;
	v3 =	vadd.f32 v12, v3  }
0xb9: {  	v36 =	vld [tilespmem:s28+$0xED0];
	v7 =	vadd.f32 v7, v53;
	v44 =	vmul.f32 v46, v2;
	v46 =	vmul.f32 v47, v2  }
0xba: {  	v40 =	vld [tilespmem:s28+$0xEF0];
	v47 =	vbroadcast v1, $0x0;
	v4 =	vadd.f32 v48, v4;
	v5 =	vadd.f32 v50, v5  }
0xbb: {  	v43 =	vld [tilespmem:s28+$0xF10];
	v30 =	vbroadcast v1, $0x3;
	v6 =	vadd.f32 v52, v6;
	v3 =	vadd.f32 v55, v3  }
0xbc: {  	v45 =	vld [tilespmem:s28+$0xF20];
	v7 =	vadd.f32 v7, v60;
	v50 =	vmul.f32 v54, v47;
	v55 =	vbroadcast v1, $0x1  }
0xbd: {  	v49 =	vld [tilespmem:s28+$0xF40];
	v52 =	vmul.f32 v56, v47;
	v54 =	vmul.f32 v58, v47;
	v4 =	vadd.f32 v57, v4  }
0xbe: {  	v28 =	vld [tilespmem:s28+$0xFC0];
	v6 =	vadd.f32 v59, v6;
	v57 =	vmul.f32 v61, v47;
	v59 =	vmul.f32 v63, v55  }
0xbf: {  	v42 =	vld [tilespmem:s28+$0xF00];
	v3 =	vadd.f32 v62, v3;
	v11 =	vmul.f32 v29, v55;
	v61 =	vmul.f32 v34, v55  }
0xc0: {  	v53 =	vld [tilespmem:s28+$0xF60];
	v7 =	vadd.f32 v7, v33;
	v62 =	vbroadcast v1, $0x2;
	v23 =	vmul.f32 v36, v55  }
0xc1: {  	v48 =	vld [tilespmem:s28+$0xF30];
	v5 =	vadd.f32 v14, v5;
	v33 =	vmul.f32 v45, v30;
	v45 =	vbroadcast v1, $0x5  }
0xc2: {  	v56 =	vld [tilespmem:s28+$0xF70];
	v4 =	vadd.f32 v9, v4;
	v7 =	vadd.f32 v7, v2;
	v2 =	vmul.f32 v51, v2  }
0xc3: {  	v58 =	vld [tilespmem:s28+$0xF80];
	v5 =	vadd.f32 v32, v5;
	v27 =	vmul.f32 v38, v62;
	v29 =	vmul.f32 v40, v62  }
0xc4: {  	v60 =	vld [tilespmem:s28+$0xF90];
	v6 =	vadd.f32 v35, v6;
	v16 =	vmul.f32 v42, v62;
	v14 =	vmul.f32 v43, v62  }
0xc5: {  	v63 =	vld [tilespmem:s28+$0xFA0];
	v3 =	vadd.f32 v18, v3;
	v38 =	vbroadcast v1, $0x4;
	v9 =	vmul.f32 v28, v45  }
0xc6: {  	v34 =	vld [tilespmem:s28+$0xFF0];
	v15 =	vmul.f32 v31, v45;
	v4 =	vadd.f32 v37, v4;
	v5 =	vadd.f32 v39, v5  }
0xc7: {  	v36 =	vld [tilespmem:s28+$0x1000];
	v35 =	vmul.f32 v48, v30;
	v6 =	vadd.f32 v41, v6;
	v3 =	vadd.f32 v13, v3  }
0xc8: {  	v51 =	vld [tilespmem:s28+$0xF50];
	v7 =	vadd.f32 v7, v47;
	v37 =	vmul.f32 v49, v30;
	v4 =	vadd.f32 v44, v4  }
0xc9: {  	v32 =	vld [tilespmem:s28+$0xFE0];
	v41 =	vmul.f32 v53, v38;
	v5 =	vadd.f32 v46, v5;
	v6 =	vadd.f32 v10, v6  }
0xca: {  	v40 =	vld [tilespmem:s28+$0x1020];
	v42 =	vmul.f32 v56, v38;
	v2 =	vadd.f32 v2, v3;
	v7 =	vadd.f32 v7, v55  }
0xcb: {  	v43 =	vld [tilespmem:s28+$0x1030];
	v48 =	vmul.f32 v60, v38;
	v4 =	vadd.f32 v50, v4;
	v3 =	vadd.f32 v52, v5  }
0xcc: {  	v39 =	vld [tilespmem:s28+$0x1010];
	v44 =	vmul.f32 v58, v38;
	v6 =	vadd.f32 v54, v6;
	v2 =	vadd.f32 v57, v2  }
0xcd: {  	v49 =	vld [tilespmem:s28+$0x1050];
	v7 =	vadd.f32 v7, v62;
	v50 =	vmul.f32 v63, v45;
	v54 =	vbroadcast v1, $0x6  }
0xce: {  	v53 =	vld [tilespmem:s28+$0x1070];
	v52 =	vmul.f32 v25, v45;
	v62 =	vbroadcast v1, $0x7;
	v4 =	vadd.f32 v59, v4  }
0xcf: {  	v46 =	vld [tilespmem:s28+$0x1040];
	v3 =	vadd.f32 v11, v3;
	v11 =	vmul.f32 v51, v30;
	v57 =	vmul.f32 v32, v54  }
0xd0: {  	v56 =	vld [tilespmem:s28+$0x1090];
	v5 =	vadd.f32 v61, v6;
	v8 =	vmul.f32 v34, v54;
	v59 =	vmul.f32 v36, v54  }
0xd1: {  	v58 =	vld [tilespmem:s28+$0x10A0];
	v2 =	vadd.f32 v23, v2;
	v61 =	vmul.f32 v39, v54;
	v25 =	vmul.f32 v40, v62  }
0xd2: {  	v60 =	vld [tilespmem:s28+$0x10B0];
	v7 =	vadd.f32 v7, v30;
	v26 =	vmul.f32 v43, v62;
	v31 =	vmul.f32 v49, v62  }
0xd3: {  	v55 =	vld [tilespmem:s28+$0x1080];
	v36 =	vbroadcast v1, $0x9;
	v49 =	vbroadcast v1, $0xB;
	v4 =	vadd.f32 v27, v4  }
0xd4: {  	v51 =	vld [tilespmem:s28+$0x1060];
	v28 =	vmul.f32 v46, v62;
	v3 =	vadd.f32 v29, v3;
	v5 =	vadd.f32 v16, v5  }
0xd5: {  	v40 =	vld [tilespmem:s28+$0x1140];
	v2 =	vadd.f32 v14, v2;
	v47 =	vadd.f32 v7, v38;
	v29 =	vbroadcast v1, $0x8  }
0xd6: {  	v43 =	vld [tilespmem:s28+$0x1150];
	v39 =	vmul.f32 v58, v36;
	v46 =	vmul.f32 v24, v36;
	v4 =	vadd.f32 v33, v4  }
0xd7: {  	v63 =	vld [tilespmem:s28+$0x10C0];
	v58 =	vbroadcast v1, $0xD;
	v3 =	vadd.f32 v35, v3;
	v5 =	vadd.f32 v37, v5  }
0xd8: {  	v30 =	vld [tilespmem:s28+$0x10F0];
	v2 =	vadd.f32 v11, v2;
	v33 =	vmul.f32 v53, v29;
	v35 =	vmul.f32 v55, v29  }
0xd9: {  	v38 =	vld [tilespmem:s28+$0x1130];
	v6 =	vadd.f32 v47, v45;
	v7 =	vmul.f32 v56, v29;
	v53 =	vbroadcast v1, $0xC  }
0xda: {  	v27 =	vld [tilespmem:s28+$0x10E0];
	v11 =	vmul.f32 v51, v29;
	v10 =	vmul.f32 v40, v49;
	v4 =	vadd.f32 v41, v4  }
0xdb: {  	v32 =	vld [tilespmem:s28+$0x1100];
	v24 =	vmul.f32 v43, v49;
	v3 =	vadd.f32 v42, v3;
	v6 =	vadd.f32 v6, v54  }
0xdc: {  	v34 =	vld [tilespmem:s28+$0x1110];
	v5 =	vadd.f32 v44, v5;
	v2 =	vadd.f32 v48, v2;
	v41 =	vmul.f32 v60, v36  }
0xdd: {  	v42 =	vmul.f32 v63, v36;
	v44 =	vbroadcast v1, $0xA;
	v6 =	vadd.f32 v6, v62  }
0xde: {  	v37 =	vld [tilespmem:s28+$0x1120];
	v60 =	vmul.f32 v38, v49;
	v4 =	vadd.f32 v50, v4;
	v3 =	vadd.f32 v52, v3  }
0xdf: {  	v45 =	vld [tilespmem:s28+$0x1160];
	v5 =	vadd.f32 v9, v5;
	v48 =	vmul.f32 v27, v44;
	v6 =	vadd.f32 v6, v29  }
0xe0: {  	v56 =	vld [tilespmem:s28+$0x11B0];
	v2 =	vadd.f32 v15, v2;
	v51 =	vmul.f32 v30, v44;
	v12 =	vmul.f32 v32, v44  }
0xe1: {  	v63 =	vld [tilespmem:s28+$0x11E0];
	v55 =	vmul.f32 v34, v44;
	v62 =	vbroadcast v1, $0xE;
	v6 =	vadd.f32 v6, v36  }
0xe2: {  	v47 =	vld [tilespmem:s28+$0x1170];
	v1 =	vbroadcast v1, $0xF;
	v32 =	vbroadcast v0, $0x0;
	v4 =	vadd.f32 v57, v4  }
0xe3: {  	v50 =	vld [tilespmem:s28+$0x1180];
	v0 =	vbroadcast v0, $0x1;
	v3 =	vadd.f32 v8, v3;
	v6 =	vadd.f32 v6, v44  }
0xe4: {  	v27 =	vld [tilespmem:s28+$0x1200];
	v5 =	vadd.f32 v59, v5;
	v2 =	vadd.f32 v61, v2;
	v57 =	vmul.f32 v37, v49  }
0xe5: {  	v30 =	vld [tilespmem:s28+$0x1210];
	v37 =	vmul.f32 v56, v58;
	v4 =	vadd.f32 v25, v4;
	v6 =	vadd.f32 v6, v49  }
0xe6: {  	v34 =	vld [tilespmem:s28+$0x1230];
	v43 =	vmul.f32 v63, v62;
	v3 =	vadd.f32 v26, v3;
	v5 =	vadd.f32 v28, v5  }
0xe7: {  	v52 =	vld [tilespmem:s28+$0x1190];
	v2 =	vadd.f32 v31, v2;
	v26 =	vmul.f32 v45, v53;
	v6 =	vadd.f32 v6, v53  }
0xe8: {  	v54 =	vld [tilespmem:s28+$0x11A0];
	v28 =	vmul.f32 v47, v53;
	v29 =	vmul.f32 v50, v53;
	v4 =	vadd.f32 v11, v4  }
0xe9: {  	v59 =	vld [tilespmem:s28+$0x11C0];
	v45 =	vmul.f32 v27, v62;
	v3 =	vadd.f32 v33, v3;
	v6 =	vadd.f32 v6, v58  }
0xea: {  	v61 =	vld [tilespmem:s28+$0x11D0];
	v47 =	vmul.f32 v30, v62;
	v5 =	vadd.f32 v35, v5;
	v2 =	vadd.f32 v7, v2  }
0xeb: {  	s30 =	sshll.u32 s29, $0x6;
	v31 =	vld [tilespmem:s28+$0x1220];
	v8 =	vmul.f32 v34, v1;
	v4 =	vadd.f32 v39, v4;
	v6 =	vadd.f32 v6, v62  }
0xec: {  	s0 =	sand.u32 $0x3FFFFF80, s30;
	v36 =	vld [tilespmem:s28+$0x1240];
	v33 =	vmul.f32 v52, v53;
	v3 =	vadd.f32 v41, v3;
	v5 =	vadd.f32 v42, v5  }
0xed: {  	v40 =	vld [tilespmem:s0+$0x660];
	v35 =	vmul.f32 v54, v58;
	v2 =	vadd.f32 v46, v2;
	v6 =	vadd.f32 v6, v1  }
0xee: {  	v38 =	vmul.f32 v59, v58;
	v4 =	vadd.f32 v48, v4;
	v3 =	vadd.f32 v51, v3  }
0xef: {  	v41 =	vmul.f32 v61, v58;
	v5 =	vadd.f32 v12, v5;
	v6 =	vadd.f32 v6, v32  }
0xf0: {  	v25 =	vld [tilespmem:s28+$0x11F0];
	v49 =	vmul.f32 v31, v1;
	v2 =	vadd.f32 v55, v2;
	v4 =	vadd.f32 v57, v4  }
0xf1: {  	v50 =	vld [tilespmem:s28+$0x12B0];
	v51 =	vmul.f32 v36, v1;
	v3 =	vadd.f32 v60, v3;
	v6 =	vadd.f32 v6, v0  }
0xf2: {  	v44 =	vld [tilespmem:s0+$0x680];
	v53 =	vmul.f32 v40, v32;
	v5 =	vadd.f32 v10, v5;
	v4 =	vadd.f32 v26, v4  }
0xf3: {  	v42 =	vld [tilespmem:s0+$0x670];
	v2 =	vadd.f32 v24, v2;
	v3 =	vadd.f32 v28, v3;
	v6 =	vmax.f32 v6, $1.000000000e+00  }
0xf4: {  	v39 =	vld [tilespmem:s28+$0x1250];
	v5 =	vadd.f32 v29, v5;
	v4 =	vadd.f32 v35, v4;
	(erf) = vrcp.f32 v6  }
0xf5: {  	v48 =	vld [tilespmem:s28+$0x12A0];
	v10 =	vmul.f32 v25, v62;
	v2 =	vadd.f32 v33, v2;
	v3 =	vadd.f32 v37, v3  }
0xf6: {  	v46 =	vld [tilespmem:s0+$0x690];
	v59 =	vmul.f32 v50, v0;
	v5 =	vadd.f32 v38, v5;
	v4 =	vadd.f32 v43, v4  }
0xf7: {  	v52 =	vld [tilespmem:s28+$0x12C0];
	v56 =	vmul.f32 v44, v32;
	v2 =	vadd.f32 v41, v2;
	v3 =	vadd.f32 v10, v3  }
0xf8: {  	v54 =	vld [tilespmem:s28+$0x12D0];
	v55 =	vmul.f32 v42, v32;
	v5 =	vadd.f32 v45, v5;
	v4 =	vadd.f32 v49, v4  }
0xf9: {  	v1 =	vmul.f32 v39, v1;
	v2 =	vadd.f32 v47, v2;
	v3 =	vadd.f32 v8, v3  }
0xfa: {  	v57 =	vmul.f32 v48, v0;
	v5 =	vadd.f32 v51, v5;
	v4 =	vadd.f32 v53, v4  }
0xfb: {  	v58 =	vmul.f32 v46, v32;
	v1 =	vadd.f32 v1, v2;
	v2 =	vadd.f32 v55, v3  }
0xfc: {  	v60 =	vmul.f32 v52, v0;
	v5 =	vadd.f32 v56, v5;
	v4 =	vadd.f32 v57, v4  }
0xfd: {  	v0 =	vmul.f32 v54, v0;
	v1 =	vadd.f32 v58, v1;
	v2 =	vadd.f32 v59, v2;
	v61 =	vpop (erf)  }
0xfe: {  	p0 =	sne.s32 s26, $0x7;
	s31 =	sshll.u32 s26, $0x6;
	v5 =	vadd.f32 v60, v5;
	v4 =	vmul.f32 v4, v61  }
.Ltmp0:
0xff: {  	s0 =	sand.u32 $0x3FFFFFC0, s31;
	v0 =	vadd.f32 v0, v1;
	v62 =	vmul.f32 v2, v61;
	(pc) =	sbr.rel @p0 .LBB2_3-.Ltmp0, $4  }
0x100: {  	v63 =	vmul.f32 v5, v61;
	[tilespmem:s0+$0xCE60] =	vst v4  }
0x101: {  	v0 =	vmul.f32 v0, v61;
	[tilespmem:s0+$0xCE70] =	vst v62  }
0x102: {  	[tilespmem:s0+$0xCE80] =	vst v63  }
0x103: {  	s26 =	sadd.s32 $0x1, s26;
	[tilespmem:s0+$0xCE90] =	vst v0  }
0x104: {  	s0 =	sshll.u32 s23, $0x7  }
0x105: {  	p0 =	seq.s32 s23, $0x1F;
	s0 =	sadd.s32 s0, s9  }
0x106: {  	[hbm4b:s0+s3] =	stream.linear.scatter [tilespmem:s20], [sflag:$0x3], $0x200, $0x38;
	[tilespmem:$0xD060] =	vst v63  }
0x107: {  	s0 =	sadd.s32 @!p0 s25, s10  }
0x108: {  	s0 =	smul.u32 @!p0 $0x32, s0  }
0x109: {  	_ =	swait.ge [sflag:s13], $0x200  }
0x10a: {  	[sflag:s13] =	ssyncset.done $0x0;
	s0 =	sshrl.u32 @!p0 s0, $0x3  }
0x10b: {  	s14 =	simm.s32 @!p0 $0x0;
	[sflag:s13] =	ssyncadd.s32 $0xFFFFFE00;
	s1 =	sadd.s32 @!p0 s4, s0  }
0x10c: {  	[tilespmem:s14], [sflag:$0x3] =	stream.linear.gather @!p0 [hbm4b:s1+s14], $0x190, $0x38;
	[tilespmem:$0xD060] =	vst v63  }
0x10d: {  	s1 =	simm.s32 @!p0 $0x3  }
0x10e: {  	_ =	swait.ge @!p0 [sflag:s1], $0x190  }
0x10f: {  	[sflag:s1] =	ssyncset.done @!p0 $0x0  }
0x110: {  	s25 =	simm.s32 @!p0 $0x320;
	s0 =	sadd.s32 @!p0 s5, s0;
	[sflag:s1] =	ssyncadd.s32 @!p0 $0xFFFFFE70  }
0x111: {  	[tilespmem:s25], [sflag:$0x3] =	stream.linear.gather @!p0 [hbm4b:s0+s14], $0x190, $0x38;
	[tilespmem:$0xD060] =	vst v63  }
0x112: {  	_ =	swait.ge @!p0 [sflag:s1], $0x190  }
0x113: {  	[sflag:s1] =	ssyncset.done @!p0 $0x0  }
0x114: {  	s0 =	simm.s32 @!p0 $0x190;
	[sflag:s1] =	ssyncadd.s32 @!p0 $0xFFFFFE70;
	s1 =	simm.s32 @!p0 $0x660  }
0x115: {  	[tilespmem:s1], [sflag:$0x1] =	stream.indirect.gather @!p0 [hbm4b:s6+s0], $0x40, s14, s0, $0xb8;
	[tilespmem:$0xD060] =	vst v63  }
0x116: {  	_ =	swait.ge [sflag:s21], $0x6400  }
0x117: {  	[sflag:s21] =	ssyncset.done $0x0  }
0x118: {  	s25 =	simm.s32 $0x0;
	[sflag:s21] =	ssyncadd.s32 $0xFFFF9C00  }
.LBB2_5:
0x119: {  	s0 =	smul.u32 $0x32, s25;
	_ =	sdelay $0x1  }
0x11a: {  	s30 =	sadd.s32 $0x10, s0  }
0x11b: {  	s14 =	sand.u32 $0x6, s0;
	s29 =	sadd.s32 $0x20, s0;
	s1 =	sand.u32 $0x3F8, s30  }
0x11c: {  	v3 =	vld [tilespmem:s0+$0x4C0];
	s28 =	sadd.s32 $0x30, s0;
	s26 =	sand.u32 $0x3F8, s29;
	s1 =	sor.u32 s14, s1  }
0x11d: {  	s31 =	smul.u32 $0x3200, s25;
	v2 =	vld [tilespmem:s1+$0x4C0];
	s1 =	sor.u32 s14, s26;
	s26 =	sand.u32 $0x3F8, s28  }
0x11e: {  	v1 =	vld [tilespmem:s1+$0x4C0];
	s1 =	sor.u32 s14, s26  }
0x11f: {  	s26 =	sshra.s32 s31, $0x2;
	v0 =	vld [tilespmem:s1+$0x4C0]  }
0x120: {  	v4 =	vld [tilespmem:s26+$0x6A60]  }
0x121: {  	v5 =	vld [tilespmem:s26+$0x6A70]  }
0x122: {  	v6 =	vld [tilespmem:s26+$0x6A80]  }
0x123: {  	v7 =	vld [tilespmem:s26+$0x6A90]  }
0x124: {  	v8 =	vld [tilespmem:s26+$0x6AA0]  }
0x125: {  	v9 =	vld [tilespmem:s26+$0x6AB0]  }
0x126: {  	v10 =	vld [tilespmem:s26+$0x6AC0]  }
0x127: {  	v11 =	vld [tilespmem:s26+$0x6AD0]  }
0x128: {  	v12 =	vld [tilespmem:s26+$0x6AE0]  }
0x129: {  	v13 =	vld [tilespmem:s26+$0x6AF0]  }
0x12a: {  	v14 =	vld [tilespmem:s26+$0x6B00]  }
0x12b: {  	v15 =	vld [tilespmem:s26+$0x6B10]  }
0x12c: {  	v16 =	vld [tilespmem:s26+$0x6B20]  }
0x12d: {  	v17 =	vld [tilespmem:s26+$0x6B30]  }
0x12e: {  	v18 =	vld [tilespmem:s26+$0x6B40]  }
0x12f: {  	v19 =	vld [tilespmem:s26+$0x6B50]  }
0x130: {  	v20 =	vld [tilespmem:s26+$0x6B60]  }
0x131: {  	v21 =	vld [tilespmem:s26+$0x6B70]  }
0x132: {  	v22 =	vld [tilespmem:s26+$0x6B80]  }
0x133: {  	v23 =	vld [tilespmem:s26+$0x6B90]  }
0x134: {  	v24 =	vld [tilespmem:s26+$0x6BA0]  }
0x135: {  	v25 =	vld [tilespmem:s26+$0x6BB0]  }
0x136: {  	v26 =	vld [tilespmem:s26+$0x6BC0]  }
0x137: {  	v27 =	vld [tilespmem:s26+$0x6BD0]  }
0x138: {  	v28 =	vld [tilespmem:s26+$0x6BE0]  }
0x139: {  	v29 =	vld [tilespmem:s26+$0x6BF0]  }
0x13a: {  	v30 =	vld [tilespmem:s26+$0x6C00]  }
0x13b: {  	v31 =	vld [tilespmem:s26+$0x6C10]  }
0x13c: {  	v32 =	vld [tilespmem:s26+$0x6C20]  }
0x13d: {  	v33 =	vld [tilespmem:s26+$0x6C30]  }
0x13e: {  	v34 =	vld [tilespmem:s26+$0x6C40]  }
0x13f: {  	v35 =	vld [tilespmem:s26+$0x6C50]  }
0x140: {  	v36 =	vld [tilespmem:s26+$0x6C60]  }
0x141: {  	v37 =	vld [tilespmem:s26+$0x6C70]  }
0x142: {  	v3 =	vcvt.s32.f32 v3;
	v39 =	vld [tilespmem:s26+$0x6C80]  }
0x143: {  	v40 =	vld [tilespmem:s26+$0x6C90]  }
0x144: {  	v41 =	vld [tilespmem:s26+$0x6CA0];
	v38 =	vbroadcast v3, $0x0  }
0x145: {  	v43 =	vld [tilespmem:s26+$0x6CB0];
	v42 =	vbroadcast v3, $0x1;
	v46 =	vbroadcast v3, $0x2  }
0x146: {  	v44 =	vld [tilespmem:s26+$0x6CC0];
	v4 =	vmul.f32 v4, v38;
	v5 =	vmul.f32 v5, v38  }
0x147: {  	v45 =	vld [tilespmem:s26+$0x6CD0];
	v6 =	vmul.f32 v6, v38;
	v7 =	vmul.f32 v7, v38  }
0x148: {  	v47 =	vld [tilespmem:s26+$0x6CE0];
	v8 =	vmul.f32 v8, v42;
	v9 =	vmul.f32 v9, v42  }
0x149: {  	v38 =	vadd.f32 v42, v38;
	v10 =	vmul.f32 v10, v42;
	v11 =	vmul.f32 v11, v42;
	v42 =	vld [tilespmem:s26+$0x6CF0]  }
0x14a: {  	v48 =	vbroadcast v3, $0x3;
	v62 =	vmul.f32 v13, v46;
	v13 =	vld [tilespmem:s26+$0x6D20]  }
0x14b: {  	v54 =	vbroadcast v3, $0x4;
	v50 =	vmul.f32 v15, v46;
	v15 =	vld [tilespmem:s26+$0x6D30]  }
0x14c: {  	v58 =	vbroadcast v3, $0x5;
	v52 =	vmul.f32 v17, v48;
	v17 =	vld [tilespmem:s26+$0x6D40]  }
0x14d: {  	v2 =	vcvt.s32.f32 v2;
	v63 =	vmul.f32 v14, v46;
	v14 =	vld [tilespmem:s26+$0x6D60]  }
0x14e: {  	v1 =	vcvt.s32.f32 v1;
	v51 =	vmul.f32 v16, v48;
	v16 =	vld [tilespmem:s26+$0x6D70]  }
0x14f: {  	v61 =	vmul.f32 v12, v46;
	v56 =	vmul.f32 v20, v54;
	v20 =	vld [tilespmem:s26+$0x6D80]  }
0x150: {  	v53 =	vmul.f32 v18, v48;
	v59 =	vmul.f32 v22, v54;
	v22 =	vld [tilespmem:s26+$0x6D90]  }
0x151: {  	v57 =	vmul.f32 v21, v54;
	v21 =	vld [tilespmem:s26+$0x6DB0];
	v4 =	vadd.f32 $0.0e+00, v4;
	v5 =	vadd.f32 $0.0e+00, v5  }
0x152: {  	v60 =	vmul.f32 v24, v58;
	v24 =	vld [tilespmem:s26+$0x6DC0];
	v6 =	vadd.f32 $0.0e+00, v6;
	v7 =	vadd.f32 $0.0e+00, v7  }
0x153: {  	v12 =	vmul.f32 v19, v48;
	v19 =	vld [tilespmem:s26+$0x6DD0];
	v49 =	vadd.f32 v38, v46;
	v4 =	vadd.f32 v8, v4  }
0x154: {  	v18 =	vmul.f32 v23, v54;
	v23 =	vld [tilespmem:s26+$0x6E00];
	v5 =	vadd.f32 v9, v5;
	v6 =	vadd.f32 v10, v6  }
0x155: {  	v0 =	vcvt.s32.f32 v0;
	v38 =	vld [tilespmem:s26+$0x6D50];
	v7 =	vadd.f32 v11, v7;
	v55 =	vadd.f32 v49, v48  }
0x156: {  	v46 =	vmul.f32 v27, v58;
	v9 =	vld [tilespmem:s26+$0x6D00];
	v4 =	vadd.f32 v61, v4;
	v5 =	vadd.f32 v62, v5  }
0x157: {  	v11 =	vld [tilespmem:s26+$0x6D10];
	v6 =	vadd.f32 v63, v6;
	v7 =	vadd.f32 v50, v7;
	v61 =	vmul.f32 v25, v58  }
0x158: {  	v10 =	vld [tilespmem:s26+$0x6F80];
	v8 =	vadd.f32 v55, v54;
	v62 =	vmul.f32 v26, v58;
	v63 =	vbroadcast v3, $0x6  }
0x159: {  	v26 =	vld [tilespmem:s26+$0x6DE0];
	v55 =	vbroadcast v3, $0x8;
	v4 =	vadd.f32 v51, v4;
	v5 =	vadd.f32 v52, v5  }
0x15a: {  	v25 =	vld [tilespmem:s26+$0x6E10];
	v6 =	vadd.f32 v53, v6;
	v7 =	vadd.f32 v12, v7;
	v48 =	vmul.f32 v28, v63  }
0x15b: {  	v12 =	vld [tilespmem:s26+$0x6DA0];
	v8 =	vadd.f32 v8, v58;
	v49 =	vmul.f32 v29, v63;
	v50 =	vmul.f32 v30, v63  }
0x15c: {  	v51 =	vbroadcast v3, $0x7;
	v28 =	vld [tilespmem:s26+$0x6DF0];
	v52 =	vmul.f32 v31, v63;
	v4 =	vadd.f32 v56, v4  }
0x15d: {  	s14 =	sshll.u32 s30, $0x6;
	v30 =	vld [tilespmem:s26+$0x6E20];
	v58 =	vmul.f32 v37, v55;
	v5 =	vadd.f32 v57, v5;
	v6 =	vadd.f32 v59, v6  }
0x15e: {  	s0 =	sand.u32 $0x3FFFFF80, s14;
	v31 =	vld [tilespmem:s26+$0x6E50];
	v7 =	vadd.f32 v18, v7;
	v53 =	vmul.f32 v32, v51;
	v54 =	vmul.f32 v33, v51  }
0x15f: {  	v29 =	vld [tilespmem:s0+$0x6A70];
	v8 =	vadd.f32 v8, v63;
	v56 =	vmul.f32 v34, v51;
	v27 =	vmul.f32 v35, v51  }
0x160: {  	v37 =	vld [tilespmem:s26+$0x6ED0];
	v57 =	vmul.f32 v36, v55;
	v4 =	vadd.f32 v60, v4;
	v5 =	vadd.f32 v61, v5  }
0x161: {  	v32 =	vld [tilespmem:s26+$0x6E30];
	v59 =	vmul.f32 v39, v55;
	v6 =	vadd.f32 v62, v6;
	v7 =	vadd.f32 v46, v7  }
0x162: {  	v18 =	vld [tilespmem:s26+$0x6E40];
	v8 =	vadd.f32 v8, v51;
	v60 =	vbroadcast v3, $0x9;
	v4 =	vadd.f32 v48, v4  }
0x163: {  	v34 =	vld [tilespmem:s0+$0x6A60];
	v61 =	vmul.f32 v40, v55;
	v5 =	vadd.f32 v49, v5;
	v6 =	vadd.f32 v50, v6  }
0x164: {  	v36 =	vld [tilespmem:s0+$0x6A80];
	v7 =	vadd.f32 v52, v7;
	v62 =	vmul.f32 v41, v60;
	v63 =	vmul.f32 v43, v60  }
0x165: {  	v39 =	vld [tilespmem:s0+$0x6A90];
	v8 =	vadd.f32 v8, v55;
	v43 =	vmul.f32 v44, v60;
	v44 =	vbroadcast v3, $0xA  }
0x166: {  	v33 =	vld [tilespmem:s26+$0x6EA0];
	v46 =	vmul.f32 v45, v60;
	v50 =	vbroadcast v3, $0xB;
	v4 =	vadd.f32 v53, v4  }
0x167: {  	v35 =	vld [tilespmem:s26+$0x6EB0];
	v5 =	vadd.f32 v54, v5;
	v48 =	vmul.f32 v47, v44;
	v49 =	vmul.f32 v42, v44  }
0x168: {  	v41 =	vld [tilespmem:s26+$0x6EC0];
	v6 =	vadd.f32 v56, v6;
	v9 =	vmul.f32 v9, v44;
	v11 =	vmul.f32 v11, v44  }
0x169: {  	v7 =	vadd.f32 v27, v7;
	v51 =	vmul.f32 v13, v50;
	v13 =	vld [tilespmem:s26+$0x6EE0];
	v52 =	vmul.f32 v15, v50  }
0x16a: {  	v8 =	vadd.f32 v8, v60;
	v53 =	vmul.f32 v17, v50;
	v54 =	vbroadcast v3, $0xC;
	v17 =	vld [tilespmem:s26+$0x6F00]  }
0x16b: {  	v55 =	vmul.f32 v38, v50;
	v27 =	vld [tilespmem:s26+$0x6F10];
	v4 =	vadd.f32 v57, v4;
	v5 =	vadd.f32 v58, v5  }
0x16c: {  	v38 =	vld [tilespmem:s26+$0x6F30];
	v6 =	vadd.f32 v59, v6;
	v7 =	vadd.f32 v61, v7;
	v56 =	vmul.f32 v14, v54  }
0x16d: {  	v15 =	vld [tilespmem:s26+$0x6F40];
	v8 =	vadd.f32 v8, v44;
	v57 =	vmul.f32 v16, v54;
	v59 =	vbroadcast v3, $0xD  }
0x16e: {  	v16 =	vld [tilespmem:s26+$0x6F20];
	v58 =	vmul.f32 v20, v54;
	v60 =	vmul.f32 v22, v54;
	v4 =	vadd.f32 v62, v4  }
0x16f: {  	v20 =	vld [tilespmem:s26+$0x6F70];
	v5 =	vadd.f32 v63, v5;
	v61 =	vmul.f32 v12, v59;
	v62 =	vmul.f32 v21, v59  }
0x170: {  	v22 =	vld [tilespmem:s26+$0x6FA0];
	v6 =	vadd.f32 v43, v6;
	v63 =	vbroadcast v3, $0xE;
	v24 =	vmul.f32 v24, v59  }
0x171: {  	v7 =	vadd.f32 v46, v7;
	v12 =	vld [tilespmem:s26+$0x6F50];
	v19 =	vmul.f32 v19, v59;
	v3 =	vbroadcast v3, $0xF  }
0x172: {  	v8 =	vadd.f32 v8, v50;
	v21 =	vld [tilespmem:s26+$0x6F60];
	v46 =	vbroadcast v2, $0x0;
	v50 =	vbroadcast v2, $0x1  }
0x173: {  	v7 =	vadd.f32 v11, v7;
	v11 =	vld [tilespmem:s26+$0x6EF0];
	v40 =	vmul.f32 v26, v63;
	v42 =	vmul.f32 v28, v63  }
0x174: {  	v4 =	vadd.f32 v48, v4;
	v23 =	vmul.f32 v23, v63;
	v14 =	vmul.f32 v25, v63;
	v25 =	vld [tilespmem:s26+$0x6FC0]  }
0x175: {  	v5 =	vadd.f32 v49, v5;
	v43 =	vmul.f32 v30, v3;
	v44 =	vmul.f32 v32, v3;
	v26 =	vld [tilespmem:s26+$0x6FE0]  }
0x176: {  	v6 =	vadd.f32 v9, v6;
	v45 =	vmul.f32 v18, v3;
	v48 =	vmul.f32 v29, v46;
	v29 =	vld [tilespmem:s26+$0x7000]  }
0x177: {  	v8 =	vadd.f32 v8, v54;
	v47 =	vmul.f32 v34, v46;
	v49 =	vmul.f32 v36, v46;
	v18 =	vld [tilespmem:s26+$0x7020]  }
0x178: {  	v28 =	vld [tilespmem:s26+$0x7030];
	v54 =	vbroadcast v2, $0x2;
	v4 =	vadd.f32 v51, v4;
	v5 =	vadd.f32 v52, v5  }
0x179: {  	v30 =	vmul.f32 v37, v50;
	v9 =	vld [tilespmem:s26+$0x7060];
	v6 =	vadd.f32 v53, v6;
	v7 =	vadd.f32 v55, v7  }
0x17a: {  	v32 =	vld [tilespmem:s26+$0x70A0];
	v8 =	vadd.f32 v8, v59;
	v51 =	vmul.f32 v39, v46;
	v52 =	vmul.f32 v33, v50  }
0x17b: {  	v34 =	vld [tilespmem:s26+$0x70B0];
	v53 =	vmul.f32 v35, v50;
	v55 =	vmul.f32 v41, v50;
	v4 =	vadd.f32 v56, v4  }
0x17c: {  	v33 =	vld [tilespmem:s26+$0x7040];
	v59 =	vmul.f32 v27, v54;
	v5 =	vadd.f32 v57, v5;
	v6 =	vadd.f32 v58, v6  }
0x17d: {  	v35 =	vld [tilespmem:s26+$0x7050];
	v7 =	vadd.f32 v60, v7;
	v56 =	vmul.f32 v13, v54;
	v57 =	vmul.f32 v17, v54  }
0x17e: {  	v27 =	vld [tilespmem:s26+$0x7090];
	v8 =	vadd.f32 v8, v63;
	v58 =	vbroadcast v2, $0x3;
	v63 =	vbroadcast v2, $0x4  }
0x17f: {  	v13 =	vld [tilespmem:s26+$0x7070];
	v11 =	vmul.f32 v11, v54;
	v4 =	vadd.f32 v61, v4;
	v5 =	vadd.f32 v62, v5  }
0x180: {  	v7 =	vadd.f32 v19, v7;
	v19 =	vld [tilespmem:s26+$0x6F90];
	v8 =	vadd.f32 v8, v3;
	v3 =	vmul.f32 v31, v3  }
0x181: {  	v6 =	vadd.f32 v24, v6;
	v24 =	vld [tilespmem:s26+$0x6FB0];
	v60 =	vmul.f32 v16, v58;
	v61 =	vmul.f32 v38, v58  }
0x182: {  	v31 =	vld [tilespmem:s26+$0x7010];
	v62 =	vmul.f32 v15, v58;
	v37 =	vmul.f32 v12, v58  }
0x183: {  	v38 =	vld [tilespmem:s26+$0x70C0];
	v39 =	vmul.f32 v21, v63;
	v4 =	vadd.f32 v40, v4;
	v5 =	vadd.f32 v42, v5  }
0x184: {  	v41 =	vmul.f32 v20, v63;
	v21 =	vld [tilespmem:s26+$0x7160];
	v6 =	vadd.f32 v23, v6;
	v7 =	vadd.f32 v14, v7  }
0x185: {  	v23 =	vld [tilespmem:s26+$0x6FD0];
	v8 =	vadd.f32 v8, v46;
	v42 =	vbroadcast v2, $0x5;
	v4 =	vadd.f32 v43, v4  }
0x186: {  	v10 =	vmul.f32 v10, v63;
	v14 =	vld [tilespmem:s26+$0x6FF0];
	v5 =	vadd.f32 v44, v5;
	v6 =	vadd.f32 v45, v6  }
0x187: {  	v40 =	vld [tilespmem:s26+$0x70D0];
	v3 =	vadd.f32 v3, v7;
	v8 =	vadd.f32 v8, v50;
	v44 =	vmul.f32 v22, v42  }
0x188: {  	v43 =	vld [tilespmem:s26+$0x70E0];
	v46 =	vmul.f32 v25, v42;
	v15 =	vmul.f32 v19, v63;
	v4 =	vadd.f32 v47, v4  }
0x189: {  	v50 =	vld [tilespmem:s26+$0x7130];
	v45 =	vmul.f32 v24, v42;
	v5 =	vadd.f32 v48, v5;
	v6 =	vadd.f32 v49, v6  }
0x18a: {  	v25 =	vld [tilespmem:s26+$0x7150];
	v3 =	vadd.f32 v51, v3;
	v8 =	vadd.f32 v8, v54;
	v47 =	vbroadcast v2, $0x6  }
0x18b: {  	v19 =	vld [tilespmem:s26+$0x70F0];
	v54 =	vbroadcast v2, $0x7;
	v49 =	vmul.f32 v23, v42;
	v4 =	vadd.f32 v52, v4  }
0x18c: {  	v48 =	vld [tilespmem:s26+$0x7120];
	v5 =	vadd.f32 v53, v5;
	v6 =	vadd.f32 v55, v6;
	v51 =	vmul.f32 v26, v47  }
0x18d: {  	v3 =	vadd.f32 v30, v3;
	v30 =	vld [tilespmem:s26+$0x7080];
	v14 =	vmul.f32 v14, v47;
	v53 =	vmul.f32 v29, v47  }
0x18e: {  	v36 =	vadd.f32 v8, v58;
	v52 =	vld [tilespmem:s26+$0x7140];
	v55 =	vmul.f32 v31, v47;
	v58 =	vbroadcast v2, $0x8  }
0x18f: {  	v26 =	vld [tilespmem:s26+$0x7180];
	v24 =	vmul.f32 v35, v54;
	v4 =	vadd.f32 v56, v4;
	v5 =	vadd.f32 v11, v5  }
0x190: {  	v29 =	vld [tilespmem:s26+$0x7190];
	v6 =	vadd.f32 v57, v6;
	v3 =	vadd.f32 v59, v3;
	v56 =	vmul.f32 v18, v54  }
0x191: {  	v31 =	vld [tilespmem:s26+$0x73D0];
	v7 =	vadd.f32 v36, v63;
	v57 =	vmul.f32 v28, v54;
	v59 =	vmul.f32 v33, v54  }
0x192: {  	v11 =	vld [tilespmem:s26+$0x7100];
	v63 =	vbroadcast v2, $0x9;
	v33 =	vmul.f32 v27, v58;
	v4 =	vadd.f32 v60, v4  }
0x193: {  	v28 =	vld [tilespmem:s26+$0x71C0];
	v5 =	vadd.f32 v61, v5;
	v6 =	vadd.f32 v62, v6;
	v60 =	vmul.f32 v9, v58  }
0x194: {  	v18 =	vld [tilespmem:s26+$0x71D0];
	v3 =	vadd.f32 v37, v3;
	v61 =	vmul.f32 v13, v58;
	v35 =	vmul.f32 v32, v63  }
0x195: {  	v7 =	vadd.f32 v7, v42;
	v9 =	vld [tilespmem:s26+$0x71A0];
	v36 =	vmul.f32 v34, v63;
	v37 =	vmul.f32 v38, v63  }
0x196: {  	v13 =	vld [tilespmem:s26+$0x71B0];
	v38 =	vbroadcast v2, $0xA;
	v4 =	vadd.f32 v39, v4;
	v5 =	vadd.f32 v41, v5  }
0x197: {  	v40 =	vmul.f32 v40, v63;
	v34 =	vld [tilespmem:s26+$0x72C0];
	v6 =	vadd.f32 v10, v6;
	v3 =	vadd.f32 v15, v3  }
0x198: {  	v62 =	vmul.f32 v30, v58;
	v30 =	vld [tilespmem:s26+$0x71E0];
	v7 =	vadd.f32 v7, v47;
	v4 =	vadd.f32 v44, v4  }
0x199: {  	v15 =	vld [tilespmem:s26+$0x7110];
	v42 =	vmul.f32 v43, v38;
	v5 =	vadd.f32 v45, v5;
	v6 =	vadd.f32 v46, v6  }
0x19a: {  	v39 =	vld [tilespmem:s26+$0x71F0];
	v11 =	vmul.f32 v11, v38;
	v3 =	vadd.f32 v49, v3;
	v7 =	vadd.f32 v7, v54  }
0x19b: {  	v41 =	vld [tilespmem:s26+$0x7200];
	v45 =	vbroadcast v2, $0xB;
	v4 =	vadd.f32 v51, v4;
	v5 =	vadd.f32 v14, v5  }
0x19c: {  	v43 =	vld [tilespmem:s26+$0x7210];
	v44 =	vmul.f32 v19, v38;
	v6 =	vadd.f32 v53, v6;
	v3 =	vadd.f32 v55, v3  }
0x19d: {  	v47 =	vld [tilespmem:s26+$0x7230];
	v7 =	vadd.f32 v7, v58;
	v48 =	vmul.f32 v48, v45;
	v50 =	vmul.f32 v50, v45  }
0x19e: {  	v46 =	vld [tilespmem:s26+$0x7220];
	v52 =	vmul.f32 v52, v45;
	v53 =	vbroadcast v2, $0xC;
	v4 =	vadd.f32 v56, v4  }
0x19f: {  	s29 =	sshll.u32 s29, $0x6;
	v14 =	vld [tilespmem:s26+$0x7170];
	v55 =	vmul.f32 v25, v45;
	v5 =	vadd.f32 v57, v5;
	v6 =	vadd.f32 v59, v6  }
0x1a0: {  	s0 =	sand.u32 $0x3FFFFF80, s29;
	v49 =	vld [tilespmem:s26+$0x7240];
	v12 =	vmul.f32 v15, v38;
	v3 =	vadd.f32 v24, v3;
	v7 =	vadd.f32 v7, v63  }
0x1a1: {  	v54 =	vld [tilespmem:s0+$0x6A60];
	v57 =	vmul.f32 v21, v53;
	v59 =	vmul.f32 v26, v53;
	v4 =	vadd.f32 v60, v4  }
0x1a2: {  	v51 =	vld [tilespmem:s26+$0x7250];
	v5 =	vadd.f32 v61, v5;
	v6 =	vadd.f32 v62, v6;
	v60 =	vbroadcast v2, $0xD  }
0x1a3: {  	v58 =	vld [tilespmem:s0+$0x6A80];
	v3 =	vadd.f32 v33, v3;
	v62 =	vmul.f32 v29, v53;
	v33 =	vbroadcast v2, $0xE  }
0x1a4: {  	v25 =	vld [tilespmem:s26+$0x73B0];
	v7 =	vadd.f32 v7, v38;
	v2 =	vbroadcast v2, $0xF;
	v14 =	vmul.f32 v14, v53  }
0x1a5: {  	v56 =	vld [tilespmem:s0+$0x6A70];
	v4 =	vadd.f32 v35, v4;
	v5 =	vadd.f32 v36, v5;
	v9 =	vmul.f32 v9, v60  }
0x1a6: {  	v63 =	vld [tilespmem:s26+$0x72A0];
	v6 =	vadd.f32 v37, v6;
	v32 =	vmul.f32 v13, v60;
	v35 =	vmul.f32 v28, v60  }
0x1a7: {  	v24 =	vld [tilespmem:s26+$0x74D0];
	v3 =	vadd.f32 v40, v3;
	v18 =	vmul.f32 v18, v60;
	v37 =	vmul.f32 v30, v33  }
0x1a8: {  	v61 =	vld [tilespmem:s0+$0x6A90];
	v7 =	vadd.f32 v7, v45;
	v39 =	vmul.f32 v39, v33;
	v41 =	vmul.f32 v41, v33  }
0x1a9: {  	v29 =	vld [tilespmem:s26+$0x72B0];
	v13 =	vmul.f32 v43, v33;
	v4 =	vadd.f32 v42, v4;
	v5 =	vadd.f32 v44, v5  }
0x1aa: {  	v38 =	vld [tilespmem:s26+$0x72E0];
	v10 =	vmul.f32 v49, v2;
	v6 =	vadd.f32 v11, v6;
	v3 =	vadd.f32 v12, v3  }
0x1ab: {  	v36 =	vld [tilespmem:s26+$0x72D0];
	v7 =	vadd.f32 v7, v53;
	v44 =	vmul.f32 v46, v2;
	v46 =	vmul.f32 v47, v2  }
0x1ac: {  	v40 =	vld [tilespmem:s26+$0x72F0];
	v47 =	vbroadcast v1, $0x0;
	v4 =	vadd.f32 v48, v4;
	v5 =	vadd.f32 v50, v5  }
0x1ad: {  	v43 =	vld [tilespmem:s26+$0x7310];
	v30 =	vbroadcast v1, $0x3;
	v6 =	vadd.f32 v52, v6;
	v3 =	vadd.f32 v55, v3  }
0x1ae: {  	v45 =	vld [tilespmem:s26+$0x7320];
	v7 =	vadd.f32 v7, v60;
	v50 =	vmul.f32 v54, v47;
	v55 =	vbroadcast v1, $0x1  }
0x1af: {  	v49 =	vld [tilespmem:s26+$0x7340];
	v52 =	vmul.f32 v56, v47;
	v54 =	vmul.f32 v58, v47;
	v4 =	vadd.f32 v57, v4  }
0x1b0: {  	v28 =	vld [tilespmem:s26+$0x73C0];
	v6 =	vadd.f32 v59, v6;
	v57 =	vmul.f32 v61, v47;
	v59 =	vmul.f32 v63, v55  }
0x1b1: {  	v42 =	vld [tilespmem:s26+$0x7300];
	v3 =	vadd.f32 v62, v3;
	v11 =	vmul.f32 v29, v55;
	v61 =	vmul.f32 v34, v55  }
0x1b2: {  	v53 =	vld [tilespmem:s26+$0x7360];
	v7 =	vadd.f32 v7, v33;
	v62 =	vbroadcast v1, $0x2;
	v23 =	vmul.f32 v36, v55  }
0x1b3: {  	v48 =	vld [tilespmem:s26+$0x7330];
	v5 =	vadd.f32 v14, v5;
	v33 =	vmul.f32 v45, v30;
	v45 =	vbroadcast v1, $0x5  }
0x1b4: {  	v56 =	vld [tilespmem:s26+$0x7370];
	v4 =	vadd.f32 v9, v4;
	v7 =	vadd.f32 v7, v2;
	v2 =	vmul.f32 v51, v2  }
0x1b5: {  	v58 =	vld [tilespmem:s26+$0x7380];
	v5 =	vadd.f32 v32, v5;
	v27 =	vmul.f32 v38, v62;
	v29 =	vmul.f32 v40, v62  }
0x1b6: {  	v60 =	vld [tilespmem:s26+$0x7390];
	v6 =	vadd.f32 v35, v6;
	v16 =	vmul.f32 v42, v62;
	v14 =	vmul.f32 v43, v62  }
0x1b7: {  	v63 =	vld [tilespmem:s26+$0x73A0];
	v3 =	vadd.f32 v18, v3;
	v38 =	vbroadcast v1, $0x4;
	v9 =	vmul.f32 v28, v45  }
0x1b8: {  	v34 =	vld [tilespmem:s26+$0x73F0];
	v15 =	vmul.f32 v31, v45;
	v4 =	vadd.f32 v37, v4;
	v5 =	vadd.f32 v39, v5  }
0x1b9: {  	v36 =	vld [tilespmem:s26+$0x7400];
	v35 =	vmul.f32 v48, v30;
	v6 =	vadd.f32 v41, v6;
	v3 =	vadd.f32 v13, v3  }
0x1ba: {  	v51 =	vld [tilespmem:s26+$0x7350];
	v7 =	vadd.f32 v7, v47;
	v37 =	vmul.f32 v49, v30;
	v4 =	vadd.f32 v44, v4  }
0x1bb: {  	v32 =	vld [tilespmem:s26+$0x73E0];
	v41 =	vmul.f32 v53, v38;
	v5 =	vadd.f32 v46, v5;
	v6 =	vadd.f32 v10, v6  }
0x1bc: {  	v40 =	vld [tilespmem:s26+$0x7420];
	v42 =	vmul.f32 v56, v38;
	v2 =	vadd.f32 v2, v3;
	v7 =	vadd.f32 v7, v55  }
0x1bd: {  	v43 =	vld [tilespmem:s26+$0x7430];
	v48 =	vmul.f32 v60, v38;
	v4 =	vadd.f32 v50, v4;
	v3 =	vadd.f32 v52, v5  }
0x1be: {  	v39 =	vld [tilespmem:s26+$0x7410];
	v44 =	vmul.f32 v58, v38;
	v6 =	vadd.f32 v54, v6;
	v2 =	vadd.f32 v57, v2  }
0x1bf: {  	v49 =	vld [tilespmem:s26+$0x7450];
	v7 =	vadd.f32 v7, v62;
	v50 =	vmul.f32 v63, v45;
	v54 =	vbroadcast v1, $0x6  }
0x1c0: {  	v53 =	vld [tilespmem:s26+$0x7470];
	v52 =	vmul.f32 v25, v45;
	v62 =	vbroadcast v1, $0x7;
	v4 =	vadd.f32 v59, v4  }
0x1c1: {  	v46 =	vld [tilespmem:s26+$0x7440];
	v3 =	vadd.f32 v11, v3;
	v11 =	vmul.f32 v51, v30;
	v57 =	vmul.f32 v32, v54  }
0x1c2: {  	v56 =	vld [tilespmem:s26+$0x7490];
	v5 =	vadd.f32 v61, v6;
	v8 =	vmul.f32 v34, v54;
	v59 =	vmul.f32 v36, v54  }
0x1c3: {  	v58 =	vld [tilespmem:s26+$0x74A0];
	v2 =	vadd.f32 v23, v2;
	v61 =	vmul.f32 v39, v54;
	v25 =	vmul.f32 v40, v62  }
0x1c4: {  	v60 =	vld [tilespmem:s26+$0x74B0];
	v7 =	vadd.f32 v7, v30;
	v26 =	vmul.f32 v43, v62;
	v31 =	vmul.f32 v49, v62  }
0x1c5: {  	v55 =	vld [tilespmem:s26+$0x7480];
	v36 =	vbroadcast v1, $0x9;
	v49 =	vbroadcast v1, $0xB;
	v4 =	vadd.f32 v27, v4  }
0x1c6: {  	v51 =	vld [tilespmem:s26+$0x7460];
	v28 =	vmul.f32 v46, v62;
	v3 =	vadd.f32 v29, v3;
	v5 =	vadd.f32 v16, v5  }
0x1c7: {  	v40 =	vld [tilespmem:s26+$0x7540];
	v2 =	vadd.f32 v14, v2;
	v47 =	vadd.f32 v7, v38;
	v29 =	vbroadcast v1, $0x8  }
0x1c8: {  	v43 =	vld [tilespmem:s26+$0x7550];
	v39 =	vmul.f32 v58, v36;
	v46 =	vmul.f32 v24, v36;
	v4 =	vadd.f32 v33, v4  }
0x1c9: {  	v63 =	vld [tilespmem:s26+$0x74C0];
	v58 =	vbroadcast v1, $0xD;
	v3 =	vadd.f32 v35, v3;
	v5 =	vadd.f32 v37, v5  }
0x1ca: {  	v30 =	vld [tilespmem:s26+$0x74F0];
	v2 =	vadd.f32 v11, v2;
	v33 =	vmul.f32 v53, v29;
	v35 =	vmul.f32 v55, v29  }
0x1cb: {  	v38 =	vld [tilespmem:s26+$0x7530];
	v6 =	vadd.f32 v47, v45;
	v7 =	vmul.f32 v56, v29;
	v53 =	vbroadcast v1, $0xC  }
0x1cc: {  	v27 =	vld [tilespmem:s26+$0x74E0];
	v11 =	vmul.f32 v51, v29;
	v10 =	vmul.f32 v40, v49;
	v4 =	vadd.f32 v41, v4  }
0x1cd: {  	v32 =	vld [tilespmem:s26+$0x7500];
	v24 =	vmul.f32 v43, v49;
	v3 =	vadd.f32 v42, v3;
	v6 =	vadd.f32 v6, v54  }
0x1ce: {  	v34 =	vld [tilespmem:s26+$0x7510];
	v5 =	vadd.f32 v44, v5;
	v2 =	vadd.f32 v48, v2;
	v41 =	vmul.f32 v60, v36  }
0x1cf: {  	v42 =	vmul.f32 v63, v36;
	v44 =	vbroadcast v1, $0xA;
	v6 =	vadd.f32 v6, v62  }
0x1d0: {  	v37 =	vld [tilespmem:s26+$0x7520];
	v60 =	vmul.f32 v38, v49;
	v4 =	vadd.f32 v50, v4;
	v3 =	vadd.f32 v52, v3  }
0x1d1: {  	v45 =	vld [tilespmem:s26+$0x7560];
	v5 =	vadd.f32 v9, v5;
	v48 =	vmul.f32 v27, v44;
	v6 =	vadd.f32 v6, v29  }
0x1d2: {  	v56 =	vld [tilespmem:s26+$0x75B0];
	v2 =	vadd.f32 v15, v2;
	v51 =	vmul.f32 v30, v44;
	v12 =	vmul.f32 v32, v44  }
0x1d3: {  	v63 =	vld [tilespmem:s26+$0x75E0];
	v55 =	vmul.f32 v34, v44;
	v62 =	vbroadcast v1, $0xE;
	v6 =	vadd.f32 v6, v36  }
0x1d4: {  	v47 =	vld [tilespmem:s26+$0x7570];
	v1 =	vbroadcast v1, $0xF;
	v32 =	vbroadcast v0, $0x0;
	v4 =	vadd.f32 v57, v4  }
0x1d5: {  	v50 =	vld [tilespmem:s26+$0x7580];
	v0 =	vbroadcast v0, $0x1;
	v3 =	vadd.f32 v8, v3;
	v6 =	vadd.f32 v6, v44  }
0x1d6: {  	v27 =	vld [tilespmem:s26+$0x7600];
	v5 =	vadd.f32 v59, v5;
	v2 =	vadd.f32 v61, v2;
	v57 =	vmul.f32 v37, v49  }
0x1d7: {  	v30 =	vld [tilespmem:s26+$0x7610];
	v37 =	vmul.f32 v56, v58;
	v4 =	vadd.f32 v25, v4;
	v6 =	vadd.f32 v6, v49  }
0x1d8: {  	v34 =	vld [tilespmem:s26+$0x7630];
	v43 =	vmul.f32 v63, v62;
	v3 =	vadd.f32 v26, v3;
	v5 =	vadd.f32 v28, v5  }
0x1d9: {  	v52 =	vld [tilespmem:s26+$0x7590];
	v2 =	vadd.f32 v31, v2;
	v26 =	vmul.f32 v45, v53;
	v6 =	vadd.f32 v6, v53  }
0x1da: {  	v54 =	vld [tilespmem:s26+$0x75A0];
	v28 =	vmul.f32 v47, v53;
	v29 =	vmul.f32 v50, v53;
	v4 =	vadd.f32 v11, v4  }
0x1db: {  	v59 =	vld [tilespmem:s26+$0x75C0];
	v45 =	vmul.f32 v27, v62;
	v3 =	vadd.f32 v33, v3;
	v6 =	vadd.f32 v6, v58  }
0x1dc: {  	v61 =	vld [tilespmem:s26+$0x75D0];
	v47 =	vmul.f32 v30, v62;
	v5 =	vadd.f32 v35, v5;
	v2 =	vadd.f32 v7, v2  }
0x1dd: {  	s30 =	sshll.u32 s28, $0x6;
	v31 =	vld [tilespmem:s26+$0x7620];
	v8 =	vmul.f32 v34, v1;
	v4 =	vadd.f32 v39, v4;
	v6 =	vadd.f32 v6, v62  }
0x1de: {  	s0 =	sand.u32 $0x3FFFFF80, s30;
	v36 =	vld [tilespmem:s26+$0x7640];
	v33 =	vmul.f32 v52, v53;
	v3 =	vadd.f32 v41, v3;
	v5 =	vadd.f32 v42, v5  }
0x1df: {  	v40 =	vld [tilespmem:s0+$0x6A60];
	v35 =	vmul.f32 v54, v58;
	v2 =	vadd.f32 v46, v2;
	v6 =	vadd.f32 v6, v1  }
0x1e0: {  	v38 =	vmul.f32 v59, v58;
	v4 =	vadd.f32 v48, v4;
	v3 =	vadd.f32 v51, v3  }
0x1e1: {  	v41 =	vmul.f32 v61, v58;
	v5 =	vadd.f32 v12, v5;
	v6 =	vadd.f32 v6, v32  }
0x1e2: {  	v25 =	vld [tilespmem:s26+$0x75F0];
	v49 =	vmul.f32 v31, v1;
	v2 =	vadd.f32 v55, v2;
	v4 =	vadd.f32 v57, v4  }
0x1e3: {  	v50 =	vld [tilespmem:s26+$0x76B0];
	v51 =	vmul.f32 v36, v1;
	v3 =	vadd.f32 v60, v3;
	v6 =	vadd.f32 v6, v0  }
0x1e4: {  	v44 =	vld [tilespmem:s0+$0x6A80];
	v53 =	vmul.f32 v40, v32;
	v5 =	vadd.f32 v10, v5;
	v4 =	vadd.f32 v26, v4  }
0x1e5: {  	v42 =	vld [tilespmem:s0+$0x6A70];
	v2 =	vadd.f32 v24, v2;
	v3 =	vadd.f32 v28, v3;
	v6 =	vmax.f32 v6, $1.000000000e+00  }
0x1e6: {  	v39 =	vld [tilespmem:s26+$0x7650];
	v5 =	vadd.f32 v29, v5;
	v4 =	vadd.f32 v35, v4;
	(erf) = vrcp.f32 v6  }
0x1e7: {  	v48 =	vld [tilespmem:s26+$0x76A0];
	v10 =	vmul.f32 v25, v62;
	v2 =	vadd.f32 v33, v2;
	v3 =	vadd.f32 v37, v3  }
0x1e8: {  	v46 =	vld [tilespmem:s0+$0x6A90];
	v59 =	vmul.f32 v50, v0;
	v5 =	vadd.f32 v38, v5;
	v4 =	vadd.f32 v43, v4  }
0x1e9: {  	v52 =	vld [tilespmem:s26+$0x76C0];
	v56 =	vmul.f32 v44, v32;
	v2 =	vadd.f32 v41, v2;
	v3 =	vadd.f32 v10, v3  }
0x1ea: {  	v54 =	vld [tilespmem:s26+$0x76D0];
	v55 =	vmul.f32 v42, v32;
	v5 =	vadd.f32 v45, v5;
	v4 =	vadd.f32 v49, v4  }
0x1eb: {  	v1 =	vmul.f32 v39, v1;
	v2 =	vadd.f32 v47, v2;
	v3 =	vadd.f32 v8, v3  }
0x1ec: {  	v57 =	vmul.f32 v48, v0;
	v5 =	vadd.f32 v51, v5;
	v4 =	vadd.f32 v53, v4  }
0x1ed: {  	v58 =	vmul.f32 v46, v32;
	v1 =	vadd.f32 v1, v2;
	v2 =	vadd.f32 v55, v3  }
0x1ee: {  	v60 =	vmul.f32 v52, v0;
	v5 =	vadd.f32 v56, v5;
	v4 =	vadd.f32 v57, v4  }
0x1ef: {  	v0 =	vmul.f32 v54, v0;
	v1 =	vadd.f32 v58, v1;
	v2 =	vadd.f32 v59, v2;
	v61 =	vpop (erf)  }
0x1f0: {  	p0 =	sne.s32 s25, $0x7;
	s31 =	sshll.u32 s25, $0x6;
	v5 =	vadd.f32 v60, v5;
	v4 =	vmul.f32 v4, v61  }
.Ltmp1:
0x1f1: {  	s0 =	sand.u32 $0x3FFFFFC0, s31;
	v0 =	vadd.f32 v0, v1;
	v62 =	vmul.f32 v2, v61;
	(pc) =	sbr.rel @p0 .LBB2_5-.Ltmp1, $4  }
0x1f2: {  	v63 =	vmul.f32 v5, v61;
	[tilespmem:s0+$0xCE60] =	vst v4  }
0x1f3: {  	v0 =	vmul.f32 v0, v61;
	[tilespmem:s0+$0xCE70] =	vst v62  }
0x1f4: {  	[tilespmem:s0+$0xCE80] =	vst v63  }
0x1f5: {  	s25 =	sadd.s32 $0x1, s25;
	[tilespmem:s0+$0xCE90] =	vst v0  }
0x1f6: {  	s0 =	sshll.u32 s24, $0x3;
	s23 =	sadd.s32 $0x1, s23  }
0x1f7: {  	s0 =	sand.u32 $0x1FFFFFC0, s0;
	p0 =	sne.s32 s23, $0x20  }
.Ltmp2:
0x1f8: {  	s0 =	sadd.s32 s2, s0;
	(pc) =	sbr.rel @p0 .LBB2_2-.Ltmp2, $4  }
0x1f9: {  	[hbm4b:s0+s3] =	stream.linear.scatter [tilespmem:s20], [sflag:$0x3], $0x200, $0x38;
	[tilespmem:$0xD060] =	vst v63  }
0x1fa: {  	_ =	swait.ge [sflag:s13], $0x200  }
0x1fb: {  	[sflag:s13] =	ssyncset.done $0x0  }
0x1fc: {  	[sflag:s13] =	ssyncadd.s32 $0xFFFFFE00  }
0x1fd: {  	s22 =	sadd.s32 $0x1, s22  }
0x1fe: {  	p0 =	sne.s32 s22, s11  }
.Ltmp3:
0x1ff: {  	_ = 	snop;
	(pc) =	sbr.rel @p0 .LBB2_1-.Ltmp3, $1  }
0x200: {  	_ =	sdelay $0x3  }
0x201: {  	_ =	sfence.sel $0x180000  }
0x202: {  	[bflag:$0x0] =	sbarrier.arrive $0xFFFF  }
0x203: {  	_ =	strace $0x90000047  }
0x204: {  	s0 =	stileid.u32;
	[bflag:$0x2] =	sbarrier.arrive $0xFFFF  }
0x205: {  	p0 =	sne.s32 s0, $0x0;
	s0 =	rddreg [dreg:$0x2]  }
0x206: {  	s0 =	sadd.s32 @!p0 $0x100000, s0  }
0x207: {  	[sflag:s0] =	ssyncadd.tile.s32 @!p0 $0x1;
	_ =	shalt  }
.Lfunc_end2:
_tile_overlayer_lowered:
.L_overlay_start_2:
0x208: {  	(tag) =	ssettag $0x2  }
0x209: {  	s0 =	rddreg [dreg:$0x0];
	s2 =	stileid.u32  }
0x20a: {  	s1 =	rddreg [dreg:$0x1];
	p0 =	sne.s32 s2, $0x0  }
0x20b: {  	s3 =	rddreg [dreg:$0x2];
	[bflag:$0x3] =	sbarrier.arrive $0xFFFF;
	s2 =	simm.s32 @!p0 $0x1C03  }
0x20c: {  	[timem:s3], [sflag:s2] =	dma.local @!p0 [hbm:s0], s1  }
0x20d: {  	s0 =	simm.s32 @!p0 $0x3  }
0x20e: {  	_ =	swait.ge @!p0 [sflag:s0], s1  }
0x20f: {  	s1 =	ssub.s32 @!p0 $0x0, s1;
	[sflag:s0] =	ssyncset.done @!p0 $0x0  }
0x210: {  	[sflag:s0] =	ssyncadd.s32 @!p0 s1  }
0x211: {  	[bflag:$0x3] =	sbarrier.arrive $0xFFFF  }
0x212: {  	_ =	shalt  }

</sc_bundles>
